<compile_context>
chip_gen: v7x
topology: tpu7x:2x2x1
jax: 0.10.2.dev20260603
libtpu: 0.0.44.dev20260713+nightly
codegen_flags: <defaults>
</compile_context>

<pallas_src>
import functools

import jax
import jax.numpy as jnp
from jax import lax
from jax.experimental import pallas as pl
from jax.experimental.pallas import tpu as pltpu
from jax.experimental.pallas import tpu_sc as plsc

NBUF = 4


@functools.lru_cache(maxsize=None)
def _build_sc_embed(B, L, D):
    info = plsc.get_sparse_core_info()
    NC, NS = info.num_cores, info.num_subcores
    NW = NC * NS
    BL = B * L
    CHUNK = L // 2
    assert L % 2 == 0 and D % 16 == 0
    assert BL % (NW * L) == 0
    seq_w = B // NW
    per_w = BL // NW
    n_chunks = per_w // CHUNK
    assert n_chunks % NBUF == 0 and n_chunks >= 2 * NBUF
    n_quads = n_chunks // NBUF
    mesh = plsc.VectorSubcoreMesh(core_axis_name="c", subcore_axis_name="s")

    @functools.partial(
        pl.kernel,
        mesh=mesh,
        compiler_params=pltpu.CompilerParams(use_tc_tiling_on_sc=False),
        out_type=jax.ShapeDtypeStruct((B, L, D), jnp.float32),
        scratch_types=(
            [pltpu.VMEM((n_chunks, CHUNK), jnp.int32),
             pltpu.VMEM((L, D), jnp.float32)]
            + [pltpu.VMEM((CHUNK, D), jnp.float32) for _ in range(NBUF)]
            + [pltpu.SemaphoreType.DMA for _ in range(2 * NBUF)]
        ),
    )
    def embed(x_hbm, tok_hbm, pos_hbm, out_hbm, idx_v, pos_v, *bufs_and_sems):
        rows = bufs_and_sems[:NBUF]
        gsem = bufs_and_sems[NBUF:2 * NBUF]
        ssem = bufs_and_sems[2 * NBUF:]
        wid = lax.axis_index("s") * NC + lax.axis_index("c")
        seq0 = wid * seq_w

        pltpu.sync_copy(x_hbm.at[wid], idx_v)
        pltpu.sync_copy(pos_hbm, pos_v)

        def start_gather(g, b):
            pltpu.make_async_copy(
                tok_hbm.at[idx_v.at[g]], rows[b], gsem[b]).start()

        def wait_gather(g, b):
            pltpu.make_async_copy(
                tok_hbm.at[idx_v.at[g]], rows[b], gsem[b]).wait()

        def start_store(g, b, half):
            pltpu.make_async_copy(
                rows[b],
                out_hbm.at[seq0 + lax.div(g, 2), pl.ds(half * CHUNK, CHUNK)],
                ssem[b]).start()

        def wait_store(b):
            pltpu.make_async_copy(
                rows[b], out_hbm.at[seq0, pl.ds(0, CHUNK)], ssem[b]).wait()

        def add_pos(b, half):
            prow = half * CHUNK

            def row_body(i, c):
                for q in range(D // 16):
                    sl = pl.ds(q * 16, 16)
                    plsc.addupdate(rows[b].at[i, sl], pos_v[prow + i, sl])
                return c

            lax.fori_loop(0, CHUNK, row_body, 0, unroll=4)

        def chunk_body(g, b, half, prefetch, prefetch_wait):
            wait_gather(g, b)
            add_pos(b, half)
            start_store(g, b, half)
            if prefetch:
                nb = (b + NBUF - 1) % NBUF
                if prefetch_wait:
                    wait_store(nb)
                start_gather(g + NBUF - 1, nb)

        for b in range(NBUF - 1):
            start_gather(b, b)
        chunk_body(0, 0, 0, True, False)
        for b in range(1, NBUF):
            chunk_body(b, b, b % 2, True, True)

        def quad(p, c):
            g0 = p * NBUF
            for b in range(NBUF):
                chunk_body(g0 + b, b, b % 2, True, True)
            return c

        lax.fori_loop(1, n_quads - 1, quad, 0)

        g0 = (n_quads - 1) * NBUF
        chunk_body(g0, 0, 0, True, True)
        for b in range(1, NBUF):
            chunk_body(g0 + b, b, b % 2, False, False)
        for b in range(NBUF):
            wait_store(b)

    return embed


def kernel(x, token_table, pos_table):
    B, L = x.shape
    D = token_table.shape[1]
    BL = B * L
    info = plsc.get_sparse_core_info()
    NW = info.num_cores * info.num_subcores
    CHUNK = L // 2
    x_r = x.astype(jnp.int32).reshape(NW, BL // (NW * CHUNK), CHUNK)
    return _build_sc_embed(B, L, D)(x_r, token_table, pos_table)

# --- scband reference (transcript-rebuilt; emitter-appended) ---
"""Pipeline reference for scband-token-and-position-embedding-13211319402906 (READ-ONLY COPY).

The authoritative reference and input builder live on the scoring server;
editing this copy changes nothing except your own understanding.
"""

import jax, jax.numpy as jnp
import numpy as np

MAXLEN = 200
VOCAB = 1000000
EMBED_DIM = 64

def setup_inputs(seed: int = 0) -> dict:
    key = jax.random.key(seed)
    k_x, k_tok, k_pos = jax.random.split(key, 3)
    x = jax.random.randint(k_x, (4096, 200), 0, VOCAB, dtype=jnp.int64 if jax.config.jax_enable_x64 else jnp.int32)
    token_table = jax.random.normal(k_tok, (VOCAB, EMBED_DIM), dtype=jnp.float32) * 0.02
    pos_table = jax.random.normal(k_pos, (MAXLEN, EMBED_DIM), dtype=jnp.float32) * 0.02
    return {"x": x, "token_table": token_table, "pos_table": pos_table}

def reference(x, token_table, pos_table):
    # Faithful translation of TokenAndPositionEmbedding.call in inference mode
    # (dropout is identity when training is falsy in Keras).
    seqlen = x.shape[-1]
    positions = jnp.arange(seqlen)
    token_embeddings = jnp.take(token_table, x, axis=0)          # [B, L, D] gather
    position_embeddings = jnp.take(pos_table, positions, axis=0)  # [L, D]
    embeddings = token_embeddings + position_embeddings[None, :, :]
    return embeddings

if __name__ == "__main__":
    import jax
    _d = setup_inputs()
    print(jax.jit(kernel)(*tuple(_d.values())))

</pallas_src>

<mosaic_0001>
#map = affine_map<(d0, d1) -> (0, 0, 0)>
#map1 = affine_map<(d0, d1) -> (0, 0)>
module attributes {stable_mosaic.version = 14 : i64} {
  func.func @embed(%arg0: i32, %arg1: i32, %arg2: memref<32x256x100xi32, #tpu.memory_space<hbm>>, %arg3: memref<1000000x64xf32, #tpu.memory_space<hbm>>, %arg4: memref<200x64xf32, #tpu.memory_space<hbm>>, %arg5: memref<4096x200x64xf32, #tpu.memory_space<hbm>>, %arg6: memref<256x100xi32, #tpu.memory_space<vmem>>, %arg7: memref<200x64xf32, #tpu.memory_space<vmem>>, %arg8: memref<100x64xf32, #tpu.memory_space<vmem>>, %arg9: memref<100x64xf32, #tpu.memory_space<vmem>>, %arg10: memref<100x64xf32, #tpu.memory_space<vmem>>, %arg11: memref<100x64xf32, #tpu.memory_space<vmem>>, %arg12: memref<!tpu.dma_semaphore, #tpu.memory_space<semaphore_mem>>, %arg13: memref<!tpu.dma_semaphore, #tpu.memory_space<semaphore_mem>>, %arg14: memref<!tpu.dma_semaphore, #tpu.memory_space<semaphore_mem>>, %arg15: memref<!tpu.dma_semaphore, #tpu.memory_space<semaphore_mem>>, %arg16: memref<!tpu.dma_semaphore, #tpu.memory_space<semaphore_mem>>, %arg17: memref<!tpu.dma_semaphore, #tpu.memory_space<semaphore_mem>>, %arg18: memref<!tpu.dma_semaphore, #tpu.memory_space<semaphore_mem>>, %arg19: memref<!tpu.dma_semaphore, #tpu.memory_space<semaphore_mem>>) attributes {dimension_semantics = [#tpu.dimension_semantics<core_parallel>, #tpu.dimension_semantics<subcore_parallel>], iteration_bounds = array<i64: 2, 16>, scalar_prefetch = 0 : i64, scratch_operands = 14 : i64, tpu.core_type = #tpu.core_type<sc_vector_subcore>, window_params = [{transform_indices = #map}, {transform_indices = #map1}, {transform_indices = #map1}, {transform_indices = #map}]} {
    %mul3A = arith.constant 2 : i32
    %mul3A_0 = arith.muli %arg1, %mul3A : i32
    %add3A = arith.addi %mul3A_0, %arg0 : i32
    %mul3A_1 = arith.constant 128 : i32
    %mul3A_2 = arith.muli %add3A, %mul3A_1 : i32
    "tpu.region"() ({
      %run_scoped3A = tpu.sem_alloc : memref<!tpu.dma_semaphore, #tpu.memory_space<semaphore_mem>>
      %dma_start3A_325 = arith.constant 0 : i32
      %dma_start3A_326 = arith.constant 0 : i32
      %dma_start3A_327 = tpu.memref_slice %arg2[%add3A, %dma_start3A_325, %dma_start3A_326] : memref<32x256x100xi32, #tpu.memory_space<hbm>> -> memref<1x256x100xi32, #tpu.memory_space<hbm>>
      %dma_start3A_328 = tpu.memref_squeeze %dma_start3A_327 : memref<1x256x100xi32, #tpu.memory_space<hbm>> -> memref<256x100xi32, #tpu.memory_space<hbm>>
      %dma_start3A_329 = arith.constant 0 : i32
      %dma_start3A_330 = arith.constant 0 : i32
      %dma_start3A_331 = tpu.memref_slice %arg2[%add3A, %dma_start3A_329, %dma_start3A_330] : memref<32x256x100xi32, #tpu.memory_space<hbm>> -> memref<1x256x100xi32, #tpu.memory_space<hbm>>
      %dma_start3A_332 = tpu.memref_squeeze %dma_start3A_331 : memref<1x256x100xi32, #tpu.memory_space<hbm>> -> memref<256x100xi32, #tpu.memory_space<hbm>>
      tpu.enqueue_dma source(%dma_start3A_332 : memref<256x100xi32, #tpu.memory_space<hbm>>) target(%arg6 : memref<256x100xi32, #tpu.memory_space<vmem>>) target_semaphore(%run_scoped3A : memref<!tpu.dma_semaphore, #tpu.memory_space<semaphore_mem>>)
      %dma_wait3A_333 = arith.constant 0 : i32
      %dma_wait3A_334 = arith.constant 0 : i32
      %dma_wait3A_335 = tpu.memref_slice %arg2[%add3A, %dma_wait3A_333, %dma_wait3A_334] : memref<32x256x100xi32, #tpu.memory_space<hbm>> -> memref<1x256x100xi32, #tpu.memory_space<hbm>>
      %dma_wait3A_336 = tpu.memref_squeeze %dma_wait3A_335 : memref<1x256x100xi32, #tpu.memory_space<hbm>> -> memref<256x100xi32, #tpu.memory_space<hbm>>
      %dma_wait3A_337 = arith.constant 0 : i32
      %dma_wait3A_338 = arith.constant 0 : i32
      %dma_wait3A_339 = tpu.memref_slice %arg2[%add3A, %dma_wait3A_337, %dma_wait3A_338] : memref<32x256x100xi32, #tpu.memory_space<hbm>> -> memref<1x256x100xi32, #tpu.memory_space<hbm>>
      %dma_wait3A_340 = tpu.memref_squeeze %dma_wait3A_339 : memref<1x256x100xi32, #tpu.memory_space<hbm>> -> memref<256x100xi32, #tpu.memory_space<hbm>>
      tpu.wait_dma2 semaphore(%run_scoped3A : memref<!tpu.dma_semaphore, #tpu.memory_space<semaphore_mem>>) src(%dma_wait3A_340 : memref<256x100xi32, #tpu.memory_space<hbm>>) dst(%arg6 : memref<256x100xi32, #tpu.memory_space<vmem>>)
      tpu.yield
    }) : () -> ()
    "tpu.region"() ({
      %run_scoped3A = tpu.sem_alloc : memref<!tpu.dma_semaphore, #tpu.memory_space<semaphore_mem>>
      tpu.enqueue_dma source(%arg4 : memref<200x64xf32, #tpu.memory_space<hbm>>) target(%arg7 : memref<200x64xf32, #tpu.memory_space<vmem>>) target_semaphore(%run_scoped3A : memref<!tpu.dma_semaphore, #tpu.memory_space<semaphore_mem>>)
      tpu.wait_dma2 semaphore(%run_scoped3A : memref<!tpu.dma_semaphore, #tpu.memory_space<semaphore_mem>>) src(%arg4 : memref<200x64xf32, #tpu.memory_space<hbm>>) dst(%arg7 : memref<200x64xf32, #tpu.memory_space<vmem>>)
      tpu.yield
    }) : () -> ()
    %dma_start3A = arith.constant 0 : i32
    %dma_start3A_3 = arith.constant 0 : i32
    %dma_start3A_4 = tpu.memref_slice %arg6[%dma_start3A, %dma_start3A_3] : memref<256x100xi32, #tpu.memory_space<vmem>> -> memref<1x100xi32, #tpu.memory_space<vmem>>
    %dma_start3A_5 = tpu.memref_squeeze %dma_start3A_4 : memref<1x100xi32, #tpu.memory_space<vmem>> -> memref<100xi32, #tpu.memory_space<vmem>>
    %dma_start3A_6 = arith.constant 0 : i32
    %dma_start3A_7 = arith.constant 0 : i32
    %dma_start3A_8 = tpu.memref_slice %arg3[%dma_start3A_6, %dma_start3A_7] : memref<1000000x64xf32, #tpu.memory_space<hbm>> -> memref<1000000x64xf32, #tpu.memory_space<hbm>>
    tpu.enqueue_indirect_dma source(%dma_start3A_8 : memref<1000000x64xf32, #tpu.memory_space<hbm>>) target(%arg8 : memref<100x64xf32, #tpu.memory_space<vmem>>) offsets(%dma_start3A_5 : memref<100xi32, #tpu.memory_space<vmem>>) semaphore(%arg12 : memref<!tpu.dma_semaphore, #tpu.memory_space<semaphore_mem>>)
    %dma_start3A_9 = arith.constant 1 : i32
    %dma_start3A_10 = arith.constant 0 : i32
    %dma_start3A_11 = tpu.memref_slice %arg6[%dma_start3A_9, %dma_start3A_10] : memref<256x100xi32, #tpu.memory_space<vmem>> -> memref<1x100xi32, #tpu.memory_space<vmem>>
    %dma_start3A_12 = tpu.memref_squeeze %dma_start3A_11 : memref<1x100xi32, #tpu.memory_space<vmem>> -> memref<100xi32, #tpu.memory_space<vmem>>
    %dma_start3A_13 = arith.constant 0 : i32
    %dma_start3A_14 = arith.constant 0 : i32
    %dma_start3A_15 = tpu.memref_slice %arg3[%dma_start3A_13, %dma_start3A_14] : memref<1000000x64xf32, #tpu.memory_space<hbm>> -> memref<1000000x64xf32, #tpu.memory_space<hbm>>
    tpu.enqueue_indirect_dma source(%dma_start3A_15 : memref<1000000x64xf32, #tpu.memory_space<hbm>>) target(%arg9 : memref<100x64xf32, #tpu.memory_space<vmem>>) offsets(%dma_start3A_12 : memref<100xi32, #tpu.memory_space<vmem>>) semaphore(%arg13 : memref<!tpu.dma_semaphore, #tpu.memory_space<semaphore_mem>>)
    %dma_start3A_16 = arith.constant 2 : i32
    %dma_start3A_17 = arith.constant 0 : i32
    %dma_start3A_18 = tpu.memref_slice %arg6[%dma_start3A_16, %dma_start3A_17] : memref<256x100xi32, #tpu.memory_space<vmem>> -> memref<1x100xi32, #tpu.memory_space<vmem>>
    %dma_start3A_19 = tpu.memref_squeeze %dma_start3A_18 : memref<1x100xi32, #tpu.memory_space<vmem>> -> memref<100xi32, #tpu.memory_space<vmem>>
    %dma_start3A_20 = arith.constant 0 : i32
    %dma_start3A_21 = arith.constant 0 : i32
    %dma_start3A_22 = tpu.memref_slice %arg3[%dma_start3A_20, %dma_start3A_21] : memref<1000000x64xf32, #tpu.memory_space<hbm>> -> memref<1000000x64xf32, #tpu.memory_space<hbm>>
    tpu.enqueue_indirect_dma source(%dma_start3A_22 : memref<1000000x64xf32, #tpu.memory_space<hbm>>) target(%arg10 : memref<100x64xf32, #tpu.memory_space<vmem>>) offsets(%dma_start3A_19 : memref<100xi32, #tpu.memory_space<vmem>>) semaphore(%arg14 : memref<!tpu.dma_semaphore, #tpu.memory_space<semaphore_mem>>)
    %dma_wait3A = arith.constant 0 : i32
    %dma_wait3A_23 = arith.constant 0 : i32
    %dma_wait3A_24 = tpu.memref_slice %arg6[%dma_wait3A, %dma_wait3A_23] : memref<256x100xi32, #tpu.memory_space<vmem>> -> memref<1x100xi32, #tpu.memory_space<vmem>>
    %dma_wait3A_25 = tpu.memref_squeeze %dma_wait3A_24 : memref<1x100xi32, #tpu.memory_space<vmem>> -> memref<100xi32, #tpu.memory_space<vmem>>
    %dma_wait3A_26 = arith.constant 0 : i32
    %dma_wait3A_27 = arith.constant 0 : i32
    %dma_wait3A_28 = tpu.memref_slice %arg3[%dma_wait3A_26, %dma_wait3A_27] : memref<1000000x64xf32, #tpu.memory_space<hbm>> -> memref<1000000x64xf32, #tpu.memory_space<hbm>>
    tpu.wait_indirect_dma semaphore(%arg12 : memref<!tpu.dma_semaphore, #tpu.memory_space<semaphore_mem>>) src(%dma_wait3A_28 : memref<1000000x64xf32, #tpu.memory_space<hbm>>) dst(%arg8 : memref<100x64xf32, #tpu.memory_space<vmem>>)
    %scan3A = arith.constant 0 : i32
    %scan3A_29 = arith.constant 0 : i32
    %scan3A_30 = arith.constant 100 : i32
    %scan3A_31 = arith.addi %scan3A_29, %scan3A_30 : i32
    %scan3A_32 = arith.constant 4 : i32
    scf.for %scan3A_325 = %scan3A_29 to %scan3A_31 step %scan3A_32  : i32 {
      %add3A_326 = arith.constant 0 : i32
      %add3A_327 = arith.addi %add3A_326, %scan3A_325 : i32
      %get3A = arith.index_cast %add3A_327 : i32 to index
      %get3A_328 = arith.constant 0 : index
      %get3A_329 = tpu.vector_load %arg7[%get3A, %get3A_328] {strides = array<i32>} : memref<200x64xf32, #tpu.memory_space<vmem>>, vector<1x16xf32>,
      %get3A_330 = vector.shape_cast %get3A_329 : vector<1x16xf32> to vector<16xf32>
      %swap3A = arith.index_cast %scan3A_325 : i32 to index
      %swap3A_331 = arith.constant 0 : index
      %swap3A_332 = tpu.vector_load %arg8[%swap3A, %swap3A_331] {strides = array<i32>} : memref<100x64xf32, #tpu.memory_space<vmem>>, vector<1x16xf32>,
      %swap3A_333 = vector.shape_cast %swap3A_332 : vector<1x16xf32> to vector<16xf32>
      %swap3A_334 = vector.shape_cast %get3A_330 : vector<16xf32> to vector<1x16xf32>
      tpu.vector_store %arg8[%swap3A, %swap3A_331], %swap3A_334 {add = true, strides = array<i32>} : memref<100x64xf32, #tpu.memory_space<vmem>>, vector<1x16xf32>,
      %add3A_335 = arith.constant 0 : i32
      %add3A_336 = arith.addi %add3A_335, %scan3A_325 : i32
      %get3A_337 = arith.index_cast %add3A_336 : i32 to index
      %get3A_338 = arith.constant 16 : index
      %get3A_339 = tpu.vector_load %arg7[%get3A_337, %get3A_338] {strides = array<i32>} : memref<200x64xf32, #tpu.memory_space<vmem>>, vector<1x16xf32>,
      %get3A_340 = vector.shape_cast %get3A_339 : vector<1x16xf32> to vector<16xf32>
      %swap3A_341 = arith.index_cast %scan3A_325 : i32 to index
      %swap3A_342 = arith.constant 16 : index
      %swap3A_343 = tpu.vector_load %arg8[%swap3A_341, %swap3A_342] {strides = array<i32>} : memref<100x64xf32, #tpu.memory_space<vmem>>, vector<1x16xf32>,
      %swap3A_344 = vector.shape_cast %swap3A_343 : vector<1x16xf32> to vector<16xf32>
      %swap3A_345 = vector.shape_cast %get3A_340 : vector<16xf32> to vector<1x16xf32>
      tpu.vector_store %arg8[%swap3A_341, %swap3A_342], %swap3A_345 {add = true, strides = array<i32>} : memref<100x64xf32, #tpu.memory_space<vmem>>, vector<1x16xf32>,
      %add3A_346 = arith.constant 0 : i32
      %add3A_347 = arith.addi %add3A_346, %scan3A_325 : i32
      %get3A_348 = arith.index_cast %add3A_347 : i32 to index
      %get3A_349 = arith.constant 32 : index
      %get3A_350 = tpu.vector_load %arg7[%get3A_348, %get3A_349] {strides = array<i32>} : memref<200x64xf32, #tpu.memory_space<vmem>>, vector<1x16xf32>,
      %get3A_351 = vector.shape_cast %get3A_350 : vector<1x16xf32> to vector<16xf32>
      %swap3A_352 = arith.index_cast %scan3A_325 : i32 to index
      %swap3A_353 = arith.constant 32 : index
      %swap3A_354 = tpu.vector_load %arg8[%swap3A_352, %swap3A_353] {strides = array<i32>} : memref<100x64xf32, #tpu.memory_space<vmem>>, vector<1x16xf32>,
      %swap3A_355 = vector.shape_cast %swap3A_354 : vector<1x16xf32> to vector<16xf32>
      %swap3A_356 = vector.shape_cast %get3A_351 : vector<16xf32> to vector<1x16xf32>
      tpu.vector_store %arg8[%swap3A_352, %swap3A_353], %swap3A_356 {add = true, strides = array<i32>} : memref<100x64xf32, #tpu.memory_space<vmem>>, vector<1x16xf32>,
      %add3A_357 = arith.constant 0 : i32
      %add3A_358 = arith.addi %add3A_357, %scan3A_325 : i32
      %get3A_359 = arith.index_cast %add3A_358 : i32 to index
      %get3A_360 = arith.constant 48 : index
      %get3A_361 = tpu.vector_load %arg7[%get3A_359, %get3A_360] {strides = array<i32>} : memref<200x64xf32, #tpu.memory_space<vmem>>, vector<1x16xf32>,
      %get3A_362 = vector.shape_cast %get3A_361 : vector<1x16xf32> to vector<16xf32>
      %swap3A_363 = arith.index_cast %scan3A_325 : i32 to index
      %swap3A_364 = arith.constant 48 : index
      %swap3A_365 = tpu.vector_load %arg8[%swap3A_363, %swap3A_364] {strides = array<i32>} : memref<100x64xf32, #tpu.memory_space<vmem>>, vector<1x16xf32>,
      %swap3A_366 = vector.shape_cast %swap3A_365 : vector<1x16xf32> to vector<16xf32>
      %swap3A_367 = vector.shape_cast %get3A_362 : vector<16xf32> to vector<1x16xf32>
      tpu.vector_store %arg8[%swap3A_363, %swap3A_364], %swap3A_367 {add = true, strides = array<i32>} : memref<100x64xf32, #tpu.memory_space<vmem>>, vector<1x16xf32>,
      %scan3A_368 = arith.constant 1 : i32
      %scan3A_369 = arith.addi %scan3A_325, %scan3A_368 : i32
      %add3A_370 = arith.constant 0 : i32
      %add3A_371 = arith.addi %add3A_370, %scan3A_369 : i32
      %get3A_372 = arith.index_cast %add3A_371 : i32 to index
      %get3A_373 = arith.constant 0 : index
      %get3A_374 = tpu.vector_load %arg7[%get3A_372, %get3A_373] {strides = array<i32>} : memref<200x64xf32, #tpu.memory_space<vmem>>, vector<1x16xf32>,
      %get3A_375 = vector.shape_cast %get3A_374 : vector<1x16xf32> to vector<16xf32>
      %swap3A_376 = arith.index_cast %scan3A_369 : i32 to index
      %swap3A_377 = arith.constant 0 : index
      %swap3A_378 = tpu.vector_load %arg8[%swap3A_376, %swap3A_377] {strides = array<i32>} : memref<100x64xf32, #tpu.memory_space<vmem>>, vector<1x16xf32>,
      %swap3A_379 = vector.shape_cast %swap3A_378 : vector<1x16xf32> to vector<16xf32>
      %swap3A_380 = vector.shape_cast %get3A_375 : vector<16xf32> to vector<1x16xf32>
      tpu.vector_store %arg8[%swap3A_376, %swap3A_377], %swap3A_380 {add = true, strides = array<i32>} : memref<100x64xf32, #tpu.memory_space<vmem>>, vector<1x16xf32>,
      %add3A_381 = arith.constant 0 : i32
      %add3A_382 = arith.addi %add3A_381, %scan3A_369 : i32
      %get3A_383 = arith.index_cast %add3A_382 : i32 to index
      %get3A_384 = arith.constant 16 : index
      %get3A_385 = tpu.vector_load %arg7[%get3A_383, %get3A_384] {strides = array<i32>} : memref<200x64xf32, #tpu.memory_space<vmem>>, vector<1x16xf32>,
      %get3A_386 = vector.shape_cast %get3A_385 : vector<1x16xf32> to vector<16xf32>
      %swap3A_387 = arith.index_cast %scan3A_369 : i32 to index
      %swap3A_388 = arith.constant 16 : index
      %swap3A_389 = tpu.vector_load %arg8[%swap3A_387, %swap3A_388] {strides = array<i32>} : memref<100x64xf32, #tpu.memory_space<vmem>>, vector<1x16xf32>,
      %swap3A_390 = vector.shape_cast %swap3A_389 : vector<1x16xf32> to vector<16xf32>
      %swap3A_391 = vector.shape_cast %get3A_386 : vector<16xf32> to vector<1x16xf32>
      tpu.vector_store %arg8[%swap3A_387, %swap3A_388], %swap3A_391 {add = true, strides = array<i32>} : memref<100x64xf32, #tpu.memory_space<vmem>>, vector<1x16xf32>,
      %add3A_392 = arith.constant 0 : i32
      %add3A_393 = arith.addi %add3A_392, %scan3A_369 : i32
      %get3A_394 = arith.index_cast %add3A_393 : i32 to index
      %get3A_395 = arith.constant 32 : index
      %get3A_396 = tpu.vector_load %arg7[%get3A_394, %get3A_395] {strides = array<i32>} : memref<200x64xf32, #tpu.memory_space<vmem>>, vector<1x16xf32>,
      %get3A_397 = vector.shape_cast %get3A_396 : vector<1x16xf32> to vector<16xf32>
      %swap3A_398 = arith.index_cast %scan3A_369 : i32 to index
      %swap3A_399 = arith.constant 32 : index
      %swap3A_400 = tpu.vector_load %arg8[%swap3A_398, %swap3A_399] {strides = array<i32>} : memref<100x64xf32, #tpu.memory_space<vmem>>, vector<1x16xf32>,
      %swap3A_401 = vector.shape_cast %swap3A_400 : vector<1x16xf32> to vector<16xf32>
      %swap3A_402 = vector.shape_cast %get3A_397 : vector<16xf32> to vector<1x16xf32>
      tpu.vector_store %arg8[%swap3A_398, %swap3A_399], %swap3A_402 {add = true, strides = array<i32>} : memref<100x64xf32, #tpu.memory_space<vmem>>, vector<1x16xf32>,
      %add3A_403 = arith.constant 0 : i32
      %add3A_404 = arith.addi %add3A_403, %scan3A_369 : i32
      %get3A_405 = arith.index_cast %add3A_404 : i32 to index
      %get3A_406 = arith.constant 48 : index
      %get3A_407 = tpu.vector_load %arg7[%get3A_405, %get3A_406] {strides = array<i32>} : memref<200x64xf32, #tpu.memory_space<vmem>>, vector<1x16xf32>,
      %get3A_408 = vector.shape_cast %get3A_407 : vector<1x16xf32> to vector<16xf32>
      %swap3A_409 = arith.index_cast %scan3A_369 : i32 to index
      %swap3A_410 = arith.constant 48 : index
      %swap3A_411 = tpu.vector_load %arg8[%swap3A_409, %swap3A_410] {strides = array<i32>} : memref<100x64xf32, #tpu.memory_space<vmem>>, vector<1x16xf32>,
      %swap3A_412 = vector.shape_cast %swap3A_411 : vector<1x16xf32> to vector<16xf32>
      %swap3A_413 = vector.shape_cast %get3A_408 : vector<16xf32> to vector<1x16xf32>
      tpu.vector_store %arg8[%swap3A_409, %swap3A_410], %swap3A_413 {add = true, strides = array<i32>} : memref<100x64xf32, #tpu.memory_space<vmem>>, vector<1x16xf32>,
      %scan3A_414 = arith.constant 2 : i32
      %scan3A_415 = arith.addi %scan3A_325, %scan3A_414 : i32
      %add3A_416 = arith.constant 0 : i32
      %add3A_417 = arith.addi %add3A_416, %scan3A_415 : i32
      %get3A_418 = arith.index_cast %add3A_417 : i32 to index
      %get3A_419 = arith.constant 0 : index
      %get3A_420 = tpu.vector_load %arg7[%get3A_418, %get3A_419] {strides = array<i32>} : memref<200x64xf32, #tpu.memory_space<vmem>>, vector<1x16xf32>,
      %get3A_421 = vector.shape_cast %get3A_420 : vector<1x16xf32> to vector<16xf32>
      %swap3A_422 = arith.index_cast %scan3A_415 : i32 to index
      %swap3A_423 = arith.constant 0 : index
      %swap3A_424 = tpu.vector_load %arg8[%swap3A_422, %swap3A_423] {strides = array<i32>} : memref<100x64xf32, #tpu.memory_space<vmem>>, vector<1x16xf32>,
      %swap3A_425 = vector.shape_cast %swap3A_424 : vector<1x16xf32> to vector<16xf32>
      %swap3A_426 = vector.shape_cast %get3A_421 : vector<16xf32> to vector<1x16xf32>
      tpu.vector_store %arg8[%swap3A_422, %swap3A_423], %swap3A_426 {add = true, strides = array<i32>} : memref<100x64xf32, #tpu.memory_space<vmem>>, vector<1x16xf32>,
      %add3A_427 = arith.constant 0 : i32
      %add3A_428 = arith.addi %add3A_427, %scan3A_415 : i32
      %get3A_429 = arith.index_cast %add3A_428 : i32 to index
      %get3A_430 = arith.constant 16 : index
      %get3A_431 = tpu.vector_load %arg7[%get3A_429, %get3A_430] {strides = array<i32>} : memref<200x64xf32, #tpu.memory_space<vmem>>, vector<1x16xf32>,
      %get3A_432 = vector.shape_cast %get3A_431 : vector<1x16xf32> to vector<16xf32>
      %swap3A_433 = arith.index_cast %scan3A_415 : i32 to index
      %swap3A_434 = arith.constant 16 : index
      %swap3A_435 = tpu.vector_load %arg8[%swap3A_433, %swap3A_434] {strides = array<i32>} : memref<100x64xf32, #tpu.memory_space<vmem>>, vector<1x16xf32>,
      %swap3A_436 = vector.shape_cast %swap3A_435 : vector<1x16xf32> to vector<16xf32>
      %swap3A_437 = vector.shape_cast %get3A_432 : vector<16xf32> to vector<1x16xf32>
      tpu.vector_store %arg8[%swap3A_433, %swap3A_434], %swap3A_437 {add = true, strides = array<i32>} : memref<100x64xf32, #tpu.memory_space<vmem>>, vector<1x16xf32>,
      %add3A_438 = arith.constant 0 : i32
      %add3A_439 = arith.addi %add3A_438, %scan3A_415 : i32
      %get3A_440 = arith.index_cast %add3A_439 : i32 to index
      %get3A_441 = arith.constant 32 : index
      %get3A_442 = tpu.vector_load %arg7[%get3A_440, %get3A_441] {strides = array<i32>} : memref<200x64xf32, #tpu.memory_space<vmem>>, vector<1x16xf32>,
      %get3A_443 = vector.shape_cast %get3A_442 : vector<1x16xf32> to vector<16xf32>
      %swap3A_444 = arith.index_cast %scan3A_415 : i32 to index
      %swap3A_445 = arith.constant 32 : index
      %swap3A_446 = tpu.vector_load %arg8[%swap3A_444, %swap3A_445] {strides = array<i32>} : memref<100x64xf32, #tpu.memory_space<vmem>>, vector<1x16xf32>,
      %swap3A_447 = vector.shape_cast %swap3A_446 : vector<1x16xf32> to vector<16xf32>
      %swap3A_448 = vector.shape_cast %get3A_443 : vector<16xf32> to vector<1x16xf32>
      tpu.vector_store %arg8[%swap3A_444, %swap3A_445], %swap3A_448 {add = true, strides = array<i32>} : memref<100x64xf32, #tpu.memory_space<vmem>>, vector<1x16xf32>,
      %add3A_449 = arith.constant 0 : i32
      %add3A_450 = arith.addi %add3A_449, %scan3A_415 : i32
      %get3A_451 = arith.index_cast %add3A_450 : i32 to index
      %get3A_452 = arith.constant 48 : index
      %get3A_453 = tpu.vector_load %arg7[%get3A_451, %get3A_452] {strides = array<i32>} : memref<200x64xf32, #tpu.memory_space<vmem>>, vector<1x16xf32>,
      %get3A_454 = vector.shape_cast %get3A_453 : vector<1x16xf32> to vector<16xf32>
      %swap3A_455 = arith.index_cast %scan3A_415 : i32 to index
      %swap3A_456 = arith.constant 48 : index
      %swap3A_457 = tpu.vector_load %arg8[%swap3A_455, %swap3A_456] {strides = array<i32>} : memref<100x64xf32, #tpu.memory_space<vmem>>, vector<1x16xf32>,
      %swap3A_458 = vector.shape_cast %swap3A_457 : vector<1x16xf32> to vector<16xf32>
      %swap3A_459 = vector.shape_cast %get3A_454 : vector<16xf32> to vector<1x16xf32>
      tpu.vector_store %arg8[%swap3A_455, %swap3A_456], %swap3A_459 {add = true, strides = array<i32>} : memref<100x64xf32, #tpu.memory_space<vmem>>, vector<1x16xf32>,
      %scan3A_460 = arith.constant 3 : i32
      %scan3A_461 = arith.addi %scan3A_325, %scan3A_460 : i32
      %add3A_462 = arith.constant 0 : i32
      %add3A_463 = arith.addi %add3A_462, %scan3A_461 : i32
      %get3A_464 = arith.index_cast %add3A_463 : i32 to index
      %get3A_465 = arith.constant 0 : index
      %get3A_466 = tpu.vector_load %arg7[%get3A_464, %get3A_465] {strides = array<i32>} : memref<200x64xf32, #tpu.memory_space<vmem>>, vector<1x16xf32>,
      %get3A_467 = vector.shape_cast %get3A_466 : vector<1x16xf32> to vector<16xf32>
      %swap3A_468 = arith.index_cast %scan3A_461 : i32 to index
      %swap3A_469 = arith.constant 0 : index
      %swap3A_470 = tpu.vector_load %arg8[%swap3A_468, %swap3A_469] {strides = array<i32>} : memref<100x64xf32, #tpu.memory_space<vmem>>, vector<1x16xf32>,
      %swap3A_471 = vector.shape_cast %swap3A_470 : vector<1x16xf32> to vector<16xf32>
      %swap3A_472 = vector.shape_cast %get3A_467 : vector<16xf32> to vector<1x16xf32>
      tpu.vector_store %arg8[%swap3A_468, %swap3A_469], %swap3A_472 {add = true, strides = array<i32>} : memref<100x64xf32, #tpu.memory_space<vmem>>, vector<1x16xf32>,
      %add3A_473 = arith.constant 0 : i32
      %add3A_474 = arith.addi %add3A_473, %scan3A_461 : i32
      %get3A_475 = arith.index_cast %add3A_474 : i32 to index
      %get3A_476 = arith.constant 16 : index
      %get3A_477 = tpu.vector_load %arg7[%get3A_475, %get3A_476] {strides = array<i32>} : memref<200x64xf32, #tpu.memory_space<vmem>>, vector<1x16xf32>,
      %get3A_478 = vector.shape_cast %get3A_477 : vector<1x16xf32> to vector<16xf32>
      %swap3A_479 = arith.index_cast %scan3A_461 : i32 to index
      %swap3A_480 = arith.constant 16 : index
      %swap3A_481 = tpu.vector_load %arg8[%swap3A_479, %swap3A_480] {strides = array<i32>} : memref<100x64xf32, #tpu.memory_space<vmem>>, vector<1x16xf32>,
      %swap3A_482 = vector.shape_cast %swap3A_481 : vector<1x16xf32> to vector<16xf32>
      %swap3A_483 = vector.shape_cast %get3A_478 : vector<16xf32> to vector<1x16xf32>
      tpu.vector_store %arg8[%swap3A_479, %swap3A_480], %swap3A_483 {add = true, strides = array<i32>} : memref<100x64xf32, #tpu.memory_space<vmem>>, vector<1x16xf32>,
      %add3A_484 = arith.constant 0 : i32
      %add3A_485 = arith.addi %add3A_484, %scan3A_461 : i32
      %get3A_486 = arith.index_cast %add3A_485 : i32 to index
      %get3A_487 = arith.constant 32 : index
      %get3A_488 = tpu.vector_load %arg7[%get3A_486, %get3A_487] {strides = array<i32>} : memref<200x64xf32, #tpu.memory_space<vmem>>, vector<1x16xf32>,
      %get3A_489 = vector.shape_cast %get3A_488 : vector<1x16xf32> to vector<16xf32>
      %swap3A_490 = arith.index_cast %scan3A_461 : i32 to index
      %swap3A_491 = arith.constant 32 : index
      %swap3A_492 = tpu.vector_load %arg8[%swap3A_490, %swap3A_491] {strides = array<i32>} : memref<100x64xf32, #tpu.memory_space<vmem>>, vector<1x16xf32>,
      %swap3A_493 = vector.shape_cast %swap3A_492 : vector<1x16xf32> to vector<16xf32>
      %swap3A_494 = vector.shape_cast %get3A_489 : vector<16xf32> to vector<1x16xf32>
      tpu.vector_store %arg8[%swap3A_490, %swap3A_491], %swap3A_494 {add = true, strides = array<i32>} : memref<100x64xf32, #tpu.memory_space<vmem>>, vector<1x16xf32>,
      %add3A_495 = arith.constant 0 : i32
      %add3A_496 = arith.addi %add3A_495, %scan3A_461 : i32
      %get3A_497 = arith.index_cast %add3A_496 : i32 to index
      %get3A_498 = arith.constant 48 : index
      %get3A_499 = tpu.vector_load %arg7[%get3A_497, %get3A_498] {strides = array<i32>} : memref<200x64xf32, #tpu.memory_space<vmem>>, vector<1x16xf32>,
      %get3A_500 = vector.shape_cast %get3A_499 : vector<1x16xf32> to vector<16xf32>
      %swap3A_501 = arith.index_cast %scan3A_461 : i32 to index
      %swap3A_502 = arith.constant 48 : index
      %swap3A_503 = tpu.vector_load %arg8[%swap3A_501, %swap3A_502] {strides = array<i32>} : memref<100x64xf32, #tpu.memory_space<vmem>>, vector<1x16xf32>,
      %swap3A_504 = vector.shape_cast %swap3A_503 : vector<1x16xf32> to vector<16xf32>
      %swap3A_505 = vector.shape_cast %get3A_500 : vector<16xf32> to vector<1x16xf32>
      tpu.vector_store %arg8[%swap3A_501, %swap3A_502], %swap3A_505 {add = true, strides = array<i32>} : memref<100x64xf32, #tpu.memory_space<vmem>>, vector<1x16xf32>,
    }
    %scan3A_33 = arith.constant 100 : i32
    %div3A = arith.constant 0 : i32
    %div3A_34 = arith.constant 2 : i32
    %div3A_35 = arith.divsi %div3A, %div3A_34 : i32
    %add3A_36 = arith.addi %mul3A_2, %div3A_35 : i32
    %dma_start3A_37 = arith.constant 0 : i32
    %dma_start3A_38 = arith.constant 0 : i32
    %dma_start3A_39 = tpu.memref_slice %arg5[%add3A_36, %dma_start3A_37, %dma_start3A_38] : memref<4096x200x64xf32, #tpu.memory_space<hbm>> -> memref<1x100x64xf32, #tpu.memory_space<hbm>>
    %dma_start3A_40 = tpu.memref_squeeze %dma_start3A_39 : memref<1x100x64xf32, #tpu.memory_space<hbm>> -> memref<100x64xf32, #tpu.memory_space<hbm>>
    %dma_start3A_41 = arith.constant 0 : i32
    %dma_start3A_42 = arith.constant 0 : i32
    %dma_start3A_43 = tpu.memref_slice %arg5[%add3A_36, %dma_start3A_41, %dma_start3A_42] : memref<4096x200x64xf32, #tpu.memory_space<hbm>> -> memref<1x100x64xf32, #tpu.memory_space<hbm>>
    %dma_start3A_44 = tpu.memref_squeeze %dma_start3A_43 : memref<1x100x64xf32, #tpu.memory_space<hbm>> -> memref<100x64xf32, #tpu.memory_space<hbm>>
    tpu.enqueue_dma source(%arg8 : memref<100x64xf32, #tpu.memory_space<vmem>>) target(%dma_start3A_44 : memref<100x64xf32, #tpu.memory_space<hbm>>) target_semaphore(%arg16 : memref<!tpu.dma_semaphore, #tpu.memory_space<semaphore_mem>>)
    %dma_start3A_45 = arith.constant 3 : i32
    %dma_start3A_46 = arith.constant 0 : i32
    %dma_start3A_47 = tpu.memref_slice %arg6[%dma_start3A_45, %dma_start3A_46] : memref<256x100xi32, #tpu.memory_space<vmem>> -> memref<1x100xi32, #tpu.memory_space<vmem>>
    %dma_start3A_48 = tpu.memref_squeeze %dma_start3A_47 : memref<1x100xi32, #tpu.memory_space<vmem>> -> memref<100xi32, #tpu.memory_space<vmem>>
    %dma_start3A_49 = arith.constant 0 : i32
    %dma_start3A_50 = arith.constant 0 : i32
    %dma_start3A_51 = tpu.memref_slice %arg3[%dma_start3A_49, %dma_start3A_50] : memref<1000000x64xf32, #tpu.memory_space<hbm>> -> memref<1000000x64xf32, #tpu.memory_space<hbm>>
    tpu.enqueue_indirect_dma source(%dma_start3A_51 : memref<1000000x64xf32, #tpu.memory_space<hbm>>) target(%arg11 : memref<100x64xf32, #tpu.memory_space<vmem>>) offsets(%dma_start3A_48 : memref<100xi32, #tpu.memory_space<vmem>>) semaphore(%arg15 : memref<!tpu.dma_semaphore, #tpu.memory_space<semaphore_mem>>)
    %dma_wait3A_52 = arith.constant 1 : i32
    %dma_wait3A_53 = arith.constant 0 : i32
    %dma_wait3A_54 = tpu.memref_slice %arg6[%dma_wait3A_52, %dma_wait3A_53] : memref<256x100xi32, #tpu.memory_space<vmem>> -> memref<1x100xi32, #tpu.memory_space<vmem>>
    %dma_wait3A_55 = tpu.memref_squeeze %dma_wait3A_54 : memref<1x100xi32, #tpu.memory_space<vmem>> -> memref<100xi32, #tpu.memory_space<vmem>>
    %dma_wait3A_56 = arith.constant 0 : i32
    %dma_wait3A_57 = arith.constant 0 : i32
    %dma_wait3A_58 = tpu.memref_slice %arg3[%dma_wait3A_56, %dma_wait3A_57] : memref<1000000x64xf32, #tpu.memory_space<hbm>> -> memref<1000000x64xf32, #tpu.memory_space<hbm>>
    tpu.wait_indirect_dma semaphore(%arg13 : memref<!tpu.dma_semaphore, #tpu.memory_space<semaphore_mem>>) src(%dma_wait3A_58 : memref<1000000x64xf32, #tpu.memory_space<hbm>>) dst(%arg9 : memref<100x64xf32, #tpu.memory_space<vmem>>)
    %scan3A_59 = arith.constant 0 : i32
    %scan3A_60 = arith.constant 0 : i32
    %scan3A_61 = arith.constant 100 : i32
    %scan3A_62 = arith.addi %scan3A_60, %scan3A_61 : i32
    %scan3A_63 = arith.constant 4 : i32
    scf.for %scan3A_325 = %scan3A_60 to %scan3A_62 step %scan3A_63  : i32 {
      %add3A_326 = arith.constant 100 : i32
      %add3A_327 = arith.addi %add3A_326, %scan3A_325 : i32
      %get3A = arith.index_cast %add3A_327 : i32 to index
      %get3A_328 = arith.constant 0 : index
      %get3A_329 = tpu.vector_load %arg7[%get3A, %get3A_328] {strides = array<i32>} : memref<200x64xf32, #tpu.memory_space<vmem>>, vector<1x16xf32>,
      %get3A_330 = vector.shape_cast %get3A_329 : vector<1x16xf32> to vector<16xf32>
      %swap3A = arith.index_cast %scan3A_325 : i32 to index
      %swap3A_331 = arith.constant 0 : index
      %swap3A_332 = tpu.vector_load %arg9[%swap3A, %swap3A_331] {strides = array<i32>} : memref<100x64xf32, #tpu.memory_space<vmem>>, vector<1x16xf32>,
      %swap3A_333 = vector.shape_cast %swap3A_332 : vector<1x16xf32> to vector<16xf32>
      %swap3A_334 = vector.shape_cast %get3A_330 : vector<16xf32> to vector<1x16xf32>
      tpu.vector_store %arg9[%swap3A, %swap3A_331], %swap3A_334 {add = true, strides = array<i32>} : memref<100x64xf32, #tpu.memory_space<vmem>>, vector<1x16xf32>,
      %add3A_335 = arith.constant 100 : i32
      %add3A_336 = arith.addi %add3A_335, %scan3A_325 : i32
      %get3A_337 = arith.index_cast %add3A_336 : i32 to index
      %get3A_338 = arith.constant 16 : index
      %get3A_339 = tpu.vector_load %arg7[%get3A_337, %get3A_338] {strides = array<i32>} : memref<200x64xf32, #tpu.memory_space<vmem>>, vector<1x16xf32>,
      %get3A_340 = vector.shape_cast %get3A_339 : vector<1x16xf32> to vector<16xf32>
      %swap3A_341 = arith.index_cast %scan3A_325 : i32 to index
      %swap3A_342 = arith.constant 16 : index
      %swap3A_343 = tpu.vector_load %arg9[%swap3A_341, %swap3A_342] {strides = array<i32>} : memref<100x64xf32, #tpu.memory_space<vmem>>, vector<1x16xf32>,
      %swap3A_344 = vector.shape_cast %swap3A_343 : vector<1x16xf32> to vector<16xf32>
      %swap3A_345 = vector.shape_cast %get3A_340 : vector<16xf32> to vector<1x16xf32>
      tpu.vector_store %arg9[%swap3A_341, %swap3A_342], %swap3A_345 {add = true, strides = array<i32>} : memref<100x64xf32, #tpu.memory_space<vmem>>, vector<1x16xf32>,
      %add3A_346 = arith.constant 100 : i32
      %add3A_347 = arith.addi %add3A_346, %scan3A_325 : i32
      %get3A_348 = arith.index_cast %add3A_347 : i32 to index
      %get3A_349 = arith.constant 32 : index
      %get3A_350 = tpu.vector_load %arg7[%get3A_348, %get3A_349] {strides = array<i32>} : memref<200x64xf32, #tpu.memory_space<vmem>>, vector<1x16xf32>,
      %get3A_351 = vector.shape_cast %get3A_350 : vector<1x16xf32> to vector<16xf32>
      %swap3A_352 = arith.index_cast %scan3A_325 : i32 to index
      %swap3A_353 = arith.constant 32 : index
      %swap3A_354 = tpu.vector_load %arg9[%swap3A_352, %swap3A_353] {strides = array<i32>} : memref<100x64xf32, #tpu.memory_space<vmem>>, vector<1x16xf32>,
      %swap3A_355 = vector.shape_cast %swap3A_354 : vector<1x16xf32> to vector<16xf32>
      %swap3A_356 = vector.shape_cast %get3A_351 : vector<16xf32> to vector<1x16xf32>
      tpu.vector_store %arg9[%swap3A_352, %swap3A_353], %swap3A_356 {add = true, strides = array<i32>} : memref<100x64xf32, #tpu.memory_space<vmem>>, vector<1x16xf32>,
      %add3A_357 = arith.constant 100 : i32
      %add3A_358 = arith.addi %add3A_357, %scan3A_325 : i32
      %get3A_359 = arith.index_cast %add3A_358 : i32 to index
      %get3A_360 = arith.constant 48 : index
      %get3A_361 = tpu.vector_load %arg7[%get3A_359, %get3A_360] {strides = array<i32>} : memref<200x64xf32, #tpu.memory_space<vmem>>, vector<1x16xf32>,
      %get3A_362 = vector.shape_cast %get3A_361 : vector<1x16xf32> to vector<16xf32>
      %swap3A_363 = arith.index_cast %scan3A_325 : i32 to index
      %swap3A_364 = arith.constant 48 : index
      %swap3A_365 = tpu.vector_load %arg9[%swap3A_363, %swap3A_364] {strides = array<i32>} : memref<100x64xf32, #tpu.memory_space<vmem>>, vector<1x16xf32>,
      %swap3A_366 = vector.shape_cast %swap3A_365 : vector<1x16xf32> to vector<16xf32>
      %swap3A_367 = vector.shape_cast %get3A_362 : vector<16xf32> to vector<1x16xf32>
      tpu.vector_store %arg9[%swap3A_363, %swap3A_364], %swap3A_367 {add = true, strides = array<i32>} : memref<100x64xf32, #tpu.memory_space<vmem>>, vector<1x16xf32>,
      %scan3A_368 = arith.constant 1 : i32
      %scan3A_369 = arith.addi %scan3A_325, %scan3A_368 : i32
      %add3A_370 = arith.constant 100 : i32
      %add3A_371 = arith.addi %add3A_370, %scan3A_369 : i32
      %get3A_372 = arith.index_cast %add3A_371 : i32 to index
      %get3A_373 = arith.constant 0 : index
      %get3A_374 = tpu.vector_load %arg7[%get3A_372, %get3A_373] {strides = array<i32>} : memref<200x64xf32, #tpu.memory_space<vmem>>, vector<1x16xf32>,
      %get3A_375 = vector.shape_cast %get3A_374 : vector<1x16xf32> to vector<16xf32>
      %swap3A_376 = arith.index_cast %scan3A_369 : i32 to index
      %swap3A_377 = arith.constant 0 : index
      %swap3A_378 = tpu.vector_load %arg9[%swap3A_376, %swap3A_377] {strides = array<i32>} : memref<100x64xf32, #tpu.memory_space<vmem>>, vector<1x16xf32>,
      %swap3A_379 = vector.shape_cast %swap3A_378 : vector<1x16xf32> to vector<16xf32>
      %swap3A_380 = vector.shape_cast %get3A_375 : vector<16xf32> to vector<1x16xf32>
      tpu.vector_store %arg9[%swap3A_376, %swap3A_377], %swap3A_380 {add = true, strides = array<i32>} : memref<100x64xf32, #tpu.memory_space<vmem>>, vector<1x16xf32>,
      %add3A_381 = arith.constant 100 : i32
      %add3A_382 = arith.addi %add3A_381, %scan3A_369 : i32
      %get3A_383 = arith.index_cast %add3A_382 : i32 to index
      %get3A_384 = arith.constant 16 : index
      %get3A_385 = tpu.vector_load %arg7[%get3A_383, %get3A_384] {strides = array<i32>} : memref<200x64xf32, #tpu.memory_space<vmem>>, vector<1x16xf32>,
      %get3A_386 = vector.shape_cast %get3A_385 : vector<1x16xf32> to vector<16xf32>
      %swap3A_387 = arith.index_cast %scan3A_369 : i32 to index
      %swap3A_388 = arith.constant 16 : index
      %swap3A_389 = tpu.vector_load %arg9[%swap3A_387, %swap3A_388] {strides = array<i32>} : memref<100x64xf32, #tpu.memory_space<vmem>>, vector<1x16xf32>,
      %swap3A_390 = vector.shape_cast %swap3A_389 : vector<1x16xf32> to vector<16xf32>
      %swap3A_391 = vector.shape_cast %get3A_386 : vector<16xf32> to vector<1x16xf32>
      tpu.vector_store %arg9[%swap3A_387, %swap3A_388], %swap3A_391 {add = true, strides = array<i32>} : memref<100x64xf32, #tpu.memory_space<vmem>>, vector<1x16xf32>,
      %add3A_392 = arith.constant 100 : i32
      %add3A_393 = arith.addi %add3A_392, %scan3A_369 : i32
      %get3A_394 = arith.index_cast %add3A_393 : i32 to index
      %get3A_395 = arith.constant 32 : index
      %get3A_396 = tpu.vector_load %arg7[%get3A_394, %get3A_395] {strides = array<i32>} : memref<200x64xf32, #tpu.memory_space<vmem>>, vector<1x16xf32>,
      %get3A_397 = vector.shape_cast %get3A_396 : vector<1x16xf32> to vector<16xf32>
      %swap3A_398 = arith.index_cast %scan3A_369 : i32 to index
      %swap3A_399 = arith.constant 32 : index
      %swap3A_400 = tpu.vector_load %arg9[%swap3A_398, %swap3A_399] {strides = array<i32>} : memref<100x64xf32, #tpu.memory_space<vmem>>, vector<1x16xf32>,
      %swap3A_401 = vector.shape_cast %swap3A_400 : vector<1x16xf32> to vector<16xf32>
      %swap3A_402 = vector.shape_cast %get3A_397 : vector<16xf32> to vector<1x16xf32>
      tpu.vector_store %arg9[%swap3A_398, %swap3A_399], %swap3A_402 {add = true, strides = array<i32>} : memref<100x64xf32, #tpu.memory_space<vmem>>, vector<1x16xf32>,
      %add3A_403 = arith.constant 100 : i32
      %add3A_404 = arith.addi %add3A_403, %scan3A_369 : i32
      %get3A_405 = arith.index_cast %add3A_404 : i32 to index
      %get3A_406 = arith.constant 48 : index
      %get3A_407 = tpu.vector_load %arg7[%get3A_405, %get3A_406] {strides = array<i32>} : memref<200x64xf32, #tpu.memory_space<vmem>>, vector<1x16xf32>,
      %get3A_408 = vector.shape_cast %get3A_407 : vector<1x16xf32> to vector<16xf32>
      %swap3A_409 = arith.index_cast %scan3A_369 : i32 to index
      %swap3A_410 = arith.constant 48 : index
      %swap3A_411 = tpu.vector_load %arg9[%swap3A_409, %swap3A_410] {strides = array<i32>} : memref<100x64xf32, #tpu.memory_space<vmem>>, vector<1x16xf32>,
      %swap3A_412 = vector.shape_cast %swap3A_411 : vector<1x16xf32> to vector<16xf32>
      %swap3A_413 = vector.shape_cast %get3A_408 : vector<16xf32> to vector<1x16xf32>
      tpu.vector_store %arg9[%swap3A_409, %swap3A_410], %swap3A_413 {add = true, strides = array<i32>} : memref<100x64xf32, #tpu.memory_space<vmem>>, vector<1x16xf32>,
      %scan3A_414 = arith.constant 2 : i32
      %scan3A_415 = arith.addi %scan3A_325, %scan3A_414 : i32
      %add3A_416 = arith.constant 100 : i32
      %add3A_417 = arith.addi %add3A_416, %scan3A_415 : i32
      %get3A_418 = arith.index_cast %add3A_417 : i32 to index
      %get3A_419 = arith.constant 0 : index
      %get3A_420 = tpu.vector_load %arg7[%get3A_418, %get3A_419] {strides = array<i32>} : memref<200x64xf32, #tpu.memory_space<vmem>>, vector<1x16xf32>,
      %get3A_421 = vector.shape_cast %get3A_420 : vector<1x16xf32> to vector<16xf32>
      %swap3A_422 = arith.index_cast %scan3A_415 : i32 to index
      %swap3A_423 = arith.constant 0 : index
      %swap3A_424 = tpu.vector_load %arg9[%swap3A_422, %swap3A_423] {strides = array<i32>} : memref<100x64xf32, #tpu.memory_space<vmem>>, vector<1x16xf32>,
      %swap3A_425 = vector.shape_cast %swap3A_424 : vector<1x16xf32> to vector<16xf32>
      %swap3A_426 = vector.shape_cast %get3A_421 : vector<16xf32> to vector<1x16xf32>
      tpu.vector_store %arg9[%swap3A_422, %swap3A_423], %swap3A_426 {add = true, strides = array<i32>} : memref<100x64xf32, #tpu.memory_space<vmem>>, vector<1x16xf32>,
      %add3A_427 = arith.constant 100 : i32
      %add3A_428 = arith.addi %add3A_427, %scan3A_415 : i32
      %get3A_429 = arith.index_cast %add3A_428 : i32 to index
      %get3A_430 = arith.constant 16 : index
      %get3A_431 = tpu.vector_load %arg7[%get3A_429, %get3A_430] {strides = array<i32>} : memref<200x64xf32, #tpu.memory_space<vmem>>, vector<1x16xf32>,
      %get3A_432 = vector.shape_cast %get3A_431 : vector<1x16xf32> to vector<16xf32>
      %swap3A_433 = arith.index_cast %scan3A_415 : i32 to index
      %swap3A_434 = arith.constant 16 : index
      %swap3A_435 = tpu.vector_load %arg9[%swap3A_433, %swap3A_434] {strides = array<i32>} : memref<100x64xf32, #tpu.memory_space<vmem>>, vector<1x16xf32>,
      %swap3A_436 = vector.shape_cast %swap3A_435 : vector<1x16xf32> to vector<16xf32>
      %swap3A_437 = vector.shape_cast %get3A_432 : vector<16xf32> to vector<1x16xf32>
      tpu.vector_store %arg9[%swap3A_433, %swap3A_434], %swap3A_437 {add = true, strides = array<i32>} : memref<100x64xf32, #tpu.memory_space<vmem>>, vector<1x16xf32>,
      %add3A_438 = arith.constant 100 : i32
      %add3A_439 = arith.addi %add3A_438, %scan3A_415 : i32
      %get3A_440 = arith.index_cast %add3A_439 : i32 to index
      %get3A_441 = arith.constant 32 : index
      %get3A_442 = tpu.vector_load %arg7[%get3A_440, %get3A_441] {strides = array<i32>} : memref<200x64xf32, #tpu.memory_space<vmem>>, vector<1x16xf32>,
      %get3A_443 = vector.shape_cast %get3A_442 : vector<1x16xf32> to vector<16xf32>
      %swap3A_444 = arith.index_cast %scan3A_415 : i32 to index
      %swap3A_445 = arith.constant 32 : index
      %swap3A_446 = tpu.vector_load %arg9[%swap3A_444, %swap3A_445] {strides = array<i32>} : memref<100x64xf32, #tpu.memory_space<vmem>>, vector<1x16xf32>,
      %swap3A_447 = vector.shape_cast %swap3A_446 : vector<1x16xf32> to vector<16xf32>
      %swap3A_448 = vector.shape_cast %get3A_443 : vector<16xf32> to vector<1x16xf32>
      tpu.vector_store %arg9[%swap3A_444, %swap3A_445], %swap3A_448 {add = true, strides = array<i32>} : memref<100x64xf32, #tpu.memory_space<vmem>>, vector<1x16xf32>,
      %add3A_449 = arith.constant 100 : i32
      %add3A_450 = arith.addi %add3A_449, %scan3A_415 : i32
      %get3A_451 = arith.index_cast %add3A_450 : i32 to index
      %get3A_452 = arith.constant 48 : index
      %get3A_453 = tpu.vector_load %arg7[%get3A_451, %get3A_452] {strides = array<i32>} : memref<200x64xf32, #tpu.memory_space<vmem>>, vector<1x16xf32>,
      %get3A_454 = vector.shape_cast %get3A_453 : vector<1x16xf32> to vector<16xf32>
      %swap3A_455 = arith.index_cast %scan3A_415 : i32 to index
      %swap3A_456 = arith.constant 48 : index
      %swap3A_457 = tpu.vector_load %arg9[%swap3A_455, %swap3A_456] {strides = array<i32>} : memref<100x64xf32, #tpu.memory_space<vmem>>, vector<1x16xf32>,
      %swap3A_458 = vector.shape_cast %swap3A_457 : vector<1x16xf32> to vector<16xf32>
      %swap3A_459 = vector.shape_cast %get3A_454 : vector<16xf32> to vector<1x16xf32>
      tpu.vector_store %arg9[%swap3A_455, %swap3A_456], %swap3A_459 {add = true, strides = array<i32>} : memref<100x64xf32, #tpu.memory_space<vmem>>, vector<1x16xf32>,
      %scan3A_460 = arith.constant 3 : i32
      %scan3A_461 = arith.addi %scan3A_325, %scan3A_460 : i32
      %add3A_462 = arith.constant 100 : i32
      %add3A_463 = arith.addi %add3A_462, %scan3A_461 : i32
      %get3A_464 = arith.index_cast %add3A_463 : i32 to index
      %get3A_465 = arith.constant 0 : index
      %get3A_466 = tpu.vector_load %arg7[%get3A_464, %get3A_465] {strides = array<i32>} : memref<200x64xf32, #tpu.memory_space<vmem>>, vector<1x16xf32>,
      %get3A_467 = vector.shape_cast %get3A_466 : vector<1x16xf32> to vector<16xf32>
      %swap3A_468 = arith.index_cast %scan3A_461 : i32 to index
      %swap3A_469 = arith.constant 0 : index
      %swap3A_470 = tpu.vector_load %arg9[%swap3A_468, %swap3A_469] {strides = array<i32>} : memref<100x64xf32, #tpu.memory_space<vmem>>, vector<1x16xf32>,
      %swap3A_471 = vector.shape_cast %swap3A_470 : vector<1x16xf32> to vector<16xf32>
      %swap3A_472 = vector.shape_cast %get3A_467 : vector<16xf32> to vector<1x16xf32>
      tpu.vector_store %arg9[%swap3A_468, %swap3A_469], %swap3A_472 {add = true, strides = array<i32>} : memref<100x64xf32, #tpu.memory_space<vmem>>, vector<1x16xf32>,
      %add3A_473 = arith.constant 100 : i32
      %add3A_474 = arith.addi %add3A_473, %scan3A_461 : i32
      %get3A_475 = arith.index_cast %add3A_474 : i32 to index
      %get3A_476 = arith.constant 16 : index
      %get3A_477 = tpu.vector_load %arg7[%get3A_475, %get3A_476] {strides = array<i32>} : memref<200x64xf32, #tpu.memory_space<vmem>>, vector<1x16xf32>,
      %get3A_478 = vector.shape_cast %get3A_477 : vector<1x16xf32> to vector<16xf32>
      %swap3A_479 = arith.index_cast %scan3A_461 : i32 to index
      %swap3A_480 = arith.constant 16 : index
      %swap3A_481 = tpu.vector_load %arg9[%swap3A_479, %swap3A_480] {strides = array<i32>} : memref<100x64xf32, #tpu.memory_space<vmem>>, vector<1x16xf32>,
      %swap3A_482 = vector.shape_cast %swap3A_481 : vector<1x16xf32> to vector<16xf32>
      %swap3A_483 = vector.shape_cast %get3A_478 : vector<16xf32> to vector<1x16xf32>
      tpu.vector_store %arg9[%swap3A_479, %swap3A_480], %swap3A_483 {add = true, strides = array<i32>} : memref<100x64xf32, #tpu.memory_space<vmem>>, vector<1x16xf32>,
      %add3A_484 = arith.constant 100 : i32
      %add3A_485 = arith.addi %add3A_484, %scan3A_461 : i32
      %get3A_486 = arith.index_cast %add3A_485 : i32 to index
      %get3A_487 = arith.constant 32 : index
      %get3A_488 = tpu.vector_load %arg7[%get3A_486, %get3A_487] {strides = array<i32>} : memref<200x64xf32, #tpu.memory_space<vmem>>, vector<1x16xf32>,
      %get3A_489 = vector.shape_cast %get3A_488 : vector<1x16xf32> to vector<16xf32>
      %swap3A_490 = arith.index_cast %scan3A_461 : i32 to index
      %swap3A_491 = arith.constant 32 : index
      %swap3A_492 = tpu.vector_load %arg9[%swap3A_490, %swap3A_491] {strides = array<i32>} : memref<100x64xf32, #tpu.memory_space<vmem>>, vector<1x16xf32>,
      %swap3A_493 = vector.shape_cast %swap3A_492 : vector<1x16xf32> to vector<16xf32>
      %swap3A_494 = vector.shape_cast %get3A_489 : vector<16xf32> to vector<1x16xf32>
      tpu.vector_store %arg9[%swap3A_490, %swap3A_491], %swap3A_494 {add = true, strides = array<i32>} : memref<100x64xf32, #tpu.memory_space<vmem>>, vector<1x16xf32>,
      %add3A_495 = arith.constant 100 : i32
      %add3A_496 = arith.addi %add3A_495, %scan3A_461 : i32
      %get3A_497 = arith.index_cast %add3A_496 : i32 to index
      %get3A_498 = arith.constant 48 : index
      %get3A_499 = tpu.vector_load %arg7[%get3A_497, %get3A_498] {strides = array<i32>} : memref<200x64xf32, #tpu.memory_space<vmem>>, vector<1x16xf32>,
      %get3A_500 = vector.shape_cast %get3A_499 : vector<1x16xf32> to vector<16xf32>
      %swap3A_501 = arith.index_cast %scan3A_461 : i32 to index
      %swap3A_502 = arith.constant 48 : index
      %swap3A_503 = tpu.vector_load %arg9[%swap3A_501, %swap3A_502] {strides = array<i32>} : memref<100x64xf32, #tpu.memory_space<vmem>>, vector<1x16xf32>,
      %swap3A_504 = vector.shape_cast %swap3A_503 : vector<1x16xf32> to vector<16xf32>
      %swap3A_505 = vector.shape_cast %get3A_500 : vector<16xf32> to vector<1x16xf32>
      tpu.vector_store %arg9[%swap3A_501, %swap3A_502], %swap3A_505 {add = true, strides = array<i32>} : memref<100x64xf32, #tpu.memory_space<vmem>>, vector<1x16xf32>,
    }
    %scan3A_64 = arith.constant 100 : i32
    %div3A_65 = arith.constant 1 : i32
    %div3A_66 = arith.constant 2 : i32
    %div3A_67 = arith.divsi %div3A_65, %div3A_66 : i32
    %add3A_68 = arith.addi %mul3A_2, %div3A_67 : i32
    %dma_start3A_69 = arith.constant 100 : i32
    %dma_start3A_70 = arith.constant 0 : i32
    %dma_start3A_71 = tpu.memref_slice %arg5[%add3A_68, %dma_start3A_69, %dma_start3A_70] : memref<4096x200x64xf32, #tpu.memory_space<hbm>> -> memref<1x100x64xf32, #tpu.memory_space<hbm>>
    %dma_start3A_72 = tpu.memref_squeeze %dma_start3A_71 : memref<1x100x64xf32, #tpu.memory_space<hbm>> -> memref<100x64xf32, #tpu.memory_space<hbm>>
    %dma_start3A_73 = arith.constant 100 : i32
    %dma_start3A_74 = arith.constant 0 : i32
    %dma_start3A_75 = tpu.memref_slice %arg5[%add3A_68, %dma_start3A_73, %dma_start3A_74] : memref<4096x200x64xf32, #tpu.memory_space<hbm>> -> memref<1x100x64xf32, #tpu.memory_space<hbm>>
    %dma_start3A_76 = tpu.memref_squeeze %dma_start3A_75 : memref<1x100x64xf32, #tpu.memory_space<hbm>> -> memref<100x64xf32, #tpu.memory_space<hbm>>
    tpu.enqueue_dma source(%arg9 : memref<100x64xf32, #tpu.memory_space<vmem>>) target(%dma_start3A_76 : memref<100x64xf32, #tpu.memory_space<hbm>>) target_semaphore(%arg17 : memref<!tpu.dma_semaphore, #tpu.memory_space<semaphore_mem>>)
    %dma_wait3A_77 = arith.constant 0 : i32
    %dma_wait3A_78 = arith.constant 0 : i32
    %dma_wait3A_79 = tpu.memref_slice %arg5[%mul3A_2, %dma_wait3A_77, %dma_wait3A_78] : memref<4096x200x64xf32, #tpu.memory_space<hbm>> -> memref<1x100x64xf32, #tpu.memory_space<hbm>>
    %dma_wait3A_80 = tpu.memref_squeeze %dma_wait3A_79 : memref<1x100x64xf32, #tpu.memory_space<hbm>> -> memref<100x64xf32, #tpu.memory_space<hbm>>
    %dma_wait3A_81 = arith.constant 0 : i32
    %dma_wait3A_82 = arith.constant 0 : i32
    %dma_wait3A_83 = tpu.memref_slice %arg5[%mul3A_2, %dma_wait3A_81, %dma_wait3A_82] : memref<4096x200x64xf32, #tpu.memory_space<hbm>> -> memref<1x100x64xf32, #tpu.memory_space<hbm>>
    %dma_wait3A_84 = tpu.memref_squeeze %dma_wait3A_83 : memref<1x100x64xf32, #tpu.memory_space<hbm>> -> memref<100x64xf32, #tpu.memory_space<hbm>>
    tpu.wait_dma2 semaphore(%arg16 : memref<!tpu.dma_semaphore, #tpu.memory_space<semaphore_mem>>) src(%arg8 : memref<100x64xf32, #tpu.memory_space<vmem>>) dst(%dma_wait3A_84 : memref<100x64xf32, #tpu.memory_space<hbm>>)
    %dma_start3A_85 = arith.constant 4 : i32
    %dma_start3A_86 = arith.constant 0 : i32
    %dma_start3A_87 = tpu.memref_slice %arg6[%dma_start3A_85, %dma_start3A_86] : memref<256x100xi32, #tpu.memory_space<vmem>> -> memref<1x100xi32, #tpu.memory_space<vmem>>
    %dma_start3A_88 = tpu.memref_squeeze %dma_start3A_87 : memref<1x100xi32, #tpu.memory_space<vmem>> -> memref<100xi32, #tpu.memory_space<vmem>>
    %dma_start3A_89 = arith.constant 0 : i32
    %dma_start3A_90 = arith.constant 0 : i32
    %dma_start3A_91 = tpu.memref_slice %arg3[%dma_start3A_89, %dma_start3A_90] : memref<1000000x64xf32, #tpu.memory_space<hbm>> -> memref<1000000x64xf32, #tpu.memory_space<hbm>>
    tpu.enqueue_indirect_dma source(%dma_start3A_91 : memref<1000000x64xf32, #tpu.memory_space<hbm>>) target(%arg8 : memref<100x64xf32, #tpu.memory_space<vmem>>) offsets(%dma_start3A_88 : memref<100xi32, #tpu.memory_space<vmem>>) semaphore(%arg12 : memref<!tpu.dma_semaphore, #tpu.memory_space<semaphore_mem>>)
    %dma_wait3A_92 = arith.constant 2 : i32
    %dma_wait3A_93 = arith.constant 0 : i32
    %dma_wait3A_94 = tpu.memref_slice %arg6[%dma_wait3A_92, %dma_wait3A_93] : memref<256x100xi32, #tpu.memory_space<vmem>> -> memref<1x100xi32, #tpu.memory_space<vmem>>
    %dma_wait3A_95 = tpu.memref_squeeze %dma_wait3A_94 : memref<1x100xi32, #tpu.memory_space<vmem>> -> memref<100xi32, #tpu.memory_space<vmem>>
    %dma_wait3A_96 = arith.constant 0 : i32
    %dma_wait3A_97 = arith.constant 0 : i32
    %dma_wait3A_98 = tpu.memref_slice %arg3[%dma_wait3A_96, %dma_wait3A_97] : memref<1000000x64xf32, #tpu.memory_space<hbm>> -> memref<1000000x64xf32, #tpu.memory_space<hbm>>
    tpu.wait_indirect_dma semaphore(%arg14 : memref<!tpu.dma_semaphore, #tpu.memory_space<semaphore_mem>>) src(%dma_wait3A_98 : memref<1000000x64xf32, #tpu.memory_space<hbm>>) dst(%arg10 : memref<100x64xf32, #tpu.memory_space<vmem>>)
    %scan3A_99 = arith.constant 0 : i32
    %scan3A_100 = arith.constant 0 : i32
    %scan3A_101 = arith.constant 100 : i32
    %scan3A_102 = arith.addi %scan3A_100, %scan3A_101 : i32
    %scan3A_103 = arith.constant 4 : i32
    scf.for %scan3A_325 = %scan3A_100 to %scan3A_102 step %scan3A_103  : i32 {
      %add3A_326 = arith.constant 0 : i32
      %add3A_327 = arith.addi %add3A_326, %scan3A_325 : i32
      %get3A = arith.index_cast %add3A_327 : i32 to index
      %get3A_328 = arith.constant 0 : index
      %get3A_329 = tpu.vector_load %arg7[%get3A, %get3A_328] {strides = array<i32>} : memref<200x64xf32, #tpu.memory_space<vmem>>, vector<1x16xf32>,
      %get3A_330 = vector.shape_cast %get3A_329 : vector<1x16xf32> to vector<16xf32>
      %swap3A = arith.index_cast %scan3A_325 : i32 to index
      %swap3A_331 = arith.constant 0 : index
      %swap3A_332 = tpu.vector_load %arg10[%swap3A, %swap3A_331] {strides = array<i32>} : memref<100x64xf32, #tpu.memory_space<vmem>>, vector<1x16xf32>,
      %swap3A_333 = vector.shape_cast %swap3A_332 : vector<1x16xf32> to vector<16xf32>
      %swap3A_334 = vector.shape_cast %get3A_330 : vector<16xf32> to vector<1x16xf32>
      tpu.vector_store %arg10[%swap3A, %swap3A_331], %swap3A_334 {add = true, strides = array<i32>} : memref<100x64xf32, #tpu.memory_space<vmem>>, vector<1x16xf32>,
      %add3A_335 = arith.constant 0 : i32
      %add3A_336 = arith.addi %add3A_335, %scan3A_325 : i32
      %get3A_337 = arith.index_cast %add3A_336 : i32 to index
      %get3A_338 = arith.constant 16 : index
      %get3A_339 = tpu.vector_load %arg7[%get3A_337, %get3A_338] {strides = array<i32>} : memref<200x64xf32, #tpu.memory_space<vmem>>, vector<1x16xf32>,
      %get3A_340 = vector.shape_cast %get3A_339 : vector<1x16xf32> to vector<16xf32>
      %swap3A_341 = arith.index_cast %scan3A_325 : i32 to index
      %swap3A_342 = arith.constant 16 : index
      %swap3A_343 = tpu.vector_load %arg10[%swap3A_341, %swap3A_342] {strides = array<i32>} : memref<100x64xf32, #tpu.memory_space<vmem>>, vector<1x16xf32>,
      %swap3A_344 = vector.shape_cast %swap3A_343 : vector<1x16xf32> to vector<16xf32>
      %swap3A_345 = vector.shape_cast %get3A_340 : vector<16xf32> to vector<1x16xf32>
      tpu.vector_store %arg10[%swap3A_341, %swap3A_342], %swap3A_345 {add = true, strides = array<i32>} : memref<100x64xf32, #tpu.memory_space<vmem>>, vector<1x16xf32>,
      %add3A_346 = arith.constant 0 : i32
      %add3A_347 = arith.addi %add3A_346, %scan3A_325 : i32
      %get3A_348 = arith.index_cast %add3A_347 : i32 to index
      %get3A_349 = arith.constant 32 : index
      %get3A_350 = tpu.vector_load %arg7[%get3A_348, %get3A_349] {strides = array<i32>} : memref<200x64xf32, #tpu.memory_space<vmem>>, vector<1x16xf32>,
      %get3A_351 = vector.shape_cast %get3A_350 : vector<1x16xf32> to vector<16xf32>
      %swap3A_352 = arith.index_cast %scan3A_325 : i32 to index
      %swap3A_353 = arith.constant 32 : index
      %swap3A_354 = tpu.vector_load %arg10[%swap3A_352, %swap3A_353] {strides = array<i32>} : memref<100x64xf32, #tpu.memory_space<vmem>>, vector<1x16xf32>,
      %swap3A_355 = vector.shape_cast %swap3A_354 : vector<1x16xf32> to vector<16xf32>
      %swap3A_356 = vector.shape_cast %get3A_351 : vector<16xf32> to vector<1x16xf32>
      tpu.vector_store %arg10[%swap3A_352, %swap3A_353], %swap3A_356 {add = true, strides = array<i32>} : memref<100x64xf32, #tpu.memory_space<vmem>>, vector<1x16xf32>,
      %add3A_357 = arith.constant 0 : i32
      %add3A_358 = arith.addi %add3A_357, %scan3A_325 : i32
      %get3A_359 = arith.index_cast %add3A_358 : i32 to index
      %get3A_360 = arith.constant 48 : index
      %get3A_361 = tpu.vector_load %arg7[%get3A_359, %get3A_360] {strides = array<i32>} : memref<200x64xf32, #tpu.memory_space<vmem>>, vector<1x16xf32>,
      %get3A_362 = vector.shape_cast %get3A_361 : vector<1x16xf32> to vector<16xf32>
      %swap3A_363 = arith.index_cast %scan3A_325 : i32 to index
      %swap3A_364 = arith.constant 48 : index
      %swap3A_365 = tpu.vector_load %arg10[%swap3A_363, %swap3A_364] {strides = array<i32>} : memref<100x64xf32, #tpu.memory_space<vmem>>, vector<1x16xf32>,
      %swap3A_366 = vector.shape_cast %swap3A_365 : vector<1x16xf32> to vector<16xf32>
      %swap3A_367 = vector.shape_cast %get3A_362 : vector<16xf32> to vector<1x16xf32>
      tpu.vector_store %arg10[%swap3A_363, %swap3A_364], %swap3A_367 {add = true, strides = array<i32>} : memref<100x64xf32, #tpu.memory_space<vmem>>, vector<1x16xf32>,
      %scan3A_368 = arith.constant 1 : i32
      %scan3A_369 = arith.addi %scan3A_325, %scan3A_368 : i32
      %add3A_370 = arith.constant 0 : i32
      %add3A_371 = arith.addi %add3A_370, %scan3A_369 : i32
      %get3A_372 = arith.index_cast %add3A_371 : i32 to index
      %get3A_373 = arith.constant 0 : index
      %get3A_374 = tpu.vector_load %arg7[%get3A_372, %get3A_373] {strides = array<i32>} : memref<200x64xf32, #tpu.memory_space<vmem>>, vector<1x16xf32>,
      %get3A_375 = vector.shape_cast %get3A_374 : vector<1x16xf32> to vector<16xf32>
      %swap3A_376 = arith.index_cast %scan3A_369 : i32 to index
      %swap3A_377 = arith.constant 0 : index
      %swap3A_378 = tpu.vector_load %arg10[%swap3A_376, %swap3A_377] {strides = array<i32>} : memref<100x64xf32, #tpu.memory_space<vmem>>, vector<1x16xf32>,
      %swap3A_379 = vector.shape_cast %swap3A_378 : vector<1x16xf32> to vector<16xf32>
      %swap3A_380 = vector.shape_cast %get3A_375 : vector<16xf32> to vector<1x16xf32>
      tpu.vector_store %arg10[%swap3A_376, %swap3A_377], %swap3A_380 {add = true, strides = array<i32>} : memref<100x64xf32, #tpu.memory_space<vmem>>, vector<1x16xf32>,
      %add3A_381 = arith.constant 0 : i32
      %add3A_382 = arith.addi %add3A_381, %scan3A_369 : i32
      %get3A_383 = arith.index_cast %add3A_382 : i32 to index
      %get3A_384 = arith.constant 16 : index
      %get3A_385 = tpu.vector_load %arg7[%get3A_383, %get3A_384] {strides = array<i32>} : memref<200x64xf32, #tpu.memory_space<vmem>>, vector<1x16xf32>,
      %get3A_386 = vector.shape_cast %get3A_385 : vector<1x16xf32> to vector<16xf32>
      %swap3A_387 = arith.index_cast %scan3A_369 : i32 to index
      %swap3A_388 = arith.constant 16 : index
      %swap3A_389 = tpu.vector_load %arg10[%swap3A_387, %swap3A_388] {strides = array<i32>} : memref<100x64xf32, #tpu.memory_space<vmem>>, vector<1x16xf32>,
      %swap3A_390 = vector.shape_cast %swap3A_389 : vector<1x16xf32> to vector<16xf32>
      %swap3A_391 = vector.shape_cast %get3A_386 : vector<16xf32> to vector<1x16xf32>
      tpu.vector_store %arg10[%swap3A_387, %swap3A_388], %swap3A_391 {add = true, strides = array<i32>} : memref<100x64xf32, #tpu.memory_space<vmem>>, vector<1x16xf32>,
      %add3A_392 = arith.constant 0 : i32
      %add3A_393 = arith.addi %add3A_392, %scan3A_369 : i32
      %get3A_394 = arith.index_cast %add3A_393 : i32 to index
      %get3A_395 = arith.constant 32 : index
      %get3A_396 = tpu.vector_load %arg7[%get3A_394, %get3A_395] {strides = array<i32>} : memref<200x64xf32, #tpu.memory_space<vmem>>, vector<1x16xf32>,
      %get3A_397 = vector.shape_cast %get3A_396 : vector<1x16xf32> to vector<16xf32>
      %swap3A_398 = arith.index_cast %scan3A_369 : i32 to index
      %swap3A_399 = arith.constant 32 : index
      %swap3A_400 = tpu.vector_load %arg10[%swap3A_398, %swap3A_399] {strides = array<i32>} : memref<100x64xf32, #tpu.memory_space<vmem>>, vector<1x16xf32>,
      %swap3A_401 = vector.shape_cast %swap3A_400 : vector<1x16xf32> to vector<16xf32>
      %swap3A_402 = vector.shape_cast %get3A_397 : vector<16xf32> to vector<1x16xf32>
      tpu.vector_store %arg10[%swap3A_398, %swap3A_399], %swap3A_402 {add = true, strides = array<i32>} : memref<100x64xf32, #tpu.memory_space<vmem>>, vector<1x16xf32>,
      %add3A_403 = arith.constant 0 : i32
      %add3A_404 = arith.addi %add3A_403, %scan3A_369 : i32
      %get3A_405 = arith.index_cast %add3A_404 : i32 to index
      %get3A_406 = arith.constant 48 : index
      %get3A_407 = tpu.vector_load %arg7[%get3A_405, %get3A_406] {strides = array<i32>} : memref<200x64xf32, #tpu.memory_space<vmem>>, vector<1x16xf32>,
      %get3A_408 = vector.shape_cast %get3A_407 : vector<1x16xf32> to vector<16xf32>
      %swap3A_409 = arith.index_cast %scan3A_369 : i32 to index
      %swap3A_410 = arith.constant 48 : index
      %swap3A_411 = tpu.vector_load %arg10[%swap3A_409, %swap3A_410] {strides = array<i32>} : memref<100x64xf32, #tpu.memory_space<vmem>>, vector<1x16xf32>,
      %swap3A_412 = vector.shape_cast %swap3A_411 : vector<1x16xf32> to vector<16xf32>
      %swap3A_413 = vector.shape_cast %get3A_408 : vector<16xf32> to vector<1x16xf32>
      tpu.vector_store %arg10[%swap3A_409, %swap3A_410], %swap3A_413 {add = true, strides = array<i32>} : memref<100x64xf32, #tpu.memory_space<vmem>>, vector<1x16xf32>,
      %scan3A_414 = arith.constant 2 : i32
      %scan3A_415 = arith.addi %scan3A_325, %scan3A_414 : i32
      %add3A_416 = arith.constant 0 : i32
      %add3A_417 = arith.addi %add3A_416, %scan3A_415 : i32
      %get3A_418 = arith.index_cast %add3A_417 : i32 to index
      %get3A_419 = arith.constant 0 : index
      %get3A_420 = tpu.vector_load %arg7[%get3A_418, %get3A_419] {strides = array<i32>} : memref<200x64xf32, #tpu.memory_space<vmem>>, vector<1x16xf32>,
      %get3A_421 = vector.shape_cast %get3A_420 : vector<1x16xf32> to vector<16xf32>
      %swap3A_422 = arith.index_cast %scan3A_415 : i32 to index
      %swap3A_423 = arith.constant 0 : index
      %swap3A_424 = tpu.vector_load %arg10[%swap3A_422, %swap3A_423] {strides = array<i32>} : memref<100x64xf32, #tpu.memory_space<vmem>>, vector<1x16xf32>,
      %swap3A_425 = vector.shape_cast %swap3A_424 : vector<1x16xf32> to vector<16xf32>
      %swap3A_426 = vector.shape_cast %get3A_421 : vector<16xf32> to vector<1x16xf32>
      tpu.vector_store %arg10[%swap3A_422, %swap3A_423], %swap3A_426 {add = true, strides = array<i32>} : memref<100x64xf32, #tpu.memory_space<vmem>>, vector<1x16xf32>,
      %add3A_427 = arith.constant 0 : i32
      %add3A_428 = arith.addi %add3A_427, %scan3A_415 : i32
      %get3A_429 = arith.index_cast %add3A_428 : i32 to index
      %get3A_430 = arith.constant 16 : index
      %get3A_431 = tpu.vector_load %arg7[%get3A_429, %get3A_430] {strides = array<i32>} : memref<200x64xf32, #tpu.memory_space<vmem>>, vector<1x16xf32>,
      %get3A_432 = vector.shape_cast %get3A_431 : vector<1x16xf32> to vector<16xf32>
      %swap3A_433 = arith.index_cast %scan3A_415 : i32 to index
      %swap3A_434 = arith.constant 16 : index
      %swap3A_435 = tpu.vector_load %arg10[%swap3A_433, %swap3A_434] {strides = array<i32>} : memref<100x64xf32, #tpu.memory_space<vmem>>, vector<1x16xf32>,
      %swap3A_436 = vector.shape_cast %swap3A_435 : vector<1x16xf32> to vector<16xf32>
      %swap3A_437 = vector.shape_cast %get3A_432 : vector<16xf32> to vector<1x16xf32>
      tpu.vector_store %arg10[%swap3A_433, %swap3A_434], %swap3A_437 {add = true, strides = array<i32>} : memref<100x64xf32, #tpu.memory_space<vmem>>, vector<1x16xf32>,
      %add3A_438 = arith.constant 0 : i32
      %add3A_439 = arith.addi %add3A_438, %scan3A_415 : i32
      %get3A_440 = arith.index_cast %add3A_439 : i32 to index
      %get3A_441 = arith.constant 32 : index
      %get3A_442 = tpu.vector_load %arg7[%get3A_440, %get3A_441] {strides = array<i32>} : memref<200x64xf32, #tpu.memory_space<vmem>>, vector<1x16xf32>,
      %get3A_443 = vector.shape_cast %get3A_442 : vector<1x16xf32> to vector<16xf32>
      %swap3A_444 = arith.index_cast %scan3A_415 : i32 to index
      %swap3A_445 = arith.constant 32 : index
      %swap3A_446 = tpu.vector_load %arg10[%swap3A_444, %swap3A_445] {strides = array<i32>} : memref<100x64xf32, #tpu.memory_space<vmem>>, vector<1x16xf32>,
      %swap3A_447 = vector.shape_cast %swap3A_446 : vector<1x16xf32> to vector<16xf32>
      %swap3A_448 = vector.shape_cast %get3A_443 : vector<16xf32> to vector<1x16xf32>
      tpu.vector_store %arg10[%swap3A_444, %swap3A_445], %swap3A_448 {add = true, strides = array<i32>} : memref<100x64xf32, #tpu.memory_space<vmem>>, vector<1x16xf32>,
      %add3A_449 = arith.constant 0 : i32
      %add3A_450 = arith.addi %add3A_449, %scan3A_415 : i32
      %get3A_451 = arith.index_cast %add3A_450 : i32 to index
      %get3A_452 = arith.constant 48 : index
      %get3A_453 = tpu.vector_load %arg7[%get3A_451, %get3A_452] {strides = array<i32>} : memref<200x64xf32, #tpu.memory_space<vmem>>, vector<1x16xf32>,
      %get3A_454 = vector.shape_cast %get3A_453 : vector<1x16xf32> to vector<16xf32>
      %swap3A_455 = arith.index_cast %scan3A_415 : i32 to index
      %swap3A_456 = arith.constant 48 : index
      %swap3A_457 = tpu.vector_load %arg10[%swap3A_455, %swap3A_456] {strides = array<i32>} : memref<100x64xf32, #tpu.memory_space<vmem>>, vector<1x16xf32>,
      %swap3A_458 = vector.shape_cast %swap3A_457 : vector<1x16xf32> to vector<16xf32>
      %swap3A_459 = vector.shape_cast %get3A_454 : vector<16xf32> to vector<1x16xf32>
      tpu.vector_store %arg10[%swap3A_455, %swap3A_456], %swap3A_459 {add = true, strides = array<i32>} : memref<100x64xf32, #tpu.memory_space<vmem>>, vector<1x16xf32>,
      %scan3A_460 = arith.constant 3 : i32
      %scan3A_461 = arith.addi %scan3A_325, %scan3A_460 : i32
      %add3A_462 = arith.constant 0 : i32
      %add3A_463 = arith.addi %add3A_462, %scan3A_461 : i32
      %get3A_464 = arith.index_cast %add3A_463 : i32 to index
      %get3A_465 = arith.constant 0 : index
      %get3A_466 = tpu.vector_load %arg7[%get3A_464, %get3A_465] {strides = array<i32>} : memref<200x64xf32, #tpu.memory_space<vmem>>, vector<1x16xf32>,
      %get3A_467 = vector.shape_cast %get3A_466 : vector<1x16xf32> to vector<16xf32>
      %swap3A_468 = arith.index_cast %scan3A_461 : i32 to index
      %swap3A_469 = arith.constant 0 : index
      %swap3A_470 = tpu.vector_load %arg10[%swap3A_468, %swap3A_469] {strides = array<i32>} : memref<100x64xf32, #tpu.memory_space<vmem>>, vector<1x16xf32>,
      %swap3A_471 = vector.shape_cast %swap3A_470 : vector<1x16xf32> to vector<16xf32>
      %swap3A_472 = vector.shape_cast %get3A_467 : vector<16xf32> to vector<1x16xf32>
      tpu.vector_store %arg10[%swap3A_468, %swap3A_469], %swap3A_472 {add = true, strides = array<i32>} : memref<100x64xf32, #tpu.memory_space<vmem>>, vector<1x16xf32>,
      %add3A_473 = arith.constant 0 : i32
      %add3A_474 = arith.addi %add3A_473, %scan3A_461 : i32
      %get3A_475 = arith.index_cast %add3A_474 : i32 to index
      %get3A_476 = arith.constant 16 : index
      %get3A_477 = tpu.vector_load %arg7[%get3A_475, %get3A_476] {strides = array<i32>} : memref<200x64xf32, #tpu.memory_space<vmem>>, vector<1x16xf32>,
      %get3A_478 = vector.shape_cast %get3A_477 : vector<1x16xf32> to vector<16xf32>
      %swap3A_479 = arith.index_cast %scan3A_461 : i32 to index
      %swap3A_480 = arith.constant 16 : index
      %swap3A_481 = tpu.vector_load %arg10[%swap3A_479, %swap3A_480] {strides = array<i32>} : memref<100x64xf32, #tpu.memory_space<vmem>>, vector<1x16xf32>,
      %swap3A_482 = vector.shape_cast %swap3A_481 : vector<1x16xf32> to vector<16xf32>
      %swap3A_483 = vector.shape_cast %get3A_478 : vector<16xf32> to vector<1x16xf32>
      tpu.vector_store %arg10[%swap3A_479, %swap3A_480], %swap3A_483 {add = true, strides = array<i32>} : memref<100x64xf32, #tpu.memory_space<vmem>>, vector<1x16xf32>,
      %add3A_484 = arith.constant 0 : i32
      %add3A_485 = arith.addi %add3A_484, %scan3A_461 : i32
      %get3A_486 = arith.index_cast %add3A_485 : i32 to index
      %get3A_487 = arith.constant 32 : index
      %get3A_488 = tpu.vector_load %arg7[%get3A_486, %get3A_487] {strides = array<i32>} : memref<200x64xf32, #tpu.memory_space<vmem>>, vector<1x16xf32>,
      %get3A_489 = vector.shape_cast %get3A_488 : vector<1x16xf32> to vector<16xf32>
      %swap3A_490 = arith.index_cast %scan3A_461 : i32 to index
      %swap3A_491 = arith.constant 32 : index
      %swap3A_492 = tpu.vector_load %arg10[%swap3A_490, %swap3A_491] {strides = array<i32>} : memref<100x64xf32, #tpu.memory_space<vmem>>, vector<1x16xf32>,
      %swap3A_493 = vector.shape_cast %swap3A_492 : vector<1x16xf32> to vector<16xf32>
      %swap3A_494 = vector.shape_cast %get3A_489 : vector<16xf32> to vector<1x16xf32>
      tpu.vector_store %arg10[%swap3A_490, %swap3A_491], %swap3A_494 {add = true, strides = array<i32>} : memref<100x64xf32, #tpu.memory_space<vmem>>, vector<1x16xf32>,
      %add3A_495 = arith.constant 0 : i32
      %add3A_496 = arith.addi %add3A_495, %scan3A_461 : i32
      %get3A_497 = arith.index_cast %add3A_496 : i32 to index
      %get3A_498 = arith.constant 48 : index
      %get3A_499 = tpu.vector_load %arg7[%get3A_497, %get3A_498] {strides = array<i32>} : memref<200x64xf32, #tpu.memory_space<vmem>>, vector<1x16xf32>,
      %get3A_500 = vector.shape_cast %get3A_499 : vector<1x16xf32> to vector<16xf32>
      %swap3A_501 = arith.index_cast %scan3A_461 : i32 to index
      %swap3A_502 = arith.constant 48 : index
      %swap3A_503 = tpu.vector_load %arg10[%swap3A_501, %swap3A_502] {strides = array<i32>} : memref<100x64xf32, #tpu.memory_space<vmem>>, vector<1x16xf32>,
      %swap3A_504 = vector.shape_cast %swap3A_503 : vector<1x16xf32> to vector<16xf32>
      %swap3A_505 = vector.shape_cast %get3A_500 : vector<16xf32> to vector<1x16xf32>
      tpu.vector_store %arg10[%swap3A_501, %swap3A_502], %swap3A_505 {add = true, strides = array<i32>} : memref<100x64xf32, #tpu.memory_space<vmem>>, vector<1x16xf32>,
    }
    %scan3A_104 = arith.constant 100 : i32
    %div3A_105 = arith.constant 2 : i32
    %div3A_106 = arith.constant 2 : i32
    %div3A_107 = arith.divsi %div3A_105, %div3A_106 : i32
    %add3A_108 = arith.addi %mul3A_2, %div3A_107 : i32
    %dma_start3A_109 = arith.constant 0 : i32
    %dma_start3A_110 = arith.constant 0 : i32
    %dma_start3A_111 = tpu.memref_slice %arg5[%add3A_108, %dma_start3A_109, %dma_start3A_110] : memref<4096x200x64xf32, #tpu.memory_space<hbm>> -> memref<1x100x64xf32, #tpu.memory_space<hbm>>
    %dma_start3A_112 = tpu.memref_squeeze %dma_start3A_111 : memref<1x100x64xf32, #tpu.memory_space<hbm>> -> memref<100x64xf32, #tpu.memory_space<hbm>>
    %dma_start3A_113 = arith.constant 0 : i32
    %dma_start3A_114 = arith.constant 0 : i32
    %dma_start3A_115 = tpu.memref_slice %arg5[%add3A_108, %dma_start3A_113, %dma_start3A_114] : memref<4096x200x64xf32, #tpu.memory_space<hbm>> -> memref<1x100x64xf32, #tpu.memory_space<hbm>>
    %dma_start3A_116 = tpu.memref_squeeze %dma_start3A_115 : memref<1x100x64xf32, #tpu.memory_space<hbm>> -> memref<100x64xf32, #tpu.memory_space<hbm>>
    tpu.enqueue_dma source(%arg10 : memref<100x64xf32, #tpu.memory_space<vmem>>) target(%dma_start3A_116 : memref<100x64xf32, #tpu.memory_space<hbm>>) target_semaphore(%arg18 : memref<!tpu.dma_semaphore, #tpu.memory_space<semaphore_mem>>)
    %dma_wait3A_117 = arith.constant 0 : i32
    %dma_wait3A_118 = arith.constant 0 : i32
    %dma_wait3A_119 = tpu.memref_slice %arg5[%mul3A_2, %dma_wait3A_117, %dma_wait3A_118] : memref<4096x200x64xf32, #tpu.memory_space<hbm>> -> memref<1x100x64xf32, #tpu.memory_space<hbm>>
    %dma_wait3A_120 = tpu.memref_squeeze %dma_wait3A_119 : memref<1x100x64xf32, #tpu.memory_space<hbm>> -> memref<100x64xf32, #tpu.memory_space<hbm>>
    %dma_wait3A_121 = arith.constant 0 : i32
    %dma_wait3A_122 = arith.constant 0 : i32
    %dma_wait3A_123 = tpu.memref_slice %arg5[%mul3A_2, %dma_wait3A_121, %dma_wait3A_122] : memref<4096x200x64xf32, #tpu.memory_space<hbm>> -> memref<1x100x64xf32, #tpu.memory_space<hbm>>
    %dma_wait3A_124 = tpu.memref_squeeze %dma_wait3A_123 : memref<1x100x64xf32, #tpu.memory_space<hbm>> -> memref<100x64xf32, #tpu.memory_space<hbm>>
    tpu.wait_dma2 semaphore(%arg17 : memref<!tpu.dma_semaphore, #tpu.memory_space<semaphore_mem>>) src(%arg9 : memref<100x64xf32, #tpu.memory_space<vmem>>) dst(%dma_wait3A_124 : memref<100x64xf32, #tpu.memory_space<hbm>>)
    %dma_start3A_125 = arith.constant 5 : i32
    %dma_start3A_126 = arith.constant 0 : i32
    %dma_start3A_127 = tpu.memref_slice %arg6[%dma_start3A_125, %dma_start3A_126] : memref<256x100xi32, #tpu.memory_space<vmem>> -> memref<1x100xi32, #tpu.memory_space<vmem>>
    %dma_start3A_128 = tpu.memref_squeeze %dma_start3A_127 : memref<1x100xi32, #tpu.memory_space<vmem>> -> memref<100xi32, #tpu.memory_space<vmem>>
    %dma_start3A_129 = arith.constant 0 : i32
    %dma_start3A_130 = arith.constant 0 : i32
    %dma_start3A_131 = tpu.memref_slice %arg3[%dma_start3A_129, %dma_start3A_130] : memref<1000000x64xf32, #tpu.memory_space<hbm>> -> memref<1000000x64xf32, #tpu.memory_space<hbm>>
    tpu.enqueue_indirect_dma source(%dma_start3A_131 : memref<1000000x64xf32, #tpu.memory_space<hbm>>) target(%arg9 : memref<100x64xf32, #tpu.memory_space<vmem>>) offsets(%dma_start3A_128 : memref<100xi32, #tpu.memory_space<vmem>>) semaphore(%arg13 : memref<!tpu.dma_semaphore, #tpu.memory_space<semaphore_mem>>)
    %dma_wait3A_132 = arith.constant 3 : i32
    %dma_wait3A_133 = arith.constant 0 : i32
    %dma_wait3A_134 = tpu.memref_slice %arg6[%dma_wait3A_132, %dma_wait3A_133] : memref<256x100xi32, #tpu.memory_space<vmem>> -> memref<1x100xi32, #tpu.memory_space<vmem>>
    %dma_wait3A_135 = tpu.memref_squeeze %dma_wait3A_134 : memref<1x100xi32, #tpu.memory_space<vmem>> -> memref<100xi32, #tpu.memory_space<vmem>>
    %dma_wait3A_136 = arith.constant 0 : i32
    %dma_wait3A_137 = arith.constant 0 : i32
    %dma_wait3A_138 = tpu.memref_slice %arg3[%dma_wait3A_136, %dma_wait3A_137] : memref<1000000x64xf32, #tpu.memory_space<hbm>> -> memref<1000000x64xf32, #tpu.memory_space<hbm>>
    tpu.wait_indirect_dma semaphore(%arg15 : memref<!tpu.dma_semaphore, #tpu.memory_space<semaphore_mem>>) src(%dma_wait3A_138 : memref<1000000x64xf32, #tpu.memory_space<hbm>>) dst(%arg11 : memref<100x64xf32, #tpu.memory_space<vmem>>)
    %scan3A_139 = arith.constant 0 : i32
    %scan3A_140 = arith.constant 0 : i32
    %scan3A_141 = arith.constant 100 : i32
    %scan3A_142 = arith.addi %scan3A_140, %scan3A_141 : i32
    %scan3A_143 = arith.constant 4 : i32
    scf.for %scan3A_325 = %scan3A_140 to %scan3A_142 step %scan3A_143  : i32 {
      %add3A_326 = arith.constant 100 : i32
      %add3A_327 = arith.addi %add3A_326, %scan3A_325 : i32
      %get3A = arith.index_cast %add3A_327 : i32 to index
      %get3A_328 = arith.constant 0 : index
      %get3A_329 = tpu.vector_load %arg7[%get3A, %get3A_328] {strides = array<i32>} : memref<200x64xf32, #tpu.memory_space<vmem>>, vector<1x16xf32>,
      %get3A_330 = vector.shape_cast %get3A_329 : vector<1x16xf32> to vector<16xf32>
      %swap3A = arith.index_cast %scan3A_325 : i32 to index
      %swap3A_331 = arith.constant 0 : index
      %swap3A_332 = tpu.vector_load %arg11[%swap3A, %swap3A_331] {strides = array<i32>} : memref<100x64xf32, #tpu.memory_space<vmem>>, vector<1x16xf32>,
      %swap3A_333 = vector.shape_cast %swap3A_332 : vector<1x16xf32> to vector<16xf32>
      %swap3A_334 = vector.shape_cast %get3A_330 : vector<16xf32> to vector<1x16xf32>
      tpu.vector_store %arg11[%swap3A, %swap3A_331], %swap3A_334 {add = true, strides = array<i32>} : memref<100x64xf32, #tpu.memory_space<vmem>>, vector<1x16xf32>,
      %add3A_335 = arith.constant 100 : i32
      %add3A_336 = arith.addi %add3A_335, %scan3A_325 : i32
      %get3A_337 = arith.index_cast %add3A_336 : i32 to index
      %get3A_338 = arith.constant 16 : index
      %get3A_339 = tpu.vector_load %arg7[%get3A_337, %get3A_338] {strides = array<i32>} : memref<200x64xf32, #tpu.memory_space<vmem>>, vector<1x16xf32>,
      %get3A_340 = vector.shape_cast %get3A_339 : vector<1x16xf32> to vector<16xf32>
      %swap3A_341 = arith.index_cast %scan3A_325 : i32 to index
      %swap3A_342 = arith.constant 16 : index
      %swap3A_343 = tpu.vector_load %arg11[%swap3A_341, %swap3A_342] {strides = array<i32>} : memref<100x64xf32, #tpu.memory_space<vmem>>, vector<1x16xf32>,
      %swap3A_344 = vector.shape_cast %swap3A_343 : vector<1x16xf32> to vector<16xf32>
      %swap3A_345 = vector.shape_cast %get3A_340 : vector<16xf32> to vector<1x16xf32>
      tpu.vector_store %arg11[%swap3A_341, %swap3A_342], %swap3A_345 {add = true, strides = array<i32>} : memref<100x64xf32, #tpu.memory_space<vmem>>, vector<1x16xf32>,
      %add3A_346 = arith.constant 100 : i32
      %add3A_347 = arith.addi %add3A_346, %scan3A_325 : i32
      %get3A_348 = arith.index_cast %add3A_347 : i32 to index
      %get3A_349 = arith.constant 32 : index
      %get3A_350 = tpu.vector_load %arg7[%get3A_348, %get3A_349] {strides = array<i32>} : memref<200x64xf32, #tpu.memory_space<vmem>>, vector<1x16xf32>,
      %get3A_351 = vector.shape_cast %get3A_350 : vector<1x16xf32> to vector<16xf32>
      %swap3A_352 = arith.index_cast %scan3A_325 : i32 to index
      %swap3A_353 = arith.constant 32 : index
      %swap3A_354 = tpu.vector_load %arg11[%swap3A_352, %swap3A_353] {strides = array<i32>} : memref<100x64xf32, #tpu.memory_space<vmem>>, vector<1x16xf32>,
      %swap3A_355 = vector.shape_cast %swap3A_354 : vector<1x16xf32> to vector<16xf32>
      %swap3A_356 = vector.shape_cast %get3A_351 : vector<16xf32> to vector<1x16xf32>
      tpu.vector_store %arg11[%swap3A_352, %swap3A_353], %swap3A_356 {add = true, strides = array<i32>} : memref<100x64xf32, #tpu.memory_space<vmem>>, vector<1x16xf32>,
      %add3A_357 = arith.constant 100 : i32
      %add3A_358 = arith.addi %add3A_357, %scan3A_325 : i32
      %get3A_359 = arith.index_cast %add3A_358 : i32 to index
      %get3A_360 = arith.constant 48 : index
      %get3A_361 = tpu.vector_load %arg7[%get3A_359, %get3A_360] {strides = array<i32>} : memref<200x64xf32, #tpu.memory_space<vmem>>, vector<1x16xf32>,
      %get3A_362 = vector.shape_cast %get3A_361 : vector<1x16xf32> to vector<16xf32>
      %swap3A_363 = arith.index_cast %scan3A_325 : i32 to index
      %swap3A_364 = arith.constant 48 : index
      %swap3A_365 = tpu.vector_load %arg11[%swap3A_363, %swap3A_364] {strides = array<i32>} : memref<100x64xf32, #tpu.memory_space<vmem>>, vector<1x16xf32>,
      %swap3A_366 = vector.shape_cast %swap3A_365 : vector<1x16xf32> to vector<16xf32>
      %swap3A_367 = vector.shape_cast %get3A_362 : vector<16xf32> to vector<1x16xf32>
      tpu.vector_store %arg11[%swap3A_363, %swap3A_364], %swap3A_367 {add = true, strides = array<i32>} : memref<100x64xf32, #tpu.memory_space<vmem>>, vector<1x16xf32>,
      %scan3A_368 = arith.constant 1 : i32
      %scan3A_369 = arith.addi %scan3A_325, %scan3A_368 : i32
      %add3A_370 = arith.constant 100 : i32
      %add3A_371 = arith.addi %add3A_370, %scan3A_369 : i32
      %get3A_372 = arith.index_cast %add3A_371 : i32 to index
      %get3A_373 = arith.constant 0 : index
      %get3A_374 = tpu.vector_load %arg7[%get3A_372, %get3A_373] {strides = array<i32>} : memref<200x64xf32, #tpu.memory_space<vmem>>, vector<1x16xf32>,
      %get3A_375 = vector.shape_cast %get3A_374 : vector<1x16xf32> to vector<16xf32>
      %swap3A_376 = arith.index_cast %scan3A_369 : i32 to index
      %swap3A_377 = arith.constant 0 : index
      %swap3A_378 = tpu.vector_load %arg11[%swap3A_376, %swap3A_377] {strides = array<i32>} : memref<100x64xf32, #tpu.memory_space<vmem>>, vector<1x16xf32>,
      %swap3A_379 = vector.shape_cast %swap3A_378 : vector<1x16xf32> to vector<16xf32>
      %swap3A_380 = vector.shape_cast %get3A_375 : vector<16xf32> to vector<1x16xf32>
      tpu.vector_store %arg11[%swap3A_376, %swap3A_377], %swap3A_380 {add = true, strides = array<i32>} : memref<100x64xf32, #tpu.memory_space<vmem>>, vector<1x16xf32>,
      %add3A_381 = arith.constant 100 : i32
      %add3A_382 = arith.addi %add3A_381, %scan3A_369 : i32
      %get3A_383 = arith.index_cast %add3A_382 : i32 to index
      %get3A_384 = arith.constant 16 : index
      %get3A_385 = tpu.vector_load %arg7[%get3A_383, %get3A_384] {strides = array<i32>} : memref<200x64xf32, #tpu.memory_space<vmem>>, vector<1x16xf32>,
      %get3A_386 = vector.shape_cast %get3A_385 : vector<1x16xf32> to vector<16xf32>
      %swap3A_387 = arith.index_cast %scan3A_369 : i32 to index
      %swap3A_388 = arith.constant 16 : index
      %swap3A_389 = tpu.vector_load %arg11[%swap3A_387, %swap3A_388] {strides = array<i32>} : memref<100x64xf32, #tpu.memory_space<vmem>>, vector<1x16xf32>,
      %swap3A_390 = vector.shape_cast %swap3A_389 : vector<1x16xf32> to vector<16xf32>
      %swap3A_391 = vector.shape_cast %get3A_386 : vector<16xf32> to vector<1x16xf32>
      tpu.vector_store %arg11[%swap3A_387, %swap3A_388], %swap3A_391 {add = true, strides = array<i32>} : memref<100x64xf32, #tpu.memory_space<vmem>>, vector<1x16xf32>,
      %add3A_392 = arith.constant 100 : i32
      %add3A_393 = arith.addi %add3A_392, %scan3A_369 : i32
      %get3A_394 = arith.index_cast %add3A_393 : i32 to index
      %get3A_395 = arith.constant 32 : index
      %get3A_396 = tpu.vector_load %arg7[%get3A_394, %get3A_395] {strides = array<i32>} : memref<200x64xf32, #tpu.memory_space<vmem>>, vector<1x16xf32>,
      %get3A_397 = vector.shape_cast %get3A_396 : vector<1x16xf32> to vector<16xf32>
      %swap3A_398 = arith.index_cast %scan3A_369 : i32 to index
      %swap3A_399 = arith.constant 32 : index
      %swap3A_400 = tpu.vector_load %arg11[%swap3A_398, %swap3A_399] {strides = array<i32>} : memref<100x64xf32, #tpu.memory_space<vmem>>, vector<1x16xf32>,
      %swap3A_401 = vector.shape_cast %swap3A_400 : vector<1x16xf32> to vector<16xf32>
      %swap3A_402 = vector.shape_cast %get3A_397 : vector<16xf32> to vector<1x16xf32>
      tpu.vector_store %arg11[%swap3A_398, %swap3A_399], %swap3A_402 {add = true, strides = array<i32>} : memref<100x64xf32, #tpu.memory_space<vmem>>, vector<1x16xf32>,
      %add3A_403 = arith.constant 100 : i32
      %add3A_404 = arith.addi %add3A_403, %scan3A_369 : i32
      %get3A_405 = arith.index_cast %add3A_404 : i32 to index
      %get3A_406 = arith.constant 48 : index
      %get3A_407 = tpu.vector_load %arg7[%get3A_405, %get3A_406] {strides = array<i32>} : memref<200x64xf32, #tpu.memory_space<vmem>>, vector<1x16xf32>,
      %get3A_408 = vector.shape_cast %get3A_407 : vector<1x16xf32> to vector<16xf32>
      %swap3A_409 = arith.index_cast %scan3A_369 : i32 to index
      %swap3A_410 = arith.constant 48 : index
      %swap3A_411 = tpu.vector_load %arg11[%swap3A_409, %swap3A_410] {strides = array<i32>} : memref<100x64xf32, #tpu.memory_space<vmem>>, vector<1x16xf32>,
      %swap3A_412 = vector.shape_cast %swap3A_411 : vector<1x16xf32> to vector<16xf32>
      %swap3A_413 = vector.shape_cast %get3A_408 : vector<16xf32> to vector<1x16xf32>
      tpu.vector_store %arg11[%swap3A_409, %swap3A_410], %swap3A_413 {add = true, strides = array<i32>} : memref<100x64xf32, #tpu.memory_space<vmem>>, vector<1x16xf32>,
      %scan3A_414 = arith.constant 2 : i32
      %scan3A_415 = arith.addi %scan3A_325, %scan3A_414 : i32
      %add3A_416 = arith.constant 100 : i32
      %add3A_417 = arith.addi %add3A_416, %scan3A_415 : i32
      %get3A_418 = arith.index_cast %add3A_417 : i32 to index
      %get3A_419 = arith.constant 0 : index
      %get3A_420 = tpu.vector_load %arg7[%get3A_418, %get3A_419] {strides = array<i32>} : memref<200x64xf32, #tpu.memory_space<vmem>>, vector<1x16xf32>,
      %get3A_421 = vector.shape_cast %get3A_420 : vector<1x16xf32> to vector<16xf32>
      %swap3A_422 = arith.index_cast %scan3A_415 : i32 to index
      %swap3A_423 = arith.constant 0 : index
      %swap3A_424 = tpu.vector_load %arg11[%swap3A_422, %swap3A_423] {strides = array<i32>} : memref<100x64xf32, #tpu.memory_space<vmem>>, vector<1x16xf32>,
      %swap3A_425 = vector.shape_cast %swap3A_424 : vector<1x16xf32> to vector<16xf32>
      %swap3A_426 = vector.shape_cast %get3A_421 : vector<16xf32> to vector<1x16xf32>
      tpu.vector_store %arg11[%swap3A_422, %swap3A_423], %swap3A_426 {add = true, strides = array<i32>} : memref<100x64xf32, #tpu.memory_space<vmem>>, vector<1x16xf32>,
      %add3A_427 = arith.constant 100 : i32
      %add3A_428 = arith.addi %add3A_427, %scan3A_415 : i32
      %get3A_429 = arith.index_cast %add3A_428 : i32 to index
      %get3A_430 = arith.constant 16 : index
      %get3A_431 = tpu.vector_load %arg7[%get3A_429, %get3A_430] {strides = array<i32>} : memref<200x64xf32, #tpu.memory_space<vmem>>, vector<1x16xf32>,
      %get3A_432 = vector.shape_cast %get3A_431 : vector<1x16xf32> to vector<16xf32>
      %swap3A_433 = arith.index_cast %scan3A_415 : i32 to index
      %swap3A_434 = arith.constant 16 : index
      %swap3A_435 = tpu.vector_load %arg11[%swap3A_433, %swap3A_434] {strides = array<i32>} : memref<100x64xf32, #tpu.memory_space<vmem>>, vector<1x16xf32>,
      %swap3A_436 = vector.shape_cast %swap3A_435 : vector<1x16xf32> to vector<16xf32>
      %swap3A_437 = vector.shape_cast %get3A_432 : vector<16xf32> to vector<1x16xf32>
      tpu.vector_store %arg11[%swap3A_433, %swap3A_434], %swap3A_437 {add = true, strides = array<i32>} : memref<100x64xf32, #tpu.memory_space<vmem>>, vector<1x16xf32>,
      %add3A_438 = arith.constant 100 : i32
      %add3A_439 = arith.addi %add3A_438, %scan3A_415 : i32
      %get3A_440 = arith.index_cast %add3A_439 : i32 to index
      %get3A_441 = arith.constant 32 : index
      %get3A_442 = tpu.vector_load %arg7[%get3A_440, %get3A_441] {strides = array<i32>} : memref<200x64xf32, #tpu.memory_space<vmem>>, vector<1x16xf32>,
      %get3A_443 = vector.shape_cast %get3A_442 : vector<1x16xf32> to vector<16xf32>
      %swap3A_444 = arith.index_cast %scan3A_415 : i32 to index
      %swap3A_445 = arith.constant 32 : index
      %swap3A_446 = tpu.vector_load %arg11[%swap3A_444, %swap3A_445] {strides = array<i32>} : memref<100x64xf32, #tpu.memory_space<vmem>>, vector<1x16xf32>,
      %swap3A_447 = vector.shape_cast %swap3A_446 : vector<1x16xf32> to vector<16xf32>
      %swap3A_448 = vector.shape_cast %get3A_443 : vector<16xf32> to vector<1x16xf32>
      tpu.vector_store %arg11[%swap3A_444, %swap3A_445], %swap3A_448 {add = true, strides = array<i32>} : memref<100x64xf32, #tpu.memory_space<vmem>>, vector<1x16xf32>,
      %add3A_449 = arith.constant 100 : i32
      %add3A_450 = arith.addi %add3A_449, %scan3A_415 : i32
      %get3A_451 = arith.index_cast %add3A_450 : i32 to index
      %get3A_452 = arith.constant 48 : index
      %get3A_453 = tpu.vector_load %arg7[%get3A_451, %get3A_452] {strides = array<i32>} : memref<200x64xf32, #tpu.memory_space<vmem>>, vector<1x16xf32>,
      %get3A_454 = vector.shape_cast %get3A_453 : vector<1x16xf32> to vector<16xf32>
      %swap3A_455 = arith.index_cast %scan3A_415 : i32 to index
      %swap3A_456 = arith.constant 48 : index
      %swap3A_457 = tpu.vector_load %arg11[%swap3A_455, %swap3A_456] {strides = array<i32>} : memref<100x64xf32, #tpu.memory_space<vmem>>, vector<1x16xf32>,
      %swap3A_458 = vector.shape_cast %swap3A_457 : vector<1x16xf32> to vector<16xf32>
      %swap3A_459 = vector.shape_cast %get3A_454 : vector<16xf32> to vector<1x16xf32>
      tpu.vector_store %arg11[%swap3A_455, %swap3A_456], %swap3A_459 {add = true, strides = array<i32>} : memref<100x64xf32, #tpu.memory_space<vmem>>, vector<1x16xf32>,
      %scan3A_460 = arith.constant 3 : i32
      %scan3A_461 = arith.addi %scan3A_325, %scan3A_460 : i32
      %add3A_462 = arith.constant 100 : i32
      %add3A_463 = arith.addi %add3A_462, %scan3A_461 : i32
      %get3A_464 = arith.index_cast %add3A_463 : i32 to index
      %get3A_465 = arith.constant 0 : index
      %get3A_466 = tpu.vector_load %arg7[%get3A_464, %get3A_465] {strides = array<i32>} : memref<200x64xf32, #tpu.memory_space<vmem>>, vector<1x16xf32>,
      %get3A_467 = vector.shape_cast %get3A_466 : vector<1x16xf32> to vector<16xf32>
      %swap3A_468 = arith.index_cast %scan3A_461 : i32 to index
      %swap3A_469 = arith.constant 0 : index
      %swap3A_470 = tpu.vector_load %arg11[%swap3A_468, %swap3A_469] {strides = array<i32>} : memref<100x64xf32, #tpu.memory_space<vmem>>, vector<1x16xf32>,
      %swap3A_471 = vector.shape_cast %swap3A_470 : vector<1x16xf32> to vector<16xf32>
      %swap3A_472 = vector.shape_cast %get3A_467 : vector<16xf32> to vector<1x16xf32>
      tpu.vector_store %arg11[%swap3A_468, %swap3A_469], %swap3A_472 {add = true, strides = array<i32>} : memref<100x64xf32, #tpu.memory_space<vmem>>, vector<1x16xf32>,
      %add3A_473 = arith.constant 100 : i32
      %add3A_474 = arith.addi %add3A_473, %scan3A_461 : i32
      %get3A_475 = arith.index_cast %add3A_474 : i32 to index
      %get3A_476 = arith.constant 16 : index
      %get3A_477 = tpu.vector_load %arg7[%get3A_475, %get3A_476] {strides = array<i32>} : memref<200x64xf32, #tpu.memory_space<vmem>>, vector<1x16xf32>,
      %get3A_478 = vector.shape_cast %get3A_477 : vector<1x16xf32> to vector<16xf32>
      %swap3A_479 = arith.index_cast %scan3A_461 : i32 to index
      %swap3A_480 = arith.constant 16 : index
      %swap3A_481 = tpu.vector_load %arg11[%swap3A_479, %swap3A_480] {strides = array<i32>} : memref<100x64xf32, #tpu.memory_space<vmem>>, vector<1x16xf32>,
      %swap3A_482 = vector.shape_cast %swap3A_481 : vector<1x16xf32> to vector<16xf32>
      %swap3A_483 = vector.shape_cast %get3A_478 : vector<16xf32> to vector<1x16xf32>
      tpu.vector_store %arg11[%swap3A_479, %swap3A_480], %swap3A_483 {add = true, strides = array<i32>} : memref<100x64xf32, #tpu.memory_space<vmem>>, vector<1x16xf32>,
      %add3A_484 = arith.constant 100 : i32
      %add3A_485 = arith.addi %add3A_484, %scan3A_461 : i32
      %get3A_486 = arith.index_cast %add3A_485 : i32 to index
      %get3A_487 = arith.constant 32 : index
      %get3A_488 = tpu.vector_load %arg7[%get3A_486, %get3A_487] {strides = array<i32>} : memref<200x64xf32, #tpu.memory_space<vmem>>, vector<1x16xf32>,
      %get3A_489 = vector.shape_cast %get3A_488 : vector<1x16xf32> to vector<16xf32>
      %swap3A_490 = arith.index_cast %scan3A_461 : i32 to index
      %swap3A_491 = arith.constant 32 : index
      %swap3A_492 = tpu.vector_load %arg11[%swap3A_490, %swap3A_491] {strides = array<i32>} : memref<100x64xf32, #tpu.memory_space<vmem>>, vector<1x16xf32>,
      %swap3A_493 = vector.shape_cast %swap3A_492 : vector<1x16xf32> to vector<16xf32>
      %swap3A_494 = vector.shape_cast %get3A_489 : vector<16xf32> to vector<1x16xf32>
      tpu.vector_store %arg11[%swap3A_490, %swap3A_491], %swap3A_494 {add = true, strides = array<i32>} : memref<100x64xf32, #tpu.memory_space<vmem>>, vector<1x16xf32>,
      %add3A_495 = arith.constant 100 : i32
      %add3A_496 = arith.addi %add3A_495, %scan3A_461 : i32
      %get3A_497 = arith.index_cast %add3A_496 : i32 to index
      %get3A_498 = arith.constant 48 : index
      %get3A_499 = tpu.vector_load %arg7[%get3A_497, %get3A_498] {strides = array<i32>} : memref<200x64xf32, #tpu.memory_space<vmem>>, vector<1x16xf32>,
      %get3A_500 = vector.shape_cast %get3A_499 : vector<1x16xf32> to vector<16xf32>
      %swap3A_501 = arith.index_cast %scan3A_461 : i32 to index
      %swap3A_502 = arith.constant 48 : index
      %swap3A_503 = tpu.vector_load %arg11[%swap3A_501, %swap3A_502] {strides = array<i32>} : memref<100x64xf32, #tpu.memory_space<vmem>>, vector<1x16xf32>,
      %swap3A_504 = vector.shape_cast %swap3A_503 : vector<1x16xf32> to vector<16xf32>
      %swap3A_505 = vector.shape_cast %get3A_500 : vector<16xf32> to vector<1x16xf32>
      tpu.vector_store %arg11[%swap3A_501, %swap3A_502], %swap3A_505 {add = true, strides = array<i32>} : memref<100x64xf32, #tpu.memory_space<vmem>>, vector<1x16xf32>,
    }
    %scan3A_144 = arith.constant 100 : i32
    %div3A_145 = arith.constant 3 : i32
    %div3A_146 = arith.constant 2 : i32
    %div3A_147 = arith.divsi %div3A_145, %div3A_146 : i32
    %add3A_148 = arith.addi %mul3A_2, %div3A_147 : i32
    %dma_start3A_149 = arith.constant 100 : i32
    %dma_start3A_150 = arith.constant 0 : i32
    %dma_start3A_151 = tpu.memref_slice %arg5[%add3A_148, %dma_start3A_149, %dma_start3A_150] : memref<4096x200x64xf32, #tpu.memory_space<hbm>> -> memref<1x100x64xf32, #tpu.memory_space<hbm>>
    %dma_start3A_152 = tpu.memref_squeeze %dma_start3A_151 : memref<1x100x64xf32, #tpu.memory_space<hbm>> -> memref<100x64xf32, #tpu.memory_space<hbm>>
    %dma_start3A_153 = arith.constant 100 : i32
    %dma_start3A_154 = arith.constant 0 : i32
    %dma_start3A_155 = tpu.memref_slice %arg5[%add3A_148, %dma_start3A_153, %dma_start3A_154] : memref<4096x200x64xf32, #tpu.memory_space<hbm>> -> memref<1x100x64xf32, #tpu.memory_space<hbm>>
    %dma_start3A_156 = tpu.memref_squeeze %dma_start3A_155 : memref<1x100x64xf32, #tpu.memory_space<hbm>> -> memref<100x64xf32, #tpu.memory_space<hbm>>
    tpu.enqueue_dma source(%arg11 : memref<100x64xf32, #tpu.memory_space<vmem>>) target(%dma_start3A_156 : memref<100x64xf32, #tpu.memory_space<hbm>>) target_semaphore(%arg19 : memref<!tpu.dma_semaphore, #tpu.memory_space<semaphore_mem>>)
    %dma_wait3A_157 = arith.constant 0 : i32
    %dma_wait3A_158 = arith.constant 0 : i32
    %dma_wait3A_159 = tpu.memref_slice %arg5[%mul3A_2, %dma_wait3A_157, %dma_wait3A_158] : memref<4096x200x64xf32, #tpu.memory_space<hbm>> -> memref<1x100x64xf32, #tpu.memory_space<hbm>>
    %dma_wait3A_160 = tpu.memref_squeeze %dma_wait3A_159 : memref<1x100x64xf32, #tpu.memory_space<hbm>> -> memref<100x64xf32, #tpu.memory_space<hbm>>
    %dma_wait3A_161 = arith.constant 0 : i32
    %dma_wait3A_162 = arith.constant 0 : i32
    %dma_wait3A_163 = tpu.memref_slice %arg5[%mul3A_2, %dma_wait3A_161, %dma_wait3A_162] : memref<4096x200x64xf32, #tpu.memory_space<hbm>> -> memref<1x100x64xf32, #tpu.memory_space<hbm>>
    %dma_wait3A_164 = tpu.memref_squeeze %dma_wait3A_163 : memref<1x100x64xf32, #tpu.memory_space<hbm>> -> memref<100x64xf32, #tpu.memory_space<hbm>>
    tpu.wait_dma2 semaphore(%arg18 : memref<!tpu.dma_semaphore, #tpu.memory_space<semaphore_mem>>) src(%arg10 : memref<100x64xf32, #tpu.memory_space<vmem>>) dst(%dma_wait3A_164 : memref<100x64xf32, #tpu.memory_space<hbm>>)
    %dma_start3A_165 = arith.constant 6 : i32
    %dma_start3A_166 = arith.constant 0 : i32
    %dma_start3A_167 = tpu.memref_slice %arg6[%dma_start3A_165, %dma_start3A_166] : memref<256x100xi32, #tpu.memory_space<vmem>> -> memref<1x100xi32, #tpu.memory_space<vmem>>
    %dma_start3A_168 = tpu.memref_squeeze %dma_start3A_167 : memref<1x100xi32, #tpu.memory_space<vmem>> -> memref<100xi32, #tpu.memory_space<vmem>>
    %dma_start3A_169 = arith.constant 0 : i32
    %dma_start3A_170 = arith.constant 0 : i32
    %dma_start3A_171 = tpu.memref_slice %arg3[%dma_start3A_169, %dma_start3A_170] : memref<1000000x64xf32, #tpu.memory_space<hbm>> -> memref<1000000x64xf32, #tpu.memory_space<hbm>>
    tpu.enqueue_indirect_dma source(%dma_start3A_171 : memref<1000000x64xf32, #tpu.memory_space<hbm>>) target(%arg10 : memref<100x64xf32, #tpu.memory_space<vmem>>) offsets(%dma_start3A_168 : memref<100xi32, #tpu.memory_space<vmem>>) semaphore(%arg14 : memref<!tpu.dma_semaphore, #tpu.memory_space<semaphore_mem>>)
    %scan3A_172 = arith.constant 0 : i32
    %scan3A_173 = arith.constant 1 : i32
    %scan3A_174 = arith.constant 62 : i32
    %scan3A_175 = arith.addi %scan3A_173, %scan3A_174 : i32
    %scan3A_176 = arith.constant 1 : i32
    scf.for %scan3A_325 = %scan3A_173 to %scan3A_175 step %scan3A_176  : i32 {
      %mul3A_326 = arith.constant 4 : i32
      %mul3A_327 = arith.muli %scan3A_325, %mul3A_326 : i32
      %add3A_328 = arith.constant 0 : i32
      %add3A_329 = arith.addi %mul3A_327, %add3A_328 : i32
      %dma_wait3A_330 = arith.constant 0 : i32
      %dma_wait3A_331 = tpu.memref_slice %arg6[%add3A_329, %dma_wait3A_330] : memref<256x100xi32, #tpu.memory_space<vmem>> -> memref<1x100xi32, #tpu.memory_space<vmem>>
      %dma_wait3A_332 = tpu.memref_squeeze %dma_wait3A_331 : memref<1x100xi32, #tpu.memory_space<vmem>> -> memref<100xi32, #tpu.memory_space<vmem>>
      %dma_wait3A_333 = arith.constant 0 : i32
      %dma_wait3A_334 = arith.constant 0 : i32
      %dma_wait3A_335 = tpu.memref_slice %arg3[%dma_wait3A_333, %dma_wait3A_334] : memref<1000000x64xf32, #tpu.memory_space<hbm>> -> memref<1000000x64xf32, #tpu.memory_space<hbm>>
      tpu.wait_indirect_dma semaphore(%arg12 : memref<!tpu.dma_semaphore, #tpu.memory_space<semaphore_mem>>) src(%dma_wait3A_335 : memref<1000000x64xf32, #tpu.memory_space<hbm>>) dst(%arg8 : memref<100x64xf32, #tpu.memory_space<vmem>>)
      %scan3A_336 = arith.constant 0 : i32
      %scan3A_337 = arith.constant 0 : i32
      %scan3A_338 = arith.constant 100 : i32
      %scan3A_339 = arith.addi %scan3A_337, %scan3A_338 : i32
      %scan3A_340 = arith.constant 4 : i32
      scf.for %scan3A_499 = %scan3A_337 to %scan3A_339 step %scan3A_340  : i32 {
        %add3A_500 = arith.constant 0 : i32
        %add3A_501 = arith.addi %add3A_500, %scan3A_499 : i32
        %get3A = arith.index_cast %add3A_501 : i32 to index
        %get3A_502 = arith.constant 0 : index
        %get3A_503 = tpu.vector_load %arg7[%get3A, %get3A_502] {strides = array<i32>} : memref<200x64xf32, #tpu.memory_space<vmem>>, vector<1x16xf32>,
        %get3A_504 = vector.shape_cast %get3A_503 : vector<1x16xf32> to vector<16xf32>
        %swap3A = arith.index_cast %scan3A_499 : i32 to index
        %swap3A_505 = arith.constant 0 : index
        %swap3A_506 = tpu.vector_load %arg8[%swap3A, %swap3A_505] {strides = array<i32>} : memref<100x64xf32, #tpu.memory_space<vmem>>, vector<1x16xf32>,
        %swap3A_507 = vector.shape_cast %swap3A_506 : vector<1x16xf32> to vector<16xf32>
        %swap3A_508 = vector.shape_cast %get3A_504 : vector<16xf32> to vector<1x16xf32>
        tpu.vector_store %arg8[%swap3A, %swap3A_505], %swap3A_508 {add = true, strides = array<i32>} : memref<100x64xf32, #tpu.memory_space<vmem>>, vector<1x16xf32>,
        %add3A_509 = arith.constant 0 : i32
        %add3A_510 = arith.addi %add3A_509, %scan3A_499 : i32
        %get3A_511 = arith.index_cast %add3A_510 : i32 to index
        %get3A_512 = arith.constant 16 : index
        %get3A_513 = tpu.vector_load %arg7[%get3A_511, %get3A_512] {strides = array<i32>} : memref<200x64xf32, #tpu.memory_space<vmem>>, vector<1x16xf32>,
        %get3A_514 = vector.shape_cast %get3A_513 : vector<1x16xf32> to vector<16xf32>
        %swap3A_515 = arith.index_cast %scan3A_499 : i32 to index
        %swap3A_516 = arith.constant 16 : index
        %swap3A_517 = tpu.vector_load %arg8[%swap3A_515, %swap3A_516] {strides = array<i32>} : memref<100x64xf32, #tpu.memory_space<vmem>>, vector<1x16xf32>,
        %swap3A_518 = vector.shape_cast %swap3A_517 : vector<1x16xf32> to vector<16xf32>
        %swap3A_519 = vector.shape_cast %get3A_514 : vector<16xf32> to vector<1x16xf32>
        tpu.vector_store %arg8[%swap3A_515, %swap3A_516], %swap3A_519 {add = true, strides = array<i32>} : memref<100x64xf32, #tpu.memory_space<vmem>>, vector<1x16xf32>,
        %add3A_520 = arith.constant 0 : i32
        %add3A_521 = arith.addi %add3A_520, %scan3A_499 : i32
        %get3A_522 = arith.index_cast %add3A_521 : i32 to index
        %get3A_523 = arith.constant 32 : index
        %get3A_524 = tpu.vector_load %arg7[%get3A_522, %get3A_523] {strides = array<i32>} : memref<200x64xf32, #tpu.memory_space<vmem>>, vector<1x16xf32>,
        %get3A_525 = vector.shape_cast %get3A_524 : vector<1x16xf32> to vector<16xf32>
        %swap3A_526 = arith.index_cast %scan3A_499 : i32 to index
        %swap3A_527 = arith.constant 32 : index
        %swap3A_528 = tpu.vector_load %arg8[%swap3A_526, %swap3A_527] {strides = array<i32>} : memref<100x64xf32, #tpu.memory_space<vmem>>, vector<1x16xf32>,
        %swap3A_529 = vector.shape_cast %swap3A_528 : vector<1x16xf32> to vector<16xf32>
        %swap3A_530 = vector.shape_cast %get3A_525 : vector<16xf32> to vector<1x16xf32>
        tpu.vector_store %arg8[%swap3A_526, %swap3A_527], %swap3A_530 {add = true, strides = array<i32>} : memref<100x64xf32, #tpu.memory_space<vmem>>, vector<1x16xf32>,
        %add3A_531 = arith.constant 0 : i32
        %add3A_532 = arith.addi %add3A_531, %scan3A_499 : i32
        %get3A_533 = arith.index_cast %add3A_532 : i32 to index
        %get3A_534 = arith.constant 48 : index
        %get3A_535 = tpu.vector_load %arg7[%get3A_533, %get3A_534] {strides = array<i32>} : memref<200x64xf32, #tpu.memory_space<vmem>>, vector<1x16xf32>,
        %get3A_536 = vector.shape_cast %get3A_535 : vector<1x16xf32> to vector<16xf32>
        %swap3A_537 = arith.index_cast %scan3A_499 : i32 to index
        %swap3A_538 = arith.constant 48 : index
        %swap3A_539 = tpu.vector_load %arg8[%swap3A_537, %swap3A_538] {strides = array<i32>} : memref<100x64xf32, #tpu.memory_space<vmem>>, vector<1x16xf32>,
        %swap3A_540 = vector.shape_cast %swap3A_539 : vector<1x16xf32> to vector<16xf32>
        %swap3A_541 = vector.shape_cast %get3A_536 : vector<16xf32> to vector<1x16xf32>
        tpu.vector_store %arg8[%swap3A_537, %swap3A_538], %swap3A_541 {add = true, strides = array<i32>} : memref<100x64xf32, #tpu.memory_space<vmem>>, vector<1x16xf32>,
        %scan3A_542 = arith.constant 1 : i32
        %scan3A_543 = arith.addi %scan3A_499, %scan3A_542 : i32
        %add3A_544 = arith.constant 0 : i32
        %add3A_545 = arith.addi %add3A_544, %scan3A_543 : i32
        %get3A_546 = arith.index_cast %add3A_545 : i32 to index
        %get3A_547 = arith.constant 0 : index
        %get3A_548 = tpu.vector_load %arg7[%get3A_546, %get3A_547] {strides = array<i32>} : memref<200x64xf32, #tpu.memory_space<vmem>>, vector<1x16xf32>,
        %get3A_549 = vector.shape_cast %get3A_548 : vector<1x16xf32> to vector<16xf32>
        %swap3A_550 = arith.index_cast %scan3A_543 : i32 to index
        %swap3A_551 = arith.constant 0 : index
        %swap3A_552 = tpu.vector_load %arg8[%swap3A_550, %swap3A_551] {strides = array<i32>} : memref<100x64xf32, #tpu.memory_space<vmem>>, vector<1x16xf32>,
        %swap3A_553 = vector.shape_cast %swap3A_552 : vector<1x16xf32> to vector<16xf32>
        %swap3A_554 = vector.shape_cast %get3A_549 : vector<16xf32> to vector<1x16xf32>
        tpu.vector_store %arg8[%swap3A_550, %swap3A_551], %swap3A_554 {add = true, strides = array<i32>} : memref<100x64xf32, #tpu.memory_space<vmem>>, vector<1x16xf32>,
        %add3A_555 = arith.constant 0 : i32
        %add3A_556 = arith.addi %add3A_555, %scan3A_543 : i32
        %get3A_557 = arith.index_cast %add3A_556 : i32 to index
        %get3A_558 = arith.constant 16 : index
        %get3A_559 = tpu.vector_load %arg7[%get3A_557, %get3A_558] {strides = array<i32>} : memref<200x64xf32, #tpu.memory_space<vmem>>, vector<1x16xf32>,
        %get3A_560 = vector.shape_cast %get3A_559 : vector<1x16xf32> to vector<16xf32>
        %swap3A_561 = arith.index_cast %scan3A_543 : i32 to index
        %swap3A_562 = arith.constant 16 : index
        %swap3A_563 = tpu.vector_load %arg8[%swap3A_561, %swap3A_562] {strides = array<i32>} : memref<100x64xf32, #tpu.memory_space<vmem>>, vector<1x16xf32>,
        %swap3A_564 = vector.shape_cast %swap3A_563 : vector<1x16xf32> to vector<16xf32>
        %swap3A_565 = vector.shape_cast %get3A_560 : vector<16xf32> to vector<1x16xf32>
        tpu.vector_store %arg8[%swap3A_561, %swap3A_562], %swap3A_565 {add = true, strides = array<i32>} : memref<100x64xf32, #tpu.memory_space<vmem>>, vector<1x16xf32>,
        %add3A_566 = arith.constant 0 : i32
        %add3A_567 = arith.addi %add3A_566, %scan3A_543 : i32
        %get3A_568 = arith.index_cast %add3A_567 : i32 to index
        %get3A_569 = arith.constant 32 : index
        %get3A_570 = tpu.vector_load %arg7[%get3A_568, %get3A_569] {strides = array<i32>} : memref<200x64xf32, #tpu.memory_space<vmem>>, vector<1x16xf32>,
        %get3A_571 = vector.shape_cast %get3A_570 : vector<1x16xf32> to vector<16xf32>
        %swap3A_572 = arith.index_cast %scan3A_543 : i32 to index
        %swap3A_573 = arith.constant 32 : index
        %swap3A_574 = tpu.vector_load %arg8[%swap3A_572, %swap3A_573] {strides = array<i32>} : memref<100x64xf32, #tpu.memory_space<vmem>>, vector<1x16xf32>,
        %swap3A_575 = vector.shape_cast %swap3A_574 : vector<1x16xf32> to vector<16xf32>
        %swap3A_576 = vector.shape_cast %get3A_571 : vector<16xf32> to vector<1x16xf32>
        tpu.vector_store %arg8[%swap3A_572, %swap3A_573], %swap3A_576 {add = true, strides = array<i32>} : memref<100x64xf32, #tpu.memory_space<vmem>>, vector<1x16xf32>,
        %add3A_577 = arith.constant 0 : i32
        %add3A_578 = arith.addi %add3A_577, %scan3A_543 : i32
        %get3A_579 = arith.index_cast %add3A_578 : i32 to index
        %get3A_580 = arith.constant 48 : index
        %get3A_581 = tpu.vector_load %arg7[%get3A_579, %get3A_580] {strides = array<i32>} : memref<200x64xf32, #tpu.memory_space<vmem>>, vector<1x16xf32>,
        %get3A_582 = vector.shape_cast %get3A_581 : vector<1x16xf32> to vector<16xf32>
        %swap3A_583 = arith.index_cast %scan3A_543 : i32 to index
        %swap3A_584 = arith.constant 48 : index
        %swap3A_585 = tpu.vector_load %arg8[%swap3A_583, %swap3A_584] {strides = array<i32>} : memref<100x64xf32, #tpu.memory_space<vmem>>, vector<1x16xf32>,
        %swap3A_586 = vector.shape_cast %swap3A_585 : vector<1x16xf32> to vector<16xf32>
        %swap3A_587 = vector.shape_cast %get3A_582 : vector<16xf32> to vector<1x16xf32>
        tpu.vector_store %arg8[%swap3A_583, %swap3A_584], %swap3A_587 {add = true, strides = array<i32>} : memref<100x64xf32, #tpu.memory_space<vmem>>, vector<1x16xf32>,
        %scan3A_588 = arith.constant 2 : i32
        %scan3A_589 = arith.addi %scan3A_499, %scan3A_588 : i32
        %add3A_590 = arith.constant 0 : i32
        %add3A_591 = arith.addi %add3A_590, %scan3A_589 : i32
        %get3A_592 = arith.index_cast %add3A_591 : i32 to index
        %get3A_593 = arith.constant 0 : index
        %get3A_594 = tpu.vector_load %arg7[%get3A_592, %get3A_593] {strides = array<i32>} : memref<200x64xf32, #tpu.memory_space<vmem>>, vector<1x16xf32>,
        %get3A_595 = vector.shape_cast %get3A_594 : vector<1x16xf32> to vector<16xf32>
        %swap3A_596 = arith.index_cast %scan3A_589 : i32 to index
        %swap3A_597 = arith.constant 0 : index
        %swap3A_598 = tpu.vector_load %arg8[%swap3A_596, %swap3A_597] {strides = array<i32>} : memref<100x64xf32, #tpu.memory_space<vmem>>, vector<1x16xf32>,
        %swap3A_599 = vector.shape_cast %swap3A_598 : vector<1x16xf32> to vector<16xf32>
        %swap3A_600 = vector.shape_cast %get3A_595 : vector<16xf32> to vector<1x16xf32>
        tpu.vector_store %arg8[%swap3A_596, %swap3A_597], %swap3A_600 {add = true, strides = array<i32>} : memref<100x64xf32, #tpu.memory_space<vmem>>, vector<1x16xf32>,
        %add3A_601 = arith.constant 0 : i32
        %add3A_602 = arith.addi %add3A_601, %scan3A_589 : i32
        %get3A_603 = arith.index_cast %add3A_602 : i32 to index
        %get3A_604 = arith.constant 16 : index
        %get3A_605 = tpu.vector_load %arg7[%get3A_603, %get3A_604] {strides = array<i32>} : memref<200x64xf32, #tpu.memory_space<vmem>>, vector<1x16xf32>,
        %get3A_606 = vector.shape_cast %get3A_605 : vector<1x16xf32> to vector<16xf32>
        %swap3A_607 = arith.index_cast %scan3A_589 : i32 to index
        %swap3A_608 = arith.constant 16 : index
        %swap3A_609 = tpu.vector_load %arg8[%swap3A_607, %swap3A_608] {strides = array<i32>} : memref<100x64xf32, #tpu.memory_space<vmem>>, vector<1x16xf32>,
        %swap3A_610 = vector.shape_cast %swap3A_609 : vector<1x16xf32> to vector<16xf32>
        %swap3A_611 = vector.shape_cast %get3A_606 : vector<16xf32> to vector<1x16xf32>
        tpu.vector_store %arg8[%swap3A_607, %swap3A_608], %swap3A_611 {add = true, strides = array<i32>} : memref<100x64xf32, #tpu.memory_space<vmem>>, vector<1x16xf32>,
        %add3A_612 = arith.constant 0 : i32
        %add3A_613 = arith.addi %add3A_612, %scan3A_589 : i32
        %get3A_614 = arith.index_cast %add3A_613 : i32 to index
        %get3A_615 = arith.constant 32 : index
        %get3A_616 = tpu.vector_load %arg7[%get3A_614, %get3A_615] {strides = array<i32>} : memref<200x64xf32, #tpu.memory_space<vmem>>, vector<1x16xf32>,
        %get3A_617 = vector.shape_cast %get3A_616 : vector<1x16xf32> to vector<16xf32>
        %swap3A_618 = arith.index_cast %scan3A_589 : i32 to index
        %swap3A_619 = arith.constant 32 : index
        %swap3A_620 = tpu.vector_load %arg8[%swap3A_618, %swap3A_619] {strides = array<i32>} : memref<100x64xf32, #tpu.memory_space<vmem>>, vector<1x16xf32>,
        %swap3A_621 = vector.shape_cast %swap3A_620 : vector<1x16xf32> to vector<16xf32>
        %swap3A_622 = vector.shape_cast %get3A_617 : vector<16xf32> to vector<1x16xf32>
        tpu.vector_store %arg8[%swap3A_618, %swap3A_619], %swap3A_622 {add = true, strides = array<i32>} : memref<100x64xf32, #tpu.memory_space<vmem>>, vector<1x16xf32>,
        %add3A_623 = arith.constant 0 : i32
        %add3A_624 = arith.addi %add3A_623, %scan3A_589 : i32
        %get3A_625 = arith.index_cast %add3A_624 : i32 to index
        %get3A_626 = arith.constant 48 : index
        %get3A_627 = tpu.vector_load %arg7[%get3A_625, %get3A_626] {strides = array<i32>} : memref<200x64xf32, #tpu.memory_space<vmem>>, vector<1x16xf32>,
        %get3A_628 = vector.shape_cast %get3A_627 : vector<1x16xf32> to vector<16xf32>
        %swap3A_629 = arith.index_cast %scan3A_589 : i32 to index
        %swap3A_630 = arith.constant 48 : index
        %swap3A_631 = tpu.vector_load %arg8[%swap3A_629, %swap3A_630] {strides = array<i32>} : memref<100x64xf32, #tpu.memory_space<vmem>>, vector<1x16xf32>,
        %swap3A_632 = vector.shape_cast %swap3A_631 : vector<1x16xf32> to vector<16xf32>
        %swap3A_633 = vector.shape_cast %get3A_628 : vector<16xf32> to vector<1x16xf32>
        tpu.vector_store %arg8[%swap3A_629, %swap3A_630], %swap3A_633 {add = true, strides = array<i32>} : memref<100x64xf32, #tpu.memory_space<vmem>>, vector<1x16xf32>,
        %scan3A_634 = arith.constant 3 : i32
        %scan3A_635 = arith.addi %scan3A_499, %scan3A_634 : i32
        %add3A_636 = arith.constant 0 : i32
        %add3A_637 = arith.addi %add3A_636, %scan3A_635 : i32
        %get3A_638 = arith.index_cast %add3A_637 : i32 to index
        %get3A_639 = arith.constant 0 : index
        %get3A_640 = tpu.vector_load %arg7[%get3A_638, %get3A_639] {strides = array<i32>} : memref<200x64xf32, #tpu.memory_space<vmem>>, vector<1x16xf32>,
        %get3A_641 = vector.shape_cast %get3A_640 : vector<1x16xf32> to vector<16xf32>
        %swap3A_642 = arith.index_cast %scan3A_635 : i32 to index
        %swap3A_643 = arith.constant 0 : index
        %swap3A_644 = tpu.vector_load %arg8[%swap3A_642, %swap3A_643] {strides = array<i32>} : memref<100x64xf32, #tpu.memory_space<vmem>>, vector<1x16xf32>,
        %swap3A_645 = vector.shape_cast %swap3A_644 : vector<1x16xf32> to vector<16xf32>
        %swap3A_646 = vector.shape_cast %get3A_641 : vector<16xf32> to vector<1x16xf32>
        tpu.vector_store %arg8[%swap3A_642, %swap3A_643], %swap3A_646 {add = true, strides = array<i32>} : memref<100x64xf32, #tpu.memory_space<vmem>>, vector<1x16xf32>,
        %add3A_647 = arith.constant 0 : i32
        %add3A_648 = arith.addi %add3A_647, %scan3A_635 : i32
        %get3A_649 = arith.index_cast %add3A_648 : i32 to index
        %get3A_650 = arith.constant 16 : index
        %get3A_651 = tpu.vector_load %arg7[%get3A_649, %get3A_650] {strides = array<i32>} : memref<200x64xf32, #tpu.memory_space<vmem>>, vector<1x16xf32>,
        %get3A_652 = vector.shape_cast %get3A_651 : vector<1x16xf32> to vector<16xf32>
        %swap3A_653 = arith.index_cast %scan3A_635 : i32 to index
        %swap3A_654 = arith.constant 16 : index
        %swap3A_655 = tpu.vector_load %arg8[%swap3A_653, %swap3A_654] {strides = array<i32>} : memref<100x64xf32, #tpu.memory_space<vmem>>, vector<1x16xf32>,
        %swap3A_656 = vector.shape_cast %swap3A_655 : vector<1x16xf32> to vector<16xf32>
        %swap3A_657 = vector.shape_cast %get3A_652 : vector<16xf32> to vector<1x16xf32>
        tpu.vector_store %arg8[%swap3A_653, %swap3A_654], %swap3A_657 {add = true, strides = array<i32>} : memref<100x64xf32, #tpu.memory_space<vmem>>, vector<1x16xf32>,
        %add3A_658 = arith.constant 0 : i32
        %add3A_659 = arith.addi %add3A_658, %scan3A_635 : i32
        %get3A_660 = arith.index_cast %add3A_659 : i32 to index
        %get3A_661 = arith.constant 32 : index
        %get3A_662 = tpu.vector_load %arg7[%get3A_660, %get3A_661] {strides = array<i32>} : memref<200x64xf32, #tpu.memory_space<vmem>>, vector<1x16xf32>,
        %get3A_663 = vector.shape_cast %get3A_662 : vector<1x16xf32> to vector<16xf32>
        %swap3A_664 = arith.index_cast %scan3A_635 : i32 to index
        %swap3A_665 = arith.constant 32 : index
        %swap3A_666 = tpu.vector_load %arg8[%swap3A_664, %swap3A_665] {strides = array<i32>} : memref<100x64xf32, #tpu.memory_space<vmem>>, vector<1x16xf32>,
        %swap3A_667 = vector.shape_cast %swap3A_666 : vector<1x16xf32> to vector<16xf32>
        %swap3A_668 = vector.shape_cast %get3A_663 : vector<16xf32> to vector<1x16xf32>
        tpu.vector_store %arg8[%swap3A_664, %swap3A_665], %swap3A_668 {add = true, strides = array<i32>} : memref<100x64xf32, #tpu.memory_space<vmem>>, vector<1x16xf32>,
        %add3A_669 = arith.constant 0 : i32
        %add3A_670 = arith.addi %add3A_669, %scan3A_635 : i32
        %get3A_671 = arith.index_cast %add3A_670 : i32 to index
        %get3A_672 = arith.constant 48 : index
        %get3A_673 = tpu.vector_load %arg7[%get3A_671, %get3A_672] {strides = array<i32>} : memref<200x64xf32, #tpu.memory_space<vmem>>, vector<1x16xf32>,
        %get3A_674 = vector.shape_cast %get3A_673 : vector<1x16xf32> to vector<16xf32>
        %swap3A_675 = arith.index_cast %scan3A_635 : i32 to index
        %swap3A_676 = arith.constant 48 : index
        %swap3A_677 = tpu.vector_load %arg8[%swap3A_675, %swap3A_676] {strides = array<i32>} : memref<100x64xf32, #tpu.memory_space<vmem>>, vector<1x16xf32>,
        %swap3A_678 = vector.shape_cast %swap3A_677 : vector<1x16xf32> to vector<16xf32>
        %swap3A_679 = vector.shape_cast %get3A_674 : vector<16xf32> to vector<1x16xf32>
        tpu.vector_store %arg8[%swap3A_675, %swap3A_676], %swap3A_679 {add = true, strides = array<i32>} : memref<100x64xf32, #tpu.memory_space<vmem>>, vector<1x16xf32>,
      }
      %scan3A_341 = arith.constant 100 : i32
      %div3A_342 = arith.constant 2 : i32
      %div3A_343 = arith.divsi %add3A_329, %div3A_342 : i32
      %add3A_344 = arith.addi %mul3A_2, %div3A_343 : i32
      %dma_start3A_345 = arith.constant 0 : i32
      %dma_start3A_346 = arith.constant 0 : i32
      %dma_start3A_347 = tpu.memref_slice %arg5[%add3A_344, %dma_start3A_345, %dma_start3A_346] : memref<4096x200x64xf32, #tpu.memory_space<hbm>> -> memref<1x100x64xf32, #tpu.memory_space<hbm>>
      %dma_start3A_348 = tpu.memref_squeeze %dma_start3A_347 : memref<1x100x64xf32, #tpu.memory_space<hbm>> -> memref<100x64xf32, #tpu.memory_space<hbm>>
      %dma_start3A_349 = arith.constant 0 : i32
      %dma_start3A_350 = arith.constant 0 : i32
      %dma_start3A_351 = tpu.memref_slice %arg5[%add3A_344, %dma_start3A_349, %dma_start3A_350] : memref<4096x200x64xf32, #tpu.memory_space<hbm>> -> memref<1x100x64xf32, #tpu.memory_space<hbm>>
      %dma_start3A_352 = tpu.memref_squeeze %dma_start3A_351 : memref<1x100x64xf32, #tpu.memory_space<hbm>> -> memref<100x64xf32, #tpu.memory_space<hbm>>
      tpu.enqueue_dma source(%arg8 : memref<100x64xf32, #tpu.memory_space<vmem>>) target(%dma_start3A_352 : memref<100x64xf32, #tpu.memory_space<hbm>>) target_semaphore(%arg16 : memref<!tpu.dma_semaphore, #tpu.memory_space<semaphore_mem>>)
      %dma_wait3A_353 = arith.constant 0 : i32
      %dma_wait3A_354 = arith.constant 0 : i32
      %dma_wait3A_355 = tpu.memref_slice %arg5[%mul3A_2, %dma_wait3A_353, %dma_wait3A_354] : memref<4096x200x64xf32, #tpu.memory_space<hbm>> -> memref<1x100x64xf32, #tpu.memory_space<hbm>>
      %dma_wait3A_356 = tpu.memref_squeeze %dma_wait3A_355 : memref<1x100x64xf32, #tpu.memory_space<hbm>> -> memref<100x64xf32, #tpu.memory_space<hbm>>
      %dma_wait3A_357 = arith.constant 0 : i32
      %dma_wait3A_358 = arith.constant 0 : i32
      %dma_wait3A_359 = tpu.memref_slice %arg5[%mul3A_2, %dma_wait3A_357, %dma_wait3A_358] : memref<4096x200x64xf32, #tpu.memory_space<hbm>> -> memref<1x100x64xf32, #tpu.memory_space<hbm>>
      %dma_wait3A_360 = tpu.memref_squeeze %dma_wait3A_359 : memref<1x100x64xf32, #tpu.memory_space<hbm>> -> memref<100x64xf32, #tpu.memory_space<hbm>>
      tpu.wait_dma2 semaphore(%arg19 : memref<!tpu.dma_semaphore, #tpu.memory_space<semaphore_mem>>) src(%arg11 : memref<100x64xf32, #tpu.memory_space<vmem>>) dst(%dma_wait3A_360 : memref<100x64xf32, #tpu.memory_space<hbm>>)
      %add3A_361 = arith.constant 4 : i32
      %add3A_362 = arith.addi %add3A_329, %add3A_361 : i32
      %sub3A = arith.constant 1 : i32
      %sub3A_363 = arith.subi %add3A_362, %sub3A : i32
      %dma_start3A_364 = arith.constant 0 : i32
      %dma_start3A_365 = tpu.memref_slice %arg6[%sub3A_363, %dma_start3A_364] : memref<256x100xi32, #tpu.memory_space<vmem>> -> memref<1x100xi32, #tpu.memory_space<vmem>>
      %dma_start3A_366 = tpu.memref_squeeze %dma_start3A_365 : memref<1x100xi32, #tpu.memory_space<vmem>> -> memref<100xi32, #tpu.memory_space<vmem>>
      %dma_start3A_367 = arith.constant 0 : i32
      %dma_start3A_368 = arith.constant 0 : i32
      %dma_start3A_369 = tpu.memref_slice %arg3[%dma_start3A_367, %dma_start3A_368] : memref<1000000x64xf32, #tpu.memory_space<hbm>> -> memref<1000000x64xf32, #tpu.memory_space<hbm>>
      tpu.enqueue_indirect_dma source(%dma_start3A_369 : memref<1000000x64xf32, #tpu.memory_space<hbm>>) target(%arg11 : memref<100x64xf32, #tpu.memory_space<vmem>>) offsets(%dma_start3A_366 : memref<100xi32, #tpu.memory_space<vmem>>) semaphore(%arg15 : memref<!tpu.dma_semaphore, #tpu.memory_space<semaphore_mem>>)
      %add3A_370 = arith.constant 1 : i32
      %add3A_371 = arith.addi %mul3A_327, %add3A_370 : i32
      %dma_wait3A_372 = arith.constant 0 : i32
      %dma_wait3A_373 = tpu.memref_slice %arg6[%add3A_371, %dma_wait3A_372] : memref<256x100xi32, #tpu.memory_space<vmem>> -> memref<1x100xi32, #tpu.memory_space<vmem>>
      %dma_wait3A_374 = tpu.memref_squeeze %dma_wait3A_373 : memref<1x100xi32, #tpu.memory_space<vmem>> -> memref<100xi32, #tpu.memory_space<vmem>>
      %dma_wait3A_375 = arith.constant 0 : i32
      %dma_wait3A_376 = arith.constant 0 : i32
      %dma_wait3A_377 = tpu.memref_slice %arg3[%dma_wait3A_375, %dma_wait3A_376] : memref<1000000x64xf32, #tpu.memory_space<hbm>> -> memref<1000000x64xf32, #tpu.memory_space<hbm>>
      tpu.wait_indirect_dma semaphore(%arg13 : memref<!tpu.dma_semaphore, #tpu.memory_space<semaphore_mem>>) src(%dma_wait3A_377 : memref<1000000x64xf32, #tpu.memory_space<hbm>>) dst(%arg9 : memref<100x64xf32, #tpu.memory_space<vmem>>)
      %scan3A_378 = arith.constant 0 : i32
      %scan3A_379 = arith.constant 0 : i32
      %scan3A_380 = arith.constant 100 : i32
      %scan3A_381 = arith.addi %scan3A_379, %scan3A_380 : i32
      %scan3A_382 = arith.constant 4 : i32
      scf.for %scan3A_499 = %scan3A_379 to %scan3A_381 step %scan3A_382  : i32 {
        %add3A_500 = arith.constant 100 : i32
        %add3A_501 = arith.addi %add3A_500, %scan3A_499 : i32
        %get3A = arith.index_cast %add3A_501 : i32 to index
        %get3A_502 = arith.constant 0 : index
        %get3A_503 = tpu.vector_load %arg7[%get3A, %get3A_502] {strides = array<i32>} : memref<200x64xf32, #tpu.memory_space<vmem>>, vector<1x16xf32>,
        %get3A_504 = vector.shape_cast %get3A_503 : vector<1x16xf32> to vector<16xf32>
        %swap3A = arith.index_cast %scan3A_499 : i32 to index
        %swap3A_505 = arith.constant 0 : index
        %swap3A_506 = tpu.vector_load %arg9[%swap3A, %swap3A_505] {strides = array<i32>} : memref<100x64xf32, #tpu.memory_space<vmem>>, vector<1x16xf32>,
        %swap3A_507 = vector.shape_cast %swap3A_506 : vector<1x16xf32> to vector<16xf32>
        %swap3A_508 = vector.shape_cast %get3A_504 : vector<16xf32> to vector<1x16xf32>
        tpu.vector_store %arg9[%swap3A, %swap3A_505], %swap3A_508 {add = true, strides = array<i32>} : memref<100x64xf32, #tpu.memory_space<vmem>>, vector<1x16xf32>,
        %add3A_509 = arith.constant 100 : i32
        %add3A_510 = arith.addi %add3A_509, %scan3A_499 : i32
        %get3A_511 = arith.index_cast %add3A_510 : i32 to index
        %get3A_512 = arith.constant 16 : index
        %get3A_513 = tpu.vector_load %arg7[%get3A_511, %get3A_512] {strides = array<i32>} : memref<200x64xf32, #tpu.memory_space<vmem>>, vector<1x16xf32>,
        %get3A_514 = vector.shape_cast %get3A_513 : vector<1x16xf32> to vector<16xf32>
        %swap3A_515 = arith.index_cast %scan3A_499 : i32 to index
        %swap3A_516 = arith.constant 16 : index
        %swap3A_517 = tpu.vector_load %arg9[%swap3A_515, %swap3A_516] {strides = array<i32>} : memref<100x64xf32, #tpu.memory_space<vmem>>, vector<1x16xf32>,
        %swap3A_518 = vector.shape_cast %swap3A_517 : vector<1x16xf32> to vector<16xf32>
        %swap3A_519 = vector.shape_cast %get3A_514 : vector<16xf32> to vector<1x16xf32>
        tpu.vector_store %arg9[%swap3A_515, %swap3A_516], %swap3A_519 {add = true, strides = array<i32>} : memref<100x64xf32, #tpu.memory_space<vmem>>, vector<1x16xf32>,
        %add3A_520 = arith.constant 100 : i32
        %add3A_521 = arith.addi %add3A_520, %scan3A_499 : i32
        %get3A_522 = arith.index_cast %add3A_521 : i32 to index
        %get3A_523 = arith.constant 32 : index
        %get3A_524 = tpu.vector_load %arg7[%get3A_522, %get3A_523] {strides = array<i32>} : memref<200x64xf32, #tpu.memory_space<vmem>>, vector<1x16xf32>,
        %get3A_525 = vector.shape_cast %get3A_524 : vector<1x16xf32> to vector<16xf32>
        %swap3A_526 = arith.index_cast %scan3A_499 : i32 to index
        %swap3A_527 = arith.constant 32 : index
        %swap3A_528 = tpu.vector_load %arg9[%swap3A_526, %swap3A_527] {strides = array<i32>} : memref<100x64xf32, #tpu.memory_space<vmem>>, vector<1x16xf32>,
        %swap3A_529 = vector.shape_cast %swap3A_528 : vector<1x16xf32> to vector<16xf32>
        %swap3A_530 = vector.shape_cast %get3A_525 : vector<16xf32> to vector<1x16xf32>
        tpu.vector_store %arg9[%swap3A_526, %swap3A_527], %swap3A_530 {add = true, strides = array<i32>} : memref<100x64xf32, #tpu.memory_space<vmem>>, vector<1x16xf32>,
        %add3A_531 = arith.constant 100 : i32
        %add3A_532 = arith.addi %add3A_531, %scan3A_499 : i32
        %get3A_533 = arith.index_cast %add3A_532 : i32 to index
        %get3A_534 = arith.constant 48 : index
        %get3A_535 = tpu.vector_load %arg7[%get3A_533, %get3A_534] {strides = array<i32>} : memref<200x64xf32, #tpu.memory_space<vmem>>, vector<1x16xf32>,
        %get3A_536 = vector.shape_cast %get3A_535 : vector<1x16xf32> to vector<16xf32>
        %swap3A_537 = arith.index_cast %scan3A_499 : i32 to index
        %swap3A_538 = arith.constant 48 : index
        %swap3A_539 = tpu.vector_load %arg9[%swap3A_537, %swap3A_538] {strides = array<i32>} : memref<100x64xf32, #tpu.memory_space<vmem>>, vector<1x16xf32>,
        %swap3A_540 = vector.shape_cast %swap3A_539 : vector<1x16xf32> to vector<16xf32>
        %swap3A_541 = vector.shape_cast %get3A_536 : vector<16xf32> to vector<1x16xf32>
        tpu.vector_store %arg9[%swap3A_537, %swap3A_538], %swap3A_541 {add = true, strides = array<i32>} : memref<100x64xf32, #tpu.memory_space<vmem>>, vector<1x16xf32>,
        %scan3A_542 = arith.constant 1 : i32
        %scan3A_543 = arith.addi %scan3A_499, %scan3A_542 : i32
        %add3A_544 = arith.constant 100 : i32
        %add3A_545 = arith.addi %add3A_544, %scan3A_543 : i32
        %get3A_546 = arith.index_cast %add3A_545 : i32 to index
        %get3A_547 = arith.constant 0 : index
        %get3A_548 = tpu.vector_load %arg7[%get3A_546, %get3A_547] {strides = array<i32>} : memref<200x64xf32, #tpu.memory_space<vmem>>, vector<1x16xf32>,
        %get3A_549 = vector.shape_cast %get3A_548 : vector<1x16xf32> to vector<16xf32>
        %swap3A_550 = arith.index_cast %scan3A_543 : i32 to index
        %swap3A_551 = arith.constant 0 : index
        %swap3A_552 = tpu.vector_load %arg9[%swap3A_550, %swap3A_551] {strides = array<i32>} : memref<100x64xf32, #tpu.memory_space<vmem>>, vector<1x16xf32>,
        %swap3A_553 = vector.shape_cast %swap3A_552 : vector<1x16xf32> to vector<16xf32>
        %swap3A_554 = vector.shape_cast %get3A_549 : vector<16xf32> to vector<1x16xf32>
        tpu.vector_store %arg9[%swap3A_550, %swap3A_551], %swap3A_554 {add = true, strides = array<i32>} : memref<100x64xf32, #tpu.memory_space<vmem>>, vector<1x16xf32>,
        %add3A_555 = arith.constant 100 : i32
        %add3A_556 = arith.addi %add3A_555, %scan3A_543 : i32
        %get3A_557 = arith.index_cast %add3A_556 : i32 to index
        %get3A_558 = arith.constant 16 : index
        %get3A_559 = tpu.vector_load %arg7[%get3A_557, %get3A_558] {strides = array<i32>} : memref<200x64xf32, #tpu.memory_space<vmem>>, vector<1x16xf32>,
        %get3A_560 = vector.shape_cast %get3A_559 : vector<1x16xf32> to vector<16xf32>
        %swap3A_561 = arith.index_cast %scan3A_543 : i32 to index
        %swap3A_562 = arith.constant 16 : index
        %swap3A_563 = tpu.vector_load %arg9[%swap3A_561, %swap3A_562] {strides = array<i32>} : memref<100x64xf32, #tpu.memory_space<vmem>>, vector<1x16xf32>,
        %swap3A_564 = vector.shape_cast %swap3A_563 : vector<1x16xf32> to vector<16xf32>
        %swap3A_565 = vector.shape_cast %get3A_560 : vector<16xf32> to vector<1x16xf32>
        tpu.vector_store %arg9[%swap3A_561, %swap3A_562], %swap3A_565 {add = true, strides = array<i32>} : memref<100x64xf32, #tpu.memory_space<vmem>>, vector<1x16xf32>,
        %add3A_566 = arith.constant 100 : i32
        %add3A_567 = arith.addi %add3A_566, %scan3A_543 : i32
        %get3A_568 = arith.index_cast %add3A_567 : i32 to index
        %get3A_569 = arith.constant 32 : index
        %get3A_570 = tpu.vector_load %arg7[%get3A_568, %get3A_569] {strides = array<i32>} : memref<200x64xf32, #tpu.memory_space<vmem>>, vector<1x16xf32>,
        %get3A_571 = vector.shape_cast %get3A_570 : vector<1x16xf32> to vector<16xf32>
        %swap3A_572 = arith.index_cast %scan3A_543 : i32 to index
        %swap3A_573 = arith.constant 32 : index
        %swap3A_574 = tpu.vector_load %arg9[%swap3A_572, %swap3A_573] {strides = array<i32>} : memref<100x64xf32, #tpu.memory_space<vmem>>, vector<1x16xf32>,
        %swap3A_575 = vector.shape_cast %swap3A_574 : vector<1x16xf32> to vector<16xf32>
        %swap3A_576 = vector.shape_cast %get3A_571 : vector<16xf32> to vector<1x16xf32>
        tpu.vector_store %arg9[%swap3A_572, %swap3A_573], %swap3A_576 {add = true, strides = array<i32>} : memref<100x64xf32, #tpu.memory_space<vmem>>, vector<1x16xf32>,
        %add3A_577 = arith.constant 100 : i32
        %add3A_578 = arith.addi %add3A_577, %scan3A_543 : i32
        %get3A_579 = arith.index_cast %add3A_578 : i32 to index
        %get3A_580 = arith.constant 48 : index
        %get3A_581 = tpu.vector_load %arg7[%get3A_579, %get3A_580] {strides = array<i32>} : memref<200x64xf32, #tpu.memory_space<vmem>>, vector<1x16xf32>,
        %get3A_582 = vector.shape_cast %get3A_581 : vector<1x16xf32> to vector<16xf32>
        %swap3A_583 = arith.index_cast %scan3A_543 : i32 to index
        %swap3A_584 = arith.constant 48 : index
        %swap3A_585 = tpu.vector_load %arg9[%swap3A_583, %swap3A_584] {strides = array<i32>} : memref<100x64xf32, #tpu.memory_space<vmem>>, vector<1x16xf32>,
        %swap3A_586 = vector.shape_cast %swap3A_585 : vector<1x16xf32> to vector<16xf32>
        %swap3A_587 = vector.shape_cast %get3A_582 : vector<16xf32> to vector<1x16xf32>
        tpu.vector_store %arg9[%swap3A_583, %swap3A_584], %swap3A_587 {add = true, strides = array<i32>} : memref<100x64xf32, #tpu.memory_space<vmem>>, vector<1x16xf32>,
        %scan3A_588 = arith.constant 2 : i32
        %scan3A_589 = arith.addi %scan3A_499, %scan3A_588 : i32
        %add3A_590 = arith.constant 100 : i32
        %add3A_591 = arith.addi %add3A_590, %scan3A_589 : i32
        %get3A_592 = arith.index_cast %add3A_591 : i32 to index
        %get3A_593 = arith.constant 0 : index
        %get3A_594 = tpu.vector_load %arg7[%get3A_592, %get3A_593] {strides = array<i32>} : memref<200x64xf32, #tpu.memory_space<vmem>>, vector<1x16xf32>,
        %get3A_595 = vector.shape_cast %get3A_594 : vector<1x16xf32> to vector<16xf32>
        %swap3A_596 = arith.index_cast %scan3A_589 : i32 to index
        %swap3A_597 = arith.constant 0 : index
        %swap3A_598 = tpu.vector_load %arg9[%swap3A_596, %swap3A_597] {strides = array<i32>} : memref<100x64xf32, #tpu.memory_space<vmem>>, vector<1x16xf32>,
        %swap3A_599 = vector.shape_cast %swap3A_598 : vector<1x16xf32> to vector<16xf32>
        %swap3A_600 = vector.shape_cast %get3A_595 : vector<16xf32> to vector<1x16xf32>
        tpu.vector_store %arg9[%swap3A_596, %swap3A_597], %swap3A_600 {add = true, strides = array<i32>} : memref<100x64xf32, #tpu.memory_space<vmem>>, vector<1x16xf32>,
        %add3A_601 = arith.constant 100 : i32
        %add3A_602 = arith.addi %add3A_601, %scan3A_589 : i32
        %get3A_603 = arith.index_cast %add3A_602 : i32 to index
        %get3A_604 = arith.constant 16 : index
        %get3A_605 = tpu.vector_load %arg7[%get3A_603, %get3A_604] {strides = array<i32>} : memref<200x64xf32, #tpu.memory_space<vmem>>, vector<1x16xf32>,
        %get3A_606 = vector.shape_cast %get3A_605 : vector<1x16xf32> to vector<16xf32>
        %swap3A_607 = arith.index_cast %scan3A_589 : i32 to index
        %swap3A_608 = arith.constant 16 : index
        %swap3A_609 = tpu.vector_load %arg9[%swap3A_607, %swap3A_608] {strides = array<i32>} : memref<100x64xf32, #tpu.memory_space<vmem>>, vector<1x16xf32>,
        %swap3A_610 = vector.shape_cast %swap3A_609 : vector<1x16xf32> to vector<16xf32>
        %swap3A_611 = vector.shape_cast %get3A_606 : vector<16xf32> to vector<1x16xf32>
        tpu.vector_store %arg9[%swap3A_607, %swap3A_608], %swap3A_611 {add = true, strides = array<i32>} : memref<100x64xf32, #tpu.memory_space<vmem>>, vector<1x16xf32>,
        %add3A_612 = arith.constant 100 : i32
        %add3A_613 = arith.addi %add3A_612, %scan3A_589 : i32
        %get3A_614 = arith.index_cast %add3A_613 : i32 to index
        %get3A_615 = arith.constant 32 : index
        %get3A_616 = tpu.vector_load %arg7[%get3A_614, %get3A_615] {strides = array<i32>} : memref<200x64xf32, #tpu.memory_space<vmem>>, vector<1x16xf32>,
        %get3A_617 = vector.shape_cast %get3A_616 : vector<1x16xf32> to vector<16xf32>
        %swap3A_618 = arith.index_cast %scan3A_589 : i32 to index
        %swap3A_619 = arith.constant 32 : index
        %swap3A_620 = tpu.vector_load %arg9[%swap3A_618, %swap3A_619] {strides = array<i32>} : memref<100x64xf32, #tpu.memory_space<vmem>>, vector<1x16xf32>,
        %swap3A_621 = vector.shape_cast %swap3A_620 : vector<1x16xf32> to vector<16xf32>
        %swap3A_622 = vector.shape_cast %get3A_617 : vector<16xf32> to vector<1x16xf32>
        tpu.vector_store %arg9[%swap3A_618, %swap3A_619], %swap3A_622 {add = true, strides = array<i32>} : memref<100x64xf32, #tpu.memory_space<vmem>>, vector<1x16xf32>,
        %add3A_623 = arith.constant 100 : i32
        %add3A_624 = arith.addi %add3A_623, %scan3A_589 : i32
        %get3A_625 = arith.index_cast %add3A_624 : i32 to index
        %get3A_626 = arith.constant 48 : index
        %get3A_627 = tpu.vector_load %arg7[%get3A_625, %get3A_626] {strides = array<i32>} : memref<200x64xf32, #tpu.memory_space<vmem>>, vector<1x16xf32>,
        %get3A_628 = vector.shape_cast %get3A_627 : vector<1x16xf32> to vector<16xf32>
        %swap3A_629 = arith.index_cast %scan3A_589 : i32 to index
        %swap3A_630 = arith.constant 48 : index
        %swap3A_631 = tpu.vector_load %arg9[%swap3A_629, %swap3A_630] {strides = array<i32>} : memref<100x64xf32, #tpu.memory_space<vmem>>, vector<1x16xf32>,
        %swap3A_632 = vector.shape_cast %swap3A_631 : vector<1x16xf32> to vector<16xf32>
        %swap3A_633 = vector.shape_cast %get3A_628 : vector<16xf32> to vector<1x16xf32>
        tpu.vector_store %arg9[%swap3A_629, %swap3A_630], %swap3A_633 {add = true, strides = array<i32>} : memref<100x64xf32, #tpu.memory_space<vmem>>, vector<1x16xf32>,
        %scan3A_634 = arith.constant 3 : i32
        %scan3A_635 = arith.addi %scan3A_499, %scan3A_634 : i32
        %add3A_636 = arith.constant 100 : i32
        %add3A_637 = arith.addi %add3A_636, %scan3A_635 : i32
        %get3A_638 = arith.index_cast %add3A_637 : i32 to index
        %get3A_639 = arith.constant 0 : index
        %get3A_640 = tpu.vector_load %arg7[%get3A_638, %get3A_639] {strides = array<i32>} : memref<200x64xf32, #tpu.memory_space<vmem>>, vector<1x16xf32>,
        %get3A_641 = vector.shape_cast %get3A_640 : vector<1x16xf32> to vector<16xf32>
        %swap3A_642 = arith.index_cast %scan3A_635 : i32 to index
        %swap3A_643 = arith.constant 0 : index
        %swap3A_644 = tpu.vector_load %arg9[%swap3A_642, %swap3A_643] {strides = array<i32>} : memref<100x64xf32, #tpu.memory_space<vmem>>, vector<1x16xf32>,
        %swap3A_645 = vector.shape_cast %swap3A_644 : vector<1x16xf32> to vector<16xf32>
        %swap3A_646 = vector.shape_cast %get3A_641 : vector<16xf32> to vector<1x16xf32>
        tpu.vector_store %arg9[%swap3A_642, %swap3A_643], %swap3A_646 {add = true, strides = array<i32>} : memref<100x64xf32, #tpu.memory_space<vmem>>, vector<1x16xf32>,
        %add3A_647 = arith.constant 100 : i32
        %add3A_648 = arith.addi %add3A_647, %scan3A_635 : i32
        %get3A_649 = arith.index_cast %add3A_648 : i32 to index
        %get3A_650 = arith.constant 16 : index
        %get3A_651 = tpu.vector_load %arg7[%get3A_649, %get3A_650] {strides = array<i32>} : memref<200x64xf32, #tpu.memory_space<vmem>>, vector<1x16xf32>,
        %get3A_652 = vector.shape_cast %get3A_651 : vector<1x16xf32> to vector<16xf32>
        %swap3A_653 = arith.index_cast %scan3A_635 : i32 to index
        %swap3A_654 = arith.constant 16 : index
        %swap3A_655 = tpu.vector_load %arg9[%swap3A_653, %swap3A_654] {strides = array<i32>} : memref<100x64xf32, #tpu.memory_space<vmem>>, vector<1x16xf32>,
        %swap3A_656 = vector.shape_cast %swap3A_655 : vector<1x16xf32> to vector<16xf32>
        %swap3A_657 = vector.shape_cast %get3A_652 : vector<16xf32> to vector<1x16xf32>
        tpu.vector_store %arg9[%swap3A_653, %swap3A_654], %swap3A_657 {add = true, strides = array<i32>} : memref<100x64xf32, #tpu.memory_space<vmem>>, vector<1x16xf32>,
        %add3A_658 = arith.constant 100 : i32
        %add3A_659 = arith.addi %add3A_658, %scan3A_635 : i32
        %get3A_660 = arith.index_cast %add3A_659 : i32 to index
        %get3A_661 = arith.constant 32 : index
        %get3A_662 = tpu.vector_load %arg7[%get3A_660, %get3A_661] {strides = array<i32>} : memref<200x64xf32, #tpu.memory_space<vmem>>, vector<1x16xf32>,
        %get3A_663 = vector.shape_cast %get3A_662 : vector<1x16xf32> to vector<16xf32>
        %swap3A_664 = arith.index_cast %scan3A_635 : i32 to index
        %swap3A_665 = arith.constant 32 : index
        %swap3A_666 = tpu.vector_load %arg9[%swap3A_664, %swap3A_665] {strides = array<i32>} : memref<100x64xf32, #tpu.memory_space<vmem>>, vector<1x16xf32>,
        %swap3A_667 = vector.shape_cast %swap3A_666 : vector<1x16xf32> to vector<16xf32>
        %swap3A_668 = vector.shape_cast %get3A_663 : vector<16xf32> to vector<1x16xf32>
        tpu.vector_store %arg9[%swap3A_664, %swap3A_665], %swap3A_668 {add = true, strides = array<i32>} : memref<100x64xf32, #tpu.memory_space<vmem>>, vector<1x16xf32>,
        %add3A_669 = arith.constant 100 : i32
        %add3A_670 = arith.addi %add3A_669, %scan3A_635 : i32
        %get3A_671 = arith.index_cast %add3A_670 : i32 to index
        %get3A_672 = arith.constant 48 : index
        %get3A_673 = tpu.vector_load %arg7[%get3A_671, %get3A_672] {strides = array<i32>} : memref<200x64xf32, #tpu.memory_space<vmem>>, vector<1x16xf32>,
        %get3A_674 = vector.shape_cast %get3A_673 : vector<1x16xf32> to vector<16xf32>
        %swap3A_675 = arith.index_cast %scan3A_635 : i32 to index
        %swap3A_676 = arith.constant 48 : index
        %swap3A_677 = tpu.vector_load %arg9[%swap3A_675, %swap3A_676] {strides = array<i32>} : memref<100x64xf32, #tpu.memory_space<vmem>>, vector<1x16xf32>,
        %swap3A_678 = vector.shape_cast %swap3A_677 : vector<1x16xf32> to vector<16xf32>
        %swap3A_679 = vector.shape_cast %get3A_674 : vector<16xf32> to vector<1x16xf32>
        tpu.vector_store %arg9[%swap3A_675, %swap3A_676], %swap3A_679 {add = true, strides = array<i32>} : memref<100x64xf32, #tpu.memory_space<vmem>>, vector<1x16xf32>,
      }
      %scan3A_383 = arith.constant 100 : i32
      %div3A_384 = arith.constant 2 : i32
      %div3A_385 = arith.divsi %add3A_371, %div3A_384 : i32
      %add3A_386 = arith.addi %mul3A_2, %div3A_385 : i32
      %dma_start3A_387 = arith.constant 100 : i32
      %dma_start3A_388 = arith.constant 0 : i32
      %dma_start3A_389 = tpu.memref_slice %arg5[%add3A_386, %dma_start3A_387, %dma_start3A_388] : memref<4096x200x64xf32, #tpu.memory_space<hbm>> -> memref<1x100x64xf32, #tpu.memory_space<hbm>>
      %dma_start3A_390 = tpu.memref_squeeze %dma_start3A_389 : memref<1x100x64xf32, #tpu.memory_space<hbm>> -> memref<100x64xf32, #tpu.memory_space<hbm>>
      %dma_start3A_391 = arith.constant 100 : i32
      %dma_start3A_392 = arith.constant 0 : i32
      %dma_start3A_393 = tpu.memref_slice %arg5[%add3A_386, %dma_start3A_391, %dma_start3A_392] : memref<4096x200x64xf32, #tpu.memory_space<hbm>> -> memref<1x100x64xf32, #tpu.memory_space<hbm>>
      %dma_start3A_394 = tpu.memref_squeeze %dma_start3A_393 : memref<1x100x64xf32, #tpu.memory_space<hbm>> -> memref<100x64xf32, #tpu.memory_space<hbm>>
      tpu.enqueue_dma source(%arg9 : memref<100x64xf32, #tpu.memory_space<vmem>>) target(%dma_start3A_394 : memref<100x64xf32, #tpu.memory_space<hbm>>) target_semaphore(%arg17 : memref<!tpu.dma_semaphore, #tpu.memory_space<semaphore_mem>>)
      %dma_wait3A_395 = arith.constant 0 : i32
      %dma_wait3A_396 = arith.constant 0 : i32
      %dma_wait3A_397 = tpu.memref_slice %arg5[%mul3A_2, %dma_wait3A_395, %dma_wait3A_396] : memref<4096x200x64xf32, #tpu.memory_space<hbm>> -> memref<1x100x64xf32, #tpu.memory_space<hbm>>
      %dma_wait3A_398 = tpu.memref_squeeze %dma_wait3A_397 : memref<1x100x64xf32, #tpu.memory_space<hbm>> -> memref<100x64xf32, #tpu.memory_space<hbm>>
      %dma_wait3A_399 = arith.constant 0 : i32
      %dma_wait3A_400 = arith.constant 0 : i32
      %dma_wait3A_401 = tpu.memref_slice %arg5[%mul3A_2, %dma_wait3A_399, %dma_wait3A_400] : memref<4096x200x64xf32, #tpu.memory_space<hbm>> -> memref<1x100x64xf32, #tpu.memory_space<hbm>>
      %dma_wait3A_402 = tpu.memref_squeeze %dma_wait3A_401 : memref<1x100x64xf32, #tpu.memory_space<hbm>> -> memref<100x64xf32, #tpu.memory_space<hbm>>
      tpu.wait_dma2 semaphore(%arg16 : memref<!tpu.dma_semaphore, #tpu.memory_space<semaphore_mem>>) src(%arg8 : memref<100x64xf32, #tpu.memory_space<vmem>>) dst(%dma_wait3A_402 : memref<100x64xf32, #tpu.memory_space<hbm>>)
      %add3A_403 = arith.constant 4 : i32
      %add3A_404 = arith.addi %add3A_371, %add3A_403 : i32
      %sub3A_405 = arith.constant 1 : i32
      %sub3A_406 = arith.subi %add3A_404, %sub3A_405 : i32
      %dma_start3A_407 = arith.constant 0 : i32
      %dma_start3A_408 = tpu.memref_slice %arg6[%sub3A_406, %dma_start3A_407] : memref<256x100xi32, #tpu.memory_space<vmem>> -> memref<1x100xi32, #tpu.memory_space<vmem>>
      %dma_start3A_409 = tpu.memref_squeeze %dma_start3A_408 : memref<1x100xi32, #tpu.memory_space<vmem>> -> memref<100xi32, #tpu.memory_space<vmem>>
      %dma_start3A_410 = arith.constant 0 : i32
      %dma_start3A_411 = arith.constant 0 : i32
      %dma_start3A_412 = tpu.memref_slice %arg3[%dma_start3A_410, %dma_start3A_411] : memref<1000000x64xf32, #tpu.memory_space<hbm>> -> memref<1000000x64xf32, #tpu.memory_space<hbm>>
      tpu.enqueue_indirect_dma source(%dma_start3A_412 : memref<1000000x64xf32, #tpu.memory_space<hbm>>) target(%arg8 : memref<100x64xf32, #tpu.memory_space<vmem>>) offsets(%dma_start3A_409 : memref<100xi32, #tpu.memory_space<vmem>>) semaphore(%arg12 : memref<!tpu.dma_semaphore, #tpu.memory_space<semaphore_mem>>)
      %add3A_413 = arith.constant 2 : i32
      %add3A_414 = arith.addi %mul3A_327, %add3A_413 : i32
      %dma_wait3A_415 = arith.constant 0 : i32
      %dma_wait3A_416 = tpu.memref_slice %arg6[%add3A_414, %dma_wait3A_415] : memref<256x100xi32, #tpu.memory_space<vmem>> -> memref<1x100xi32, #tpu.memory_space<vmem>>
      %dma_wait3A_417 = tpu.memref_squeeze %dma_wait3A_416 : memref<1x100xi32, #tpu.memory_space<vmem>> -> memref<100xi32, #tpu.memory_space<vmem>>
      %dma_wait3A_418 = arith.constant 0 : i32
      %dma_wait3A_419 = arith.constant 0 : i32
      %dma_wait3A_420 = tpu.memref_slice %arg3[%dma_wait3A_418, %dma_wait3A_419] : memref<1000000x64xf32, #tpu.memory_space<hbm>> -> memref<1000000x64xf32, #tpu.memory_space<hbm>>
      tpu.wait_indirect_dma semaphore(%arg14 : memref<!tpu.dma_semaphore, #tpu.memory_space<semaphore_mem>>) src(%dma_wait3A_420 : memref<1000000x64xf32, #tpu.memory_space<hbm>>) dst(%arg10 : memref<100x64xf32, #tpu.memory_space<vmem>>)
      %scan3A_421 = arith.constant 0 : i32
      %scan3A_422 = arith.constant 0 : i32
      %scan3A_423 = arith.constant 100 : i32
      %scan3A_424 = arith.addi %scan3A_422, %scan3A_423 : i32
      %scan3A_425 = arith.constant 4 : i32
      scf.for %scan3A_499 = %scan3A_422 to %scan3A_424 step %scan3A_425  : i32 {
        %add3A_500 = arith.constant 0 : i32
        %add3A_501 = arith.addi %add3A_500, %scan3A_499 : i32
        %get3A = arith.index_cast %add3A_501 : i32 to index
        %get3A_502 = arith.constant 0 : index
        %get3A_503 = tpu.vector_load %arg7[%get3A, %get3A_502] {strides = array<i32>} : memref<200x64xf32, #tpu.memory_space<vmem>>, vector<1x16xf32>,
        %get3A_504 = vector.shape_cast %get3A_503 : vector<1x16xf32> to vector<16xf32>
        %swap3A = arith.index_cast %scan3A_499 : i32 to index
        %swap3A_505 = arith.constant 0 : index
        %swap3A_506 = tpu.vector_load %arg10[%swap3A, %swap3A_505] {strides = array<i32>} : memref<100x64xf32, #tpu.memory_space<vmem>>, vector<1x16xf32>,
        %swap3A_507 = vector.shape_cast %swap3A_506 : vector<1x16xf32> to vector<16xf32>
        %swap3A_508 = vector.shape_cast %get3A_504 : vector<16xf32> to vector<1x16xf32>
        tpu.vector_store %arg10[%swap3A, %swap3A_505], %swap3A_508 {add = true, strides = array<i32>} : memref<100x64xf32, #tpu.memory_space<vmem>>, vector<1x16xf32>,
        %add3A_509 = arith.constant 0 : i32
        %add3A_510 = arith.addi %add3A_509, %scan3A_499 : i32
        %get3A_511 = arith.index_cast %add3A_510 : i32 to index
        %get3A_512 = arith.constant 16 : index
        %get3A_513 = tpu.vector_load %arg7[%get3A_511, %get3A_512] {strides = array<i32>} : memref<200x64xf32, #tpu.memory_space<vmem>>, vector<1x16xf32>,
        %get3A_514 = vector.shape_cast %get3A_513 : vector<1x16xf32> to vector<16xf32>
        %swap3A_515 = arith.index_cast %scan3A_499 : i32 to index
        %swap3A_516 = arith.constant 16 : index
        %swap3A_517 = tpu.vector_load %arg10[%swap3A_515, %swap3A_516] {strides = array<i32>} : memref<100x64xf32, #tpu.memory_space<vmem>>, vector<1x16xf32>,
        %swap3A_518 = vector.shape_cast %swap3A_517 : vector<1x16xf32> to vector<16xf32>
        %swap3A_519 = vector.shape_cast %get3A_514 : vector<16xf32> to vector<1x16xf32>
        tpu.vector_store %arg10[%swap3A_515, %swap3A_516], %swap3A_519 {add = true, strides = array<i32>} : memref<100x64xf32, #tpu.memory_space<vmem>>, vector<1x16xf32>,
        %add3A_520 = arith.constant 0 : i32
        %add3A_521 = arith.addi %add3A_520, %scan3A_499 : i32
        %get3A_522 = arith.index_cast %add3A_521 : i32 to index
        %get3A_523 = arith.constant 32 : index
        %get3A_524 = tpu.vector_load %arg7[%get3A_522, %get3A_523] {strides = array<i32>} : memref<200x64xf32, #tpu.memory_space<vmem>>, vector<1x16xf32>,
        %get3A_525 = vector.shape_cast %get3A_524 : vector<1x16xf32> to vector<16xf32>
        %swap3A_526 = arith.index_cast %scan3A_499 : i32 to index
        %swap3A_527 = arith.constant 32 : index
        %swap3A_528 = tpu.vector_load %arg10[%swap3A_526, %swap3A_527] {strides = array<i32>} : memref<100x64xf32, #tpu.memory_space<vmem>>, vector<1x16xf32>,
        %swap3A_529 = vector.shape_cast %swap3A_528 : vector<1x16xf32> to vector<16xf32>
        %swap3A_530 = vector.shape_cast %get3A_525 : vector<16xf32> to vector<1x16xf32>
        tpu.vector_store %arg10[%swap3A_526, %swap3A_527], %swap3A_530 {add = true, strides = array<i32>} : memref<100x64xf32, #tpu.memory_space<vmem>>, vector<1x16xf32>,
        %add3A_531 = arith.constant 0 : i32
        %add3A_532 = arith.addi %add3A_531, %scan3A_499 : i32
        %get3A_533 = arith.index_cast %add3A_532 : i32 to index
        %get3A_534 = arith.constant 48 : index
        %get3A_535 = tpu.vector_load %arg7[%get3A_533, %get3A_534] {strides = array<i32>} : memref<200x64xf32, #tpu.memory_space<vmem>>, vector<1x16xf32>,
        %get3A_536 = vector.shape_cast %get3A_535 : vector<1x16xf32> to vector<16xf32>
        %swap3A_537 = arith.index_cast %scan3A_499 : i32 to index
        %swap3A_538 = arith.constant 48 : index
        %swap3A_539 = tpu.vector_load %arg10[%swap3A_537, %swap3A_538] {strides = array<i32>} : memref<100x64xf32, #tpu.memory_space<vmem>>, vector<1x16xf32>,
        %swap3A_540 = vector.shape_cast %swap3A_539 : vector<1x16xf32> to vector<16xf32>
        %swap3A_541 = vector.shape_cast %get3A_536 : vector<16xf32> to vector<1x16xf32>
        tpu.vector_store %arg10[%swap3A_537, %swap3A_538], %swap3A_541 {add = true, strides = array<i32>} : memref<100x64xf32, #tpu.memory_space<vmem>>, vector<1x16xf32>,
        %scan3A_542 = arith.constant 1 : i32
        %scan3A_543 = arith.addi %scan3A_499, %scan3A_542 : i32
        %add3A_544 = arith.constant 0 : i32
        %add3A_545 = arith.addi %add3A_544, %scan3A_543 : i32
        %get3A_546 = arith.index_cast %add3A_545 : i32 to index
        %get3A_547 = arith.constant 0 : index
        %get3A_548 = tpu.vector_load %arg7[%get3A_546, %get3A_547] {strides = array<i32>} : memref<200x64xf32, #tpu.memory_space<vmem>>, vector<1x16xf32>,
        %get3A_549 = vector.shape_cast %get3A_548 : vector<1x16xf32> to vector<16xf32>
        %swap3A_550 = arith.index_cast %scan3A_543 : i32 to index
        %swap3A_551 = arith.constant 0 : index
        %swap3A_552 = tpu.vector_load %arg10[%swap3A_550, %swap3A_551] {strides = array<i32>} : memref<100x64xf32, #tpu.memory_space<vmem>>, vector<1x16xf32>,
        %swap3A_553 = vector.shape_cast %swap3A_552 : vector<1x16xf32> to vector<16xf32>
        %swap3A_554 = vector.shape_cast %get3A_549 : vector<16xf32> to vector<1x16xf32>
        tpu.vector_store %arg10[%swap3A_550, %swap3A_551], %swap3A_554 {add = true, strides = array<i32>} : memref<100x64xf32, #tpu.memory_space<vmem>>, vector<1x16xf32>,
        %add3A_555 = arith.constant 0 : i32
        %add3A_556 = arith.addi %add3A_555, %scan3A_543 : i32
        %get3A_557 = arith.index_cast %add3A_556 : i32 to index
        %get3A_558 = arith.constant 16 : index
        %get3A_559 = tpu.vector_load %arg7[%get3A_557, %get3A_558] {strides = array<i32>} : memref<200x64xf32, #tpu.memory_space<vmem>>, vector<1x16xf32>,
        %get3A_560 = vector.shape_cast %get3A_559 : vector<1x16xf32> to vector<16xf32>
        %swap3A_561 = arith.index_cast %scan3A_543 : i32 to index
        %swap3A_562 = arith.constant 16 : index
        %swap3A_563 = tpu.vector_load %arg10[%swap3A_561, %swap3A_562] {strides = array<i32>} : memref<100x64xf32, #tpu.memory_space<vmem>>, vector<1x16xf32>,
        %swap3A_564 = vector.shape_cast %swap3A_563 : vector<1x16xf32> to vector<16xf32>
        %swap3A_565 = vector.shape_cast %get3A_560 : vector<16xf32> to vector<1x16xf32>
        tpu.vector_store %arg10[%swap3A_561, %swap3A_562], %swap3A_565 {add = true, strides = array<i32>} : memref<100x64xf32, #tpu.memory_space<vmem>>, vector<1x16xf32>,
        %add3A_566 = arith.constant 0 : i32
        %add3A_567 = arith.addi %add3A_566, %scan3A_543 : i32
        %get3A_568 = arith.index_cast %add3A_567 : i32 to index
        %get3A_569 = arith.constant 32 : index
        %get3A_570 = tpu.vector_load %arg7[%get3A_568, %get3A_569] {strides = array<i32>} : memref<200x64xf32, #tpu.memory_space<vmem>>, vector<1x16xf32>,
        %get3A_571 = vector.shape_cast %get3A_570 : vector<1x16xf32> to vector<16xf32>
        %swap3A_572 = arith.index_cast %scan3A_543 : i32 to index
        %swap3A_573 = arith.constant 32 : index
        %swap3A_574 = tpu.vector_load %arg10[%swap3A_572, %swap3A_573] {strides = array<i32>} : memref<100x64xf32, #tpu.memory_space<vmem>>, vector<1x16xf32>,
        %swap3A_575 = vector.shape_cast %swap3A_574 : vector<1x16xf32> to vector<16xf32>
        %swap3A_576 = vector.shape_cast %get3A_571 : vector<16xf32> to vector<1x16xf32>
        tpu.vector_store %arg10[%swap3A_572, %swap3A_573], %swap3A_576 {add = true, strides = array<i32>} : memref<100x64xf32, #tpu.memory_space<vmem>>, vector<1x16xf32>,
        %add3A_577 = arith.constant 0 : i32
        %add3A_578 = arith.addi %add3A_577, %scan3A_543 : i32
        %get3A_579 = arith.index_cast %add3A_578 : i32 to index
        %get3A_580 = arith.constant 48 : index
        %get3A_581 = tpu.vector_load %arg7[%get3A_579, %get3A_580] {strides = array<i32>} : memref<200x64xf32, #tpu.memory_space<vmem>>, vector<1x16xf32>,
        %get3A_582 = vector.shape_cast %get3A_581 : vector<1x16xf32> to vector<16xf32>
        %swap3A_583 = arith.index_cast %scan3A_543 : i32 to index
        %swap3A_584 = arith.constant 48 : index
        %swap3A_585 = tpu.vector_load %arg10[%swap3A_583, %swap3A_584] {strides = array<i32>} : memref<100x64xf32, #tpu.memory_space<vmem>>, vector<1x16xf32>,
        %swap3A_586 = vector.shape_cast %swap3A_585 : vector<1x16xf32> to vector<16xf32>
        %swap3A_587 = vector.shape_cast %get3A_582 : vector<16xf32> to vector<1x16xf32>
        tpu.vector_store %arg10[%swap3A_583, %swap3A_584], %swap3A_587 {add = true, strides = array<i32>} : memref<100x64xf32, #tpu.memory_space<vmem>>, vector<1x16xf32>,
        %scan3A_588 = arith.constant 2 : i32
        %scan3A_589 = arith.addi %scan3A_499, %scan3A_588 : i32
        %add3A_590 = arith.constant 0 : i32
        %add3A_591 = arith.addi %add3A_590, %scan3A_589 : i32
        %get3A_592 = arith.index_cast %add3A_591 : i32 to index
        %get3A_593 = arith.constant 0 : index
        %get3A_594 = tpu.vector_load %arg7[%get3A_592, %get3A_593] {strides = array<i32>} : memref<200x64xf32, #tpu.memory_space<vmem>>, vector<1x16xf32>,
        %get3A_595 = vector.shape_cast %get3A_594 : vector<1x16xf32> to vector<16xf32>
        %swap3A_596 = arith.index_cast %scan3A_589 : i32 to index
        %swap3A_597 = arith.constant 0 : index
        %swap3A_598 = tpu.vector_load %arg10[%swap3A_596, %swap3A_597] {strides = array<i32>} : memref<100x64xf32, #tpu.memory_space<vmem>>, vector<1x16xf32>,
        %swap3A_599 = vector.shape_cast %swap3A_598 : vector<1x16xf32> to vector<16xf32>
        %swap3A_600 = vector.shape_cast %get3A_595 : vector<16xf32> to vector<1x16xf32>
        tpu.vector_store %arg10[%swap3A_596, %swap3A_597], %swap3A_600 {add = true, strides = array<i32>} : memref<100x64xf32, #tpu.memory_space<vmem>>, vector<1x16xf32>,
        %add3A_601 = arith.constant 0 : i32
        %add3A_602 = arith.addi %add3A_601, %scan3A_589 : i32
        %get3A_603 = arith.index_cast %add3A_602 : i32 to index
        %get3A_604 = arith.constant 16 : index
        %get3A_605 = tpu.vector_load %arg7[%get3A_603, %get3A_604] {strides = array<i32>} : memref<200x64xf32, #tpu.memory_space<vmem>>, vector<1x16xf32>,
        %get3A_606 = vector.shape_cast %get3A_605 : vector<1x16xf32> to vector<16xf32>
        %swap3A_607 = arith.index_cast %scan3A_589 : i32 to index
        %swap3A_608 = arith.constant 16 : index
        %swap3A_609 = tpu.vector_load %arg10[%swap3A_607, %swap3A_608] {strides = array<i32>} : memref<100x64xf32, #tpu.memory_space<vmem>>, vector<1x16xf32>,
        %swap3A_610 = vector.shape_cast %swap3A_609 : vector<1x16xf32> to vector<16xf32>
        %swap3A_611 = vector.shape_cast %get3A_606 : vector<16xf32> to vector<1x16xf32>
        tpu.vector_store %arg10[%swap3A_607, %swap3A_608], %swap3A_611 {add = true, strides = array<i32>} : memref<100x64xf32, #tpu.memory_space<vmem>>, vector<1x16xf32>,
        %add3A_612 = arith.constant 0 : i32
        %add3A_613 = arith.addi %add3A_612, %scan3A_589 : i32
        %get3A_614 = arith.index_cast %add3A_613 : i32 to index
        %get3A_615 = arith.constant 32 : index
        %get3A_616 = tpu.vector_load %arg7[%get3A_614, %get3A_615] {strides = array<i32>} : memref<200x64xf32, #tpu.memory_space<vmem>>, vector<1x16xf32>,
        %get3A_617 = vector.shape_cast %get3A_616 : vector<1x16xf32> to vector<16xf32>
        %swap3A_618 = arith.index_cast %scan3A_589 : i32 to index
        %swap3A_619 = arith.constant 32 : index
        %swap3A_620 = tpu.vector_load %arg10[%swap3A_618, %swap3A_619] {strides = array<i32>} : memref<100x64xf32, #tpu.memory_space<vmem>>, vector<1x16xf32>,
        %swap3A_621 = vector.shape_cast %swap3A_620 : vector<1x16xf32> to vector<16xf32>
        %swap3A_622 = vector.shape_cast %get3A_617 : vector<16xf32> to vector<1x16xf32>
        tpu.vector_store %arg10[%swap3A_618, %swap3A_619], %swap3A_622 {add = true, strides = array<i32>} : memref<100x64xf32, #tpu.memory_space<vmem>>, vector<1x16xf32>,
        %add3A_623 = arith.constant 0 : i32
        %add3A_624 = arith.addi %add3A_623, %scan3A_589 : i32
        %get3A_625 = arith.index_cast %add3A_624 : i32 to index
        %get3A_626 = arith.constant 48 : index
        %get3A_627 = tpu.vector_load %arg7[%get3A_625, %get3A_626] {strides = array<i32>} : memref<200x64xf32, #tpu.memory_space<vmem>>, vector<1x16xf32>,
        %get3A_628 = vector.shape_cast %get3A_627 : vector<1x16xf32> to vector<16xf32>
        %swap3A_629 = arith.index_cast %scan3A_589 : i32 to index
        %swap3A_630 = arith.constant 48 : index
        %swap3A_631 = tpu.vector_load %arg10[%swap3A_629, %swap3A_630] {strides = array<i32>} : memref<100x64xf32, #tpu.memory_space<vmem>>, vector<1x16xf32>,
        %swap3A_632 = vector.shape_cast %swap3A_631 : vector<1x16xf32> to vector<16xf32>
        %swap3A_633 = vector.shape_cast %get3A_628 : vector<16xf32> to vector<1x16xf32>
        tpu.vector_store %arg10[%swap3A_629, %swap3A_630], %swap3A_633 {add = true, strides = array<i32>} : memref<100x64xf32, #tpu.memory_space<vmem>>, vector<1x16xf32>,
        %scan3A_634 = arith.constant 3 : i32
        %scan3A_635 = arith.addi %scan3A_499, %scan3A_634 : i32
        %add3A_636 = arith.constant 0 : i32
        %add3A_637 = arith.addi %add3A_636, %scan3A_635 : i32
        %get3A_638 = arith.index_cast %add3A_637 : i32 to index
        %get3A_639 = arith.constant 0 : index
        %get3A_640 = tpu.vector_load %arg7[%get3A_638, %get3A_639] {strides = array<i32>} : memref<200x64xf32, #tpu.memory_space<vmem>>, vector<1x16xf32>,
        %get3A_641 = vector.shape_cast %get3A_640 : vector<1x16xf32> to vector<16xf32>
        %swap3A_642 = arith.index_cast %scan3A_635 : i32 to index
        %swap3A_643 = arith.constant 0 : index
        %swap3A_644 = tpu.vector_load %arg10[%swap3A_642, %swap3A_643] {strides = array<i32>} : memref<100x64xf32, #tpu.memory_space<vmem>>, vector<1x16xf32>,
        %swap3A_645 = vector.shape_cast %swap3A_644 : vector<1x16xf32> to vector<16xf32>
        %swap3A_646 = vector.shape_cast %get3A_641 : vector<16xf32> to vector<1x16xf32>
        tpu.vector_store %arg10[%swap3A_642, %swap3A_643], %swap3A_646 {add = true, strides = array<i32>} : memref<100x64xf32, #tpu.memory_space<vmem>>, vector<1x16xf32>,
        %add3A_647 = arith.constant 0 : i32
        %add3A_648 = arith.addi %add3A_647, %scan3A_635 : i32
        %get3A_649 = arith.index_cast %add3A_648 : i32 to index
        %get3A_650 = arith.constant 16 : index
        %get3A_651 = tpu.vector_load %arg7[%get3A_649, %get3A_650] {strides = array<i32>} : memref<200x64xf32, #tpu.memory_space<vmem>>, vector<1x16xf32>,
        %get3A_652 = vector.shape_cast %get3A_651 : vector<1x16xf32> to vector<16xf32>
        %swap3A_653 = arith.index_cast %scan3A_635 : i32 to index
        %swap3A_654 = arith.constant 16 : index
        %swap3A_655 = tpu.vector_load %arg10[%swap3A_653, %swap3A_654] {strides = array<i32>} : memref<100x64xf32, #tpu.memory_space<vmem>>, vector<1x16xf32>,
        %swap3A_656 = vector.shape_cast %swap3A_655 : vector<1x16xf32> to vector<16xf32>
        %swap3A_657 = vector.shape_cast %get3A_652 : vector<16xf32> to vector<1x16xf32>
        tpu.vector_store %arg10[%swap3A_653, %swap3A_654], %swap3A_657 {add = true, strides = array<i32>} : memref<100x64xf32, #tpu.memory_space<vmem>>, vector<1x16xf32>,
        %add3A_658 = arith.constant 0 : i32
        %add3A_659 = arith.addi %add3A_658, %scan3A_635 : i32
        %get3A_660 = arith.index_cast %add3A_659 : i32 to index
        %get3A_661 = arith.constant 32 : index
        %get3A_662 = tpu.vector_load %arg7[%get3A_660, %get3A_661] {strides = array<i32>} : memref<200x64xf32, #tpu.memory_space<vmem>>, vector<1x16xf32>,
        %get3A_663 = vector.shape_cast %get3A_662 : vector<1x16xf32> to vector<16xf32>
        %swap3A_664 = arith.index_cast %scan3A_635 : i32 to index
        %swap3A_665 = arith.constant 32 : index
        %swap3A_666 = tpu.vector_load %arg10[%swap3A_664, %swap3A_665] {strides = array<i32>} : memref<100x64xf32, #tpu.memory_space<vmem>>, vector<1x16xf32>,
        %swap3A_667 = vector.shape_cast %swap3A_666 : vector<1x16xf32> to vector<16xf32>
        %swap3A_668 = vector.shape_cast %get3A_663 : vector<16xf32> to vector<1x16xf32>
        tpu.vector_store %arg10[%swap3A_664, %swap3A_665], %swap3A_668 {add = true, strides = array<i32>} : memref<100x64xf32, #tpu.memory_space<vmem>>, vector<1x16xf32>,
        %add3A_669 = arith.constant 0 : i32
        %add3A_670 = arith.addi %add3A_669, %scan3A_635 : i32
        %get3A_671 = arith.index_cast %add3A_670 : i32 to index
        %get3A_672 = arith.constant 48 : index
        %get3A_673 = tpu.vector_load %arg7[%get3A_671, %get3A_672] {strides = array<i32>} : memref<200x64xf32, #tpu.memory_space<vmem>>, vector<1x16xf32>,
        %get3A_674 = vector.shape_cast %get3A_673 : vector<1x16xf32> to vector<16xf32>
        %swap3A_675 = arith.index_cast %scan3A_635 : i32 to index
        %swap3A_676 = arith.constant 48 : index
        %swap3A_677 = tpu.vector_load %arg10[%swap3A_675, %swap3A_676] {strides = array<i32>} : memref<100x64xf32, #tpu.memory_space<vmem>>, vector<1x16xf32>,
        %swap3A_678 = vector.shape_cast %swap3A_677 : vector<1x16xf32> to vector<16xf32>
        %swap3A_679 = vector.shape_cast %get3A_674 : vector<16xf32> to vector<1x16xf32>
        tpu.vector_store %arg10[%swap3A_675, %swap3A_676], %swap3A_679 {add = true, strides = array<i32>} : memref<100x64xf32, #tpu.memory_space<vmem>>, vector<1x16xf32>,
      }
      %scan3A_426 = arith.constant 100 : i32
      %div3A_427 = arith.constant 2 : i32
      %div3A_428 = arith.divsi %add3A_414, %div3A_427 : i32
      %add3A_429 = arith.addi %mul3A_2, %div3A_428 : i32
      %dma_start3A_430 = arith.constant 0 : i32
      %dma_start3A_431 = arith.constant 0 : i32
      %dma_start3A_432 = tpu.memref_slice %arg5[%add3A_429, %dma_start3A_430, %dma_start3A_431] : memref<4096x200x64xf32, #tpu.memory_space<hbm>> -> memref<1x100x64xf32, #tpu.memory_space<hbm>>
      %dma_start3A_433 = tpu.memref_squeeze %dma_start3A_432 : memref<1x100x64xf32, #tpu.memory_space<hbm>> -> memref<100x64xf32, #tpu.memory_space<hbm>>
      %dma_start3A_434 = arith.constant 0 : i32
      %dma_start3A_435 = arith.constant 0 : i32
      %dma_start3A_436 = tpu.memref_slice %arg5[%add3A_429, %dma_start3A_434, %dma_start3A_435] : memref<4096x200x64xf32, #tpu.memory_space<hbm>> -> memref<1x100x64xf32, #tpu.memory_space<hbm>>
      %dma_start3A_437 = tpu.memref_squeeze %dma_start3A_436 : memref<1x100x64xf32, #tpu.memory_space<hbm>> -> memref<100x64xf32, #tpu.memory_space<hbm>>
      tpu.enqueue_dma source(%arg10 : memref<100x64xf32, #tpu.memory_space<vmem>>) target(%dma_start3A_437 : memref<100x64xf32, #tpu.memory_space<hbm>>) target_semaphore(%arg18 : memref<!tpu.dma_semaphore, #tpu.memory_space<semaphore_mem>>)
      %dma_wait3A_438 = arith.constant 0 : i32
      %dma_wait3A_439 = arith.constant 0 : i32
      %dma_wait3A_440 = tpu.memref_slice %arg5[%mul3A_2, %dma_wait3A_438, %dma_wait3A_439] : memref<4096x200x64xf32, #tpu.memory_space<hbm>> -> memref<1x100x64xf32, #tpu.memory_space<hbm>>
      %dma_wait3A_441 = tpu.memref_squeeze %dma_wait3A_440 : memref<1x100x64xf32, #tpu.memory_space<hbm>> -> memref<100x64xf32, #tpu.memory_space<hbm>>
      %dma_wait3A_442 = arith.constant 0 : i32
      %dma_wait3A_443 = arith.constant 0 : i32
      %dma_wait3A_444 = tpu.memref_slice %arg5[%mul3A_2, %dma_wait3A_442, %dma_wait3A_443] : memref<4096x200x64xf32, #tpu.memory_space<hbm>> -> memref<1x100x64xf32, #tpu.memory_space<hbm>>
      %dma_wait3A_445 = tpu.memref_squeeze %dma_wait3A_444 : memref<1x100x64xf32, #tpu.memory_space<hbm>> -> memref<100x64xf32, #tpu.memory_space<hbm>>
      tpu.wait_dma2 semaphore(%arg17 : memref<!tpu.dma_semaphore, #tpu.memory_space<semaphore_mem>>) src(%arg9 : memref<100x64xf32, #tpu.memory_space<vmem>>) dst(%dma_wait3A_445 : memref<100x64xf32, #tpu.memory_space<hbm>>)
      %add3A_446 = arith.constant 4 : i32
      %add3A_447 = arith.addi %add3A_414, %add3A_446 : i32
      %sub3A_448 = arith.constant 1 : i32
      %sub3A_449 = arith.subi %add3A_447, %sub3A_448 : i32
      %dma_start3A_450 = arith.constant 0 : i32
      %dma_start3A_451 = tpu.memref_slice %arg6[%sub3A_449, %dma_start3A_450] : memref<256x100xi32, #tpu.memory_space<vmem>> -> memref<1x100xi32, #tpu.memory_space<vmem>>
      %dma_start3A_452 = tpu.memref_squeeze %dma_start3A_451 : memref<1x100xi32, #tpu.memory_space<vmem>> -> memref<100xi32, #tpu.memory_space<vmem>>
      %dma_start3A_453 = arith.constant 0 : i32
      %dma_start3A_454 = arith.constant 0 : i32
      %dma_start3A_455 = tpu.memref_slice %arg3[%dma_start3A_453, %dma_start3A_454] : memref<1000000x64xf32, #tpu.memory_space<hbm>> -> memref<1000000x64xf32, #tpu.memory_space<hbm>>
      tpu.enqueue_indirect_dma source(%dma_start3A_455 : memref<1000000x64xf32, #tpu.memory_space<hbm>>) target(%arg9 : memref<100x64xf32, #tpu.memory_space<vmem>>) offsets(%dma_start3A_452 : memref<100xi32, #tpu.memory_space<vmem>>) semaphore(%arg13 : memref<!tpu.dma_semaphore, #tpu.memory_space<semaphore_mem>>)
      %add3A_456 = arith.constant 3 : i32
      %add3A_457 = arith.addi %mul3A_327, %add3A_456 : i32
      %dma_wait3A_458 = arith.constant 0 : i32
      %dma_wait3A_459 = tpu.memref_slice %arg6[%add3A_457, %dma_wait3A_458] : memref<256x100xi32, #tpu.memory_space<vmem>> -> memref<1x100xi32, #tpu.memory_space<vmem>>
      %dma_wait3A_460 = tpu.memref_squeeze %dma_wait3A_459 : memref<1x100xi32, #tpu.memory_space<vmem>> -> memref<100xi32, #tpu.memory_space<vmem>>
      %dma_wait3A_461 = arith.constant 0 : i32
      %dma_wait3A_462 = arith.constant 0 : i32
      %dma_wait3A_463 = tpu.memref_slice %arg3[%dma_wait3A_461, %dma_wait3A_462] : memref<1000000x64xf32, #tpu.memory_space<hbm>> -> memref<1000000x64xf32, #tpu.memory_space<hbm>>
      tpu.wait_indirect_dma semaphore(%arg15 : memref<!tpu.dma_semaphore, #tpu.memory_space<semaphore_mem>>) src(%dma_wait3A_463 : memref<1000000x64xf32, #tpu.memory_space<hbm>>) dst(%arg11 : memref<100x64xf32, #tpu.memory_space<vmem>>)
      %scan3A_464 = arith.constant 0 : i32
      %scan3A_465 = arith.constant 0 : i32
      %scan3A_466 = arith.constant 100 : i32
      %scan3A_467 = arith.addi %scan3A_465, %scan3A_466 : i32
      %scan3A_468 = arith.constant 4 : i32
      scf.for %scan3A_499 = %scan3A_465 to %scan3A_467 step %scan3A_468  : i32 {
        %add3A_500 = arith.constant 100 : i32
        %add3A_501 = arith.addi %add3A_500, %scan3A_499 : i32
        %get3A = arith.index_cast %add3A_501 : i32 to index
        %get3A_502 = arith.constant 0 : index
        %get3A_503 = tpu.vector_load %arg7[%get3A, %get3A_502] {strides = array<i32>} : memref<200x64xf32, #tpu.memory_space<vmem>>, vector<1x16xf32>,
        %get3A_504 = vector.shape_cast %get3A_503 : vector<1x16xf32> to vector<16xf32>
        %swap3A = arith.index_cast %scan3A_499 : i32 to index
        %swap3A_505 = arith.constant 0 : index
        %swap3A_506 = tpu.vector_load %arg11[%swap3A, %swap3A_505] {strides = array<i32>} : memref<100x64xf32, #tpu.memory_space<vmem>>, vector<1x16xf32>,
        %swap3A_507 = vector.shape_cast %swap3A_506 : vector<1x16xf32> to vector<16xf32>
        %swap3A_508 = vector.shape_cast %get3A_504 : vector<16xf32> to vector<1x16xf32>
        tpu.vector_store %arg11[%swap3A, %swap3A_505], %swap3A_508 {add = true, strides = array<i32>} : memref<100x64xf32, #tpu.memory_space<vmem>>, vector<1x16xf32>,
        %add3A_509 = arith.constant 100 : i32
        %add3A_510 = arith.addi %add3A_509, %scan3A_499 : i32
        %get3A_511 = arith.index_cast %add3A_510 : i32 to index
        %get3A_512 = arith.constant 16 : index
        %get3A_513 = tpu.vector_load %arg7[%get3A_511, %get3A_512] {strides = array<i32>} : memref<200x64xf32, #tpu.memory_space<vmem>>, vector<1x16xf32>,
        %get3A_514 = vector.shape_cast %get3A_513 : vector<1x16xf32> to vector<16xf32>
        %swap3A_515 = arith.index_cast %scan3A_499 : i32 to index
        %swap3A_516 = arith.constant 16 : index
        %swap3A_517 = tpu.vector_load %arg11[%swap3A_515, %swap3A_516] {strides = array<i32>} : memref<100x64xf32, #tpu.memory_space<vmem>>, vector<1x16xf32>,
        %swap3A_518 = vector.shape_cast %swap3A_517 : vector<1x16xf32> to vector<16xf32>
        %swap3A_519 = vector.shape_cast %get3A_514 : vector<16xf32> to vector<1x16xf32>
        tpu.vector_store %arg11[%swap3A_515, %swap3A_516], %swap3A_519 {add = true, strides = array<i32>} : memref<100x64xf32, #tpu.memory_space<vmem>>, vector<1x16xf32>,
        %add3A_520 = arith.constant 100 : i32
        %add3A_521 = arith.addi %add3A_520, %scan3A_499 : i32
        %get3A_522 = arith.index_cast %add3A_521 : i32 to index
        %get3A_523 = arith.constant 32 : index
        %get3A_524 = tpu.vector_load %arg7[%get3A_522, %get3A_523] {strides = array<i32>} : memref<200x64xf32, #tpu.memory_space<vmem>>, vector<1x16xf32>,
        %get3A_525 = vector.shape_cast %get3A_524 : vector<1x16xf32> to vector<16xf32>
        %swap3A_526 = arith.index_cast %scan3A_499 : i32 to index
        %swap3A_527 = arith.constant 32 : index
        %swap3A_528 = tpu.vector_load %arg11[%swap3A_526, %swap3A_527] {strides = array<i32>} : memref<100x64xf32, #tpu.memory_space<vmem>>, vector<1x16xf32>,
        %swap3A_529 = vector.shape_cast %swap3A_528 : vector<1x16xf32> to vector<16xf32>
        %swap3A_530 = vector.shape_cast %get3A_525 : vector<16xf32> to vector<1x16xf32>
        tpu.vector_store %arg11[%swap3A_526, %swap3A_527], %swap3A_530 {add = true, strides = array<i32>} : memref<100x64xf32, #tpu.memory_space<vmem>>, vector<1x16xf32>,
        %add3A_531 = arith.constant 100 : i32
        %add3A_532 = arith.addi %add3A_531, %scan3A_499 : i32
        %get3A_533 = arith.index_cast %add3A_532 : i32 to index
        %get3A_534 = arith.constant 48 : index
        %get3A_535 = tpu.vector_load %arg7[%get3A_533, %get3A_534] {strides = array<i32>} : memref<200x64xf32, #tpu.memory_space<vmem>>, vector<1x16xf32>,
        %get3A_536 = vector.shape_cast %get3A_535 : vector<1x16xf32> to vector<16xf32>
        %swap3A_537 = arith.index_cast %scan3A_499 : i32 to index
        %swap3A_538 = arith.constant 48 : index
        %swap3A_539 = tpu.vector_load %arg11[%swap3A_537, %swap3A_538] {strides = array<i32>} : memref<100x64xf32, #tpu.memory_space<vmem>>, vector<1x16xf32>,
        %swap3A_540 = vector.shape_cast %swap3A_539 : vector<1x16xf32> to vector<16xf32>
        %swap3A_541 = vector.shape_cast %get3A_536 : vector<16xf32> to vector<1x16xf32>
        tpu.vector_store %arg11[%swap3A_537, %swap3A_538], %swap3A_541 {add = true, strides = array<i32>} : memref<100x64xf32, #tpu.memory_space<vmem>>, vector<1x16xf32>,
        %scan3A_542 = arith.constant 1 : i32
        %scan3A_543 = arith.addi %scan3A_499, %scan3A_542 : i32
        %add3A_544 = arith.constant 100 : i32
        %add3A_545 = arith.addi %add3A_544, %scan3A_543 : i32
        %get3A_546 = arith.index_cast %add3A_545 : i32 to index
        %get3A_547 = arith.constant 0 : index
        %get3A_548 = tpu.vector_load %arg7[%get3A_546, %get3A_547] {strides = array<i32>} : memref<200x64xf32, #tpu.memory_space<vmem>>, vector<1x16xf32>,
        %get3A_549 = vector.shape_cast %get3A_548 : vector<1x16xf32> to vector<16xf32>
        %swap3A_550 = arith.index_cast %scan3A_543 : i32 to index
        %swap3A_551 = arith.constant 0 : index
        %swap3A_552 = tpu.vector_load %arg11[%swap3A_550, %swap3A_551] {strides = array<i32>} : memref<100x64xf32, #tpu.memory_space<vmem>>, vector<1x16xf32>,
        %swap3A_553 = vector.shape_cast %swap3A_552 : vector<1x16xf32> to vector<16xf32>
        %swap3A_554 = vector.shape_cast %get3A_549 : vector<16xf32> to vector<1x16xf32>
        tpu.vector_store %arg11[%swap3A_550, %swap3A_551], %swap3A_554 {add = true, strides = array<i32>} : memref<100x64xf32, #tpu.memory_space<vmem>>, vector<1x16xf32>,
        %add3A_555 = arith.constant 100 : i32
        %add3A_556 = arith.addi %add3A_555, %scan3A_543 : i32
        %get3A_557 = arith.index_cast %add3A_556 : i32 to index
        %get3A_558 = arith.constant 16 : index
        %get3A_559 = tpu.vector_load %arg7[%get3A_557, %get3A_558] {strides = array<i32>} : memref<200x64xf32, #tpu.memory_space<vmem>>, vector<1x16xf32>,
        %get3A_560 = vector.shape_cast %get3A_559 : vector<1x16xf32> to vector<16xf32>
        %swap3A_561 = arith.index_cast %scan3A_543 : i32 to index
        %swap3A_562 = arith.constant 16 : index
        %swap3A_563 = tpu.vector_load %arg11[%swap3A_561, %swap3A_562] {strides = array<i32>} : memref<100x64xf32, #tpu.memory_space<vmem>>, vector<1x16xf32>,
        %swap3A_564 = vector.shape_cast %swap3A_563 : vector<1x16xf32> to vector<16xf32>
        %swap3A_565 = vector.shape_cast %get3A_560 : vector<16xf32> to vector<1x16xf32>
        tpu.vector_store %arg11[%swap3A_561, %swap3A_562], %swap3A_565 {add = true, strides = array<i32>} : memref<100x64xf32, #tpu.memory_space<vmem>>, vector<1x16xf32>,
        %add3A_566 = arith.constant 100 : i32
        %add3A_567 = arith.addi %add3A_566, %scan3A_543 : i32
        %get3A_568 = arith.index_cast %add3A_567 : i32 to index
        %get3A_569 = arith.constant 32 : index
        %get3A_570 = tpu.vector_load %arg7[%get3A_568, %get3A_569] {strides = array<i32>} : memref<200x64xf32, #tpu.memory_space<vmem>>, vector<1x16xf32>,
        %get3A_571 = vector.shape_cast %get3A_570 : vector<1x16xf32> to vector<16xf32>
        %swap3A_572 = arith.index_cast %scan3A_543 : i32 to index
        %swap3A_573 = arith.constant 32 : index
        %swap3A_574 = tpu.vector_load %arg11[%swap3A_572, %swap3A_573] {strides = array<i32>} : memref<100x64xf32, #tpu.memory_space<vmem>>, vector<1x16xf32>,
        %swap3A_575 = vector.shape_cast %swap3A_574 : vector<1x16xf32> to vector<16xf32>
        %swap3A_576 = vector.shape_cast %get3A_571 : vector<16xf32> to vector<1x16xf32>
        tpu.vector_store %arg11[%swap3A_572, %swap3A_573], %swap3A_576 {add = true, strides = array<i32>} : memref<100x64xf32, #tpu.memory_space<vmem>>, vector<1x16xf32>,
        %add3A_577 = arith.constant 100 : i32
        %add3A_578 = arith.addi %add3A_577, %scan3A_543 : i32
        %get3A_579 = arith.index_cast %add3A_578 : i32 to index
        %get3A_580 = arith.constant 48 : index
        %get3A_581 = tpu.vector_load %arg7[%get3A_579, %get3A_580] {strides = array<i32>} : memref<200x64xf32, #tpu.memory_space<vmem>>, vector<1x16xf32>,
        %get3A_582 = vector.shape_cast %get3A_581 : vector<1x16xf32> to vector<16xf32>
        %swap3A_583 = arith.index_cast %scan3A_543 : i32 to index
        %swap3A_584 = arith.constant 48 : index
        %swap3A_585 = tpu.vector_load %arg11[%swap3A_583, %swap3A_584] {strides = array<i32>} : memref<100x64xf32, #tpu.memory_space<vmem>>, vector<1x16xf32>,
        %swap3A_586 = vector.shape_cast %swap3A_585 : vector<1x16xf32> to vector<16xf32>
        %swap3A_587 = vector.shape_cast %get3A_582 : vector<16xf32> to vector<1x16xf32>
        tpu.vector_store %arg11[%swap3A_583, %swap3A_584], %swap3A_587 {add = true, strides = array<i32>} : memref<100x64xf32, #tpu.memory_space<vmem>>, vector<1x16xf32>,
        %scan3A_588 = arith.constant 2 : i32
        %scan3A_589 = arith.addi %scan3A_499, %scan3A_588 : i32
        %add3A_590 = arith.constant 100 : i32
        %add3A_591 = arith.addi %add3A_590, %scan3A_589 : i32
        %get3A_592 = arith.index_cast %add3A_591 : i32 to index
        %get3A_593 = arith.constant 0 : index
        %get3A_594 = tpu.vector_load %arg7[%get3A_592, %get3A_593] {strides = array<i32>} : memref<200x64xf32, #tpu.memory_space<vmem>>, vector<1x16xf32>,
        %get3A_595 = vector.shape_cast %get3A_594 : vector<1x16xf32> to vector<16xf32>
        %swap3A_596 = arith.index_cast %scan3A_589 : i32 to index
        %swap3A_597 = arith.constant 0 : index
        %swap3A_598 = tpu.vector_load %arg11[%swap3A_596, %swap3A_597] {strides = array<i32>} : memref<100x64xf32, #tpu.memory_space<vmem>>, vector<1x16xf32>,
        %swap3A_599 = vector.shape_cast %swap3A_598 : vector<1x16xf32> to vector<16xf32>
        %swap3A_600 = vector.shape_cast %get3A_595 : vector<16xf32> to vector<1x16xf32>
        tpu.vector_store %arg11[%swap3A_596, %swap3A_597], %swap3A_600 {add = true, strides = array<i32>} : memref<100x64xf32, #tpu.memory_space<vmem>>, vector<1x16xf32>,
        %add3A_601 = arith.constant 100 : i32
        %add3A_602 = arith.addi %add3A_601, %scan3A_589 : i32
        %get3A_603 = arith.index_cast %add3A_602 : i32 to index
        %get3A_604 = arith.constant 16 : index
        %get3A_605 = tpu.vector_load %arg7[%get3A_603, %get3A_604] {strides = array<i32>} : memref<200x64xf32, #tpu.memory_space<vmem>>, vector<1x16xf32>,
        %get3A_606 = vector.shape_cast %get3A_605 : vector<1x16xf32> to vector<16xf32>
        %swap3A_607 = arith.index_cast %scan3A_589 : i32 to index
        %swap3A_608 = arith.constant 16 : index
        %swap3A_609 = tpu.vector_load %arg11[%swap3A_607, %swap3A_608] {strides = array<i32>} : memref<100x64xf32, #tpu.memory_space<vmem>>, vector<1x16xf32>,
        %swap3A_610 = vector.shape_cast %swap3A_609 : vector<1x16xf32> to vector<16xf32>
        %swap3A_611 = vector.shape_cast %get3A_606 : vector<16xf32> to vector<1x16xf32>
        tpu.vector_store %arg11[%swap3A_607, %swap3A_608], %swap3A_611 {add = true, strides = array<i32>} : memref<100x64xf32, #tpu.memory_space<vmem>>, vector<1x16xf32>,
        %add3A_612 = arith.constant 100 : i32
        %add3A_613 = arith.addi %add3A_612, %scan3A_589 : i32
        %get3A_614 = arith.index_cast %add3A_613 : i32 to index
        %get3A_615 = arith.constant 32 : index
        %get3A_616 = tpu.vector_load %arg7[%get3A_614, %get3A_615] {strides = array<i32>} : memref<200x64xf32, #tpu.memory_space<vmem>>, vector<1x16xf32>,
        %get3A_617 = vector.shape_cast %get3A_616 : vector<1x16xf32> to vector<16xf32>
        %swap3A_618 = arith.index_cast %scan3A_589 : i32 to index
        %swap3A_619 = arith.constant 32 : index
        %swap3A_620 = tpu.vector_load %arg11[%swap3A_618, %swap3A_619] {strides = array<i32>} : memref<100x64xf32, #tpu.memory_space<vmem>>, vector<1x16xf32>,
        %swap3A_621 = vector.shape_cast %swap3A_620 : vector<1x16xf32> to vector<16xf32>
        %swap3A_622 = vector.shape_cast %get3A_617 : vector<16xf32> to vector<1x16xf32>
        tpu.vector_store %arg11[%swap3A_618, %swap3A_619], %swap3A_622 {add = true, strides = array<i32>} : memref<100x64xf32, #tpu.memory_space<vmem>>, vector<1x16xf32>,
        %add3A_623 = arith.constant 100 : i32
        %add3A_624 = arith.addi %add3A_623, %scan3A_589 : i32
        %get3A_625 = arith.index_cast %add3A_624 : i32 to index
        %get3A_626 = arith.constant 48 : index
        %get3A_627 = tpu.vector_load %arg7[%get3A_625, %get3A_626] {strides = array<i32>} : memref<200x64xf32, #tpu.memory_space<vmem>>, vector<1x16xf32>,
        %get3A_628 = vector.shape_cast %get3A_627 : vector<1x16xf32> to vector<16xf32>
        %swap3A_629 = arith.index_cast %scan3A_589 : i32 to index
        %swap3A_630 = arith.constant 48 : index
        %swap3A_631 = tpu.vector_load %arg11[%swap3A_629, %swap3A_630] {strides = array<i32>} : memref<100x64xf32, #tpu.memory_space<vmem>>, vector<1x16xf32>,
        %swap3A_632 = vector.shape_cast %swap3A_631 : vector<1x16xf32> to vector<16xf32>
        %swap3A_633 = vector.shape_cast %get3A_628 : vector<16xf32> to vector<1x16xf32>
        tpu.vector_store %arg11[%swap3A_629, %swap3A_630], %swap3A_633 {add = true, strides = array<i32>} : memref<100x64xf32, #tpu.memory_space<vmem>>, vector<1x16xf32>,
        %scan3A_634 = arith.constant 3 : i32
        %scan3A_635 = arith.addi %scan3A_499, %scan3A_634 : i32
        %add3A_636 = arith.constant 100 : i32
        %add3A_637 = arith.addi %add3A_636, %scan3A_635 : i32
        %get3A_638 = arith.index_cast %add3A_637 : i32 to index
        %get3A_639 = arith.constant 0 : index
        %get3A_640 = tpu.vector_load %arg7[%get3A_638, %get3A_639] {strides = array<i32>} : memref<200x64xf32, #tpu.memory_space<vmem>>, vector<1x16xf32>,
        %get3A_641 = vector.shape_cast %get3A_640 : vector<1x16xf32> to vector<16xf32>
        %swap3A_642 = arith.index_cast %scan3A_635 : i32 to index
        %swap3A_643 = arith.constant 0 : index
        %swap3A_644 = tpu.vector_load %arg11[%swap3A_642, %swap3A_643] {strides = array<i32>} : memref<100x64xf32, #tpu.memory_space<vmem>>, vector<1x16xf32>,
        %swap3A_645 = vector.shape_cast %swap3A_644 : vector<1x16xf32> to vector<16xf32>
        %swap3A_646 = vector.shape_cast %get3A_641 : vector<16xf32> to vector<1x16xf32>
        tpu.vector_store %arg11[%swap3A_642, %swap3A_643], %swap3A_646 {add = true, strides = array<i32>} : memref<100x64xf32, #tpu.memory_space<vmem>>, vector<1x16xf32>,
        %add3A_647 = arith.constant 100 : i32
        %add3A_648 = arith.addi %add3A_647, %scan3A_635 : i32
        %get3A_649 = arith.index_cast %add3A_648 : i32 to index
        %get3A_650 = arith.constant 16 : index
        %get3A_651 = tpu.vector_load %arg7[%get3A_649, %get3A_650] {strides = array<i32>} : memref<200x64xf32, #tpu.memory_space<vmem>>, vector<1x16xf32>,
        %get3A_652 = vector.shape_cast %get3A_651 : vector<1x16xf32> to vector<16xf32>
        %swap3A_653 = arith.index_cast %scan3A_635 : i32 to index
        %swap3A_654 = arith.constant 16 : index
        %swap3A_655 = tpu.vector_load %arg11[%swap3A_653, %swap3A_654] {strides = array<i32>} : memref<100x64xf32, #tpu.memory_space<vmem>>, vector<1x16xf32>,
        %swap3A_656 = vector.shape_cast %swap3A_655 : vector<1x16xf32> to vector<16xf32>
        %swap3A_657 = vector.shape_cast %get3A_652 : vector<16xf32> to vector<1x16xf32>
        tpu.vector_store %arg11[%swap3A_653, %swap3A_654], %swap3A_657 {add = true, strides = array<i32>} : memref<100x64xf32, #tpu.memory_space<vmem>>, vector<1x16xf32>,
        %add3A_658 = arith.constant 100 : i32
        %add3A_659 = arith.addi %add3A_658, %scan3A_635 : i32
        %get3A_660 = arith.index_cast %add3A_659 : i32 to index
        %get3A_661 = arith.constant 32 : index
        %get3A_662 = tpu.vector_load %arg7[%get3A_660, %get3A_661] {strides = array<i32>} : memref<200x64xf32, #tpu.memory_space<vmem>>, vector<1x16xf32>,
        %get3A_663 = vector.shape_cast %get3A_662 : vector<1x16xf32> to vector<16xf32>
        %swap3A_664 = arith.index_cast %scan3A_635 : i32 to index
        %swap3A_665 = arith.constant 32 : index
        %swap3A_666 = tpu.vector_load %arg11[%swap3A_664, %swap3A_665] {strides = array<i32>} : memref<100x64xf32, #tpu.memory_space<vmem>>, vector<1x16xf32>,
        %swap3A_667 = vector.shape_cast %swap3A_666 : vector<1x16xf32> to vector<16xf32>
        %swap3A_668 = vector.shape_cast %get3A_663 : vector<16xf32> to vector<1x16xf32>
        tpu.vector_store %arg11[%swap3A_664, %swap3A_665], %swap3A_668 {add = true, strides = array<i32>} : memref<100x64xf32, #tpu.memory_space<vmem>>, vector<1x16xf32>,
        %add3A_669 = arith.constant 100 : i32
        %add3A_670 = arith.addi %add3A_669, %scan3A_635 : i32
        %get3A_671 = arith.index_cast %add3A_670 : i32 to index
        %get3A_672 = arith.constant 48 : index
        %get3A_673 = tpu.vector_load %arg7[%get3A_671, %get3A_672] {strides = array<i32>} : memref<200x64xf32, #tpu.memory_space<vmem>>, vector<1x16xf32>,
        %get3A_674 = vector.shape_cast %get3A_673 : vector<1x16xf32> to vector<16xf32>
        %swap3A_675 = arith.index_cast %scan3A_635 : i32 to index
        %swap3A_676 = arith.constant 48 : index
        %swap3A_677 = tpu.vector_load %arg11[%swap3A_675, %swap3A_676] {strides = array<i32>} : memref<100x64xf32, #tpu.memory_space<vmem>>, vector<1x16xf32>,
        %swap3A_678 = vector.shape_cast %swap3A_677 : vector<1x16xf32> to vector<16xf32>
        %swap3A_679 = vector.shape_cast %get3A_674 : vector<16xf32> to vector<1x16xf32>
        tpu.vector_store %arg11[%swap3A_675, %swap3A_676], %swap3A_679 {add = true, strides = array<i32>} : memref<100x64xf32, #tpu.memory_space<vmem>>, vector<1x16xf32>,
      }
      %scan3A_469 = arith.constant 100 : i32
      %div3A_470 = arith.constant 2 : i32
      %div3A_471 = arith.divsi %add3A_457, %div3A_470 : i32
      %add3A_472 = arith.addi %mul3A_2, %div3A_471 : i32
      %dma_start3A_473 = arith.constant 100 : i32
      %dma_start3A_474 = arith.constant 0 : i32
      %dma_start3A_475 = tpu.memref_slice %arg5[%add3A_472, %dma_start3A_473, %dma_start3A_474] : memref<4096x200x64xf32, #tpu.memory_space<hbm>> -> memref<1x100x64xf32, #tpu.memory_space<hbm>>
      %dma_start3A_476 = tpu.memref_squeeze %dma_start3A_475 : memref<1x100x64xf32, #tpu.memory_space<hbm>> -> memref<100x64xf32, #tpu.memory_space<hbm>>
      %dma_start3A_477 = arith.constant 100 : i32
      %dma_start3A_478 = arith.constant 0 : i32
      %dma_start3A_479 = tpu.memref_slice %arg5[%add3A_472, %dma_start3A_477, %dma_start3A_478] : memref<4096x200x64xf32, #tpu.memory_space<hbm>> -> memref<1x100x64xf32, #tpu.memory_space<hbm>>
      %dma_start3A_480 = tpu.memref_squeeze %dma_start3A_479 : memref<1x100x64xf32, #tpu.memory_space<hbm>> -> memref<100x64xf32, #tpu.memory_space<hbm>>
      tpu.enqueue_dma source(%arg11 : memref<100x64xf32, #tpu.memory_space<vmem>>) target(%dma_start3A_480 : memref<100x64xf32, #tpu.memory_space<hbm>>) target_semaphore(%arg19 : memref<!tpu.dma_semaphore, #tpu.memory_space<semaphore_mem>>)
      %dma_wait3A_481 = arith.constant 0 : i32
      %dma_wait3A_482 = arith.constant 0 : i32
      %dma_wait3A_483 = tpu.memref_slice %arg5[%mul3A_2, %dma_wait3A_481, %dma_wait3A_482] : memref<4096x200x64xf32, #tpu.memory_space<hbm>> -> memref<1x100x64xf32, #tpu.memory_space<hbm>>
      %dma_wait3A_484 = tpu.memref_squeeze %dma_wait3A_483 : memref<1x100x64xf32, #tpu.memory_space<hbm>> -> memref<100x64xf32, #tpu.memory_space<hbm>>
      %dma_wait3A_485 = arith.constant 0 : i32
      %dma_wait3A_486 = arith.constant 0 : i32
      %dma_wait3A_487 = tpu.memref_slice %arg5[%mul3A_2, %dma_wait3A_485, %dma_wait3A_486] : memref<4096x200x64xf32, #tpu.memory_space<hbm>> -> memref<1x100x64xf32, #tpu.memory_space<hbm>>
      %dma_wait3A_488 = tpu.memref_squeeze %dma_wait3A_487 : memref<1x100x64xf32, #tpu.memory_space<hbm>> -> memref<100x64xf32, #tpu.memory_space<hbm>>
      tpu.wait_dma2 semaphore(%arg18 : memref<!tpu.dma_semaphore, #tpu.memory_space<semaphore_mem>>) src(%arg10 : memref<100x64xf32, #tpu.memory_space<vmem>>) dst(%dma_wait3A_488 : memref<100x64xf32, #tpu.memory_space<hbm>>)
      %add3A_489 = arith.constant 4 : i32
      %add3A_490 = arith.addi %add3A_457, %add3A_489 : i32
      %sub3A_491 = arith.constant 1 : i32
      %sub3A_492 = arith.subi %add3A_490, %sub3A_491 : i32
      %dma_start3A_493 = arith.constant 0 : i32
      %dma_start3A_494 = tpu.memref_slice %arg6[%sub3A_492, %dma_start3A_493] : memref<256x100xi32, #tpu.memory_space<vmem>> -> memref<1x100xi32, #tpu.memory_space<vmem>>
      %dma_start3A_495 = tpu.memref_squeeze %dma_start3A_494 : memref<1x100xi32, #tpu.memory_space<vmem>> -> memref<100xi32, #tpu.memory_space<vmem>>
      %dma_start3A_496 = arith.constant 0 : i32
      %dma_start3A_497 = arith.constant 0 : i32
      %dma_start3A_498 = tpu.memref_slice %arg3[%dma_start3A_496, %dma_start3A_497] : memref<1000000x64xf32, #tpu.memory_space<hbm>> -> memref<1000000x64xf32, #tpu.memory_space<hbm>>
      tpu.enqueue_indirect_dma source(%dma_start3A_498 : memref<1000000x64xf32, #tpu.memory_space<hbm>>) target(%arg10 : memref<100x64xf32, #tpu.memory_space<vmem>>) offsets(%dma_start3A_495 : memref<100xi32, #tpu.memory_space<vmem>>) semaphore(%arg14 : memref<!tpu.dma_semaphore, #tpu.memory_space<semaphore_mem>>)
    }
    %scan3A_177 = arith.constant 62 : i32
    %dma_wait3A_178 = arith.constant 252 : i32
    %dma_wait3A_179 = arith.constant 0 : i32
    %dma_wait3A_180 = tpu.memref_slice %arg6[%dma_wait3A_178, %dma_wait3A_179] : memref<256x100xi32, #tpu.memory_space<vmem>> -> memref<1x100xi32, #tpu.memory_space<vmem>>
    %dma_wait3A_181 = tpu.memref_squeeze %dma_wait3A_180 : memref<1x100xi32, #tpu.memory_space<vmem>> -> memref<100xi32, #tpu.memory_space<vmem>>
    %dma_wait3A_182 = arith.constant 0 : i32
    %dma_wait3A_183 = arith.constant 0 : i32
    %dma_wait3A_184 = tpu.memref_slice %arg3[%dma_wait3A_182, %dma_wait3A_183] : memref<1000000x64xf32, #tpu.memory_space<hbm>> -> memref<1000000x64xf32, #tpu.memory_space<hbm>>
    tpu.wait_indirect_dma semaphore(%arg12 : memref<!tpu.dma_semaphore, #tpu.memory_space<semaphore_mem>>) src(%dma_wait3A_184 : memref<1000000x64xf32, #tpu.memory_space<hbm>>) dst(%arg8 : memref<100x64xf32, #tpu.memory_space<vmem>>)
    %scan3A_185 = arith.constant 0 : i32
    %scan3A_186 = arith.constant 0 : i32
    %scan3A_187 = arith.constant 100 : i32
    %scan3A_188 = arith.addi %scan3A_186, %scan3A_187 : i32
    %scan3A_189 = arith.constant 4 : i32
    scf.for %scan3A_325 = %scan3A_186 to %scan3A_188 step %scan3A_189  : i32 {
      %add3A_326 = arith.constant 0 : i32
      %add3A_327 = arith.addi %add3A_326, %scan3A_325 : i32
      %get3A = arith.index_cast %add3A_327 : i32 to index
      %get3A_328 = arith.constant 0 : index
      %get3A_329 = tpu.vector_load %arg7[%get3A, %get3A_328] {strides = array<i32>} : memref<200x64xf32, #tpu.memory_space<vmem>>, vector<1x16xf32>,
      %get3A_330 = vector.shape_cast %get3A_329 : vector<1x16xf32> to vector<16xf32>
      %swap3A = arith.index_cast %scan3A_325 : i32 to index
      %swap3A_331 = arith.constant 0 : index
      %swap3A_332 = tpu.vector_load %arg8[%swap3A, %swap3A_331] {strides = array<i32>} : memref<100x64xf32, #tpu.memory_space<vmem>>, vector<1x16xf32>,
      %swap3A_333 = vector.shape_cast %swap3A_332 : vector<1x16xf32> to vector<16xf32>
      %swap3A_334 = vector.shape_cast %get3A_330 : vector<16xf32> to vector<1x16xf32>
      tpu.vector_store %arg8[%swap3A, %swap3A_331], %swap3A_334 {add = true, strides = array<i32>} : memref<100x64xf32, #tpu.memory_space<vmem>>, vector<1x16xf32>,
      %add3A_335 = arith.constant 0 : i32
      %add3A_336 = arith.addi %add3A_335, %scan3A_325 : i32
      %get3A_337 = arith.index_cast %add3A_336 : i32 to index
      %get3A_338 = arith.constant 16 : index
      %get3A_339 = tpu.vector_load %arg7[%get3A_337, %get3A_338] {strides = array<i32>} : memref<200x64xf32, #tpu.memory_space<vmem>>, vector<1x16xf32>,
      %get3A_340 = vector.shape_cast %get3A_339 : vector<1x16xf32> to vector<16xf32>
      %swap3A_341 = arith.index_cast %scan3A_325 : i32 to index
      %swap3A_342 = arith.constant 16 : index
      %swap3A_343 = tpu.vector_load %arg8[%swap3A_341, %swap3A_342] {strides = array<i32>} : memref<100x64xf32, #tpu.memory_space<vmem>>, vector<1x16xf32>,
      %swap3A_344 = vector.shape_cast %swap3A_343 : vector<1x16xf32> to vector<16xf32>
      %swap3A_345 = vector.shape_cast %get3A_340 : vector<16xf32> to vector<1x16xf32>
      tpu.vector_store %arg8[%swap3A_341, %swap3A_342], %swap3A_345 {add = true, strides = array<i32>} : memref<100x64xf32, #tpu.memory_space<vmem>>, vector<1x16xf32>,
      %add3A_346 = arith.constant 0 : i32
      %add3A_347 = arith.addi %add3A_346, %scan3A_325 : i32
      %get3A_348 = arith.index_cast %add3A_347 : i32 to index
      %get3A_349 = arith.constant 32 : index
      %get3A_350 = tpu.vector_load %arg7[%get3A_348, %get3A_349] {strides = array<i32>} : memref<200x64xf32, #tpu.memory_space<vmem>>, vector<1x16xf32>,
      %get3A_351 = vector.shape_cast %get3A_350 : vector<1x16xf32> to vector<16xf32>
      %swap3A_352 = arith.index_cast %scan3A_325 : i32 to index
      %swap3A_353 = arith.constant 32 : index
      %swap3A_354 = tpu.vector_load %arg8[%swap3A_352, %swap3A_353] {strides = array<i32>} : memref<100x64xf32, #tpu.memory_space<vmem>>, vector<1x16xf32>,
      %swap3A_355 = vector.shape_cast %swap3A_354 : vector<1x16xf32> to vector<16xf32>
      %swap3A_356 = vector.shape_cast %get3A_351 : vector<16xf32> to vector<1x16xf32>
      tpu.vector_store %arg8[%swap3A_352, %swap3A_353], %swap3A_356 {add = true, strides = array<i32>} : memref<100x64xf32, #tpu.memory_space<vmem>>, vector<1x16xf32>,
      %add3A_357 = arith.constant 0 : i32
      %add3A_358 = arith.addi %add3A_357, %scan3A_325 : i32
      %get3A_359 = arith.index_cast %add3A_358 : i32 to index
      %get3A_360 = arith.constant 48 : index
      %get3A_361 = tpu.vector_load %arg7[%get3A_359, %get3A_360] {strides = array<i32>} : memref<200x64xf32, #tpu.memory_space<vmem>>, vector<1x16xf32>,
      %get3A_362 = vector.shape_cast %get3A_361 : vector<1x16xf32> to vector<16xf32>
      %swap3A_363 = arith.index_cast %scan3A_325 : i32 to index
      %swap3A_364 = arith.constant 48 : index
      %swap3A_365 = tpu.vector_load %arg8[%swap3A_363, %swap3A_364] {strides = array<i32>} : memref<100x64xf32, #tpu.memory_space<vmem>>, vector<1x16xf32>,
      %swap3A_366 = vector.shape_cast %swap3A_365 : vector<1x16xf32> to vector<16xf32>
      %swap3A_367 = vector.shape_cast %get3A_362 : vector<16xf32> to vector<1x16xf32>
      tpu.vector_store %arg8[%swap3A_363, %swap3A_364], %swap3A_367 {add = true, strides = array<i32>} : memref<100x64xf32, #tpu.memory_space<vmem>>, vector<1x16xf32>,
      %scan3A_368 = arith.constant 1 : i32
      %scan3A_369 = arith.addi %scan3A_325, %scan3A_368 : i32
      %add3A_370 = arith.constant 0 : i32
      %add3A_371 = arith.addi %add3A_370, %scan3A_369 : i32
      %get3A_372 = arith.index_cast %add3A_371 : i32 to index
      %get3A_373 = arith.constant 0 : index
      %get3A_374 = tpu.vector_load %arg7[%get3A_372, %get3A_373] {strides = array<i32>} : memref<200x64xf32, #tpu.memory_space<vmem>>, vector<1x16xf32>,
      %get3A_375 = vector.shape_cast %get3A_374 : vector<1x16xf32> to vector<16xf32>
      %swap3A_376 = arith.index_cast %scan3A_369 : i32 to index
      %swap3A_377 = arith.constant 0 : index
      %swap3A_378 = tpu.vector_load %arg8[%swap3A_376, %swap3A_377] {strides = array<i32>} : memref<100x64xf32, #tpu.memory_space<vmem>>, vector<1x16xf32>,
      %swap3A_379 = vector.shape_cast %swap3A_378 : vector<1x16xf32> to vector<16xf32>
      %swap3A_380 = vector.shape_cast %get3A_375 : vector<16xf32> to vector<1x16xf32>
      tpu.vector_store %arg8[%swap3A_376, %swap3A_377], %swap3A_380 {add = true, strides = array<i32>} : memref<100x64xf32, #tpu.memory_space<vmem>>, vector<1x16xf32>,
      %add3A_381 = arith.constant 0 : i32
      %add3A_382 = arith.addi %add3A_381, %scan3A_369 : i32
      %get3A_383 = arith.index_cast %add3A_382 : i32 to index
      %get3A_384 = arith.constant 16 : index
      %get3A_385 = tpu.vector_load %arg7[%get3A_383, %get3A_384] {strides = array<i32>} : memref<200x64xf32, #tpu.memory_space<vmem>>, vector<1x16xf32>,
      %get3A_386 = vector.shape_cast %get3A_385 : vector<1x16xf32> to vector<16xf32>
      %swap3A_387 = arith.index_cast %scan3A_369 : i32 to index
      %swap3A_388 = arith.constant 16 : index
      %swap3A_389 = tpu.vector_load %arg8[%swap3A_387, %swap3A_388] {strides = array<i32>} : memref<100x64xf32, #tpu.memory_space<vmem>>, vector<1x16xf32>,
      %swap3A_390 = vector.shape_cast %swap3A_389 : vector<1x16xf32> to vector<16xf32>
      %swap3A_391 = vector.shape_cast %get3A_386 : vector<16xf32> to vector<1x16xf32>
      tpu.vector_store %arg8[%swap3A_387, %swap3A_388], %swap3A_391 {add = true, strides = array<i32>} : memref<100x64xf32, #tpu.memory_space<vmem>>, vector<1x16xf32>,
      %add3A_392 = arith.constant 0 : i32
      %add3A_393 = arith.addi %add3A_392, %scan3A_369 : i32
      %get3A_394 = arith.index_cast %add3A_393 : i32 to index
      %get3A_395 = arith.constant 32 : index
      %get3A_396 = tpu.vector_load %arg7[%get3A_394, %get3A_395] {strides = array<i32>} : memref<200x64xf32, #tpu.memory_space<vmem>>, vector<1x16xf32>,
      %get3A_397 = vector.shape_cast %get3A_396 : vector<1x16xf32> to vector<16xf32>
      %swap3A_398 = arith.index_cast %scan3A_369 : i32 to index
      %swap3A_399 = arith.constant 32 : index
      %swap3A_400 = tpu.vector_load %arg8[%swap3A_398, %swap3A_399] {strides = array<i32>} : memref<100x64xf32, #tpu.memory_space<vmem>>, vector<1x16xf32>,
      %swap3A_401 = vector.shape_cast %swap3A_400 : vector<1x16xf32> to vector<16xf32>
      %swap3A_402 = vector.shape_cast %get3A_397 : vector<16xf32> to vector<1x16xf32>
      tpu.vector_store %arg8[%swap3A_398, %swap3A_399], %swap3A_402 {add = true, strides = array<i32>} : memref<100x64xf32, #tpu.memory_space<vmem>>, vector<1x16xf32>,
      %add3A_403 = arith.constant 0 : i32
      %add3A_404 = arith.addi %add3A_403, %scan3A_369 : i32
      %get3A_405 = arith.index_cast %add3A_404 : i32 to index
      %get3A_406 = arith.constant 48 : index
      %get3A_407 = tpu.vector_load %arg7[%get3A_405, %get3A_406] {strides = array<i32>} : memref<200x64xf32, #tpu.memory_space<vmem>>, vector<1x16xf32>,
      %get3A_408 = vector.shape_cast %get3A_407 : vector<1x16xf32> to vector<16xf32>
      %swap3A_409 = arith.index_cast %scan3A_369 : i32 to index
      %swap3A_410 = arith.constant 48 : index
      %swap3A_411 = tpu.vector_load %arg8[%swap3A_409, %swap3A_410] {strides = array<i32>} : memref<100x64xf32, #tpu.memory_space<vmem>>, vector<1x16xf32>,
      %swap3A_412 = vector.shape_cast %swap3A_411 : vector<1x16xf32> to vector<16xf32>
      %swap3A_413 = vector.shape_cast %get3A_408 : vector<16xf32> to vector<1x16xf32>
      tpu.vector_store %arg8[%swap3A_409, %swap3A_410], %swap3A_413 {add = true, strides = array<i32>} : memref<100x64xf32, #tpu.memory_space<vmem>>, vector<1x16xf32>,
      %scan3A_414 = arith.constant 2 : i32
      %scan3A_415 = arith.addi %scan3A_325, %scan3A_414 : i32
      %add3A_416 = arith.constant 0 : i32
      %add3A_417 = arith.addi %add3A_416, %scan3A_415 : i32
      %get3A_418 = arith.index_cast %add3A_417 : i32 to index
      %get3A_419 = arith.constant 0 : index
      %get3A_420 = tpu.vector_load %arg7[%get3A_418, %get3A_419] {strides = array<i32>} : memref<200x64xf32, #tpu.memory_space<vmem>>, vector<1x16xf32>,
      %get3A_421 = vector.shape_cast %get3A_420 : vector<1x16xf32> to vector<16xf32>
      %swap3A_422 = arith.index_cast %scan3A_415 : i32 to index
      %swap3A_423 = arith.constant 0 : index
      %swap3A_424 = tpu.vector_load %arg8[%swap3A_422, %swap3A_423] {strides = array<i32>} : memref<100x64xf32, #tpu.memory_space<vmem>>, vector<1x16xf32>,
      %swap3A_425 = vector.shape_cast %swap3A_424 : vector<1x16xf32> to vector<16xf32>
      %swap3A_426 = vector.shape_cast %get3A_421 : vector<16xf32> to vector<1x16xf32>
      tpu.vector_store %arg8[%swap3A_422, %swap3A_423], %swap3A_426 {add = true, strides = array<i32>} : memref<100x64xf32, #tpu.memory_space<vmem>>, vector<1x16xf32>,
      %add3A_427 = arith.constant 0 : i32
      %add3A_428 = arith.addi %add3A_427, %scan3A_415 : i32
      %get3A_429 = arith.index_cast %add3A_428 : i32 to index
      %get3A_430 = arith.constant 16 : index
      %get3A_431 = tpu.vector_load %arg7[%get3A_429, %get3A_430] {strides = array<i32>} : memref<200x64xf32, #tpu.memory_space<vmem>>, vector<1x16xf32>,
      %get3A_432 = vector.shape_cast %get3A_431 : vector<1x16xf32> to vector<16xf32>
      %swap3A_433 = arith.index_cast %scan3A_415 : i32 to index
      %swap3A_434 = arith.constant 16 : index
      %swap3A_435 = tpu.vector_load %arg8[%swap3A_433, %swap3A_434] {strides = array<i32>} : memref<100x64xf32, #tpu.memory_space<vmem>>, vector<1x16xf32>,
      %swap3A_436 = vector.shape_cast %swap3A_435 : vector<1x16xf32> to vector<16xf32>
      %swap3A_437 = vector.shape_cast %get3A_432 : vector<16xf32> to vector<1x16xf32>
      tpu.vector_store %arg8[%swap3A_433, %swap3A_434], %swap3A_437 {add = true, strides = array<i32>} : memref<100x64xf32, #tpu.memory_space<vmem>>, vector<1x16xf32>,
      %add3A_438 = arith.constant 0 : i32
      %add3A_439 = arith.addi %add3A_438, %scan3A_415 : i32
      %get3A_440 = arith.index_cast %add3A_439 : i32 to index
      %get3A_441 = arith.constant 32 : index
      %get3A_442 = tpu.vector_load %arg7[%get3A_440, %get3A_441] {strides = array<i32>} : memref<200x64xf32, #tpu.memory_space<vmem>>, vector<1x16xf32>,
      %get3A_443 = vector.shape_cast %get3A_442 : vector<1x16xf32> to vector<16xf32>
      %swap3A_444 = arith.index_cast %scan3A_415 : i32 to index
      %swap3A_445 = arith.constant 32 : index
      %swap3A_446 = tpu.vector_load %arg8[%swap3A_444, %swap3A_445] {strides = array<i32>} : memref<100x64xf32, #tpu.memory_space<vmem>>, vector<1x16xf32>,
      %swap3A_447 = vector.shape_cast %swap3A_446 : vector<1x16xf32> to vector<16xf32>
      %swap3A_448 = vector.shape_cast %get3A_443 : vector<16xf32> to vector<1x16xf32>
      tpu.vector_store %arg8[%swap3A_444, %swap3A_445], %swap3A_448 {add = true, strides = array<i32>} : memref<100x64xf32, #tpu.memory_space<vmem>>, vector<1x16xf32>,
      %add3A_449 = arith.constant 0 : i32
      %add3A_450 = arith.addi %add3A_449, %scan3A_415 : i32
      %get3A_451 = arith.index_cast %add3A_450 : i32 to index
      %get3A_452 = arith.constant 48 : index
      %get3A_453 = tpu.vector_load %arg7[%get3A_451, %get3A_452] {strides = array<i32>} : memref<200x64xf32, #tpu.memory_space<vmem>>, vector<1x16xf32>,
      %get3A_454 = vector.shape_cast %get3A_453 : vector<1x16xf32> to vector<16xf32>
      %swap3A_455 = arith.index_cast %scan3A_415 : i32 to index
      %swap3A_456 = arith.constant 48 : index
      %swap3A_457 = tpu.vector_load %arg8[%swap3A_455, %swap3A_456] {strides = array<i32>} : memref<100x64xf32, #tpu.memory_space<vmem>>, vector<1x16xf32>,
      %swap3A_458 = vector.shape_cast %swap3A_457 : vector<1x16xf32> to vector<16xf32>
      %swap3A_459 = vector.shape_cast %get3A_454 : vector<16xf32> to vector<1x16xf32>
      tpu.vector_store %arg8[%swap3A_455, %swap3A_456], %swap3A_459 {add = true, strides = array<i32>} : memref<100x64xf32, #tpu.memory_space<vmem>>, vector<1x16xf32>,
      %scan3A_460 = arith.constant 3 : i32
      %scan3A_461 = arith.addi %scan3A_325, %scan3A_460 : i32
      %add3A_462 = arith.constant 0 : i32
      %add3A_463 = arith.addi %add3A_462, %scan3A_461 : i32
      %get3A_464 = arith.index_cast %add3A_463 : i32 to index
      %get3A_465 = arith.constant 0 : index
      %get3A_466 = tpu.vector_load %arg7[%get3A_464, %get3A_465] {strides = array<i32>} : memref<200x64xf32, #tpu.memory_space<vmem>>, vector<1x16xf32>,
      %get3A_467 = vector.shape_cast %get3A_466 : vector<1x16xf32> to vector<16xf32>
      %swap3A_468 = arith.index_cast %scan3A_461 : i32 to index
      %swap3A_469 = arith.constant 0 : index
      %swap3A_470 = tpu.vector_load %arg8[%swap3A_468, %swap3A_469] {strides = array<i32>} : memref<100x64xf32, #tpu.memory_space<vmem>>, vector<1x16xf32>,
      %swap3A_471 = vector.shape_cast %swap3A_470 : vector<1x16xf32> to vector<16xf32>
      %swap3A_472 = vector.shape_cast %get3A_467 : vector<16xf32> to vector<1x16xf32>
      tpu.vector_store %arg8[%swap3A_468, %swap3A_469], %swap3A_472 {add = true, strides = array<i32>} : memref<100x64xf32, #tpu.memory_space<vmem>>, vector<1x16xf32>,
      %add3A_473 = arith.constant 0 : i32
      %add3A_474 = arith.addi %add3A_473, %scan3A_461 : i32
      %get3A_475 = arith.index_cast %add3A_474 : i32 to index
      %get3A_476 = arith.constant 16 : index
      %get3A_477 = tpu.vector_load %arg7[%get3A_475, %get3A_476] {strides = array<i32>} : memref<200x64xf32, #tpu.memory_space<vmem>>, vector<1x16xf32>,
      %get3A_478 = vector.shape_cast %get3A_477 : vector<1x16xf32> to vector<16xf32>
      %swap3A_479 = arith.index_cast %scan3A_461 : i32 to index
      %swap3A_480 = arith.constant 16 : index
      %swap3A_481 = tpu.vector_load %arg8[%swap3A_479, %swap3A_480] {strides = array<i32>} : memref<100x64xf32, #tpu.memory_space<vmem>>, vector<1x16xf32>,
      %swap3A_482 = vector.shape_cast %swap3A_481 : vector<1x16xf32> to vector<16xf32>
      %swap3A_483 = vector.shape_cast %get3A_478 : vector<16xf32> to vector<1x16xf32>
      tpu.vector_store %arg8[%swap3A_479, %swap3A_480], %swap3A_483 {add = true, strides = array<i32>} : memref<100x64xf32, #tpu.memory_space<vmem>>, vector<1x16xf32>,
      %add3A_484 = arith.constant 0 : i32
      %add3A_485 = arith.addi %add3A_484, %scan3A_461 : i32
      %get3A_486 = arith.index_cast %add3A_485 : i32 to index
      %get3A_487 = arith.constant 32 : index
      %get3A_488 = tpu.vector_load %arg7[%get3A_486, %get3A_487] {strides = array<i32>} : memref<200x64xf32, #tpu.memory_space<vmem>>, vector<1x16xf32>,
      %get3A_489 = vector.shape_cast %get3A_488 : vector<1x16xf32> to vector<16xf32>
      %swap3A_490 = arith.index_cast %scan3A_461 : i32 to index
      %swap3A_491 = arith.constant 32 : index
      %swap3A_492 = tpu.vector_load %arg8[%swap3A_490, %swap3A_491] {strides = array<i32>} : memref<100x64xf32, #tpu.memory_space<vmem>>, vector<1x16xf32>,
      %swap3A_493 = vector.shape_cast %swap3A_492 : vector<1x16xf32> to vector<16xf32>
      %swap3A_494 = vector.shape_cast %get3A_489 : vector<16xf32> to vector<1x16xf32>
      tpu.vector_store %arg8[%swap3A_490, %swap3A_491], %swap3A_494 {add = true, strides = array<i32>} : memref<100x64xf32, #tpu.memory_space<vmem>>, vector<1x16xf32>,
      %add3A_495 = arith.constant 0 : i32
      %add3A_496 = arith.addi %add3A_495, %scan3A_461 : i32
      %get3A_497 = arith.index_cast %add3A_496 : i32 to index
      %get3A_498 = arith.constant 48 : index
      %get3A_499 = tpu.vector_load %arg7[%get3A_497, %get3A_498] {strides = array<i32>} : memref<200x64xf32, #tpu.memory_space<vmem>>, vector<1x16xf32>,
      %get3A_500 = vector.shape_cast %get3A_499 : vector<1x16xf32> to vector<16xf32>
      %swap3A_501 = arith.index_cast %scan3A_461 : i32 to index
      %swap3A_502 = arith.constant 48 : index
      %swap3A_503 = tpu.vector_load %arg8[%swap3A_501, %swap3A_502] {strides = array<i32>} : memref<100x64xf32, #tpu.memory_space<vmem>>, vector<1x16xf32>,
      %swap3A_504 = vector.shape_cast %swap3A_503 : vector<1x16xf32> to vector<16xf32>
      %swap3A_505 = vector.shape_cast %get3A_500 : vector<16xf32> to vector<1x16xf32>
      tpu.vector_store %arg8[%swap3A_501, %swap3A_502], %swap3A_505 {add = true, strides = array<i32>} : memref<100x64xf32, #tpu.memory_space<vmem>>, vector<1x16xf32>,
    }
    %scan3A_190 = arith.constant 100 : i32
    %div3A_191 = arith.constant 252 : i32
    %div3A_192 = arith.constant 2 : i32
    %div3A_193 = arith.divsi %div3A_191, %div3A_192 : i32
    %add3A_194 = arith.addi %mul3A_2, %div3A_193 : i32
    %dma_start3A_195 = arith.constant 0 : i32
    %dma_start3A_196 = arith.constant 0 : i32
    %dma_start3A_197 = tpu.memref_slice %arg5[%add3A_194, %dma_start3A_195, %dma_start3A_196] : memref<4096x200x64xf32, #tpu.memory_space<hbm>> -> memref<1x100x64xf32, #tpu.memory_space<hbm>>
    %dma_start3A_198 = tpu.memref_squeeze %dma_start3A_197 : memref<1x100x64xf32, #tpu.memory_space<hbm>> -> memref<100x64xf32, #tpu.memory_space<hbm>>
    %dma_start3A_199 = arith.constant 0 : i32
    %dma_start3A_200 = arith.constant 0 : i32
    %dma_start3A_201 = tpu.memref_slice %arg5[%add3A_194, %dma_start3A_199, %dma_start3A_200] : memref<4096x200x64xf32, #tpu.memory_space<hbm>> -> memref<1x100x64xf32, #tpu.memory_space<hbm>>
    %dma_start3A_202 = tpu.memref_squeeze %dma_start3A_201 : memref<1x100x64xf32, #tpu.memory_space<hbm>> -> memref<100x64xf32, #tpu.memory_space<hbm>>
    tpu.enqueue_dma source(%arg8 : memref<100x64xf32, #tpu.memory_space<vmem>>) target(%dma_start3A_202 : memref<100x64xf32, #tpu.memory_space<hbm>>) target_semaphore(%arg16 : memref<!tpu.dma_semaphore, #tpu.memory_space<semaphore_mem>>)
    %dma_wait3A_203 = arith.constant 0 : i32
    %dma_wait3A_204 = arith.constant 0 : i32
    %dma_wait3A_205 = tpu.memref_slice %arg5[%mul3A_2, %dma_wait3A_203, %dma_wait3A_204] : memref<4096x200x64xf32, #tpu.memory_space<hbm>> -> memref<1x100x64xf32, #tpu.memory_space<hbm>>
    %dma_wait3A_206 = tpu.memref_squeeze %dma_wait3A_205 : memref<1x100x64xf32, #tpu.memory_space<hbm>> -> memref<100x64xf32, #tpu.memory_space<hbm>>
    %dma_wait3A_207 = arith.constant 0 : i32
    %dma_wait3A_208 = arith.constant 0 : i32
    %dma_wait3A_209 = tpu.memref_slice %arg5[%mul3A_2, %dma_wait3A_207, %dma_wait3A_208] : memref<4096x200x64xf32, #tpu.memory_space<hbm>> -> memref<1x100x64xf32, #tpu.memory_space<hbm>>
    %dma_wait3A_210 = tpu.memref_squeeze %dma_wait3A_209 : memref<1x100x64xf32, #tpu.memory_space<hbm>> -> memref<100x64xf32, #tpu.memory_space<hbm>>
    tpu.wait_dma2 semaphore(%arg19 : memref<!tpu.dma_semaphore, #tpu.memory_space<semaphore_mem>>) src(%arg11 : memref<100x64xf32, #tpu.memory_space<vmem>>) dst(%dma_wait3A_210 : memref<100x64xf32, #tpu.memory_space<hbm>>)
    %dma_start3A_211 = arith.constant 255 : i32
    %dma_start3A_212 = arith.constant 0 : i32
    %dma_start3A_213 = tpu.memref_slice %arg6[%dma_start3A_211, %dma_start3A_212] : memref<256x100xi32, #tpu.memory_space<vmem>> -> memref<1x100xi32, #tpu.memory_space<vmem>>
    %dma_start3A_214 = tpu.memref_squeeze %dma_start3A_213 : memref<1x100xi32, #tpu.memory_space<vmem>> -> memref<100xi32, #tpu.memory_space<vmem>>
    %dma_start3A_215 = arith.constant 0 : i32
    %dma_start3A_216 = arith.constant 0 : i32
    %dma_start3A_217 = tpu.memref_slice %arg3[%dma_start3A_215, %dma_start3A_216] : memref<1000000x64xf32, #tpu.memory_space<hbm>> -> memref<1000000x64xf32, #tpu.memory_space<hbm>>
    tpu.enqueue_indirect_dma source(%dma_start3A_217 : memref<1000000x64xf32, #tpu.memory_space<hbm>>) target(%arg11 : memref<100x64xf32, #tpu.memory_space<vmem>>) offsets(%dma_start3A_214 : memref<100xi32, #tpu.memory_space<vmem>>) semaphore(%arg15 : memref<!tpu.dma_semaphore, #tpu.memory_space<semaphore_mem>>)
    %dma_wait3A_218 = arith.constant 253 : i32
    %dma_wait3A_219 = arith.constant 0 : i32
    %dma_wait3A_220 = tpu.memref_slice %arg6[%dma_wait3A_218, %dma_wait3A_219] : memref<256x100xi32, #tpu.memory_space<vmem>> -> memref<1x100xi32, #tpu.memory_space<vmem>>
    %dma_wait3A_221 = tpu.memref_squeeze %dma_wait3A_220 : memref<1x100xi32, #tpu.memory_space<vmem>> -> memref<100xi32, #tpu.memory_space<vmem>>
    %dma_wait3A_222 = arith.constant 0 : i32
    %dma_wait3A_223 = arith.constant 0 : i32
    %dma_wait3A_224 = tpu.memref_slice %arg3[%dma_wait3A_222, %dma_wait3A_223] : memref<1000000x64xf32, #tpu.memory_space<hbm>> -> memref<1000000x64xf32, #tpu.memory_space<hbm>>
    tpu.wait_indirect_dma semaphore(%arg13 : memref<!tpu.dma_semaphore, #tpu.memory_space<semaphore_mem>>) src(%dma_wait3A_224 : memref<1000000x64xf32, #tpu.memory_space<hbm>>) dst(%arg9 : memref<100x64xf32, #tpu.memory_space<vmem>>)
    %scan3A_225 = arith.constant 0 : i32
    %scan3A_226 = arith.constant 0 : i32
    %scan3A_227 = arith.constant 100 : i32
    %scan3A_228 = arith.addi %scan3A_226, %scan3A_227 : i32
    %scan3A_229 = arith.constant 4 : i32
    scf.for %scan3A_325 = %scan3A_226 to %scan3A_228 step %scan3A_229  : i32 {
      %add3A_326 = arith.constant 100 : i32
      %add3A_327 = arith.addi %add3A_326, %scan3A_325 : i32
      %get3A = arith.index_cast %add3A_327 : i32 to index
      %get3A_328 = arith.constant 0 : index
      %get3A_329 = tpu.vector_load %arg7[%get3A, %get3A_328] {strides = array<i32>} : memref<200x64xf32, #tpu.memory_space<vmem>>, vector<1x16xf32>,
      %get3A_330 = vector.shape_cast %get3A_329 : vector<1x16xf32> to vector<16xf32>
      %swap3A = arith.index_cast %scan3A_325 : i32 to index
      %swap3A_331 = arith.constant 0 : index
      %swap3A_332 = tpu.vector_load %arg9[%swap3A, %swap3A_331] {strides = array<i32>} : memref<100x64xf32, #tpu.memory_space<vmem>>, vector<1x16xf32>,
      %swap3A_333 = vector.shape_cast %swap3A_332 : vector<1x16xf32> to vector<16xf32>
      %swap3A_334 = vector.shape_cast %get3A_330 : vector<16xf32> to vector<1x16xf32>
      tpu.vector_store %arg9[%swap3A, %swap3A_331], %swap3A_334 {add = true, strides = array<i32>} : memref<100x64xf32, #tpu.memory_space<vmem>>, vector<1x16xf32>,
      %add3A_335 = arith.constant 100 : i32
      %add3A_336 = arith.addi %add3A_335, %scan3A_325 : i32
      %get3A_337 = arith.index_cast %add3A_336 : i32 to index
      %get3A_338 = arith.constant 16 : index
      %get3A_339 = tpu.vector_load %arg7[%get3A_337, %get3A_338] {strides = array<i32>} : memref<200x64xf32, #tpu.memory_space<vmem>>, vector<1x16xf32>,
      %get3A_340 = vector.shape_cast %get3A_339 : vector<1x16xf32> to vector<16xf32>
      %swap3A_341 = arith.index_cast %scan3A_325 : i32 to index
      %swap3A_342 = arith.constant 16 : index
      %swap3A_343 = tpu.vector_load %arg9[%swap3A_341, %swap3A_342] {strides = array<i32>} : memref<100x64xf32, #tpu.memory_space<vmem>>, vector<1x16xf32>,
      %swap3A_344 = vector.shape_cast %swap3A_343 : vector<1x16xf32> to vector<16xf32>
      %swap3A_345 = vector.shape_cast %get3A_340 : vector<16xf32> to vector<1x16xf32>
      tpu.vector_store %arg9[%swap3A_341, %swap3A_342], %swap3A_345 {add = true, strides = array<i32>} : memref<100x64xf32, #tpu.memory_space<vmem>>, vector<1x16xf32>,
      %add3A_346 = arith.constant 100 : i32
      %add3A_347 = arith.addi %add3A_346, %scan3A_325 : i32
      %get3A_348 = arith.index_cast %add3A_347 : i32 to index
      %get3A_349 = arith.constant 32 : index
      %get3A_350 = tpu.vector_load %arg7[%get3A_348, %get3A_349] {strides = array<i32>} : memref<200x64xf32, #tpu.memory_space<vmem>>, vector<1x16xf32>,
      %get3A_351 = vector.shape_cast %get3A_350 : vector<1x16xf32> to vector<16xf32>
      %swap3A_352 = arith.index_cast %scan3A_325 : i32 to index
      %swap3A_353 = arith.constant 32 : index
      %swap3A_354 = tpu.vector_load %arg9[%swap3A_352, %swap3A_353] {strides = array<i32>} : memref<100x64xf32, #tpu.memory_space<vmem>>, vector<1x16xf32>,
      %swap3A_355 = vector.shape_cast %swap3A_354 : vector<1x16xf32> to vector<16xf32>
      %swap3A_356 = vector.shape_cast %get3A_351 : vector<16xf32> to vector<1x16xf32>
      tpu.vector_store %arg9[%swap3A_352, %swap3A_353], %swap3A_356 {add = true, strides = array<i32>} : memref<100x64xf32, #tpu.memory_space<vmem>>, vector<1x16xf32>,
      %add3A_357 = arith.constant 100 : i32
      %add3A_358 = arith.addi %add3A_357, %scan3A_325 : i32
      %get3A_359 = arith.index_cast %add3A_358 : i32 to index
      %get3A_360 = arith.constant 48 : index
      %get3A_361 = tpu.vector_load %arg7[%get3A_359, %get3A_360] {strides = array<i32>} : memref<200x64xf32, #tpu.memory_space<vmem>>, vector<1x16xf32>,
      %get3A_362 = vector.shape_cast %get3A_361 : vector<1x16xf32> to vector<16xf32>
      %swap3A_363 = arith.index_cast %scan3A_325 : i32 to index
      %swap3A_364 = arith.constant 48 : index
      %swap3A_365 = tpu.vector_load %arg9[%swap3A_363, %swap3A_364] {strides = array<i32>} : memref<100x64xf32, #tpu.memory_space<vmem>>, vector<1x16xf32>,
      %swap3A_366 = vector.shape_cast %swap3A_365 : vector<1x16xf32> to vector<16xf32>
      %swap3A_367 = vector.shape_cast %get3A_362 : vector<16xf32> to vector<1x16xf32>
      tpu.vector_store %arg9[%swap3A_363, %swap3A_364], %swap3A_367 {add = true, strides = array<i32>} : memref<100x64xf32, #tpu.memory_space<vmem>>, vector<1x16xf32>,
      %scan3A_368 = arith.constant 1 : i32
      %scan3A_369 = arith.addi %scan3A_325, %scan3A_368 : i32
      %add3A_370 = arith.constant 100 : i32
      %add3A_371 = arith.addi %add3A_370, %scan3A_369 : i32
      %get3A_372 = arith.index_cast %add3A_371 : i32 to index
      %get3A_373 = arith.constant 0 : index
      %get3A_374 = tpu.vector_load %arg7[%get3A_372, %get3A_373] {strides = array<i32>} : memref<200x64xf32, #tpu.memory_space<vmem>>, vector<1x16xf32>,
      %get3A_375 = vector.shape_cast %get3A_374 : vector<1x16xf32> to vector<16xf32>
      %swap3A_376 = arith.index_cast %scan3A_369 : i32 to index
      %swap3A_377 = arith.constant 0 : index
      %swap3A_378 = tpu.vector_load %arg9[%swap3A_376, %swap3A_377] {strides = array<i32>} : memref<100x64xf32, #tpu.memory_space<vmem>>, vector<1x16xf32>,
      %swap3A_379 = vector.shape_cast %swap3A_378 : vector<1x16xf32> to vector<16xf32>
      %swap3A_380 = vector.shape_cast %get3A_375 : vector<16xf32> to vector<1x16xf32>
      tpu.vector_store %arg9[%swap3A_376, %swap3A_377], %swap3A_380 {add = true, strides = array<i32>} : memref<100x64xf32, #tpu.memory_space<vmem>>, vector<1x16xf32>,
      %add3A_381 = arith.constant 100 : i32
      %add3A_382 = arith.addi %add3A_381, %scan3A_369 : i32
      %get3A_383 = arith.index_cast %add3A_382 : i32 to index
      %get3A_384 = arith.constant 16 : index
      %get3A_385 = tpu.vector_load %arg7[%get3A_383, %get3A_384] {strides = array<i32>} : memref<200x64xf32, #tpu.memory_space<vmem>>, vector<1x16xf32>,
      %get3A_386 = vector.shape_cast %get3A_385 : vector<1x16xf32> to vector<16xf32>
      %swap3A_387 = arith.index_cast %scan3A_369 : i32 to index
      %swap3A_388 = arith.constant 16 : index
      %swap3A_389 = tpu.vector_load %arg9[%swap3A_387, %swap3A_388] {strides = array<i32>} : memref<100x64xf32, #tpu.memory_space<vmem>>, vector<1x16xf32>,
      %swap3A_390 = vector.shape_cast %swap3A_389 : vector<1x16xf32> to vector<16xf32>
      %swap3A_391 = vector.shape_cast %get3A_386 : vector<16xf32> to vector<1x16xf32>
      tpu.vector_store %arg9[%swap3A_387, %swap3A_388], %swap3A_391 {add = true, strides = array<i32>} : memref<100x64xf32, #tpu.memory_space<vmem>>, vector<1x16xf32>,
      %add3A_392 = arith.constant 100 : i32
      %add3A_393 = arith.addi %add3A_392, %scan3A_369 : i32
      %get3A_394 = arith.index_cast %add3A_393 : i32 to index
      %get3A_395 = arith.constant 32 : index
      %get3A_396 = tpu.vector_load %arg7[%get3A_394, %get3A_395] {strides = array<i32>} : memref<200x64xf32, #tpu.memory_space<vmem>>, vector<1x16xf32>,
      %get3A_397 = vector.shape_cast %get3A_396 : vector<1x16xf32> to vector<16xf32>
      %swap3A_398 = arith.index_cast %scan3A_369 : i32 to index
      %swap3A_399 = arith.constant 32 : index
      %swap3A_400 = tpu.vector_load %arg9[%swap3A_398, %swap3A_399] {strides = array<i32>} : memref<100x64xf32, #tpu.memory_space<vmem>>, vector<1x16xf32>,
      %swap3A_401 = vector.shape_cast %swap3A_400 : vector<1x16xf32> to vector<16xf32>
      %swap3A_402 = vector.shape_cast %get3A_397 : vector<16xf32> to vector<1x16xf32>
      tpu.vector_store %arg9[%swap3A_398, %swap3A_399], %swap3A_402 {add = true, strides = array<i32>} : memref<100x64xf32, #tpu.memory_space<vmem>>, vector<1x16xf32>,
      %add3A_403 = arith.constant 100 : i32
      %add3A_404 = arith.addi %add3A_403, %scan3A_369 : i32
      %get3A_405 = arith.index_cast %add3A_404 : i32 to index
      %get3A_406 = arith.constant 48 : index
      %get3A_407 = tpu.vector_load %arg7[%get3A_405, %get3A_406] {strides = array<i32>} : memref<200x64xf32, #tpu.memory_space<vmem>>, vector<1x16xf32>,
      %get3A_408 = vector.shape_cast %get3A_407 : vector<1x16xf32> to vector<16xf32>
      %swap3A_409 = arith.index_cast %scan3A_369 : i32 to index
      %swap3A_410 = arith.constant 48 : index
      %swap3A_411 = tpu.vector_load %arg9[%swap3A_409, %swap3A_410] {strides = array<i32>} : memref<100x64xf32, #tpu.memory_space<vmem>>, vector<1x16xf32>,
      %swap3A_412 = vector.shape_cast %swap3A_411 : vector<1x16xf32> to vector<16xf32>
      %swap3A_413 = vector.shape_cast %get3A_408 : vector<16xf32> to vector<1x16xf32>
      tpu.vector_store %arg9[%swap3A_409, %swap3A_410], %swap3A_413 {add = true, strides = array<i32>} : memref<100x64xf32, #tpu.memory_space<vmem>>, vector<1x16xf32>,
      %scan3A_414 = arith.constant 2 : i32
      %scan3A_415 = arith.addi %scan3A_325, %scan3A_414 : i32
      %add3A_416 = arith.constant 100 : i32
      %add3A_417 = arith.addi %add3A_416, %scan3A_415 : i32
      %get3A_418 = arith.index_cast %add3A_417 : i32 to index
      %get3A_419 = arith.constant 0 : index
      %get3A_420 = tpu.vector_load %arg7[%get3A_418, %get3A_419] {strides = array<i32>} : memref<200x64xf32, #tpu.memory_space<vmem>>, vector<1x16xf32>,
      %get3A_421 = vector.shape_cast %get3A_420 : vector<1x16xf32> to vector<16xf32>
      %swap3A_422 = arith.index_cast %scan3A_415 : i32 to index
      %swap3A_423 = arith.constant 0 : index
      %swap3A_424 = tpu.vector_load %arg9[%swap3A_422, %swap3A_423] {strides = array<i32>} : memref<100x64xf32, #tpu.memory_space<vmem>>, vector<1x16xf32>,
      %swap3A_425 = vector.shape_cast %swap3A_424 : vector<1x16xf32> to vector<16xf32>
      %swap3A_426 = vector.shape_cast %get3A_421 : vector<16xf32> to vector<1x16xf32>
      tpu.vector_store %arg9[%swap3A_422, %swap3A_423], %swap3A_426 {add = true, strides = array<i32>} : memref<100x64xf32, #tpu.memory_space<vmem>>, vector<1x16xf32>,
      %add3A_427 = arith.constant 100 : i32
      %add3A_428 = arith.addi %add3A_427, %scan3A_415 : i32
      %get3A_429 = arith.index_cast %add3A_428 : i32 to index
      %get3A_430 = arith.constant 16 : index
      %get3A_431 = tpu.vector_load %arg7[%get3A_429, %get3A_430] {strides = array<i32>} : memref<200x64xf32, #tpu.memory_space<vmem>>, vector<1x16xf32>,
      %get3A_432 = vector.shape_cast %get3A_431 : vector<1x16xf32> to vector<16xf32>
      %swap3A_433 = arith.index_cast %scan3A_415 : i32 to index
      %swap3A_434 = arith.constant 16 : index
      %swap3A_435 = tpu.vector_load %arg9[%swap3A_433, %swap3A_434] {strides = array<i32>} : memref<100x64xf32, #tpu.memory_space<vmem>>, vector<1x16xf32>,
      %swap3A_436 = vector.shape_cast %swap3A_435 : vector<1x16xf32> to vector<16xf32>
      %swap3A_437 = vector.shape_cast %get3A_432 : vector<16xf32> to vector<1x16xf32>
      tpu.vector_store %arg9[%swap3A_433, %swap3A_434], %swap3A_437 {add = true, strides = array<i32>} : memref<100x64xf32, #tpu.memory_space<vmem>>, vector<1x16xf32>,
      %add3A_438 = arith.constant 100 : i32
      %add3A_439 = arith.addi %add3A_438, %scan3A_415 : i32
      %get3A_440 = arith.index_cast %add3A_439 : i32 to index
      %get3A_441 = arith.constant 32 : index
      %get3A_442 = tpu.vector_load %arg7[%get3A_440, %get3A_441] {strides = array<i32>} : memref<200x64xf32, #tpu.memory_space<vmem>>, vector<1x16xf32>,
      %get3A_443 = vector.shape_cast %get3A_442 : vector<1x16xf32> to vector<16xf32>
      %swap3A_444 = arith.index_cast %scan3A_415 : i32 to index
      %swap3A_445 = arith.constant 32 : index
      %swap3A_446 = tpu.vector_load %arg9[%swap3A_444, %swap3A_445] {strides = array<i32>} : memref<100x64xf32, #tpu.memory_space<vmem>>, vector<1x16xf32>,
      %swap3A_447 = vector.shape_cast %swap3A_446 : vector<1x16xf32> to vector<16xf32>
      %swap3A_448 = vector.shape_cast %get3A_443 : vector<16xf32> to vector<1x16xf32>
      tpu.vector_store %arg9[%swap3A_444, %swap3A_445], %swap3A_448 {add = true, strides = array<i32>} : memref<100x64xf32, #tpu.memory_space<vmem>>, vector<1x16xf32>,
      %add3A_449 = arith.constant 100 : i32
      %add3A_450 = arith.addi %add3A_449, %scan3A_415 : i32
      %get3A_451 = arith.index_cast %add3A_450 : i32 to index
      %get3A_452 = arith.constant 48 : index
      %get3A_453 = tpu.vector_load %arg7[%get3A_451, %get3A_452] {strides = array<i32>} : memref<200x64xf32, #tpu.memory_space<vmem>>, vector<1x16xf32>,
      %get3A_454 = vector.shape_cast %get3A_453 : vector<1x16xf32> to vector<16xf32>
      %swap3A_455 = arith.index_cast %scan3A_415 : i32 to index
      %swap3A_456 = arith.constant 48 : index
      %swap3A_457 = tpu.vector_load %arg9[%swap3A_455, %swap3A_456] {strides = array<i32>} : memref<100x64xf32, #tpu.memory_space<vmem>>, vector<1x16xf32>,
      %swap3A_458 = vector.shape_cast %swap3A_457 : vector<1x16xf32> to vector<16xf32>
      %swap3A_459 = vector.shape_cast %get3A_454 : vector<16xf32> to vector<1x16xf32>
      tpu.vector_store %arg9[%swap3A_455, %swap3A_456], %swap3A_459 {add = true, strides = array<i32>} : memref<100x64xf32, #tpu.memory_space<vmem>>, vector<1x16xf32>,
      %scan3A_460 = arith.constant 3 : i32
      %scan3A_461 = arith.addi %scan3A_325, %scan3A_460 : i32
      %add3A_462 = arith.constant 100 : i32
      %add3A_463 = arith.addi %add3A_462, %scan3A_461 : i32
      %get3A_464 = arith.index_cast %add3A_463 : i32 to index
      %get3A_465 = arith.constant 0 : index
      %get3A_466 = tpu.vector_load %arg7[%get3A_464, %get3A_465] {strides = array<i32>} : memref<200x64xf32, #tpu.memory_space<vmem>>, vector<1x16xf32>,
      %get3A_467 = vector.shape_cast %get3A_466 : vector<1x16xf32> to vector<16xf32>
      %swap3A_468 = arith.index_cast %scan3A_461 : i32 to index
      %swap3A_469 = arith.constant 0 : index
      %swap3A_470 = tpu.vector_load %arg9[%swap3A_468, %swap3A_469] {strides = array<i32>} : memref<100x64xf32, #tpu.memory_space<vmem>>, vector<1x16xf32>,
      %swap3A_471 = vector.shape_cast %swap3A_470 : vector<1x16xf32> to vector<16xf32>
      %swap3A_472 = vector.shape_cast %get3A_467 : vector<16xf32> to vector<1x16xf32>
      tpu.vector_store %arg9[%swap3A_468, %swap3A_469], %swap3A_472 {add = true, strides = array<i32>} : memref<100x64xf32, #tpu.memory_space<vmem>>, vector<1x16xf32>,
      %add3A_473 = arith.constant 100 : i32
      %add3A_474 = arith.addi %add3A_473, %scan3A_461 : i32
      %get3A_475 = arith.index_cast %add3A_474 : i32 to index
      %get3A_476 = arith.constant 16 : index
      %get3A_477 = tpu.vector_load %arg7[%get3A_475, %get3A_476] {strides = array<i32>} : memref<200x64xf32, #tpu.memory_space<vmem>>, vector<1x16xf32>,
      %get3A_478 = vector.shape_cast %get3A_477 : vector<1x16xf32> to vector<16xf32>
      %swap3A_479 = arith.index_cast %scan3A_461 : i32 to index
      %swap3A_480 = arith.constant 16 : index
      %swap3A_481 = tpu.vector_load %arg9[%swap3A_479, %swap3A_480] {strides = array<i32>} : memref<100x64xf32, #tpu.memory_space<vmem>>, vector<1x16xf32>,
      %swap3A_482 = vector.shape_cast %swap3A_481 : vector<1x16xf32> to vector<16xf32>
      %swap3A_483 = vector.shape_cast %get3A_478 : vector<16xf32> to vector<1x16xf32>
      tpu.vector_store %arg9[%swap3A_479, %swap3A_480], %swap3A_483 {add = true, strides = array<i32>} : memref<100x64xf32, #tpu.memory_space<vmem>>, vector<1x16xf32>,
      %add3A_484 = arith.constant 100 : i32
      %add3A_485 = arith.addi %add3A_484, %scan3A_461 : i32
      %get3A_486 = arith.index_cast %add3A_485 : i32 to index
      %get3A_487 = arith.constant 32 : index
      %get3A_488 = tpu.vector_load %arg7[%get3A_486, %get3A_487] {strides = array<i32>} : memref<200x64xf32, #tpu.memory_space<vmem>>, vector<1x16xf32>,
      %get3A_489 = vector.shape_cast %get3A_488 : vector<1x16xf32> to vector<16xf32>
      %swap3A_490 = arith.index_cast %scan3A_461 : i32 to index
      %swap3A_491 = arith.constant 32 : index
      %swap3A_492 = tpu.vector_load %arg9[%swap3A_490, %swap3A_491] {strides = array<i32>} : memref<100x64xf32, #tpu.memory_space<vmem>>, vector<1x16xf32>,
      %swap3A_493 = vector.shape_cast %swap3A_492 : vector<1x16xf32> to vector<16xf32>
      %swap3A_494 = vector.shape_cast %get3A_489 : vector<16xf32> to vector<1x16xf32>
      tpu.vector_store %arg9[%swap3A_490, %swap3A_491], %swap3A_494 {add = true, strides = array<i32>} : memref<100x64xf32, #tpu.memory_space<vmem>>, vector<1x16xf32>,
      %add3A_495 = arith.constant 100 : i32
      %add3A_496 = arith.addi %add3A_495, %scan3A_461 : i32
      %get3A_497 = arith.index_cast %add3A_496 : i32 to index
      %get3A_498 = arith.constant 48 : index
      %get3A_499 = tpu.vector_load %arg7[%get3A_497, %get3A_498] {strides = array<i32>} : memref<200x64xf32, #tpu.memory_space<vmem>>, vector<1x16xf32>,
      %get3A_500 = vector.shape_cast %get3A_499 : vector<1x16xf32> to vector<16xf32>
      %swap3A_501 = arith.index_cast %scan3A_461 : i32 to index
      %swap3A_502 = arith.constant 48 : index
      %swap3A_503 = tpu.vector_load %arg9[%swap3A_501, %swap3A_502] {strides = array<i32>} : memref<100x64xf32, #tpu.memory_space<vmem>>, vector<1x16xf32>,
      %swap3A_504 = vector.shape_cast %swap3A_503 : vector<1x16xf32> to vector<16xf32>
      %swap3A_505 = vector.shape_cast %get3A_500 : vector<16xf32> to vector<1x16xf32>
      tpu.vector_store %arg9[%swap3A_501, %swap3A_502], %swap3A_505 {add = true, strides = array<i32>} : memref<100x64xf32, #tpu.memory_space<vmem>>, vector<1x16xf32>,
    }
    %scan3A_230 = arith.constant 100 : i32
    %div3A_231 = arith.constant 253 : i32
    %div3A_232 = arith.constant 2 : i32
    %div3A_233 = arith.divsi %div3A_231, %div3A_232 : i32
    %add3A_234 = arith.addi %mul3A_2, %div3A_233 : i32
    %dma_start3A_235 = arith.constant 100 : i32
    %dma_start3A_236 = arith.constant 0 : i32
    %dma_start3A_237 = tpu.memref_slice %arg5[%add3A_234, %dma_start3A_235, %dma_start3A_236] : memref<4096x200x64xf32, #tpu.memory_space<hbm>> -> memref<1x100x64xf32, #tpu.memory_space<hbm>>
    %dma_start3A_238 = tpu.memref_squeeze %dma_start3A_237 : memref<1x100x64xf32, #tpu.memory_space<hbm>> -> memref<100x64xf32, #tpu.memory_space<hbm>>
    %dma_start3A_239 = arith.constant 100 : i32
    %dma_start3A_240 = arith.constant 0 : i32
    %dma_start3A_241 = tpu.memref_slice %arg5[%add3A_234, %dma_start3A_239, %dma_start3A_240] : memref<4096x200x64xf32, #tpu.memory_space<hbm>> -> memref<1x100x64xf32, #tpu.memory_space<hbm>>
    %dma_start3A_242 = tpu.memref_squeeze %dma_start3A_241 : memref<1x100x64xf32, #tpu.memory_space<hbm>> -> memref<100x64xf32, #tpu.memory_space<hbm>>
    tpu.enqueue_dma source(%arg9 : memref<100x64xf32, #tpu.memory_space<vmem>>) target(%dma_start3A_242 : memref<100x64xf32, #tpu.memory_space<hbm>>) target_semaphore(%arg17 : memref<!tpu.dma_semaphore, #tpu.memory_space<semaphore_mem>>)
    %dma_wait3A_243 = arith.constant 254 : i32
    %dma_wait3A_244 = arith.constant 0 : i32
    %dma_wait3A_245 = tpu.memref_slice %arg6[%dma_wait3A_243, %dma_wait3A_244] : memref<256x100xi32, #tpu.memory_space<vmem>> -> memref<1x100xi32, #tpu.memory_space<vmem>>
    %dma_wait3A_246 = tpu.memref_squeeze %dma_wait3A_245 : memref<1x100xi32, #tpu.memory_space<vmem>> -> memref<100xi32, #tpu.memory_space<vmem>>
    %dma_wait3A_247 = arith.constant 0 : i32
    %dma_wait3A_248 = arith.constant 0 : i32
    %dma_wait3A_249 = tpu.memref_slice %arg3[%dma_wait3A_247, %dma_wait3A_248] : memref<1000000x64xf32, #tpu.memory_space<hbm>> -> memref<1000000x64xf32, #tpu.memory_space<hbm>>
    tpu.wait_indirect_dma semaphore(%arg14 : memref<!tpu.dma_semaphore, #tpu.memory_space<semaphore_mem>>) src(%dma_wait3A_249 : memref<1000000x64xf32, #tpu.memory_space<hbm>>) dst(%arg10 : memref<100x64xf32, #tpu.memory_space<vmem>>)
    %scan3A_250 = arith.constant 0 : i32
    %scan3A_251 = arith.constant 0 : i32
    %scan3A_252 = arith.constant 100 : i32
    %scan3A_253 = arith.addi %scan3A_251, %scan3A_252 : i32
    %scan3A_254 = arith.constant 4 : i32
    scf.for %scan3A_325 = %scan3A_251 to %scan3A_253 step %scan3A_254  : i32 {
      %add3A_326 = arith.constant 0 : i32
      %add3A_327 = arith.addi %add3A_326, %scan3A_325 : i32
      %get3A = arith.index_cast %add3A_327 : i32 to index
      %get3A_328 = arith.constant 0 : index
      %get3A_329 = tpu.vector_load %arg7[%get3A, %get3A_328] {strides = array<i32>} : memref<200x64xf32, #tpu.memory_space<vmem>>, vector<1x16xf32>,
      %get3A_330 = vector.shape_cast %get3A_329 : vector<1x16xf32> to vector<16xf32>
      %swap3A = arith.index_cast %scan3A_325 : i32 to index
      %swap3A_331 = arith.constant 0 : index
      %swap3A_332 = tpu.vector_load %arg10[%swap3A, %swap3A_331] {strides = array<i32>} : memref<100x64xf32, #tpu.memory_space<vmem>>, vector<1x16xf32>,
      %swap3A_333 = vector.shape_cast %swap3A_332 : vector<1x16xf32> to vector<16xf32>
      %swap3A_334 = vector.shape_cast %get3A_330 : vector<16xf32> to vector<1x16xf32>
      tpu.vector_store %arg10[%swap3A, %swap3A_331], %swap3A_334 {add = true, strides = array<i32>} : memref<100x64xf32, #tpu.memory_space<vmem>>, vector<1x16xf32>,
      %add3A_335 = arith.constant 0 : i32
      %add3A_336 = arith.addi %add3A_335, %scan3A_325 : i32
      %get3A_337 = arith.index_cast %add3A_336 : i32 to index
      %get3A_338 = arith.constant 16 : index
      %get3A_339 = tpu.vector_load %arg7[%get3A_337, %get3A_338] {strides = array<i32>} : memref<200x64xf32, #tpu.memory_space<vmem>>, vector<1x16xf32>,
      %get3A_340 = vector.shape_cast %get3A_339 : vector<1x16xf32> to vector<16xf32>
      %swap3A_341 = arith.index_cast %scan3A_325 : i32 to index
      %swap3A_342 = arith.constant 16 : index
      %swap3A_343 = tpu.vector_load %arg10[%swap3A_341, %swap3A_342] {strides = array<i32>} : memref<100x64xf32, #tpu.memory_space<vmem>>, vector<1x16xf32>,
      %swap3A_344 = vector.shape_cast %swap3A_343 : vector<1x16xf32> to vector<16xf32>
      %swap3A_345 = vector.shape_cast %get3A_340 : vector<16xf32> to vector<1x16xf32>
      tpu.vector_store %arg10[%swap3A_341, %swap3A_342], %swap3A_345 {add = true, strides = array<i32>} : memref<100x64xf32, #tpu.memory_space<vmem>>, vector<1x16xf32>,
      %add3A_346 = arith.constant 0 : i32
      %add3A_347 = arith.addi %add3A_346, %scan3A_325 : i32
      %get3A_348 = arith.index_cast %add3A_347 : i32 to index
      %get3A_349 = arith.constant 32 : index
      %get3A_350 = tpu.vector_load %arg7[%get3A_348, %get3A_349] {strides = array<i32>} : memref<200x64xf32, #tpu.memory_space<vmem>>, vector<1x16xf32>,
      %get3A_351 = vector.shape_cast %get3A_350 : vector<1x16xf32> to vector<16xf32>
      %swap3A_352 = arith.index_cast %scan3A_325 : i32 to index
      %swap3A_353 = arith.constant 32 : index
      %swap3A_354 = tpu.vector_load %arg10[%swap3A_352, %swap3A_353] {strides = array<i32>} : memref<100x64xf32, #tpu.memory_space<vmem>>, vector<1x16xf32>,
      %swap3A_355 = vector.shape_cast %swap3A_354 : vector<1x16xf32> to vector<16xf32>
      %swap3A_356 = vector.shape_cast %get3A_351 : vector<16xf32> to vector<1x16xf32>
      tpu.vector_store %arg10[%swap3A_352, %swap3A_353], %swap3A_356 {add = true, strides = array<i32>} : memref<100x64xf32, #tpu.memory_space<vmem>>, vector<1x16xf32>,
      %add3A_357 = arith.constant 0 : i32
      %add3A_358 = arith.addi %add3A_357, %scan3A_325 : i32
      %get3A_359 = arith.index_cast %add3A_358 : i32 to index
      %get3A_360 = arith.constant 48 : index
      %get3A_361 = tpu.vector_load %arg7[%get3A_359, %get3A_360] {strides = array<i32>} : memref<200x64xf32, #tpu.memory_space<vmem>>, vector<1x16xf32>,
      %get3A_362 = vector.shape_cast %get3A_361 : vector<1x16xf32> to vector<16xf32>
      %swap3A_363 = arith.index_cast %scan3A_325 : i32 to index
      %swap3A_364 = arith.constant 48 : index
      %swap3A_365 = tpu.vector_load %arg10[%swap3A_363, %swap3A_364] {strides = array<i32>} : memref<100x64xf32, #tpu.memory_space<vmem>>, vector<1x16xf32>,
      %swap3A_366 = vector.shape_cast %swap3A_365 : vector<1x16xf32> to vector<16xf32>
      %swap3A_367 = vector.shape_cast %get3A_362 : vector<16xf32> to vector<1x16xf32>
      tpu.vector_store %arg10[%swap3A_363, %swap3A_364], %swap3A_367 {add = true, strides = array<i32>} : memref<100x64xf32, #tpu.memory_space<vmem>>, vector<1x16xf32>,
      %scan3A_368 = arith.constant 1 : i32
      %scan3A_369 = arith.addi %scan3A_325, %scan3A_368 : i32
      %add3A_370 = arith.constant 0 : i32
      %add3A_371 = arith.addi %add3A_370, %scan3A_369 : i32
      %get3A_372 = arith.index_cast %add3A_371 : i32 to index
      %get3A_373 = arith.constant 0 : index
      %get3A_374 = tpu.vector_load %arg7[%get3A_372, %get3A_373] {strides = array<i32>} : memref<200x64xf32, #tpu.memory_space<vmem>>, vector<1x16xf32>,
      %get3A_375 = vector.shape_cast %get3A_374 : vector<1x16xf32> to vector<16xf32>
      %swap3A_376 = arith.index_cast %scan3A_369 : i32 to index
      %swap3A_377 = arith.constant 0 : index
      %swap3A_378 = tpu.vector_load %arg10[%swap3A_376, %swap3A_377] {strides = array<i32>} : memref<100x64xf32, #tpu.memory_space<vmem>>, vector<1x16xf32>,
      %swap3A_379 = vector.shape_cast %swap3A_378 : vector<1x16xf32> to vector<16xf32>
      %swap3A_380 = vector.shape_cast %get3A_375 : vector<16xf32> to vector<1x16xf32>
      tpu.vector_store %arg10[%swap3A_376, %swap3A_377], %swap3A_380 {add = true, strides = array<i32>} : memref<100x64xf32, #tpu.memory_space<vmem>>, vector<1x16xf32>,
      %add3A_381 = arith.constant 0 : i32
      %add3A_382 = arith.addi %add3A_381, %scan3A_369 : i32
      %get3A_383 = arith.index_cast %add3A_382 : i32 to index
      %get3A_384 = arith.constant 16 : index
      %get3A_385 = tpu.vector_load %arg7[%get3A_383, %get3A_384] {strides = array<i32>} : memref<200x64xf32, #tpu.memory_space<vmem>>, vector<1x16xf32>,
      %get3A_386 = vector.shape_cast %get3A_385 : vector<1x16xf32> to vector<16xf32>
      %swap3A_387 = arith.index_cast %scan3A_369 : i32 to index
      %swap3A_388 = arith.constant 16 : index
      %swap3A_389 = tpu.vector_load %arg10[%swap3A_387, %swap3A_388] {strides = array<i32>} : memref<100x64xf32, #tpu.memory_space<vmem>>, vector<1x16xf32>,
      %swap3A_390 = vector.shape_cast %swap3A_389 : vector<1x16xf32> to vector<16xf32>
      %swap3A_391 = vector.shape_cast %get3A_386 : vector<16xf32> to vector<1x16xf32>
      tpu.vector_store %arg10[%swap3A_387, %swap3A_388], %swap3A_391 {add = true, strides = array<i32>} : memref<100x64xf32, #tpu.memory_space<vmem>>, vector<1x16xf32>,
      %add3A_392 = arith.constant 0 : i32
      %add3A_393 = arith.addi %add3A_392, %scan3A_369 : i32
      %get3A_394 = arith.index_cast %add3A_393 : i32 to index
      %get3A_395 = arith.constant 32 : index
      %get3A_396 = tpu.vector_load %arg7[%get3A_394, %get3A_395] {strides = array<i32>} : memref<200x64xf32, #tpu.memory_space<vmem>>, vector<1x16xf32>,
      %get3A_397 = vector.shape_cast %get3A_396 : vector<1x16xf32> to vector<16xf32>
      %swap3A_398 = arith.index_cast %scan3A_369 : i32 to index
      %swap3A_399 = arith.constant 32 : index
      %swap3A_400 = tpu.vector_load %arg10[%swap3A_398, %swap3A_399] {strides = array<i32>} : memref<100x64xf32, #tpu.memory_space<vmem>>, vector<1x16xf32>,
      %swap3A_401 = vector.shape_cast %swap3A_400 : vector<1x16xf32> to vector<16xf32>
      %swap3A_402 = vector.shape_cast %get3A_397 : vector<16xf32> to vector<1x16xf32>
      tpu.vector_store %arg10[%swap3A_398, %swap3A_399], %swap3A_402 {add = true, strides = array<i32>} : memref<100x64xf32, #tpu.memory_space<vmem>>, vector<1x16xf32>,
      %add3A_403 = arith.constant 0 : i32
      %add3A_404 = arith.addi %add3A_403, %scan3A_369 : i32
      %get3A_405 = arith.index_cast %add3A_404 : i32 to index
      %get3A_406 = arith.constant 48 : index
      %get3A_407 = tpu.vector_load %arg7[%get3A_405, %get3A_406] {strides = array<i32>} : memref<200x64xf32, #tpu.memory_space<vmem>>, vector<1x16xf32>,
      %get3A_408 = vector.shape_cast %get3A_407 : vector<1x16xf32> to vector<16xf32>
      %swap3A_409 = arith.index_cast %scan3A_369 : i32 to index
      %swap3A_410 = arith.constant 48 : index
      %swap3A_411 = tpu.vector_load %arg10[%swap3A_409, %swap3A_410] {strides = array<i32>} : memref<100x64xf32, #tpu.memory_space<vmem>>, vector<1x16xf32>,
      %swap3A_412 = vector.shape_cast %swap3A_411 : vector<1x16xf32> to vector<16xf32>
      %swap3A_413 = vector.shape_cast %get3A_408 : vector<16xf32> to vector<1x16xf32>
      tpu.vector_store %arg10[%swap3A_409, %swap3A_410], %swap3A_413 {add = true, strides = array<i32>} : memref<100x64xf32, #tpu.memory_space<vmem>>, vector<1x16xf32>,
      %scan3A_414 = arith.constant 2 : i32
      %scan3A_415 = arith.addi %scan3A_325, %scan3A_414 : i32
      %add3A_416 = arith.constant 0 : i32
      %add3A_417 = arith.addi %add3A_416, %scan3A_415 : i32
      %get3A_418 = arith.index_cast %add3A_417 : i32 to index
      %get3A_419 = arith.constant 0 : index
      %get3A_420 = tpu.vector_load %arg7[%get3A_418, %get3A_419] {strides = array<i32>} : memref<200x64xf32, #tpu.memory_space<vmem>>, vector<1x16xf32>,
      %get3A_421 = vector.shape_cast %get3A_420 : vector<1x16xf32> to vector<16xf32>
      %swap3A_422 = arith.index_cast %scan3A_415 : i32 to index
      %swap3A_423 = arith.constant 0 : index
      %swap3A_424 = tpu.vector_load %arg10[%swap3A_422, %swap3A_423] {strides = array<i32>} : memref<100x64xf32, #tpu.memory_space<vmem>>, vector<1x16xf32>,
      %swap3A_425 = vector.shape_cast %swap3A_424 : vector<1x16xf32> to vector<16xf32>
      %swap3A_426 = vector.shape_cast %get3A_421 : vector<16xf32> to vector<1x16xf32>
      tpu.vector_store %arg10[%swap3A_422, %swap3A_423], %swap3A_426 {add = true, strides = array<i32>} : memref<100x64xf32, #tpu.memory_space<vmem>>, vector<1x16xf32>,
      %add3A_427 = arith.constant 0 : i32
      %add3A_428 = arith.addi %add3A_427, %scan3A_415 : i32
      %get3A_429 = arith.index_cast %add3A_428 : i32 to index
      %get3A_430 = arith.constant 16 : index
      %get3A_431 = tpu.vector_load %arg7[%get3A_429, %get3A_430] {strides = array<i32>} : memref<200x64xf32, #tpu.memory_space<vmem>>, vector<1x16xf32>,
      %get3A_432 = vector.shape_cast %get3A_431 : vector<1x16xf32> to vector<16xf32>
      %swap3A_433 = arith.index_cast %scan3A_415 : i32 to index
      %swap3A_434 = arith.constant 16 : index
      %swap3A_435 = tpu.vector_load %arg10[%swap3A_433, %swap3A_434] {strides = array<i32>} : memref<100x64xf32, #tpu.memory_space<vmem>>, vector<1x16xf32>,
      %swap3A_436 = vector.shape_cast %swap3A_435 : vector<1x16xf32> to vector<16xf32>
      %swap3A_437 = vector.shape_cast %get3A_432 : vector<16xf32> to vector<1x16xf32>
      tpu.vector_store %arg10[%swap3A_433, %swap3A_434], %swap3A_437 {add = true, strides = array<i32>} : memref<100x64xf32, #tpu.memory_space<vmem>>, vector<1x16xf32>,
      %add3A_438 = arith.constant 0 : i32
      %add3A_439 = arith.addi %add3A_438, %scan3A_415 : i32
      %get3A_440 = arith.index_cast %add3A_439 : i32 to index
      %get3A_441 = arith.constant 32 : index
      %get3A_442 = tpu.vector_load %arg7[%get3A_440, %get3A_441] {strides = array<i32>} : memref<200x64xf32, #tpu.memory_space<vmem>>, vector<1x16xf32>,
      %get3A_443 = vector.shape_cast %get3A_442 : vector<1x16xf32> to vector<16xf32>
      %swap3A_444 = arith.index_cast %scan3A_415 : i32 to index
      %swap3A_445 = arith.constant 32 : index
      %swap3A_446 = tpu.vector_load %arg10[%swap3A_444, %swap3A_445] {strides = array<i32>} : memref<100x64xf32, #tpu.memory_space<vmem>>, vector<1x16xf32>,
      %swap3A_447 = vector.shape_cast %swap3A_446 : vector<1x16xf32> to vector<16xf32>
      %swap3A_448 = vector.shape_cast %get3A_443 : vector<16xf32> to vector<1x16xf32>
      tpu.vector_store %arg10[%swap3A_444, %swap3A_445], %swap3A_448 {add = true, strides = array<i32>} : memref<100x64xf32, #tpu.memory_space<vmem>>, vector<1x16xf32>,
      %add3A_449 = arith.constant 0 : i32
      %add3A_450 = arith.addi %add3A_449, %scan3A_415 : i32
      %get3A_451 = arith.index_cast %add3A_450 : i32 to index
      %get3A_452 = arith.constant 48 : index
      %get3A_453 = tpu.vector_load %arg7[%get3A_451, %get3A_452] {strides = array<i32>} : memref<200x64xf32, #tpu.memory_space<vmem>>, vector<1x16xf32>,
      %get3A_454 = vector.shape_cast %get3A_453 : vector<1x16xf32> to vector<16xf32>
      %swap3A_455 = arith.index_cast %scan3A_415 : i32 to index
      %swap3A_456 = arith.constant 48 : index
      %swap3A_457 = tpu.vector_load %arg10[%swap3A_455, %swap3A_456] {strides = array<i32>} : memref<100x64xf32, #tpu.memory_space<vmem>>, vector<1x16xf32>,
      %swap3A_458 = vector.shape_cast %swap3A_457 : vector<1x16xf32> to vector<16xf32>
      %swap3A_459 = vector.shape_cast %get3A_454 : vector<16xf32> to vector<1x16xf32>
      tpu.vector_store %arg10[%swap3A_455, %swap3A_456], %swap3A_459 {add = true, strides = array<i32>} : memref<100x64xf32, #tpu.memory_space<vmem>>, vector<1x16xf32>,
      %scan3A_460 = arith.constant 3 : i32
      %scan3A_461 = arith.addi %scan3A_325, %scan3A_460 : i32
      %add3A_462 = arith.constant 0 : i32
      %add3A_463 = arith.addi %add3A_462, %scan3A_461 : i32
      %get3A_464 = arith.index_cast %add3A_463 : i32 to index
      %get3A_465 = arith.constant 0 : index
      %get3A_466 = tpu.vector_load %arg7[%get3A_464, %get3A_465] {strides = array<i32>} : memref<200x64xf32, #tpu.memory_space<vmem>>, vector<1x16xf32>,
      %get3A_467 = vector.shape_cast %get3A_466 : vector<1x16xf32> to vector<16xf32>
      %swap3A_468 = arith.index_cast %scan3A_461 : i32 to index
      %swap3A_469 = arith.constant 0 : index
      %swap3A_470 = tpu.vector_load %arg10[%swap3A_468, %swap3A_469] {strides = array<i32>} : memref<100x64xf32, #tpu.memory_space<vmem>>, vector<1x16xf32>,
      %swap3A_471 = vector.shape_cast %swap3A_470 : vector<1x16xf32> to vector<16xf32>
      %swap3A_472 = vector.shape_cast %get3A_467 : vector<16xf32> to vector<1x16xf32>
      tpu.vector_store %arg10[%swap3A_468, %swap3A_469], %swap3A_472 {add = true, strides = array<i32>} : memref<100x64xf32, #tpu.memory_space<vmem>>, vector<1x16xf32>,
      %add3A_473 = arith.constant 0 : i32
      %add3A_474 = arith.addi %add3A_473, %scan3A_461 : i32
      %get3A_475 = arith.index_cast %add3A_474 : i32 to index
      %get3A_476 = arith.constant 16 : index
      %get3A_477 = tpu.vector_load %arg7[%get3A_475, %get3A_476] {strides = array<i32>} : memref<200x64xf32, #tpu.memory_space<vmem>>, vector<1x16xf32>,
      %get3A_478 = vector.shape_cast %get3A_477 : vector<1x16xf32> to vector<16xf32>
      %swap3A_479 = arith.index_cast %scan3A_461 : i32 to index
      %swap3A_480 = arith.constant 16 : index
      %swap3A_481 = tpu.vector_load %arg10[%swap3A_479, %swap3A_480] {strides = array<i32>} : memref<100x64xf32, #tpu.memory_space<vmem>>, vector<1x16xf32>,
      %swap3A_482 = vector.shape_cast %swap3A_481 : vector<1x16xf32> to vector<16xf32>
      %swap3A_483 = vector.shape_cast %get3A_478 : vector<16xf32> to vector<1x16xf32>
      tpu.vector_store %arg10[%swap3A_479, %swap3A_480], %swap3A_483 {add = true, strides = array<i32>} : memref<100x64xf32, #tpu.memory_space<vmem>>, vector<1x16xf32>,
      %add3A_484 = arith.constant 0 : i32
      %add3A_485 = arith.addi %add3A_484, %scan3A_461 : i32
      %get3A_486 = arith.index_cast %add3A_485 : i32 to index
      %get3A_487 = arith.constant 32 : index
      %get3A_488 = tpu.vector_load %arg7[%get3A_486, %get3A_487] {strides = array<i32>} : memref<200x64xf32, #tpu.memory_space<vmem>>, vector<1x16xf32>,
      %get3A_489 = vector.shape_cast %get3A_488 : vector<1x16xf32> to vector<16xf32>
      %swap3A_490 = arith.index_cast %scan3A_461 : i32 to index
      %swap3A_491 = arith.constant 32 : index
      %swap3A_492 = tpu.vector_load %arg10[%swap3A_490, %swap3A_491] {strides = array<i32>} : memref<100x64xf32, #tpu.memory_space<vmem>>, vector<1x16xf32>,
      %swap3A_493 = vector.shape_cast %swap3A_492 : vector<1x16xf32> to vector<16xf32>
      %swap3A_494 = vector.shape_cast %get3A_489 : vector<16xf32> to vector<1x16xf32>
      tpu.vector_store %arg10[%swap3A_490, %swap3A_491], %swap3A_494 {add = true, strides = array<i32>} : memref<100x64xf32, #tpu.memory_space<vmem>>, vector<1x16xf32>,
      %add3A_495 = arith.constant 0 : i32
      %add3A_496 = arith.addi %add3A_495, %scan3A_461 : i32
      %get3A_497 = arith.index_cast %add3A_496 : i32 to index
      %get3A_498 = arith.constant 48 : index
      %get3A_499 = tpu.vector_load %arg7[%get3A_497, %get3A_498] {strides = array<i32>} : memref<200x64xf32, #tpu.memory_space<vmem>>, vector<1x16xf32>,
      %get3A_500 = vector.shape_cast %get3A_499 : vector<1x16xf32> to vector<16xf32>
      %swap3A_501 = arith.index_cast %scan3A_461 : i32 to index
      %swap3A_502 = arith.constant 48 : index
      %swap3A_503 = tpu.vector_load %arg10[%swap3A_501, %swap3A_502] {strides = array<i32>} : memref<100x64xf32, #tpu.memory_space<vmem>>, vector<1x16xf32>,
      %swap3A_504 = vector.shape_cast %swap3A_503 : vector<1x16xf32> to vector<16xf32>
      %swap3A_505 = vector.shape_cast %get3A_500 : vector<16xf32> to vector<1x16xf32>
      tpu.vector_store %arg10[%swap3A_501, %swap3A_502], %swap3A_505 {add = true, strides = array<i32>} : memref<100x64xf32, #tpu.memory_space<vmem>>, vector<1x16xf32>,
    }
    %scan3A_255 = arith.constant 100 : i32
    %div3A_256 = arith.constant 254 : i32
    %div3A_257 = arith.constant 2 : i32
    %div3A_258 = arith.divsi %div3A_256, %div3A_257 : i32
    %add3A_259 = arith.addi %mul3A_2, %div3A_258 : i32
    %dma_start3A_260 = arith.constant 0 : i32
    %dma_start3A_261 = arith.constant 0 : i32
    %dma_start3A_262 = tpu.memref_slice %arg5[%add3A_259, %dma_start3A_260, %dma_start3A_261] : memref<4096x200x64xf32, #tpu.memory_space<hbm>> -> memref<1x100x64xf32, #tpu.memory_space<hbm>>
    %dma_start3A_263 = tpu.memref_squeeze %dma_start3A_262 : memref<1x100x64xf32, #tpu.memory_space<hbm>> -> memref<100x64xf32, #tpu.memory_space<hbm>>
    %dma_start3A_264 = arith.constant 0 : i32
    %dma_start3A_265 = arith.constant 0 : i32
    %dma_start3A_266 = tpu.memref_slice %arg5[%add3A_259, %dma_start3A_264, %dma_start3A_265] : memref<4096x200x64xf32, #tpu.memory_space<hbm>> -> memref<1x100x64xf32, #tpu.memory_space<hbm>>
    %dma_start3A_267 = tpu.memref_squeeze %dma_start3A_266 : memref<1x100x64xf32, #tpu.memory_space<hbm>> -> memref<100x64xf32, #tpu.memory_space<hbm>>
    tpu.enqueue_dma source(%arg10 : memref<100x64xf32, #tpu.memory_space<vmem>>) target(%dma_start3A_267 : memref<100x64xf32, #tpu.memory_space<hbm>>) target_semaphore(%arg18 : memref<!tpu.dma_semaphore, #tpu.memory_space<semaphore_mem>>)
    %dma_wait3A_268 = arith.constant 255 : i32
    %dma_wait3A_269 = arith.constant 0 : i32
    %dma_wait3A_270 = tpu.memref_slice %arg6[%dma_wait3A_268, %dma_wait3A_269] : memref<256x100xi32, #tpu.memory_space<vmem>> -> memref<1x100xi32, #tpu.memory_space<vmem>>
    %dma_wait3A_271 = tpu.memref_squeeze %dma_wait3A_270 : memref<1x100xi32, #tpu.memory_space<vmem>> -> memref<100xi32, #tpu.memory_space<vmem>>
    %dma_wait3A_272 = arith.constant 0 : i32
    %dma_wait3A_273 = arith.constant 0 : i32
    %dma_wait3A_274 = tpu.memref_slice %arg3[%dma_wait3A_272, %dma_wait3A_273] : memref<1000000x64xf32, #tpu.memory_space<hbm>> -> memref<1000000x64xf32, #tpu.memory_space<hbm>>
    tpu.wait_indirect_dma semaphore(%arg15 : memref<!tpu.dma_semaphore, #tpu.memory_space<semaphore_mem>>) src(%dma_wait3A_274 : memref<1000000x64xf32, #tpu.memory_space<hbm>>) dst(%arg11 : memref<100x64xf32, #tpu.memory_space<vmem>>)
    %scan3A_275 = arith.constant 0 : i32
    %scan3A_276 = arith.constant 0 : i32
    %scan3A_277 = arith.constant 100 : i32
    %scan3A_278 = arith.addi %scan3A_276, %scan3A_277 : i32
    %scan3A_279 = arith.constant 4 : i32
    scf.for %scan3A_325 = %scan3A_276 to %scan3A_278 step %scan3A_279  : i32 {
      %add3A_326 = arith.constant 100 : i32
      %add3A_327 = arith.addi %add3A_326, %scan3A_325 : i32
      %get3A = arith.index_cast %add3A_327 : i32 to index
      %get3A_328 = arith.constant 0 : index
      %get3A_329 = tpu.vector_load %arg7[%get3A, %get3A_328] {strides = array<i32>} : memref<200x64xf32, #tpu.memory_space<vmem>>, vector<1x16xf32>,
      %get3A_330 = vector.shape_cast %get3A_329 : vector<1x16xf32> to vector<16xf32>
      %swap3A = arith.index_cast %scan3A_325 : i32 to index
      %swap3A_331 = arith.constant 0 : index
      %swap3A_332 = tpu.vector_load %arg11[%swap3A, %swap3A_331] {strides = array<i32>} : memref<100x64xf32, #tpu.memory_space<vmem>>, vector<1x16xf32>,
      %swap3A_333 = vector.shape_cast %swap3A_332 : vector<1x16xf32> to vector<16xf32>
      %swap3A_334 = vector.shape_cast %get3A_330 : vector<16xf32> to vector<1x16xf32>
      tpu.vector_store %arg11[%swap3A, %swap3A_331], %swap3A_334 {add = true, strides = array<i32>} : memref<100x64xf32, #tpu.memory_space<vmem>>, vector<1x16xf32>,
      %add3A_335 = arith.constant 100 : i32
      %add3A_336 = arith.addi %add3A_335, %scan3A_325 : i32
      %get3A_337 = arith.index_cast %add3A_336 : i32 to index
      %get3A_338 = arith.constant 16 : index
      %get3A_339 = tpu.vector_load %arg7[%get3A_337, %get3A_338] {strides = array<i32>} : memref<200x64xf32, #tpu.memory_space<vmem>>, vector<1x16xf32>,
      %get3A_340 = vector.shape_cast %get3A_339 : vector<1x16xf32> to vector<16xf32>
      %swap3A_341 = arith.index_cast %scan3A_325 : i32 to index
      %swap3A_342 = arith.constant 16 : index
      %swap3A_343 = tpu.vector_load %arg11[%swap3A_341, %swap3A_342] {strides = array<i32>} : memref<100x64xf32, #tpu.memory_space<vmem>>, vector<1x16xf32>,
      %swap3A_344 = vector.shape_cast %swap3A_343 : vector<1x16xf32> to vector<16xf32>
      %swap3A_345 = vector.shape_cast %get3A_340 : vector<16xf32> to vector<1x16xf32>
      tpu.vector_store %arg11[%swap3A_341, %swap3A_342], %swap3A_345 {add = true, strides = array<i32>} : memref<100x64xf32, #tpu.memory_space<vmem>>, vector<1x16xf32>,
      %add3A_346 = arith.constant 100 : i32
      %add3A_347 = arith.addi %add3A_346, %scan3A_325 : i32
      %get3A_348 = arith.index_cast %add3A_347 : i32 to index
      %get3A_349 = arith.constant 32 : index
      %get3A_350 = tpu.vector_load %arg7[%get3A_348, %get3A_349] {strides = array<i32>} : memref<200x64xf32, #tpu.memory_space<vmem>>, vector<1x16xf32>,
      %get3A_351 = vector.shape_cast %get3A_350 : vector<1x16xf32> to vector<16xf32>
      %swap3A_352 = arith.index_cast %scan3A_325 : i32 to index
      %swap3A_353 = arith.constant 32 : index
      %swap3A_354 = tpu.vector_load %arg11[%swap3A_352, %swap3A_353] {strides = array<i32>} : memref<100x64xf32, #tpu.memory_space<vmem>>, vector<1x16xf32>,
      %swap3A_355 = vector.shape_cast %swap3A_354 : vector<1x16xf32> to vector<16xf32>
      %swap3A_356 = vector.shape_cast %get3A_351 : vector<16xf32> to vector<1x16xf32>
      tpu.vector_store %arg11[%swap3A_352, %swap3A_353], %swap3A_356 {add = true, strides = array<i32>} : memref<100x64xf32, #tpu.memory_space<vmem>>, vector<1x16xf32>,
      %add3A_357 = arith.constant 100 : i32
      %add3A_358 = arith.addi %add3A_357, %scan3A_325 : i32
      %get3A_359 = arith.index_cast %add3A_358 : i32 to index
      %get3A_360 = arith.constant 48 : index
      %get3A_361 = tpu.vector_load %arg7[%get3A_359, %get3A_360] {strides = array<i32>} : memref<200x64xf32, #tpu.memory_space<vmem>>, vector<1x16xf32>,
      %get3A_362 = vector.shape_cast %get3A_361 : vector<1x16xf32> to vector<16xf32>
      %swap3A_363 = arith.index_cast %scan3A_325 : i32 to index
      %swap3A_364 = arith.constant 48 : index
      %swap3A_365 = tpu.vector_load %arg11[%swap3A_363, %swap3A_364] {strides = array<i32>} : memref<100x64xf32, #tpu.memory_space<vmem>>, vector<1x16xf32>,
      %swap3A_366 = vector.shape_cast %swap3A_365 : vector<1x16xf32> to vector<16xf32>
      %swap3A_367 = vector.shape_cast %get3A_362 : vector<16xf32> to vector<1x16xf32>
      tpu.vector_store %arg11[%swap3A_363, %swap3A_364], %swap3A_367 {add = true, strides = array<i32>} : memref<100x64xf32, #tpu.memory_space<vmem>>, vector<1x16xf32>,
      %scan3A_368 = arith.constant 1 : i32
      %scan3A_369 = arith.addi %scan3A_325, %scan3A_368 : i32
      %add3A_370 = arith.constant 100 : i32
      %add3A_371 = arith.addi %add3A_370, %scan3A_369 : i32
      %get3A_372 = arith.index_cast %add3A_371 : i32 to index
      %get3A_373 = arith.constant 0 : index
      %get3A_374 = tpu.vector_load %arg7[%get3A_372, %get3A_373] {strides = array<i32>} : memref<200x64xf32, #tpu.memory_space<vmem>>, vector<1x16xf32>,
      %get3A_375 = vector.shape_cast %get3A_374 : vector<1x16xf32> to vector<16xf32>
      %swap3A_376 = arith.index_cast %scan3A_369 : i32 to index
      %swap3A_377 = arith.constant 0 : index
      %swap3A_378 = tpu.vector_load %arg11[%swap3A_376, %swap3A_377] {strides = array<i32>} : memref<100x64xf32, #tpu.memory_space<vmem>>, vector<1x16xf32>,
      %swap3A_379 = vector.shape_cast %swap3A_378 : vector<1x16xf32> to vector<16xf32>
      %swap3A_380 = vector.shape_cast %get3A_375 : vector<16xf32> to vector<1x16xf32>
      tpu.vector_store %arg11[%swap3A_376, %swap3A_377], %swap3A_380 {add = true, strides = array<i32>} : memref<100x64xf32, #tpu.memory_space<vmem>>, vector<1x16xf32>,
      %add3A_381 = arith.constant 100 : i32
      %add3A_382 = arith.addi %add3A_381, %scan3A_369 : i32
      %get3A_383 = arith.index_cast %add3A_382 : i32 to index
      %get3A_384 = arith.constant 16 : index
      %get3A_385 = tpu.vector_load %arg7[%get3A_383, %get3A_384] {strides = array<i32>} : memref<200x64xf32, #tpu.memory_space<vmem>>, vector<1x16xf32>,
      %get3A_386 = vector.shape_cast %get3A_385 : vector<1x16xf32> to vector<16xf32>
      %swap3A_387 = arith.index_cast %scan3A_369 : i32 to index
      %swap3A_388 = arith.constant 16 : index
      %swap3A_389 = tpu.vector_load %arg11[%swap3A_387, %swap3A_388] {strides = array<i32>} : memref<100x64xf32, #tpu.memory_space<vmem>>, vector<1x16xf32>,
      %swap3A_390 = vector.shape_cast %swap3A_389 : vector<1x16xf32> to vector<16xf32>
      %swap3A_391 = vector.shape_cast %get3A_386 : vector<16xf32> to vector<1x16xf32>
      tpu.vector_store %arg11[%swap3A_387, %swap3A_388], %swap3A_391 {add = true, strides = array<i32>} : memref<100x64xf32, #tpu.memory_space<vmem>>, vector<1x16xf32>,
      %add3A_392 = arith.constant 100 : i32
      %add3A_393 = arith.addi %add3A_392, %scan3A_369 : i32
      %get3A_394 = arith.index_cast %add3A_393 : i32 to index
      %get3A_395 = arith.constant 32 : index
      %get3A_396 = tpu.vector_load %arg7[%get3A_394, %get3A_395] {strides = array<i32>} : memref<200x64xf32, #tpu.memory_space<vmem>>, vector<1x16xf32>,
      %get3A_397 = vector.shape_cast %get3A_396 : vector<1x16xf32> to vector<16xf32>
      %swap3A_398 = arith.index_cast %scan3A_369 : i32 to index
      %swap3A_399 = arith.constant 32 : index
      %swap3A_400 = tpu.vector_load %arg11[%swap3A_398, %swap3A_399] {strides = array<i32>} : memref<100x64xf32, #tpu.memory_space<vmem>>, vector<1x16xf32>,
      %swap3A_401 = vector.shape_cast %swap3A_400 : vector<1x16xf32> to vector<16xf32>
      %swap3A_402 = vector.shape_cast %get3A_397 : vector<16xf32> to vector<1x16xf32>
      tpu.vector_store %arg11[%swap3A_398, %swap3A_399], %swap3A_402 {add = true, strides = array<i32>} : memref<100x64xf32, #tpu.memory_space<vmem>>, vector<1x16xf32>,
      %add3A_403 = arith.constant 100 : i32
      %add3A_404 = arith.addi %add3A_403, %scan3A_369 : i32
      %get3A_405 = arith.index_cast %add3A_404 : i32 to index
      %get3A_406 = arith.constant 48 : index
      %get3A_407 = tpu.vector_load %arg7[%get3A_405, %get3A_406] {strides = array<i32>} : memref<200x64xf32, #tpu.memory_space<vmem>>, vector<1x16xf32>,
      %get3A_408 = vector.shape_cast %get3A_407 : vector<1x16xf32> to vector<16xf32>
      %swap3A_409 = arith.index_cast %scan3A_369 : i32 to index
      %swap3A_410 = arith.constant 48 : index
      %swap3A_411 = tpu.vector_load %arg11[%swap3A_409, %swap3A_410] {strides = array<i32>} : memref<100x64xf32, #tpu.memory_space<vmem>>, vector<1x16xf32>,
      %swap3A_412 = vector.shape_cast %swap3A_411 : vector<1x16xf32> to vector<16xf32>
      %swap3A_413 = vector.shape_cast %get3A_408 : vector<16xf32> to vector<1x16xf32>
      tpu.vector_store %arg11[%swap3A_409, %swap3A_410], %swap3A_413 {add = true, strides = array<i32>} : memref<100x64xf32, #tpu.memory_space<vmem>>, vector<1x16xf32>,
      %scan3A_414 = arith.constant 2 : i32
      %scan3A_415 = arith.addi %scan3A_325, %scan3A_414 : i32
      %add3A_416 = arith.constant 100 : i32
      %add3A_417 = arith.addi %add3A_416, %scan3A_415 : i32
      %get3A_418 = arith.index_cast %add3A_417 : i32 to index
      %get3A_419 = arith.constant 0 : index
      %get3A_420 = tpu.vector_load %arg7[%get3A_418, %get3A_419] {strides = array<i32>} : memref<200x64xf32, #tpu.memory_space<vmem>>, vector<1x16xf32>,
      %get3A_421 = vector.shape_cast %get3A_420 : vector<1x16xf32> to vector<16xf32>
      %swap3A_422 = arith.index_cast %scan3A_415 : i32 to index
      %swap3A_423 = arith.constant 0 : index
      %swap3A_424 = tpu.vector_load %arg11[%swap3A_422, %swap3A_423] {strides = array<i32>} : memref<100x64xf32, #tpu.memory_space<vmem>>, vector<1x16xf32>,
      %swap3A_425 = vector.shape_cast %swap3A_424 : vector<1x16xf32> to vector<16xf32>
      %swap3A_426 = vector.shape_cast %get3A_421 : vector<16xf32> to vector<1x16xf32>
      tpu.vector_store %arg11[%swap3A_422, %swap3A_423], %swap3A_426 {add = true, strides = array<i32>} : memref<100x64xf32, #tpu.memory_space<vmem>>, vector<1x16xf32>,
      %add3A_427 = arith.constant 100 : i32
      %add3A_428 = arith.addi %add3A_427, %scan3A_415 : i32
      %get3A_429 = arith.index_cast %add3A_428 : i32 to index
      %get3A_430 = arith.constant 16 : index
      %get3A_431 = tpu.vector_load %arg7[%get3A_429, %get3A_430] {strides = array<i32>} : memref<200x64xf32, #tpu.memory_space<vmem>>, vector<1x16xf32>,
      %get3A_432 = vector.shape_cast %get3A_431 : vector<1x16xf32> to vector<16xf32>
      %swap3A_433 = arith.index_cast %scan3A_415 : i32 to index
      %swap3A_434 = arith.constant 16 : index
      %swap3A_435 = tpu.vector_load %arg11[%swap3A_433, %swap3A_434] {strides = array<i32>} : memref<100x64xf32, #tpu.memory_space<vmem>>, vector<1x16xf32>,
      %swap3A_436 = vector.shape_cast %swap3A_435 : vector<1x16xf32> to vector<16xf32>
      %swap3A_437 = vector.shape_cast %get3A_432 : vector<16xf32> to vector<1x16xf32>
      tpu.vector_store %arg11[%swap3A_433, %swap3A_434], %swap3A_437 {add = true, strides = array<i32>} : memref<100x64xf32, #tpu.memory_space<vmem>>, vector<1x16xf32>,
      %add3A_438 = arith.constant 100 : i32
      %add3A_439 = arith.addi %add3A_438, %scan3A_415 : i32
      %get3A_440 = arith.index_cast %add3A_439 : i32 to index
      %get3A_441 = arith.constant 32 : index
      %get3A_442 = tpu.vector_load %arg7[%get3A_440, %get3A_441] {strides = array<i32>} : memref<200x64xf32, #tpu.memory_space<vmem>>, vector<1x16xf32>,
      %get3A_443 = vector.shape_cast %get3A_442 : vector<1x16xf32> to vector<16xf32>
      %swap3A_444 = arith.index_cast %scan3A_415 : i32 to index
      %swap3A_445 = arith.constant 32 : index
      %swap3A_446 = tpu.vector_load %arg11[%swap3A_444, %swap3A_445] {strides = array<i32>} : memref<100x64xf32, #tpu.memory_space<vmem>>, vector<1x16xf32>,
      %swap3A_447 = vector.shape_cast %swap3A_446 : vector<1x16xf32> to vector<16xf32>
      %swap3A_448 = vector.shape_cast %get3A_443 : vector<16xf32> to vector<1x16xf32>
      tpu.vector_store %arg11[%swap3A_444, %swap3A_445], %swap3A_448 {add = true, strides = array<i32>} : memref<100x64xf32, #tpu.memory_space<vmem>>, vector<1x16xf32>,
      %add3A_449 = arith.constant 100 : i32
      %add3A_450 = arith.addi %add3A_449, %scan3A_415 : i32
      %get3A_451 = arith.index_cast %add3A_450 : i32 to index
      %get3A_452 = arith.constant 48 : index
      %get3A_453 = tpu.vector_load %arg7[%get3A_451, %get3A_452] {strides = array<i32>} : memref<200x64xf32, #tpu.memory_space<vmem>>, vector<1x16xf32>,
      %get3A_454 = vector.shape_cast %get3A_453 : vector<1x16xf32> to vector<16xf32>
      %swap3A_455 = arith.index_cast %scan3A_415 : i32 to index
      %swap3A_456 = arith.constant 48 : index
      %swap3A_457 = tpu.vector_load %arg11[%swap3A_455, %swap3A_456] {strides = array<i32>} : memref<100x64xf32, #tpu.memory_space<vmem>>, vector<1x16xf32>,
      %swap3A_458 = vector.shape_cast %swap3A_457 : vector<1x16xf32> to vector<16xf32>
      %swap3A_459 = vector.shape_cast %get3A_454 : vector<16xf32> to vector<1x16xf32>
      tpu.vector_store %arg11[%swap3A_455, %swap3A_456], %swap3A_459 {add = true, strides = array<i32>} : memref<100x64xf32, #tpu.memory_space<vmem>>, vector<1x16xf32>,
      %scan3A_460 = arith.constant 3 : i32
      %scan3A_461 = arith.addi %scan3A_325, %scan3A_460 : i32
      %add3A_462 = arith.constant 100 : i32
      %add3A_463 = arith.addi %add3A_462, %scan3A_461 : i32
      %get3A_464 = arith.index_cast %add3A_463 : i32 to index
      %get3A_465 = arith.constant 0 : index
      %get3A_466 = tpu.vector_load %arg7[%get3A_464, %get3A_465] {strides = array<i32>} : memref<200x64xf32, #tpu.memory_space<vmem>>, vector<1x16xf32>,
      %get3A_467 = vector.shape_cast %get3A_466 : vector<1x16xf32> to vector<16xf32>
      %swap3A_468 = arith.index_cast %scan3A_461 : i32 to index
      %swap3A_469 = arith.constant 0 : index
      %swap3A_470 = tpu.vector_load %arg11[%swap3A_468, %swap3A_469] {strides = array<i32>} : memref<100x64xf32, #tpu.memory_space<vmem>>, vector<1x16xf32>,
      %swap3A_471 = vector.shape_cast %swap3A_470 : vector<1x16xf32> to vector<16xf32>
      %swap3A_472 = vector.shape_cast %get3A_467 : vector<16xf32> to vector<1x16xf32>
      tpu.vector_store %arg11[%swap3A_468, %swap3A_469], %swap3A_472 {add = true, strides = array<i32>} : memref<100x64xf32, #tpu.memory_space<vmem>>, vector<1x16xf32>,
      %add3A_473 = arith.constant 100 : i32
      %add3A_474 = arith.addi %add3A_473, %scan3A_461 : i32
      %get3A_475 = arith.index_cast %add3A_474 : i32 to index
      %get3A_476 = arith.constant 16 : index
      %get3A_477 = tpu.vector_load %arg7[%get3A_475, %get3A_476] {strides = array<i32>} : memref<200x64xf32, #tpu.memory_space<vmem>>, vector<1x16xf32>,
      %get3A_478 = vector.shape_cast %get3A_477 : vector<1x16xf32> to vector<16xf32>
      %swap3A_479 = arith.index_cast %scan3A_461 : i32 to index
      %swap3A_480 = arith.constant 16 : index
      %swap3A_481 = tpu.vector_load %arg11[%swap3A_479, %swap3A_480] {strides = array<i32>} : memref<100x64xf32, #tpu.memory_space<vmem>>, vector<1x16xf32>,
      %swap3A_482 = vector.shape_cast %swap3A_481 : vector<1x16xf32> to vector<16xf32>
      %swap3A_483 = vector.shape_cast %get3A_478 : vector<16xf32> to vector<1x16xf32>
      tpu.vector_store %arg11[%swap3A_479, %swap3A_480], %swap3A_483 {add = true, strides = array<i32>} : memref<100x64xf32, #tpu.memory_space<vmem>>, vector<1x16xf32>,
      %add3A_484 = arith.constant 100 : i32
      %add3A_485 = arith.addi %add3A_484, %scan3A_461 : i32
      %get3A_486 = arith.index_cast %add3A_485 : i32 to index
      %get3A_487 = arith.constant 32 : index
      %get3A_488 = tpu.vector_load %arg7[%get3A_486, %get3A_487] {strides = array<i32>} : memref<200x64xf32, #tpu.memory_space<vmem>>, vector<1x16xf32>,
      %get3A_489 = vector.shape_cast %get3A_488 : vector<1x16xf32> to vector<16xf32>
      %swap3A_490 = arith.index_cast %scan3A_461 : i32 to index
      %swap3A_491 = arith.constant 32 : index
      %swap3A_492 = tpu.vector_load %arg11[%swap3A_490, %swap3A_491] {strides = array<i32>} : memref<100x64xf32, #tpu.memory_space<vmem>>, vector<1x16xf32>,
      %swap3A_493 = vector.shape_cast %swap3A_492 : vector<1x16xf32> to vector<16xf32>
      %swap3A_494 = vector.shape_cast %get3A_489 : vector<16xf32> to vector<1x16xf32>
      tpu.vector_store %arg11[%swap3A_490, %swap3A_491], %swap3A_494 {add = true, strides = array<i32>} : memref<100x64xf32, #tpu.memory_space<vmem>>, vector<1x16xf32>,
      %add3A_495 = arith.constant 100 : i32
      %add3A_496 = arith.addi %add3A_495, %scan3A_461 : i32
      %get3A_497 = arith.index_cast %add3A_496 : i32 to index
      %get3A_498 = arith.constant 48 : index
      %get3A_499 = tpu.vector_load %arg7[%get3A_497, %get3A_498] {strides = array<i32>} : memref<200x64xf32, #tpu.memory_space<vmem>>, vector<1x16xf32>,
      %get3A_500 = vector.shape_cast %get3A_499 : vector<1x16xf32> to vector<16xf32>
      %swap3A_501 = arith.index_cast %scan3A_461 : i32 to index
      %swap3A_502 = arith.constant 48 : index
      %swap3A_503 = tpu.vector_load %arg11[%swap3A_501, %swap3A_502] {strides = array<i32>} : memref<100x64xf32, #tpu.memory_space<vmem>>, vector<1x16xf32>,
      %swap3A_504 = vector.shape_cast %swap3A_503 : vector<1x16xf32> to vector<16xf32>
      %swap3A_505 = vector.shape_cast %get3A_500 : vector<16xf32> to vector<1x16xf32>
      tpu.vector_store %arg11[%swap3A_501, %swap3A_502], %swap3A_505 {add = true, strides = array<i32>} : memref<100x64xf32, #tpu.memory_space<vmem>>, vector<1x16xf32>,
    }
    %scan3A_280 = arith.constant 100 : i32
    %div3A_281 = arith.constant 255 : i32
    %div3A_282 = arith.constant 2 : i32
    %div3A_283 = arith.divsi %div3A_281, %div3A_282 : i32
    %add3A_284 = arith.addi %mul3A_2, %div3A_283 : i32
    %dma_start3A_285 = arith.constant 100 : i32
    %dma_start3A_286 = arith.constant 0 : i32
    %dma_start3A_287 = tpu.memref_slice %arg5[%add3A_284, %dma_start3A_285, %dma_start3A_286] : memref<4096x200x64xf32, #tpu.memory_space<hbm>> -> memref<1x100x64xf32, #tpu.memory_space<hbm>>
    %dma_start3A_288 = tpu.memref_squeeze %dma_start3A_287 : memref<1x100x64xf32, #tpu.memory_space<hbm>> -> memref<100x64xf32, #tpu.memory_space<hbm>>
    %dma_start3A_289 = arith.constant 100 : i32
    %dma_start3A_290 = arith.constant 0 : i32
    %dma_start3A_291 = tpu.memref_slice %arg5[%add3A_284, %dma_start3A_289, %dma_start3A_290] : memref<4096x200x64xf32, #tpu.memory_space<hbm>> -> memref<1x100x64xf32, #tpu.memory_space<hbm>>
    %dma_start3A_292 = tpu.memref_squeeze %dma_start3A_291 : memref<1x100x64xf32, #tpu.memory_space<hbm>> -> memref<100x64xf32, #tpu.memory_space<hbm>>
    tpu.enqueue_dma source(%arg11 : memref<100x64xf32, #tpu.memory_space<vmem>>) target(%dma_start3A_292 : memref<100x64xf32, #tpu.memory_space<hbm>>) target_semaphore(%arg19 : memref<!tpu.dma_semaphore, #tpu.memory_space<semaphore_mem>>)
    %dma_wait3A_293 = arith.constant 0 : i32
    %dma_wait3A_294 = arith.constant 0 : i32
    %dma_wait3A_295 = tpu.memref_slice %arg5[%mul3A_2, %dma_wait3A_293, %dma_wait3A_294] : memref<4096x200x64xf32, #tpu.memory_space<hbm>> -> memref<1x100x64xf32, #tpu.memory_space<hbm>>
    %dma_wait3A_296 = tpu.memref_squeeze %dma_wait3A_295 : memref<1x100x64xf32, #tpu.memory_space<hbm>> -> memref<100x64xf32, #tpu.memory_space<hbm>>
    %dma_wait3A_297 = arith.constant 0 : i32
    %dma_wait3A_298 = arith.constant 0 : i32
    %dma_wait3A_299 = tpu.memref_slice %arg5[%mul3A_2, %dma_wait3A_297, %dma_wait3A_298] : memref<4096x200x64xf32, #tpu.memory_space<hbm>> -> memref<1x100x64xf32, #tpu.memory_space<hbm>>
    %dma_wait3A_300 = tpu.memref_squeeze %dma_wait3A_299 : memref<1x100x64xf32, #tpu.memory_space<hbm>> -> memref<100x64xf32, #tpu.memory_space<hbm>>
    tpu.wait_dma2 semaphore(%arg16 : memref<!tpu.dma_semaphore, #tpu.memory_space<semaphore_mem>>) src(%arg8 : memref<100x64xf32, #tpu.memory_space<vmem>>) dst(%dma_wait3A_300 : memref<100x64xf32, #tpu.memory_space<hbm>>)
    %dma_wait3A_301 = arith.constant 0 : i32
    %dma_wait3A_302 = arith.constant 0 : i32
    %dma_wait3A_303 = tpu.memref_slice %arg5[%mul3A_2, %dma_wait3A_301, %dma_wait3A_302] : memref<4096x200x64xf32, #tpu.memory_space<hbm>> -> memref<1x100x64xf32, #tpu.memory_space<hbm>>
    %dma_wait3A_304 = tpu.memref_squeeze %dma_wait3A_303 : memref<1x100x64xf32, #tpu.memory_space<hbm>> -> memref<100x64xf32, #tpu.memory_space<hbm>>
    %dma_wait3A_305 = arith.constant 0 : i32
    %dma_wait3A_306 = arith.constant 0 : i32
    %dma_wait3A_307 = tpu.memref_slice %arg5[%mul3A_2, %dma_wait3A_305, %dma_wait3A_306] : memref<4096x200x64xf32, #tpu.memory_space<hbm>> -> memref<1x100x64xf32, #tpu.memory_space<hbm>>
    %dma_wait3A_308 = tpu.memref_squeeze %dma_wait3A_307 : memref<1x100x64xf32, #tpu.memory_space<hbm>> -> memref<100x64xf32, #tpu.memory_space<hbm>>
    tpu.wait_dma2 semaphore(%arg17 : memref<!tpu.dma_semaphore, #tpu.memory_space<semaphore_mem>>) src(%arg9 : memref<100x64xf32, #tpu.memory_space<vmem>>) dst(%dma_wait3A_308 : memref<100x64xf32, #tpu.memory_space<hbm>>)
    %dma_wait3A_309 = arith.constant 0 : i32
    %dma_wait3A_310 = arith.constant 0 : i32
    %dma_wait3A_311 = tpu.memref_slice %arg5[%mul3A_2, %dma_wait3A_309, %dma_wait3A_310] : memref<4096x200x64xf32, #tpu.memory_space<hbm>> -> memref<1x100x64xf32, #tpu.memory_space<hbm>>
    %dma_wait3A_312 = tpu.memref_squeeze %dma_wait3A_311 : memref<1x100x64xf32, #tpu.memory_space<hbm>> -> memref<100x64xf32, #tpu.memory_space<hbm>>
    %dma_wait3A_313 = arith.constant 0 : i32
    %dma_wait3A_314 = arith.constant 0 : i32
    %dma_wait3A_315 = tpu.memref_slice %arg5[%mul3A_2, %dma_wait3A_313, %dma_wait3A_314] : memref<4096x200x64xf32, #tpu.memory_space<hbm>> -> memref<1x100x64xf32, #tpu.memory_space<hbm>>
    %dma_wait3A_316 = tpu.memref_squeeze %dma_wait3A_315 : memref<1x100x64xf32, #tpu.memory_space<hbm>> -> memref<100x64xf32, #tpu.memory_space<hbm>>
    tpu.wait_dma2 semaphore(%arg18 : memref<!tpu.dma_semaphore, #tpu.memory_space<semaphore_mem>>) src(%arg10 : memref<100x64xf32, #tpu.memory_space<vmem>>) dst(%dma_wait3A_316 : memref<100x64xf32, #tpu.memory_space<hbm>>)
    %dma_wait3A_317 = arith.constant 0 : i32
    %dma_wait3A_318 = arith.constant 0 : i32
    %dma_wait3A_319 = tpu.memref_slice %arg5[%mul3A_2, %dma_wait3A_317, %dma_wait3A_318] : memref<4096x200x64xf32, #tpu.memory_space<hbm>> -> memref<1x100x64xf32, #tpu.memory_space<hbm>>
    %dma_wait3A_320 = tpu.memref_squeeze %dma_wait3A_319 : memref<1x100x64xf32, #tpu.memory_space<hbm>> -> memref<100x64xf32, #tpu.memory_space<hbm>>
    %dma_wait3A_321 = arith.constant 0 : i32
    %dma_wait3A_322 = arith.constant 0 : i32
    %dma_wait3A_323 = tpu.memref_slice %arg5[%mul3A_2, %dma_wait3A_321, %dma_wait3A_322] : memref<4096x200x64xf32, #tpu.memory_space<hbm>> -> memref<1x100x64xf32, #tpu.memory_space<hbm>>
    %dma_wait3A_324 = tpu.memref_squeeze %dma_wait3A_323 : memref<1x100x64xf32, #tpu.memory_space<hbm>> -> memref<100x64xf32, #tpu.memory_space<hbm>>
    tpu.wait_dma2 semaphore(%arg19 : memref<!tpu.dma_semaphore, #tpu.memory_space<semaphore_mem>>) src(%arg11 : memref<100x64xf32, #tpu.memory_space<vmem>>) dst(%dma_wait3A_324 : memref<100x64xf32, #tpu.memory_space<hbm>>)
    return
  }
}

</mosaic_0001>

<sc_bundles>
// kernel: kernel.3.cloned.1.call-start
scs
__scs_entry_jumppad:
0x0: {  	(pc) =	sbr.rel $0x88, $3  }
0x1: {  	(tag) =	ssettag $0x0;
	lr =	simm.s32 $0x1  }
0x2: {  	[smem:$0x3F9E] =	sst lr;
	_ =	strace $0xD0000000  }
0x3: {  	_ = 	snop  }
0x4: {  	_ = 	snop  }
0x5: {  	_ = 	snop  }
0x6: {  	_ = 	snop  }
0x7: {  	_ = 	snop  }
__scs_overlays_trampoline_lowered:
0x8: {  	[smem:$0x3FAD] =	sst s0  }
0x9: {  	[smem:$0x3FAE] =	sst s1  }
0xa: {  	[smem:$0x3FAF] =	sst s2  }
0xb: {  	[smem:$0x3FB0] =	sst s3  }
0xc: {  	[smem:$0x3FB1] =	sst s4  }
0xd: {  	[smem:$0x3FB2] =	sst s5  }
0xe: {  	[smem:$0x3FB3] =	sst s6  }
0xf: {  	[smem:$0x3FB4] =	sst s7  }
0x10: {  	[smem:$0x3FB5] =	sst s8  }
0x11: {  	[smem:$0x3FB6] =	sst s9;
	s0 =	simm.s32 @!p0 $0x0  }
0x12: {  	s1 =	sld [smem:$0x3F9C];
	s0 =	simm.s32 @p0 $0x1  }
0x13: {  	[smem:$0x3FB7] =	sst s0;
	s0 =	simm.s32 @!p1 $0x0  }
0x14: {  	s2 =	sld [smem:$0x3F9B];
	s0 =	simm.s32 @p1 $0x1  }
0x15: {  	[smem:$0x3FB8] =	sst s0;
	s0 =	simm.s32 @!p2 $0x0  }
0x16: {  	s3 =	sld [smem:$0x3FDB];
	s0 =	simm.s32 @p2 $0x1  }
0x17: {  	s4 =	simm.s32 $0x1BF5;
	[smem:$0x3FBA] =	sst s0  }
0x18: {  	s0 =	sld [smem:$0x3F9D];
	_ =	swait.ge [sflag:s4], $0x0  }
0x19: {  	s7 =	sld [smem:$0x3F9E]  }
0x1a: {  	s8 =	sadd.s32 $0xFFFFE003, lr  }
0x1b: {  	s9 =	sadd.s32 $0xFFFFFEF7, lr;
	s5 =	simm.s32 $0xFFFFFFFF;
	p2 =	slt.u32 s8, $0xFFFFF086  }
0x1c: {  	p1 =	slt.u32 s9, $0xF7A;
	s5 =	simm.s32 @!p2 $0x0  }
0x1d: {  	s5 =	simm.s32 @p1 $0x1;
	p0 =	seq.s32 s7, s2  }
0x1e: {  	s7 =	smul.u32 @!p0 $0xF7A, s2;
	p2 =	seq.s32 @!p0 s5, $0x0  }
0x1f: {  	s9 =	smul.u32 $0xF7A, s1;
	s8 =	simm.s32 @!p0 $0x1BF5;
	p2 =	por !p2, p0  }
0x20: {  	[sflag:s8] =	ssyncset.s32 @!p0 $0xFFFFF086;
	s6 =	sadd.s32 @!p0 s3, s7;
	s7 =	simm.s32 @!p0 $0x108  }
0x21: {  	s3 =	sadd.s32 s3, s9;
	s6 =	sadd.s32 @!p0 $0x88, s6;
	s7 =	simm.s32 @p2 $0x1082  }
0x22: {  	[simem:s7], [sflag:s8] =	dma.local @!p0 [hbm:s6], $0xF7A  }
0x23: {  	s9 =	sor.u32 $0xD0000000, s2;
	s6 =	simm.s32 $0x108;
	_ =	swait.ge @!p0 [sflag:s8], $0x0  }
0x24: {  	s3 =	sadd.s32 $0x88, s3;
	s6 =	simm.s32 @!p1 $0x1082;
	[sflag:s4] =	ssyncset.s32 $0xFFFFF086  }
0x25: {  	[simem:s6], [sflag:s4] =	dma.local [hbm:s3], $0xF7A  }
0x26: {  	[smem:$0x3F9E] =	sst s1;
	(tag) =	ssettag s2;
	_ =	strace s9  }
0x27: {  	s1 =	sld [smem:$0x3FAE]  }
0x28: {  	s2 =	sld [smem:$0x3FAF]  }
0x29: {  	s4 =	sld [smem:$0x3FB1]  }
0x2a: {  	p0 =	seq.s32 s5, $0x0;
	s5 =	sld [smem:$0x3FB2]  }
0x2b: {  	s6 =	sld [smem:$0x3FB3]  }
0x2c: {  	s7 =	sld [smem:$0x3FB4]  }
0x2d: {  	s3 =	simm.s32 $0x108;
	s8 =	sld [smem:$0x3FB5]  }
0x2e: {  	s3 =	simm.s32 @!p0 $0x1082;
	s9 =	sld [smem:$0x3FB6]  }
0x2f: {  	lr =	sadd.s32 s0, s3;
	s0 =	sld [smem:$0x3FAD]  }
0x30: {  	s3 =	sld [smem:$0x3FB0]  }
0x31: {  	[smem:$0x3FB9] =	sst s10  }
0x32: {  	s10 =	sld [smem:$0x3FB7];
	_ =	sdelay $0x3  }
0x33: {  	p0 =	seq.s32 s10, $0x1;
	s10 =	sld [smem:$0x3FB9];
	_ =	sdelay $0x3  }
0x34: {  	[smem:$0x3FB9] =	sst s10  }
0x35: {  	s10 =	sld [smem:$0x3FB8];
	_ =	sdelay $0x3  }
0x36: {  	p1 =	seq.s32 s10, $0x1;
	s10 =	sld [smem:$0x3FB9];
	_ =	sdelay $0x3  }
0x37: {  	[smem:$0x3FB9] =	sst s10  }
0x38: {  	s10 =	sld [smem:$0x3FBA]  }
0x39: {  	_ = 	snop;
	(pc) =	sbr.ind lr, $3  }
0x3a: {  	_ = 	snop  }
0x3b: {  	_ = 	snop  }
0x3c: {  	p2 =	seq.s32 s10, $0x1;
	s10 =	sld [smem:$0x3FB9]  }
0x3d: {  	_ =	shalt  }
0x3e: {  	_ =	shalt  }
0x3f: {  	_ =	shalt  }
0x40: {  	_ =	shalt  }
0x41: {  	_ =	shalt  }
0x42: {  	_ =	shalt  }
0x43: {  	_ =	shalt  }
0x44: {  	_ =	shalt  }
0x45: {  	_ =	shalt  }
0x46: {  	_ =	shalt  }
0x47: {  	_ =	shalt  }
0x48: {  	_ =	shalt  }
0x49: {  	_ =	shalt  }
0x4a: {  	_ =	shalt  }
0x4b: {  	_ =	shalt  }
0x4c: {  	_ =	shalt  }
0x4d: {  	_ =	shalt  }
0x4e: {  	_ =	shalt  }
0x4f: {  	_ =	shalt  }
0x50: {  	_ =	shalt  }
0x51: {  	_ =	shalt  }
0x52: {  	_ =	shalt  }
0x53: {  	_ =	shalt  }
0x54: {  	_ =	shalt  }
0x55: {  	_ =	shalt  }
0x56: {  	_ =	shalt  }
0x57: {  	_ =	shalt  }
0x58: {  	_ =	shalt  }
0x59: {  	_ =	shalt  }
0x5a: {  	_ =	shalt  }
0x5b: {  	_ =	shalt  }
0x5c: {  	_ =	shalt  }
0x5d: {  	_ =	shalt  }
0x5e: {  	_ =	shalt  }
0x5f: {  	_ =	shalt  }
0x60: {  	_ =	shalt  }
0x61: {  	_ =	shalt  }
0x62: {  	_ =	shalt  }
0x63: {  	_ =	shalt  }
0x64: {  	_ =	shalt  }
0x65: {  	_ =	shalt  }
0x66: {  	_ =	shalt  }
0x67: {  	_ =	shalt  }
0x68: {  	_ =	shalt  }
0x69: {  	_ =	shalt  }
0x6a: {  	_ =	shalt  }
0x6b: {  	_ =	shalt  }
0x6c: {  	_ =	shalt  }
0x6d: {  	_ =	shalt  }
0x6e: {  	_ =	shalt  }
0x6f: {  	_ =	shalt  }
0x70: {  	_ =	shalt  }
0x71: {  	_ =	shalt  }
0x72: {  	_ =	shalt  }
0x73: {  	_ =	shalt  }
0x74: {  	_ =	shalt  }
0x75: {  	_ =	shalt  }
0x76: {  	_ =	shalt  }
0x77: {  	_ =	shalt  }
0x78: {  	_ =	shalt  }
0x79: {  	_ =	shalt  }
0x7a: {  	_ =	shalt  }
0x7b: {  	_ =	shalt  }
0x7c: {  	_ =	shalt  }
0x7d: {  	_ =	shalt  }
0x7e: {  	_ =	shalt  }
0x7f: {  	_ =	shalt  }
0x80: {  	_ =	shalt  }
0x81: {  	_ =	shalt  }
0x82: {  	_ =	shalt  }
0x83: {  	_ =	shalt  }
0x84: {  	_ =	shalt  }
0x85: {  	_ =	shalt  }
0x86: {  	_ =	shalt  }
0x87: {  	_ =	shalt  }
.Lfunc_end0:
.L_simem_size_0:
called_computation.1_lowered:
.L_overlay_start_0:
0x88: {  	s2 =	sld [smem:$0x3FD9]  }
0x89: {  	s3 =	sld [smem:$0x3FFE];
	_ =	sdelay $0x1  }
0x8a: {  	s1 =	srdreg.scid  }
0x8b: {  	s0 =	sand.u32 $0x1, s1  }
0x8c: {  	s17 =	sshll.u32 s0, $0xA;
	s2 =	sadd.s32 s3, s2  }
0x8d: {  	s2 =	sadd.s32 s2, s17  }
0x8e: {  	[smem:$0x3FC5] =	sst s2  }
0x8f: {  	_ = 	snop  }
0x90: {  	s2 =	sld [smem:$0x3FD0];
	(tm) =	ssettm $0x1  }
0x91: {  	s18 =	sld [smem:$0x3FFB];
	_ =	sdelay $0x3  }
0x92: {  	_ =	strace s18  }
0x93: {  	s3 =	sld [smem:$0x3FFC];
	_ =	sdelay $0x3  }
0x94: {  	_ =	strace s3  }
0x95: {  	s3 =	sld [smem:$0x3FFD];
	_ =	sdelay $0x3  }
0x96: {  	_ =	strace s3  }
0x97: {  	_ =	strace $0x8FFFFFFF  }
0x98: {  	s19 =	sld [smem:$0x3FDB];
	_ =	sdelay $0x1  }
0x99: {  	s4 =	simm.s32 $_scs_section_size  }
0x9a: {  	s5 =	simm.s32 $_size__tile_overlayer_lowered;
	s6 =	simm.s32 $_tile_overlayer_lowered  }
0x9b: {  	s22 =	simm.s32 $0x1BFF;
	s21 =	sshll.u32 s6, $0x1;
	s3 =	sadd.s32 s4, s19  }
0x9c: {  	s7 =	simm.s32 $0x0;
	s20 =	sshll.u32 s5, $0x1;
	s5 =	sadd.s32 s21, s3  }
0x9d: {  	[timem:s7], [sflag:s22] =	dma.local [hbm:s5], s20  }
0x9e: {  	_ =	swait.ge [sflag:s22], s20  }
0x9f: {  	s4 =	ssub.s32 $0x0, s20;
	[sflag:s22] =	ssyncset.done $0x0  }
0xa0: {  	[sflag:s22] =	ssyncadd.s32 s4;
	_ =	sdelay $0x1  }
0xa1: {  	s23 =	simm.s32 $0x1B8B  }
0xa2: {  	_ =	swait.ge [sflag:s23], $0x1  }
0xa3: {  	[sflag:s23] =	ssyncset.done $0x0  }
0xa4: {  	s25 =	simm.s32 $0x1B8E;
	s24 =	sld [smem:$0x3FFE];
	[sflag:s23] =	ssyncadd.s32 $0xFFFFFFFF  }
0xa5: {  	s26 =	simm.s32 $execute0_lowered;
	[smem:$0x3FD2] =	sst s25  }
0xa6: {  	s5 =	sshll.u32 s26, $0x1;
	_ =	strace $0x80000046;
	[dreg:$0x1] =	wrdreg $0xFFFFFFFF  }
0xa7: {  	s28 =	simm.s32 $_size_execute0_lowered;
	s3 =	sadd.s32 s3, s5;
	[dreg:$0x0] =	wrdreg $0x0  }
0xa8: {  	s5 =	sshll.u32 s28, $0x1;
	[dreg:$0x2] =	wrdreg s3  }
0xa9: {  	[dreg:$0x3] =	wrdreg s5  }
0xaa: {  	[dreg:$0x4] =	wrdreg $0xC0  }
0xab: {  	_ =	task [dreg:s7], $0x5FFFF  }
0xac: {  	[dreg:$0x1] =	wrdreg $0xFFFFFFFF  }
0xad: {  	[dreg:$0x0] =	wrdreg $0x60  }
0xae: {  	[dreg:$0x2] =	wrdreg s24  }
0xaf: {  	[dreg:$0x3] =	wrdreg s2  }
0xb0: {  	[dreg:$0x4] =	wrdreg $0x9  }
0xb1: {  	_ =	task.clear_ibuf [dreg:s7], $0x5FFFF;
	_ =	strace $0x90000046  }
0xb2: {  	s29 =	simm.s32 $0x9;
	_ =	strace $0x80000048  }
0xb3: {  	_ =	swait.ge [sflag:s29], $0x1  }
0xb4: {  	[sflag:s29] =	ssyncadd.s32 $0xFFFFFFFF  }
0xb5: {  	_ =	strace $0x90000048  }
0xb6: {  	_ =	sfence  }
0xb7: {  	s30 =	sld [smem:$0x0];
	_ =	sdelay $0x2  }
0xb8: {  	s31 =	sshll.u32 s1, $0xD;
	s1 =	sshrl.u32 s1, $0x2  }
0xb9: {  	s3 =	sand.u32 $0x4000, s31;
	s1 =	sadd.s32 s1, s30  }
0xba: {  	s0 =	sor.u32 s3, s0;
	s1 =	sshll.u32 s1, $0x11  }
0xbb: {  	s0 =	sor.u32 s1, s0  }
0xbc: {  	s0 =	sadd.s32 $0x8F2B, s0  }
0xbd: {  	[sflag:s0] =	ssyncadd.remote.s32 $0x1  }
0xbe: {  	_ =	sfence.sel $0xFFFF  }
0xbf: {  	[dreg:$0x0] =	wrdreg $0xFFFFFFFF;
	(pc) =	sbr.abs _section_cstart, $3  }
0xc0: {  	[dreg:$0x1] =	wrdreg $0xFFFFFFFF  }
0xc1: {  	_ =	task.clear_ibuf [dreg:s7], $0x2FFFF;
	_ =	strace $0x9FFFFFFF  }
0xc2: {  	(tm) =	ssettm $0x7FFFFFFF  }
0xc3: {  	_ =	shalt  }
tec
execute0_lowered:
.L_overlay_start_1:
0x0: {  	(tag) =	ssettag $0x1  }
0x1: {  	s0 =	srdreg.scid  }
0x2: {  	s2 =	stileid.u32;
	s1 =	rddreg [dreg:$0x0]  }
0x3: {  	s17 =	simm.s32 $0x9;
	s19 =	simm.s32 $0x64;
	s20 =	simm.s32 $0x9A00  }
0x4: {  	s28 =	simm.s32 $0xE500;
	s29 =	simm.s32 $0x2;
	s30 =	simm.s32 $0x5  }
0x5: {  	s21 =	simm.s32 $0x4;
	s0 =	sand.u32 $0x1, s0;
	s3 =	sshll.u32 s2, $0x1  }
0x6: {  	s31 =	simm.s32 $0x8;
	s2 =	rddreg [dreg:$0x1];
	s5 =	sor.u32 s0, s3  }
0x7: {  	s3 =	simm.s32 $0x0;
	s0 =	ssub.s32 $0x2, s0;
	s4 =	smul.u32 $0xD00, s5  }
0x8: {  	[smem:$0x7FF] =	sst s3;
	s6 =	smul.u32 $0x190000, s5;
	s7 =	sshrl.u32 s0, $0x1  }
0x9: {  	_ =	strace $0x80000047;
	s0 =	ssub.s32 s0, s7;
	s7 =	sshll.u32 s5, $0x7  }
0xa: {  	s8 =	sadd.s32 s4, s1;
	s4 =	sadd.s32 $0xF43000, s1;
	s6 =	sshrl.u32 s6, $0x3  }
0xb: {  	s1 =	sadd.s32 $0x1AC00, s1;
	s16 =	smax.u32 s0, $0x1;
	s0 =	simm.s32 $0x6  }
0xc: {  	[dreg:$0x3] =	wrdreg s1;
	s6 =	sadd.s32 s2, s6;
	s22 =	sadd.s32 $0xC00, s8  }
0xd: {  	s1 =	simm.s32 $0x3;
	[dreg:$0x4] =	wrdreg s22;
	s23 =	sadd.s32 $0x320, s6  }
0xe: {  	s24 =	sadd.s32 $0x640, s6;
	s25 =	sadd.s32 $0x960, s6;
	[dreg:$0x5] =	wrdreg s23  }
0xf: {  	s26 =	sadd.s32 $0x31380, s6;
	s13 =	sadd.s32 $0x316A0, s6;
	[dreg:$0x6] =	wrdreg s24  }
0x10: {  	s14 =	sadd.s32 $0x319C0, s6;
	s15 =	sadd.s32 $0x31CE0, s6;
	[dreg:$0x7] =	wrdreg s25  }
0x11: {  	s22 =	simm.s32 $0xB300;
	[dreg:$0x8] =	wrdreg s26;
	s24 =	simm.s32 $0xCC00  }
0x12: {  	s25 =	simm.s32 $0x1;
	s23 =	simm.s32 $0x7;
	s26 =	simm.s32 $0x0  }
.LBB2_1:
0x13: {  	s5 =	rddreg [dreg:$0x4]  }
0x14: {  	[tilespmem:s3], [sflag:$0x9] =	stream.linear.gather [hbm4b:s5+s3], $0x6800, $0x38;
	[tilespmem:$0xFE00] =	vst v63  }
0x15: {  	_ =	swait.ge [sflag:s17], $0x6800  }
0x16: {  	[sflag:s17] =	ssyncset.done $0x0  }
0x17: {  	s8 =	simm.s32 $0x6800;
	s11 =	rddreg [dreg:$0x3];
	[sflag:s17] =	ssyncadd.s32 $0xFFFF9800  }
0x18: {  	[tilespmem:s8], [sflag:$0x9] =	stream.linear.gather [hbm4b:s11+s3], $0x3200, $0x38;
	[tilespmem:$0xFE00] =	vst v63  }
0x19: {  	_ =	swait.ge [sflag:s17], $0x3200  }
0x1a: {  	[sflag:s17] =	ssyncset.done $0x0  }
0x1b: {  	[sflag:s17] =	ssyncadd.s32 $0xFFFFCE00  }
0x1c: {  	[tilespmem:s20], [sflag:$0x1] =	stream.indirect.gather [hbm4b:s4+s19], $0x40, s3, s19, $0xb8;
	[tilespmem:$0xFE00] =	vst v63  }
0x1d: {  	s12 =	simm.s32 $0x68  }
0x1e: {  	[tilespmem:s22], [sflag:$0x2] =	stream.indirect.gather [hbm4b:s4+s19], $0x40, s12, s19, $0xb8;
	[tilespmem:$0xFE00] =	vst v63  }
0x1f: {  	s18 =	simm.s32 $0xD0  }
0x20: {  	[tilespmem:s24], [sflag:$0x3] =	stream.indirect.gather [hbm4b:s4+s19], $0x40, s18, s19, $0xb8;
	[tilespmem:$0xFE00] =	vst v63  }
0x21: {  	_ =	swait.ge [sflag:s25], $0x1900  }
0x22: {  	[sflag:s25] =	ssyncset.done $0x0  }
0x23: {  	s5 =	simm.s32 $0x0;
	[sflag:s25] =	ssyncadd.s32 $0xFFFFE700  }
0x24: {  	v0 =	vld [tilespmem:s5+$0x68F0]  }
0x25: {  	v1 =	vld [tilespmem:s5+$0x6800]  }
0x26: {  	v2 =	vld [tilespmem:s5+$0x6810]  }
0x27: {  	v3 =	vld [tilespmem:s5+$0x6820]  }
0x28: {  	v4 =	vld [tilespmem:s5+$0x6830]  }
0x29: {  	v5 =	vld [tilespmem:s5+$0x6840]  }
0x2a: {  	v6 =	vld [tilespmem:s5+$0x6850]  }
0x2b: {  	v7 =	vld [tilespmem:s5+$0x6860]  }
0x2c: {  	v8 =	vld [tilespmem:s5+$0x6870]  }
0x2d: {  	v9 =	vld [tilespmem:s5+$0x6880]  }
0x2e: {  	v10 =	vld [tilespmem:s5+$0x6890]  }
0x2f: {  	v11 =	vld [tilespmem:s5+$0x68A0]  }
0x30: {  	v12 =	vld [tilespmem:s5+$0x68B0]  }
0x31: {  	v13 =	vld [tilespmem:s5+$0x68C0]  }
0x32: {  	v14 =	vld [tilespmem:s5+$0x68D0]  }
0x33: {  	[tilespmem:s5+$0x9AF0] =	vst.add.f32.msk $0xffff, v0  }
0x34: {  	v0 =	vld [tilespmem:s5+$0x68E0]  }
0x35: {  	[tilespmem:s5+$0x9A00] =	vst.add.f32.msk $0xffff, v1  }
0x36: {  	[tilespmem:s5+$0x9A10] =	vst.add.f32.msk $0xffff, v2  }
0x37: {  	[tilespmem:s5+$0x9A20] =	vst.add.f32.msk $0xffff, v3  }
0x38: {  	[tilespmem:s5+$0x9A30] =	vst.add.f32.msk $0xffff, v4  }
0x39: {  	[tilespmem:s5+$0x9A40] =	vst.add.f32.msk $0xffff, v5  }
0x3a: {  	[tilespmem:s5+$0x9A50] =	vst.add.f32.msk $0xffff, v6  }
0x3b: {  	[tilespmem:s5+$0x9A60] =	vst.add.f32.msk $0xffff, v7  }
0x3c: {  	[tilespmem:s5+$0x9A70] =	vst.add.f32.msk $0xffff, v8  }
0x3d: {  	[tilespmem:s5+$0x9A80] =	vst.add.f32.msk $0xffff, v9  }
0x3e: {  	[tilespmem:s5+$0x9A90] =	vst.add.f32.msk $0xffff, v10  }
0x3f: {  	[tilespmem:s5+$0x9AA0] =	vst.add.f32.msk $0xffff, v11  }
0x40: {  	[tilespmem:s5+$0x9AB0] =	vst.add.f32.msk $0xffff, v12  }
0x41: {  	[tilespmem:s5+$0x9AC0] =	vst.add.f32.msk $0xffff, v13  }
0x42: {  	s9 =	simm.s32 $0x400;
	s8 =	simm.s32 $0x0;
	[tilespmem:s5+$0x9AD0] =	vst.add.f32.msk $0xffff, v14  }
.LBB2_2:
0x43: {  	s8 =	sadd.s32 $0x4, s8;
	[tilespmem:s5+$0x9AE0] =	vst.add.f32.msk $0xffff, v0;
	s5 =	sshra.s32 s9, $0x2  }
0x44: {  	v0 =	vld [tilespmem:s5+$0x68F0];
	p0 =	slt.u32 s8, $0x60  }
0x45: {  	v1 =	vld [tilespmem:s5+$0x6800]  }
0x46: {  	v2 =	vld [tilespmem:s5+$0x6810]  }
0x47: {  	v3 =	vld [tilespmem:s5+$0x6820]  }
0x48: {  	v4 =	vld [tilespmem:s5+$0x6830]  }
0x49: {  	[tilespmem:s5+$0x9AF0] =	vst.add.f32.msk $0xffff, v0  }
0x4a: {  	v5 =	vld [tilespmem:s5+$0x6840]  }
0x4b: {  	v6 =	vld [tilespmem:s5+$0x6850]  }
0x4c: {  	v7 =	vld [tilespmem:s5+$0x6860]  }
0x4d: {  	v8 =	vld [tilespmem:s5+$0x6870]  }
0x4e: {  	v9 =	vld [tilespmem:s5+$0x6880]  }
0x4f: {  	v10 =	vld [tilespmem:s5+$0x6890]  }
0x50: {  	v11 =	vld [tilespmem:s5+$0x68A0]  }
0x51: {  	v12 =	vld [tilespmem:s5+$0x68B0]  }
0x52: {  	v13 =	vld [tilespmem:s5+$0x68C0]  }
0x53: {  	v14 =	vld [tilespmem:s5+$0x68D0]  }
0x54: {  	v0 =	vld [tilespmem:s5+$0x68E0]  }
0x55: {  	[tilespmem:s5+$0x9A00] =	vst.add.f32.msk $0xffff, v1  }
0x56: {  	[tilespmem:s5+$0x9A10] =	vst.add.f32.msk $0xffff, v2  }
0x57: {  	[tilespmem:s5+$0x9A20] =	vst.add.f32.msk $0xffff, v3  }
0x58: {  	[tilespmem:s5+$0x9A30] =	vst.add.f32.msk $0xffff, v4  }
0x59: {  	[tilespmem:s5+$0x9A40] =	vst.add.f32.msk $0xffff, v5  }
0x5a: {  	[tilespmem:s5+$0x9A50] =	vst.add.f32.msk $0xffff, v6  }
0x5b: {  	[tilespmem:s5+$0x9A60] =	vst.add.f32.msk $0xffff, v7  }
0x5c: {  	[tilespmem:s5+$0x9A70] =	vst.add.f32.msk $0xffff, v8  }
0x5d: {  	[tilespmem:s5+$0x9A80] =	vst.add.f32.msk $0xffff, v9  }
.Ltmp0:
0x5e: {  	[tilespmem:s5+$0x9A90] =	vst.add.f32.msk $0xffff, v10;
	(pc) =	sbr.rel @p0 .LBB2_2-.Ltmp0, $4  }
0x5f: {  	[tilespmem:s5+$0x9AA0] =	vst.add.f32.msk $0xffff, v11  }
0x60: {  	[tilespmem:s5+$0x9AB0] =	vst.add.f32.msk $0xffff, v12  }
0x61: {  	[tilespmem:s5+$0x9AC0] =	vst.add.f32.msk $0xffff, v13  }
0x62: {  	s9 =	sadd.s32 $0x400, s9;
	[tilespmem:s5+$0x9AD0] =	vst.add.f32.msk $0xffff, v14  }
0x63: {  	[tilespmem:s5+$0x9AE0] =	vst.add.f32.msk $0xffff, v0;
	s12 =	simm.s32 $0x0  }
0x64: {  	[hbm4b:s6+s12] =	stream.linear.scatter [tilespmem:s20], [sflag:$0x5], $0x1900, $0x38;
	[tilespmem:$0xFE00] =	vst v63  }
0x65: {  	s18 =	simm.s32 $0x138  }
0x66: {  	[tilespmem:s28], [sflag:$0x4] =	stream.indirect.gather [hbm4b:s4+s19], $0x40, s18, s19, $0xb8;
	[tilespmem:$0xFE00] =	vst v63  }
0x67: {  	_ =	swait.ge [sflag:s29], $0x1900  }
0x68: {  	[sflag:s29] =	ssyncset.done $0x0  }
0x69: {  	s5 =	simm.s32 $0x0;
	[sflag:s29] =	ssyncadd.s32 $0xFFFFE700  }
0x6a: {  	v0 =	vld [tilespmem:s5+$0x81F0]  }
0x6b: {  	v1 =	vld [tilespmem:s5+$0x8100]  }
0x6c: {  	v2 =	vld [tilespmem:s5+$0x8110]  }
0x6d: {  	v3 =	vld [tilespmem:s5+$0x8120]  }
0x6e: {  	v4 =	vld [tilespmem:s5+$0x8130]  }
0x6f: {  	v5 =	vld [tilespmem:s5+$0x8140]  }
0x70: {  	v6 =	vld [tilespmem:s5+$0x8150]  }
0x71: {  	v7 =	vld [tilespmem:s5+$0x8160]  }
0x72: {  	v8 =	vld [tilespmem:s5+$0x8170]  }
0x73: {  	v9 =	vld [tilespmem:s5+$0x8180]  }
0x74: {  	v10 =	vld [tilespmem:s5+$0x8190]  }
0x75: {  	v11 =	vld [tilespmem:s5+$0x81A0]  }
0x76: {  	v12 =	vld [tilespmem:s5+$0x81B0]  }
0x77: {  	v13 =	vld [tilespmem:s5+$0x81C0]  }
0x78: {  	v14 =	vld [tilespmem:s5+$0x81D0]  }
0x79: {  	[tilespmem:s5+$0xB3F0] =	vst.add.f32.msk $0xffff, v0  }
0x7a: {  	v0 =	vld [tilespmem:s5+$0x81E0]  }
0x7b: {  	[tilespmem:s5+$0xB300] =	vst.add.f32.msk $0xffff, v1  }
0x7c: {  	[tilespmem:s5+$0xB310] =	vst.add.f32.msk $0xffff, v2  }
0x7d: {  	[tilespmem:s5+$0xB320] =	vst.add.f32.msk $0xffff, v3  }
0x7e: {  	[tilespmem:s5+$0xB330] =	vst.add.f32.msk $0xffff, v4  }
0x7f: {  	[tilespmem:s5+$0xB340] =	vst.add.f32.msk $0xffff, v5  }
0x80: {  	[tilespmem:s5+$0xB350] =	vst.add.f32.msk $0xffff, v6  }
0x81: {  	[tilespmem:s5+$0xB360] =	vst.add.f32.msk $0xffff, v7  }
0x82: {  	[tilespmem:s5+$0xB370] =	vst.add.f32.msk $0xffff, v8  }
0x83: {  	[tilespmem:s5+$0xB380] =	vst.add.f32.msk $0xffff, v9  }
0x84: {  	[tilespmem:s5+$0xB390] =	vst.add.f32.msk $0xffff, v10  }
0x85: {  	[tilespmem:s5+$0xB3A0] =	vst.add.f32.msk $0xffff, v11  }
0x86: {  	[tilespmem:s5+$0xB3B0] =	vst.add.f32.msk $0xffff, v12  }
0x87: {  	[tilespmem:s5+$0xB3C0] =	vst.add.f32.msk $0xffff, v13  }
0x88: {  	s8 =	simm.s32 $0x0;
	s9 =	simm.s32 $0x400;
	[tilespmem:s5+$0xB3D0] =	vst.add.f32.msk $0xffff, v14  }
.LBB2_4:
0x89: {  	s8 =	sadd.s32 $0x4, s8;
	[tilespmem:s5+$0xB3E0] =	vst.add.f32.msk $0xffff, v0;
	s5 =	sshra.s32 s9, $0x2  }
0x8a: {  	v0 =	vld [tilespmem:s5+$0x81F0];
	p0 =	slt.u32 s8, $0x60  }
0x8b: {  	v1 =	vld [tilespmem:s5+$0x8100]  }
0x8c: {  	v2 =	vld [tilespmem:s5+$0x8110]  }
0x8d: {  	v3 =	vld [tilespmem:s5+$0x8120]  }
0x8e: {  	v4 =	vld [tilespmem:s5+$0x8130]  }
0x8f: {  	[tilespmem:s5+$0xB3F0] =	vst.add.f32.msk $0xffff, v0  }
0x90: {  	v5 =	vld [tilespmem:s5+$0x8140]  }
0x91: {  	v6 =	vld [tilespmem:s5+$0x8150]  }
0x92: {  	v7 =	vld [tilespmem:s5+$0x8160]  }
0x93: {  	v8 =	vld [tilespmem:s5+$0x8170]  }
0x94: {  	v9 =	vld [tilespmem:s5+$0x8180]  }
0x95: {  	v10 =	vld [tilespmem:s5+$0x8190]  }
0x96: {  	v11 =	vld [tilespmem:s5+$0x81A0]  }
0x97: {  	v12 =	vld [tilespmem:s5+$0x81B0]  }
0x98: {  	v13 =	vld [tilespmem:s5+$0x81C0]  }
0x99: {  	v14 =	vld [tilespmem:s5+$0x81D0]  }
0x9a: {  	v0 =	vld [tilespmem:s5+$0x81E0]  }
0x9b: {  	[tilespmem:s5+$0xB300] =	vst.add.f32.msk $0xffff, v1  }
0x9c: {  	[tilespmem:s5+$0xB310] =	vst.add.f32.msk $0xffff, v2  }
0x9d: {  	[tilespmem:s5+$0xB320] =	vst.add.f32.msk $0xffff, v3  }
0x9e: {  	[tilespmem:s5+$0xB330] =	vst.add.f32.msk $0xffff, v4  }
0x9f: {  	[tilespmem:s5+$0xB340] =	vst.add.f32.msk $0xffff, v5  }
0xa0: {  	[tilespmem:s5+$0xB350] =	vst.add.f32.msk $0xffff, v6  }
0xa1: {  	[tilespmem:s5+$0xB360] =	vst.add.f32.msk $0xffff, v7  }
0xa2: {  	[tilespmem:s5+$0xB370] =	vst.add.f32.msk $0xffff, v8  }
0xa3: {  	[tilespmem:s5+$0xB380] =	vst.add.f32.msk $0xffff, v9  }
.Ltmp1:
0xa4: {  	[tilespmem:s5+$0xB390] =	vst.add.f32.msk $0xffff, v10;
	(pc) =	sbr.rel @p0 .LBB2_4-.Ltmp1, $4  }
0xa5: {  	[tilespmem:s5+$0xB3A0] =	vst.add.f32.msk $0xffff, v11  }
0xa6: {  	[tilespmem:s5+$0xB3B0] =	vst.add.f32.msk $0xffff, v12  }
0xa7: {  	[tilespmem:s5+$0xB3C0] =	vst.add.f32.msk $0xffff, v13  }
0xa8: {  	s9 =	sadd.s32 $0x400, s9;
	[tilespmem:s5+$0xB3D0] =	vst.add.f32.msk $0xffff, v14  }
0xa9: {  	[tilespmem:s5+$0xB3E0] =	vst.add.f32.msk $0xffff, v0;
	s12 =	simm.s32 $0x0;
	s8 =	rddreg [dreg:$0x5]  }
0xaa: {  	[hbm4b:s8+s12] =	stream.linear.scatter [tilespmem:s22], [sflag:$0x6], $0x1900, $0x38;
	[tilespmem:$0xFE00] =	vst v63  }
0xab: {  	_ =	swait.ge [sflag:s30], $0x1900  }
0xac: {  	[sflag:s30] =	ssyncset.done $0x0  }
0xad: {  	s18 =	simm.s32 $0x1A0;
	[sflag:s30] =	ssyncadd.s32 $0xFFFFE700  }
0xae: {  	[tilespmem:s20], [sflag:$0x1] =	stream.indirect.gather [hbm4b:s4+s19], $0x40, s18, s19, $0xb8;
	[tilespmem:$0xFE00] =	vst v63  }
0xaf: {  	_ =	swait.ge [sflag:s1], $0x1900  }
0xb0: {  	[sflag:s1] =	ssyncset.done $0x0  }
0xb1: {  	s5 =	simm.s32 $0x0;
	[sflag:s1] =	ssyncadd.s32 $0xFFFFE700  }
0xb2: {  	v0 =	vld [tilespmem:s5+$0x68F0]  }
0xb3: {  	v1 =	vld [tilespmem:s5+$0x6800]  }
0xb4: {  	v2 =	vld [tilespmem:s5+$0x6810]  }
0xb5: {  	v3 =	vld [tilespmem:s5+$0x6820]  }
0xb6: {  	v4 =	vld [tilespmem:s5+$0x6830]  }
0xb7: {  	v5 =	vld [tilespmem:s5+$0x6840]  }
0xb8: {  	v6 =	vld [tilespmem:s5+$0x6850]  }
0xb9: {  	v7 =	vld [tilespmem:s5+$0x6860]  }
0xba: {  	v8 =	vld [tilespmem:s5+$0x6870]  }
0xbb: {  	v9 =	vld [tilespmem:s5+$0x6880]  }
0xbc: {  	v10 =	vld [tilespmem:s5+$0x6890]  }
0xbd: {  	v11 =	vld [tilespmem:s5+$0x68A0]  }
0xbe: {  	v12 =	vld [tilespmem:s5+$0x68B0]  }
0xbf: {  	v13 =	vld [tilespmem:s5+$0x68C0]  }
0xc0: {  	v14 =	vld [tilespmem:s5+$0x68D0]  }
0xc1: {  	[tilespmem:s5+$0xCCF0] =	vst.add.f32.msk $0xffff, v0  }
0xc2: {  	v0 =	vld [tilespmem:s5+$0x68E0]  }
0xc3: {  	[tilespmem:s5+$0xCC00] =	vst.add.f32.msk $0xffff, v1  }
0xc4: {  	[tilespmem:s5+$0xCC10] =	vst.add.f32.msk $0xffff, v2  }
0xc5: {  	[tilespmem:s5+$0xCC20] =	vst.add.f32.msk $0xffff, v3  }
0xc6: {  	[tilespmem:s5+$0xCC30] =	vst.add.f32.msk $0xffff, v4  }
0xc7: {  	[tilespmem:s5+$0xCC40] =	vst.add.f32.msk $0xffff, v5  }
0xc8: {  	[tilespmem:s5+$0xCC50] =	vst.add.f32.msk $0xffff, v6  }
0xc9: {  	[tilespmem:s5+$0xCC60] =	vst.add.f32.msk $0xffff, v7  }
0xca: {  	[tilespmem:s5+$0xCC70] =	vst.add.f32.msk $0xffff, v8  }
0xcb: {  	[tilespmem:s5+$0xCC80] =	vst.add.f32.msk $0xffff, v9  }
0xcc: {  	[tilespmem:s5+$0xCC90] =	vst.add.f32.msk $0xffff, v10  }
0xcd: {  	[tilespmem:s5+$0xCCA0] =	vst.add.f32.msk $0xffff, v11  }
0xce: {  	[tilespmem:s5+$0xCCB0] =	vst.add.f32.msk $0xffff, v12  }
0xcf: {  	[tilespmem:s5+$0xCCC0] =	vst.add.f32.msk $0xffff, v13  }
0xd0: {  	s9 =	simm.s32 $0x400;
	s8 =	simm.s32 $0x0;
	[tilespmem:s5+$0xCCD0] =	vst.add.f32.msk $0xffff, v14  }
.LBB2_6:
0xd1: {  	s8 =	sadd.s32 $0x4, s8;
	[tilespmem:s5+$0xCCE0] =	vst.add.f32.msk $0xffff, v0;
	s5 =	sshra.s32 s9, $0x2  }
0xd2: {  	v0 =	vld [tilespmem:s5+$0x68F0];
	p0 =	slt.u32 s8, $0x60  }
0xd3: {  	v1 =	vld [tilespmem:s5+$0x6800]  }
0xd4: {  	v2 =	vld [tilespmem:s5+$0x6810]  }
0xd5: {  	v3 =	vld [tilespmem:s5+$0x6820]  }
0xd6: {  	v4 =	vld [tilespmem:s5+$0x6830]  }
0xd7: {  	[tilespmem:s5+$0xCCF0] =	vst.add.f32.msk $0xffff, v0  }
0xd8: {  	v5 =	vld [tilespmem:s5+$0x6840]  }
0xd9: {  	v6 =	vld [tilespmem:s5+$0x6850]  }
0xda: {  	v7 =	vld [tilespmem:s5+$0x6860]  }
0xdb: {  	v8 =	vld [tilespmem:s5+$0x6870]  }
0xdc: {  	v9 =	vld [tilespmem:s5+$0x6880]  }
0xdd: {  	v10 =	vld [tilespmem:s5+$0x6890]  }
0xde: {  	v11 =	vld [tilespmem:s5+$0x68A0]  }
0xdf: {  	v12 =	vld [tilespmem:s5+$0x68B0]  }
0xe0: {  	v13 =	vld [tilespmem:s5+$0x68C0]  }
0xe1: {  	v14 =	vld [tilespmem:s5+$0x68D0]  }
0xe2: {  	v0 =	vld [tilespmem:s5+$0x68E0]  }
0xe3: {  	[tilespmem:s5+$0xCC00] =	vst.add.f32.msk $0xffff, v1  }
0xe4: {  	[tilespmem:s5+$0xCC10] =	vst.add.f32.msk $0xffff, v2  }
0xe5: {  	[tilespmem:s5+$0xCC20] =	vst.add.f32.msk $0xffff, v3  }
0xe6: {  	[tilespmem:s5+$0xCC30] =	vst.add.f32.msk $0xffff, v4  }
0xe7: {  	[tilespmem:s5+$0xCC40] =	vst.add.f32.msk $0xffff, v5  }
0xe8: {  	[tilespmem:s5+$0xCC50] =	vst.add.f32.msk $0xffff, v6  }
0xe9: {  	[tilespmem:s5+$0xCC60] =	vst.add.f32.msk $0xffff, v7  }
0xea: {  	[tilespmem:s5+$0xCC70] =	vst.add.f32.msk $0xffff, v8  }
0xeb: {  	[tilespmem:s5+$0xCC80] =	vst.add.f32.msk $0xffff, v9  }
.Ltmp2:
0xec: {  	[tilespmem:s5+$0xCC90] =	vst.add.f32.msk $0xffff, v10;
	(pc) =	sbr.rel @p0 .LBB2_6-.Ltmp2, $4  }
0xed: {  	[tilespmem:s5+$0xCCA0] =	vst.add.f32.msk $0xffff, v11  }
0xee: {  	[tilespmem:s5+$0xCCB0] =	vst.add.f32.msk $0xffff, v12  }
0xef: {  	[tilespmem:s5+$0xCCC0] =	vst.add.f32.msk $0xffff, v13  }
0xf0: {  	s9 =	sadd.s32 $0x400, s9;
	[tilespmem:s5+$0xCCD0] =	vst.add.f32.msk $0xffff, v14  }
0xf1: {  	[tilespmem:s5+$0xCCE0] =	vst.add.f32.msk $0xffff, v0;
	s12 =	simm.s32 $0x0;
	s8 =	rddreg [dreg:$0x6]  }
0xf2: {  	[hbm4b:s8+s12] =	stream.linear.scatter [tilespmem:s24], [sflag:$0x7], $0x1900, $0x38;
	[tilespmem:$0xFE00] =	vst v63  }
0xf3: {  	_ =	swait.ge [sflag:s0], $0x1900  }
0xf4: {  	[sflag:s0] =	ssyncset.done $0x0  }
0xf5: {  	s18 =	simm.s32 $0x208;
	[sflag:s0] =	ssyncadd.s32 $0xFFFFE700  }
0xf6: {  	[tilespmem:s22], [sflag:$0x2] =	stream.indirect.gather [hbm4b:s4+s19], $0x40, s18, s19, $0xb8;
	[tilespmem:$0xFE00] =	vst v63  }
0xf7: {  	_ =	swait.ge [sflag:s21], $0x1900  }
0xf8: {  	[sflag:s21] =	ssyncset.done $0x0  }
0xf9: {  	s5 =	simm.s32 $0x0;
	[sflag:s21] =	ssyncadd.s32 $0xFFFFE700  }
0xfa: {  	v0 =	vld [tilespmem:s5+$0x81F0]  }
0xfb: {  	v1 =	vld [tilespmem:s5+$0x8100]  }
0xfc: {  	v2 =	vld [tilespmem:s5+$0x8110]  }
0xfd: {  	v3 =	vld [tilespmem:s5+$0x8120]  }
0xfe: {  	v4 =	vld [tilespmem:s5+$0x8130]  }
0xff: {  	v5 =	vld [tilespmem:s5+$0x8140]  }
0x100: {  	v6 =	vld [tilespmem:s5+$0x8150]  }
0x101: {  	v7 =	vld [tilespmem:s5+$0x8160]  }
0x102: {  	v8 =	vld [tilespmem:s5+$0x8170]  }
0x103: {  	v9 =	vld [tilespmem:s5+$0x8180]  }
0x104: {  	v10 =	vld [tilespmem:s5+$0x8190]  }
0x105: {  	v11 =	vld [tilespmem:s5+$0x81A0]  }
0x106: {  	v12 =	vld [tilespmem:s5+$0x81B0]  }
0x107: {  	v13 =	vld [tilespmem:s5+$0x81C0]  }
0x108: {  	v14 =	vld [tilespmem:s5+$0x81D0]  }
0x109: {  	[tilespmem:s5+$0xE5F0] =	vst.add.f32.msk $0xffff, v0  }
0x10a: {  	v0 =	vld [tilespmem:s5+$0x81E0]  }
0x10b: {  	[tilespmem:s5+$0xE500] =	vst.add.f32.msk $0xffff, v1  }
0x10c: {  	[tilespmem:s5+$0xE510] =	vst.add.f32.msk $0xffff, v2  }
0x10d: {  	[tilespmem:s5+$0xE520] =	vst.add.f32.msk $0xffff, v3  }
0x10e: {  	[tilespmem:s5+$0xE530] =	vst.add.f32.msk $0xffff, v4  }
0x10f: {  	[tilespmem:s5+$0xE540] =	vst.add.f32.msk $0xffff, v5  }
0x110: {  	[tilespmem:s5+$0xE550] =	vst.add.f32.msk $0xffff, v6  }
0x111: {  	[tilespmem:s5+$0xE560] =	vst.add.f32.msk $0xffff, v7  }
0x112: {  	[tilespmem:s5+$0xE570] =	vst.add.f32.msk $0xffff, v8  }
0x113: {  	[tilespmem:s5+$0xE580] =	vst.add.f32.msk $0xffff, v9  }
0x114: {  	[tilespmem:s5+$0xE590] =	vst.add.f32.msk $0xffff, v10  }
0x115: {  	[tilespmem:s5+$0xE5A0] =	vst.add.f32.msk $0xffff, v11  }
0x116: {  	[tilespmem:s5+$0xE5B0] =	vst.add.f32.msk $0xffff, v12  }
0x117: {  	[tilespmem:s5+$0xE5C0] =	vst.add.f32.msk $0xffff, v13  }
0x118: {  	s9 =	simm.s32 $0x400;
	s8 =	simm.s32 $0x0;
	[tilespmem:s5+$0xE5D0] =	vst.add.f32.msk $0xffff, v14  }
.LBB2_8:
0x119: {  	s8 =	sadd.s32 $0x4, s8;
	[tilespmem:s5+$0xE5E0] =	vst.add.f32.msk $0xffff, v0;
	s5 =	sshra.s32 s9, $0x2  }
0x11a: {  	v0 =	vld [tilespmem:s5+$0x81F0];
	p0 =	slt.u32 s8, $0x60  }
0x11b: {  	v1 =	vld [tilespmem:s5+$0x8100]  }
0x11c: {  	v2 =	vld [tilespmem:s5+$0x8110]  }
0x11d: {  	v3 =	vld [tilespmem:s5+$0x8120]  }
0x11e: {  	v4 =	vld [tilespmem:s5+$0x8130]  }
0x11f: {  	[tilespmem:s5+$0xE5F0] =	vst.add.f32.msk $0xffff, v0  }
0x120: {  	v5 =	vld [tilespmem:s5+$0x8140]  }
0x121: {  	v6 =	vld [tilespmem:s5+$0x8150]  }
0x122: {  	v7 =	vld [tilespmem:s5+$0x8160]  }
0x123: {  	v8 =	vld [tilespmem:s5+$0x8170]  }
0x124: {  	v9 =	vld [tilespmem:s5+$0x8180]  }
0x125: {  	v10 =	vld [tilespmem:s5+$0x8190]  }
0x126: {  	v11 =	vld [tilespmem:s5+$0x81A0]  }
0x127: {  	v12 =	vld [tilespmem:s5+$0x81B0]  }
0x128: {  	v13 =	vld [tilespmem:s5+$0x81C0]  }
0x129: {  	v14 =	vld [tilespmem:s5+$0x81D0]  }
0x12a: {  	v0 =	vld [tilespmem:s5+$0x81E0]  }
0x12b: {  	[tilespmem:s5+$0xE500] =	vst.add.f32.msk $0xffff, v1  }
0x12c: {  	[tilespmem:s5+$0xE510] =	vst.add.f32.msk $0xffff, v2  }
0x12d: {  	[tilespmem:s5+$0xE520] =	vst.add.f32.msk $0xffff, v3  }
0x12e: {  	[tilespmem:s5+$0xE530] =	vst.add.f32.msk $0xffff, v4  }
0x12f: {  	[tilespmem:s5+$0xE540] =	vst.add.f32.msk $0xffff, v5  }
0x130: {  	[tilespmem:s5+$0xE550] =	vst.add.f32.msk $0xffff, v6  }
0x131: {  	[tilespmem:s5+$0xE560] =	vst.add.f32.msk $0xffff, v7  }
0x132: {  	[tilespmem:s5+$0xE570] =	vst.add.f32.msk $0xffff, v8  }
0x133: {  	[tilespmem:s5+$0xE580] =	vst.add.f32.msk $0xffff, v9  }
.Ltmp3:
0x134: {  	[tilespmem:s5+$0xE590] =	vst.add.f32.msk $0xffff, v10;
	(pc) =	sbr.rel @p0 .LBB2_8-.Ltmp3, $4  }
0x135: {  	[tilespmem:s5+$0xE5A0] =	vst.add.f32.msk $0xffff, v11  }
0x136: {  	[tilespmem:s5+$0xE5B0] =	vst.add.f32.msk $0xffff, v12  }
0x137: {  	[tilespmem:s5+$0xE5C0] =	vst.add.f32.msk $0xffff, v13  }
0x138: {  	s9 =	sadd.s32 $0x400, s9;
	[tilespmem:s5+$0xE5D0] =	vst.add.f32.msk $0xffff, v14  }
0x139: {  	[tilespmem:s5+$0xE5E0] =	vst.add.f32.msk $0xffff, v0;
	s12 =	rddreg [dreg:$0x7]  }
0x13a: {  	[hbm4b:s12+s3] =	stream.linear.scatter [tilespmem:s28], [sflag:$0x8], $0x1900, $0x38;
	[tilespmem:$0xFE00] =	vst v63  }
0x13b: {  	_ =	swait.ge [sflag:s23], $0x1900  }
0x13c: {  	[sflag:s23] =	ssyncset.done $0x0  }
0x13d: {  	s18 =	simm.s32 $0x270;
	[sflag:s23] =	ssyncadd.s32 $0xFFFFE700  }
0x13e: {  	[tilespmem:s24], [sflag:$0x3] =	stream.indirect.gather [hbm4b:s4+s19], $0x40, s18, s19, $0xb8;
	[tilespmem:$0xFE00] =	vst v63  }
0x13f: {  	s18 =	simm.s32 $0x1  }
.LBB2_10:
0x140: {  	_ =	swait.ge [sflag:s25], $0x1900  }
0x141: {  	[sflag:s25] =	ssyncset.done $0x0  }
0x142: {  	s5 =	simm.s32 $0x0;
	[sflag:s25] =	ssyncadd.s32 $0xFFFFE700  }
0x143: {  	v0 =	vld [tilespmem:s5+$0x68F0]  }
0x144: {  	v1 =	vld [tilespmem:s5+$0x6800]  }
0x145: {  	v2 =	vld [tilespmem:s5+$0x6810]  }
0x146: {  	v3 =	vld [tilespmem:s5+$0x6820]  }
0x147: {  	v4 =	vld [tilespmem:s5+$0x6830]  }
0x148: {  	v5 =	vld [tilespmem:s5+$0x6840]  }
0x149: {  	v6 =	vld [tilespmem:s5+$0x6850]  }
0x14a: {  	v7 =	vld [tilespmem:s5+$0x6860]  }
0x14b: {  	v8 =	vld [tilespmem:s5+$0x6870]  }
0x14c: {  	v9 =	vld [tilespmem:s5+$0x6880]  }
0x14d: {  	v10 =	vld [tilespmem:s5+$0x6890]  }
0x14e: {  	v11 =	vld [tilespmem:s5+$0x68A0]  }
0x14f: {  	v12 =	vld [tilespmem:s5+$0x68B0]  }
0x150: {  	v13 =	vld [tilespmem:s5+$0x68C0]  }
0x151: {  	v14 =	vld [tilespmem:s5+$0x68D0]  }
0x152: {  	[tilespmem:s5+$0x9AF0] =	vst.add.f32.msk $0xffff, v0  }
0x153: {  	v0 =	vld [tilespmem:s5+$0x68E0]  }
0x154: {  	[tilespmem:s5+$0x9A00] =	vst.add.f32.msk $0xffff, v1  }
0x155: {  	[tilespmem:s5+$0x9A10] =	vst.add.f32.msk $0xffff, v2  }
0x156: {  	[tilespmem:s5+$0x9A20] =	vst.add.f32.msk $0xffff, v3  }
0x157: {  	[tilespmem:s5+$0x9A30] =	vst.add.f32.msk $0xffff, v4  }
0x158: {  	[tilespmem:s5+$0x9A40] =	vst.add.f32.msk $0xffff, v5  }
0x159: {  	[tilespmem:s5+$0x9A50] =	vst.add.f32.msk $0xffff, v6  }
0x15a: {  	[tilespmem:s5+$0x9A60] =	vst.add.f32.msk $0xffff, v7  }
0x15b: {  	[tilespmem:s5+$0x9A70] =	vst.add.f32.msk $0xffff, v8  }
0x15c: {  	[tilespmem:s5+$0x9A80] =	vst.add.f32.msk $0xffff, v9  }
0x15d: {  	[tilespmem:s5+$0x9A90] =	vst.add.f32.msk $0xffff, v10  }
0x15e: {  	[tilespmem:s5+$0x9AA0] =	vst.add.f32.msk $0xffff, v11  }
0x15f: {  	[tilespmem:s5+$0x9AB0] =	vst.add.f32.msk $0xffff, v12  }
0x160: {  	[tilespmem:s5+$0x9AC0] =	vst.add.f32.msk $0xffff, v13  }
0x161: {  	s8 =	simm.s32 $0x0;
	s9 =	simm.s32 $0x400;
	[tilespmem:s5+$0x9AD0] =	vst.add.f32.msk $0xffff, v14  }
.LBB2_11:
0x162: {  	s8 =	sadd.s32 $0x4, s8;
	[tilespmem:s5+$0x9AE0] =	vst.add.f32.msk $0xffff, v0;
	s5 =	sshra.s32 s9, $0x2  }
0x163: {  	v0 =	vld [tilespmem:s5+$0x68F0];
	p0 =	slt.u32 s8, $0x60  }
0x164: {  	v1 =	vld [tilespmem:s5+$0x6800]  }
0x165: {  	v2 =	vld [tilespmem:s5+$0x6810]  }
0x166: {  	v3 =	vld [tilespmem:s5+$0x6820]  }
0x167: {  	v4 =	vld [tilespmem:s5+$0x6830]  }
0x168: {  	[tilespmem:s5+$0x9AF0] =	vst.add.f32.msk $0xffff, v0  }
0x169: {  	v5 =	vld [tilespmem:s5+$0x6840]  }
0x16a: {  	v6 =	vld [tilespmem:s5+$0x6850]  }
0x16b: {  	v7 =	vld [tilespmem:s5+$0x6860]  }
0x16c: {  	v8 =	vld [tilespmem:s5+$0x6870]  }
0x16d: {  	v9 =	vld [tilespmem:s5+$0x6880]  }
0x16e: {  	v10 =	vld [tilespmem:s5+$0x6890]  }
0x16f: {  	v11 =	vld [tilespmem:s5+$0x68A0]  }
0x170: {  	v12 =	vld [tilespmem:s5+$0x68B0]  }
0x171: {  	v13 =	vld [tilespmem:s5+$0x68C0]  }
0x172: {  	v14 =	vld [tilespmem:s5+$0x68D0]  }
0x173: {  	v0 =	vld [tilespmem:s5+$0x68E0]  }
0x174: {  	[tilespmem:s5+$0x9A00] =	vst.add.f32.msk $0xffff, v1  }
0x175: {  	[tilespmem:s5+$0x9A10] =	vst.add.f32.msk $0xffff, v2  }
0x176: {  	[tilespmem:s5+$0x9A20] =	vst.add.f32.msk $0xffff, v3  }
0x177: {  	[tilespmem:s5+$0x9A30] =	vst.add.f32.msk $0xffff, v4  }
0x178: {  	[tilespmem:s5+$0x9A40] =	vst.add.f32.msk $0xffff, v5  }
0x179: {  	[tilespmem:s5+$0x9A50] =	vst.add.f32.msk $0xffff, v6  }
0x17a: {  	[tilespmem:s5+$0x9A60] =	vst.add.f32.msk $0xffff, v7  }
0x17b: {  	[tilespmem:s5+$0x9A70] =	vst.add.f32.msk $0xffff, v8  }
0x17c: {  	[tilespmem:s5+$0x9A80] =	vst.add.f32.msk $0xffff, v9  }
.Ltmp4:
0x17d: {  	[tilespmem:s5+$0x9A90] =	vst.add.f32.msk $0xffff, v10;
	(pc) =	sbr.rel @p0 .LBB2_11-.Ltmp4, $4  }
0x17e: {  	[tilespmem:s5+$0x9AA0] =	vst.add.f32.msk $0xffff, v11  }
0x17f: {  	[tilespmem:s5+$0x9AB0] =	vst.add.f32.msk $0xffff, v12  }
0x180: {  	[tilespmem:s5+$0x9AC0] =	vst.add.f32.msk $0xffff, v13  }
0x181: {  	s9 =	sadd.s32 $0x400, s9;
	[tilespmem:s5+$0x9AD0] =	vst.add.f32.msk $0xffff, v14  }
0x182: {  	s8 =	sshll.u32 s18, $0x1  }
0x183: {  	s9 =	sor.u32 s7, s8  }
0x184: {  	s10 =	smul.u32 $0x640, s9;
	_ =	sdelay $0x1  }
0x185: {  	[tilespmem:s5+$0x9AE0] =	vst.add.f32.msk $0xffff, v0;
	s11 =	simm.s32 $0x0;
	s5 =	sshllo.u32 s18, $0x2;
	s10 =	sadd.s32 s2, s10  }
0x186: {  	[hbm4b:s10+s11] =	stream.linear.scatter [tilespmem:s20], [sflag:$0x5], $0x1900, $0x38;
	[tilespmem:$0xFE00] =	vst v63  }
0x187: {  	s12 =	smul.u32 $0x1A0, s5;
	_ =	swait.ge [sflag:s31], $0x1900  }
0x188: {  	[sflag:s31] =	ssyncset.done $0x0  }
0x189: {  	s10 =	sshra.s32 s12, $0x2;
	[sflag:s31] =	ssyncadd.s32 $0xFFFFE700  }
0x18a: {  	[tilespmem:s28], [sflag:$0x4] =	stream.indirect.gather [hbm4b:s4+s19], $0x40, s10, s19, $0xb8;
	[tilespmem:$0xFE00] =	vst v63  }
0x18b: {  	_ =	swait.ge [sflag:s29], $0x1900  }
0x18c: {  	[sflag:s29] =	ssyncset.done $0x0  }
0x18d: {  	s10 =	simm.s32 $0x0;
	[sflag:s29] =	ssyncadd.s32 $0xFFFFE700  }
0x18e: {  	v0 =	vld [tilespmem:s10+$0x81F0]  }
0x18f: {  	v1 =	vld [tilespmem:s10+$0x8100]  }
0x190: {  	v2 =	vld [tilespmem:s10+$0x8110]  }
0x191: {  	v3 =	vld [tilespmem:s10+$0x8120]  }
0x192: {  	v4 =	vld [tilespmem:s10+$0x8130]  }
0x193: {  	v5 =	vld [tilespmem:s10+$0x8140]  }
0x194: {  	v6 =	vld [tilespmem:s10+$0x8150]  }
0x195: {  	v7 =	vld [tilespmem:s10+$0x8160]  }
0x196: {  	v8 =	vld [tilespmem:s10+$0x8170]  }
0x197: {  	v9 =	vld [tilespmem:s10+$0x8180]  }
0x198: {  	v10 =	vld [tilespmem:s10+$0x8190]  }
0x199: {  	v11 =	vld [tilespmem:s10+$0x81A0]  }
0x19a: {  	v12 =	vld [tilespmem:s10+$0x81B0]  }
0x19b: {  	v13 =	vld [tilespmem:s10+$0x81C0]  }
0x19c: {  	v14 =	vld [tilespmem:s10+$0x81D0]  }
0x19d: {  	[tilespmem:s10+$0xB3F0] =	vst.add.f32.msk $0xffff, v0  }
0x19e: {  	v0 =	vld [tilespmem:s10+$0x81E0]  }
0x19f: {  	[tilespmem:s10+$0xB300] =	vst.add.f32.msk $0xffff, v1  }
0x1a0: {  	[tilespmem:s10+$0xB310] =	vst.add.f32.msk $0xffff, v2  }
0x1a1: {  	[tilespmem:s10+$0xB320] =	vst.add.f32.msk $0xffff, v3  }
0x1a2: {  	[tilespmem:s10+$0xB330] =	vst.add.f32.msk $0xffff, v4  }
0x1a3: {  	[tilespmem:s10+$0xB340] =	vst.add.f32.msk $0xffff, v5  }
0x1a4: {  	[tilespmem:s10+$0xB350] =	vst.add.f32.msk $0xffff, v6  }
0x1a5: {  	[tilespmem:s10+$0xB360] =	vst.add.f32.msk $0xffff, v7  }
0x1a6: {  	[tilespmem:s10+$0xB370] =	vst.add.f32.msk $0xffff, v8  }
0x1a7: {  	[tilespmem:s10+$0xB380] =	vst.add.f32.msk $0xffff, v9  }
0x1a8: {  	[tilespmem:s10+$0xB390] =	vst.add.f32.msk $0xffff, v10  }
0x1a9: {  	[tilespmem:s10+$0xB3A0] =	vst.add.f32.msk $0xffff, v11  }
0x1aa: {  	[tilespmem:s10+$0xB3B0] =	vst.add.f32.msk $0xffff, v12  }
0x1ab: {  	[tilespmem:s10+$0xB3C0] =	vst.add.f32.msk $0xffff, v13  }
0x1ac: {  	s11 =	simm.s32 $0x0;
	s12 =	simm.s32 $0x400;
	[tilespmem:s10+$0xB3D0] =	vst.add.f32.msk $0xffff, v14  }
.LBB2_13:
0x1ad: {  	s11 =	sadd.s32 $0x4, s11;
	[tilespmem:s10+$0xB3E0] =	vst.add.f32.msk $0xffff, v0;
	s10 =	sshra.s32 s12, $0x2  }
0x1ae: {  	v0 =	vld [tilespmem:s10+$0x81F0];
	p0 =	slt.u32 s11, $0x60  }
0x1af: {  	v1 =	vld [tilespmem:s10+$0x8100]  }
0x1b0: {  	v2 =	vld [tilespmem:s10+$0x8110]  }
0x1b1: {  	v3 =	vld [tilespmem:s10+$0x8120]  }
0x1b2: {  	v4 =	vld [tilespmem:s10+$0x8130]  }
0x1b3: {  	[tilespmem:s10+$0xB3F0] =	vst.add.f32.msk $0xffff, v0  }
0x1b4: {  	v5 =	vld [tilespmem:s10+$0x8140]  }
0x1b5: {  	v6 =	vld [tilespmem:s10+$0x8150]  }
0x1b6: {  	v7 =	vld [tilespmem:s10+$0x8160]  }
0x1b7: {  	v8 =	vld [tilespmem:s10+$0x8170]  }
0x1b8: {  	v9 =	vld [tilespmem:s10+$0x8180]  }
0x1b9: {  	v10 =	vld [tilespmem:s10+$0x8190]  }
0x1ba: {  	v11 =	vld [tilespmem:s10+$0x81A0]  }
0x1bb: {  	v12 =	vld [tilespmem:s10+$0x81B0]  }
0x1bc: {  	v13 =	vld [tilespmem:s10+$0x81C0]  }
0x1bd: {  	v14 =	vld [tilespmem:s10+$0x81D0]  }
0x1be: {  	v0 =	vld [tilespmem:s10+$0x81E0]  }
0x1bf: {  	[tilespmem:s10+$0xB300] =	vst.add.f32.msk $0xffff, v1  }
0x1c0: {  	[tilespmem:s10+$0xB310] =	vst.add.f32.msk $0xffff, v2  }
0x1c1: {  	[tilespmem:s10+$0xB320] =	vst.add.f32.msk $0xffff, v3  }
0x1c2: {  	[tilespmem:s10+$0xB330] =	vst.add.f32.msk $0xffff, v4  }
0x1c3: {  	[tilespmem:s10+$0xB340] =	vst.add.f32.msk $0xffff, v5  }
0x1c4: {  	[tilespmem:s10+$0xB350] =	vst.add.f32.msk $0xffff, v6  }
0x1c5: {  	[tilespmem:s10+$0xB360] =	vst.add.f32.msk $0xffff, v7  }
0x1c6: {  	[tilespmem:s10+$0xB370] =	vst.add.f32.msk $0xffff, v8  }
0x1c7: {  	[tilespmem:s10+$0xB380] =	vst.add.f32.msk $0xffff, v9  }
.Ltmp5:
0x1c8: {  	[tilespmem:s10+$0xB390] =	vst.add.f32.msk $0xffff, v10;
	(pc) =	sbr.rel @p0 .LBB2_13-.Ltmp5, $4  }
0x1c9: {  	[tilespmem:s10+$0xB3A0] =	vst.add.f32.msk $0xffff, v11  }
0x1ca: {  	[tilespmem:s10+$0xB3B0] =	vst.add.f32.msk $0xffff, v12  }
0x1cb: {  	[tilespmem:s10+$0xB3C0] =	vst.add.f32.msk $0xffff, v13  }
0x1cc: {  	s12 =	sadd.s32 $0x400, s12;
	[tilespmem:s10+$0xB3D0] =	vst.add.f32.msk $0xffff, v14  }
0x1cd: {  	s9 =	smul.u32 $0x3200, s9;
	_ =	sdelay $0x1  }
0x1ce: {  	s9 =	sshrl.u32 s9, $0x3  }
0x1cf: {  	s9 =	sadd.s32 s2, s9  }
0x1d0: {  	[tilespmem:s10+$0xB3E0] =	vst.add.f32.msk $0xffff, v0;
	s12 =	simm.s32 $0x0;
	s11 =	smul.u32 $0x680, s18;
	s9 =	sadd.s32 $0x320, s9  }
0x1d1: {  	[hbm4b:s9+s12] =	stream.linear.scatter [tilespmem:s22], [sflag:$0x6], $0x1900, $0x38;
	[tilespmem:$0xFE00] =	vst v63  }
0x1d2: {  	_ =	swait.ge [sflag:s30], $0x1900  }
0x1d3: {  	s9 =	sshra.s32 s11, $0x2;
	[sflag:s30] =	ssyncset.done $0x0  }
0x1d4: {  	s12 =	sadd.s32 $0x1A0, s9;
	[sflag:s30] =	ssyncadd.s32 $0xFFFFE700  }
0x1d5: {  	[tilespmem:s20], [sflag:$0x1] =	stream.indirect.gather [hbm4b:s4+s19], $0x40, s12, s19, $0xb8;
	[tilespmem:$0xFE00] =	vst v63  }
0x1d6: {  	_ =	swait.ge [sflag:s1], $0x1900  }
0x1d7: {  	[sflag:s1] =	ssyncset.done $0x0  }
0x1d8: {  	s10 =	simm.s32 $0x0;
	[sflag:s1] =	ssyncadd.s32 $0xFFFFE700  }
0x1d9: {  	v0 =	vld [tilespmem:s10+$0x68F0]  }
0x1da: {  	v1 =	vld [tilespmem:s10+$0x6800]  }
0x1db: {  	v2 =	vld [tilespmem:s10+$0x6810]  }
0x1dc: {  	v3 =	vld [tilespmem:s10+$0x6820]  }
0x1dd: {  	v4 =	vld [tilespmem:s10+$0x6830]  }
0x1de: {  	v5 =	vld [tilespmem:s10+$0x6840]  }
0x1df: {  	v6 =	vld [tilespmem:s10+$0x6850]  }
0x1e0: {  	v7 =	vld [tilespmem:s10+$0x6860]  }
0x1e1: {  	v8 =	vld [tilespmem:s10+$0x6870]  }
0x1e2: {  	v9 =	vld [tilespmem:s10+$0x6880]  }
0x1e3: {  	v10 =	vld [tilespmem:s10+$0x6890]  }
0x1e4: {  	v11 =	vld [tilespmem:s10+$0x68A0]  }
0x1e5: {  	v12 =	vld [tilespmem:s10+$0x68B0]  }
0x1e6: {  	v13 =	vld [tilespmem:s10+$0x68C0]  }
0x1e7: {  	v14 =	vld [tilespmem:s10+$0x68D0]  }
0x1e8: {  	[tilespmem:s10+$0xCCF0] =	vst.add.f32.msk $0xffff, v0  }
0x1e9: {  	v0 =	vld [tilespmem:s10+$0x68E0]  }
0x1ea: {  	[tilespmem:s10+$0xCC00] =	vst.add.f32.msk $0xffff, v1  }
0x1eb: {  	[tilespmem:s10+$0xCC10] =	vst.add.f32.msk $0xffff, v2  }
0x1ec: {  	[tilespmem:s10+$0xCC20] =	vst.add.f32.msk $0xffff, v3  }
0x1ed: {  	[tilespmem:s10+$0xCC30] =	vst.add.f32.msk $0xffff, v4  }
0x1ee: {  	[tilespmem:s10+$0xCC40] =	vst.add.f32.msk $0xffff, v5  }
0x1ef: {  	[tilespmem:s10+$0xCC50] =	vst.add.f32.msk $0xffff, v6  }
0x1f0: {  	[tilespmem:s10+$0xCC60] =	vst.add.f32.msk $0xffff, v7  }
0x1f1: {  	[tilespmem:s10+$0xCC70] =	vst.add.f32.msk $0xffff, v8  }
0x1f2: {  	[tilespmem:s10+$0xCC80] =	vst.add.f32.msk $0xffff, v9  }
0x1f3: {  	[tilespmem:s10+$0xCC90] =	vst.add.f32.msk $0xffff, v10  }
0x1f4: {  	[tilespmem:s10+$0xCCA0] =	vst.add.f32.msk $0xffff, v11  }
0x1f5: {  	[tilespmem:s10+$0xCCB0] =	vst.add.f32.msk $0xffff, v12  }
0x1f6: {  	[tilespmem:s10+$0xCCC0] =	vst.add.f32.msk $0xffff, v13  }
0x1f7: {  	s11 =	simm.s32 $0x0;
	s12 =	simm.s32 $0x400;
	[tilespmem:s10+$0xCCD0] =	vst.add.f32.msk $0xffff, v14  }
.LBB2_15:
0x1f8: {  	s11 =	sadd.s32 $0x4, s11;
	[tilespmem:s10+$0xCCE0] =	vst.add.f32.msk $0xffff, v0;
	s10 =	sshra.s32 s12, $0x2  }
0x1f9: {  	v0 =	vld [tilespmem:s10+$0x68F0];
	p0 =	slt.u32 s11, $0x60  }
0x1fa: {  	v1 =	vld [tilespmem:s10+$0x6800]  }
0x1fb: {  	v2 =	vld [tilespmem:s10+$0x6810]  }
0x1fc: {  	v3 =	vld [tilespmem:s10+$0x6820]  }
0x1fd: {  	v4 =	vld [tilespmem:s10+$0x6830]  }
0x1fe: {  	[tilespmem:s10+$0xCCF0] =	vst.add.f32.msk $0xffff, v0  }
0x1ff: {  	v5 =	vld [tilespmem:s10+$0x6840]  }
0x200: {  	v6 =	vld [tilespmem:s10+$0x6850]  }
0x201: {  	v7 =	vld [tilespmem:s10+$0x6860]  }
0x202: {  	v8 =	vld [tilespmem:s10+$0x6870]  }
0x203: {  	v9 =	vld [tilespmem:s10+$0x6880]  }
0x204: {  	v10 =	vld [tilespmem:s10+$0x6890]  }
0x205: {  	v11 =	vld [tilespmem:s10+$0x68A0]  }
0x206: {  	v12 =	vld [tilespmem:s10+$0x68B0]  }
0x207: {  	v13 =	vld [tilespmem:s10+$0x68C0]  }
0x208: {  	v14 =	vld [tilespmem:s10+$0x68D0]  }
0x209: {  	v0 =	vld [tilespmem:s10+$0x68E0]  }
0x20a: {  	[tilespmem:s10+$0xCC00] =	vst.add.f32.msk $0xffff, v1  }
0x20b: {  	[tilespmem:s10+$0xCC10] =	vst.add.f32.msk $0xffff, v2  }
0x20c: {  	[tilespmem:s10+$0xCC20] =	vst.add.f32.msk $0xffff, v3  }
0x20d: {  	[tilespmem:s10+$0xCC30] =	vst.add.f32.msk $0xffff, v4  }
0x20e: {  	[tilespmem:s10+$0xCC40] =	vst.add.f32.msk $0xffff, v5  }
0x20f: {  	[tilespmem:s10+$0xCC50] =	vst.add.f32.msk $0xffff, v6  }
0x210: {  	[tilespmem:s10+$0xCC60] =	vst.add.f32.msk $0xffff, v7  }
0x211: {  	[tilespmem:s10+$0xCC70] =	vst.add.f32.msk $0xffff, v8  }
0x212: {  	[tilespmem:s10+$0xCC80] =	vst.add.f32.msk $0xffff, v9  }
.Ltmp6:
0x213: {  	[tilespmem:s10+$0xCC90] =	vst.add.f32.msk $0xffff, v10;
	(pc) =	sbr.rel @p0 .LBB2_15-.Ltmp6, $4  }
0x214: {  	[tilespmem:s10+$0xCCA0] =	vst.add.f32.msk $0xffff, v11  }
0x215: {  	[tilespmem:s10+$0xCCB0] =	vst.add.f32.msk $0xffff, v12  }
0x216: {  	[tilespmem:s10+$0xCCC0] =	vst.add.f32.msk $0xffff, v13  }
0x217: {  	s12 =	sadd.s32 $0x400, s12;
	[tilespmem:s10+$0xCCD0] =	vst.add.f32.msk $0xffff, v14  }
0x218: {  	s8 =	sadd.s32 s8, s7  }
0x219: {  	s8 =	smul.u32 $0x640, s8;
	_ =	sdelay $0x1  }
0x21a: {  	s8 =	sadd.s32 s2, s8  }
0x21b: {  	[tilespmem:s10+$0xCCE0] =	vst.add.f32.msk $0xffff, v0;
	s11 =	simm.s32 $0x0;
	s8 =	sadd.s32 $0x640, s8  }
0x21c: {  	[hbm4b:s8+s11] =	stream.linear.scatter [tilespmem:s24], [sflag:$0x7], $0x1900, $0x38;
	[tilespmem:$0xFE00] =	vst v63  }
0x21d: {  	_ =	swait.ge [sflag:s0], $0x1900  }
0x21e: {  	[sflag:s0] =	ssyncset.done $0x0  }
0x21f: {  	s12 =	sadd.s32 $0x208, s9;
	[sflag:s0] =	ssyncadd.s32 $0xFFFFE700  }
0x220: {  	[tilespmem:s22], [sflag:$0x2] =	stream.indirect.gather [hbm4b:s4+s19], $0x40, s12, s19, $0xb8;
	[tilespmem:$0xFE00] =	vst v63  }
0x221: {  	_ =	swait.ge [sflag:s21], $0x1900  }
0x222: {  	[sflag:s21] =	ssyncset.done $0x0  }
0x223: {  	s8 =	simm.s32 $0x0;
	[sflag:s21] =	ssyncadd.s32 $0xFFFFE700  }
0x224: {  	v0 =	vld [tilespmem:s8+$0x81F0]  }
0x225: {  	v1 =	vld [tilespmem:s8+$0x8100]  }
0x226: {  	v2 =	vld [tilespmem:s8+$0x8110]  }
0x227: {  	v3 =	vld [tilespmem:s8+$0x8120]  }
0x228: {  	v4 =	vld [tilespmem:s8+$0x8130]  }
0x229: {  	v5 =	vld [tilespmem:s8+$0x8140]  }
0x22a: {  	v6 =	vld [tilespmem:s8+$0x8150]  }
0x22b: {  	v7 =	vld [tilespmem:s8+$0x8160]  }
0x22c: {  	v8 =	vld [tilespmem:s8+$0x8170]  }
0x22d: {  	v9 =	vld [tilespmem:s8+$0x8180]  }
0x22e: {  	v10 =	vld [tilespmem:s8+$0x8190]  }
0x22f: {  	v11 =	vld [tilespmem:s8+$0x81A0]  }
0x230: {  	v12 =	vld [tilespmem:s8+$0x81B0]  }
0x231: {  	v13 =	vld [tilespmem:s8+$0x81C0]  }
0x232: {  	v14 =	vld [tilespmem:s8+$0x81D0]  }
0x233: {  	[tilespmem:s8+$0xE5F0] =	vst.add.f32.msk $0xffff, v0  }
0x234: {  	v0 =	vld [tilespmem:s8+$0x81E0]  }
0x235: {  	[tilespmem:s8+$0xE500] =	vst.add.f32.msk $0xffff, v1  }
0x236: {  	[tilespmem:s8+$0xE510] =	vst.add.f32.msk $0xffff, v2  }
0x237: {  	[tilespmem:s8+$0xE520] =	vst.add.f32.msk $0xffff, v3  }
0x238: {  	[tilespmem:s8+$0xE530] =	vst.add.f32.msk $0xffff, v4  }
0x239: {  	[tilespmem:s8+$0xE540] =	vst.add.f32.msk $0xffff, v5  }
0x23a: {  	[tilespmem:s8+$0xE550] =	vst.add.f32.msk $0xffff, v6  }
0x23b: {  	[tilespmem:s8+$0xE560] =	vst.add.f32.msk $0xffff, v7  }
0x23c: {  	[tilespmem:s8+$0xE570] =	vst.add.f32.msk $0xffff, v8  }
0x23d: {  	[tilespmem:s8+$0xE580] =	vst.add.f32.msk $0xffff, v9  }
0x23e: {  	[tilespmem:s8+$0xE590] =	vst.add.f32.msk $0xffff, v10  }
0x23f: {  	[tilespmem:s8+$0xE5A0] =	vst.add.f32.msk $0xffff, v11  }
0x240: {  	[tilespmem:s8+$0xE5B0] =	vst.add.f32.msk $0xffff, v12  }
0x241: {  	[tilespmem:s8+$0xE5C0] =	vst.add.f32.msk $0xffff, v13  }
0x242: {  	s10 =	simm.s32 $0x0;
	s11 =	simm.s32 $0x400;
	[tilespmem:s8+$0xE5D0] =	vst.add.f32.msk $0xffff, v14  }
.LBB2_17:
0x243: {  	s10 =	sadd.s32 $0x4, s10;
	[tilespmem:s8+$0xE5E0] =	vst.add.f32.msk $0xffff, v0;
	s8 =	sshra.s32 s11, $0x2  }
0x244: {  	v0 =	vld [tilespmem:s8+$0x81F0];
	p0 =	slt.u32 s10, $0x60  }
0x245: {  	v1 =	vld [tilespmem:s8+$0x8100]  }
0x246: {  	v2 =	vld [tilespmem:s8+$0x8110]  }
0x247: {  	v3 =	vld [tilespmem:s8+$0x8120]  }
0x248: {  	v4 =	vld [tilespmem:s8+$0x8130]  }
0x249: {  	[tilespmem:s8+$0xE5F0] =	vst.add.f32.msk $0xffff, v0  }
0x24a: {  	v5 =	vld [tilespmem:s8+$0x8140]  }
0x24b: {  	v6 =	vld [tilespmem:s8+$0x8150]  }
0x24c: {  	v7 =	vld [tilespmem:s8+$0x8160]  }
0x24d: {  	v8 =	vld [tilespmem:s8+$0x8170]  }
0x24e: {  	v9 =	vld [tilespmem:s8+$0x8180]  }
0x24f: {  	v10 =	vld [tilespmem:s8+$0x8190]  }
0x250: {  	v11 =	vld [tilespmem:s8+$0x81A0]  }
0x251: {  	v12 =	vld [tilespmem:s8+$0x81B0]  }
0x252: {  	v13 =	vld [tilespmem:s8+$0x81C0]  }
0x253: {  	v14 =	vld [tilespmem:s8+$0x81D0]  }
0x254: {  	v0 =	vld [tilespmem:s8+$0x81E0]  }
0x255: {  	[tilespmem:s8+$0xE500] =	vst.add.f32.msk $0xffff, v1  }
0x256: {  	[tilespmem:s8+$0xE510] =	vst.add.f32.msk $0xffff, v2  }
0x257: {  	[tilespmem:s8+$0xE520] =	vst.add.f32.msk $0xffff, v3  }
0x258: {  	[tilespmem:s8+$0xE530] =	vst.add.f32.msk $0xffff, v4  }
0x259: {  	[tilespmem:s8+$0xE540] =	vst.add.f32.msk $0xffff, v5  }
0x25a: {  	[tilespmem:s8+$0xE550] =	vst.add.f32.msk $0xffff, v6  }
0x25b: {  	[tilespmem:s8+$0xE560] =	vst.add.f32.msk $0xffff, v7  }
0x25c: {  	[tilespmem:s8+$0xE570] =	vst.add.f32.msk $0xffff, v8  }
0x25d: {  	[tilespmem:s8+$0xE580] =	vst.add.f32.msk $0xffff, v9  }
.Ltmp7:
0x25e: {  	[tilespmem:s8+$0xE590] =	vst.add.f32.msk $0xffff, v10;
	(pc) =	sbr.rel @p0 .LBB2_17-.Ltmp7, $4  }
0x25f: {  	[tilespmem:s8+$0xE5A0] =	vst.add.f32.msk $0xffff, v11  }
0x260: {  	[tilespmem:s8+$0xE5B0] =	vst.add.f32.msk $0xffff, v12  }
0x261: {  	[tilespmem:s8+$0xE5C0] =	vst.add.f32.msk $0xffff, v13  }
0x262: {  	s11 =	sadd.s32 $0x400, s11;
	[tilespmem:s8+$0xE5D0] =	vst.add.f32.msk $0xffff, v14  }
0x263: {  	s5 =	sshrl.u32 s5, $0x1  }
0x264: {  	s5 =	sadd.s32 s7, s5  }
0x265: {  	s5 =	smul.u32 $0x3200, s5;
	_ =	sdelay $0x1  }
0x266: {  	s5 =	sshrl.u32 s5, $0x3  }
0x267: {  	s18 =	sadd.s32 $0x1, s18;
	s5 =	sadd.s32 s2, s5  }
0x268: {  	[tilespmem:s8+$0xE5E0] =	vst.add.f32.msk $0xffff, v0;
	p0 =	sne.s32 s18, $0x3F;
	s5 =	sadd.s32 $0x320, s5  }
0x269: {  	[hbm4b:s5+s3] =	stream.linear.scatter [tilespmem:s28], [sflag:$0x8], $0x1900, $0x38;
	[tilespmem:$0xFE00] =	vst v63  }
.Ltmp8:
0x26a: {  	_ = 	snop;
	(pc) =	sbr.rel @p0 .LBB2_10-.Ltmp8, $4  }
0x26b: {  	_ =	swait.ge [sflag:s23], $0x1900  }
0x26c: {  	[sflag:s23] =	ssyncset.done $0x0  }
0x26d: {  	s12 =	sadd.s32 $0x270, s9;
	[sflag:s23] =	ssyncadd.s32 $0xFFFFE700  }
0x26e: {  	[tilespmem:s24], [sflag:$0x3] =	stream.indirect.gather [hbm4b:s4+s19], $0x40, s12, s19, $0xb8;
	[tilespmem:$0xFE00] =	vst v63  }
0x26f: {  	_ =	swait.ge [sflag:s25], $0x1900  }
0x270: {  	[sflag:s25] =	ssyncset.done $0x0  }
0x271: {  	s5 =	simm.s32 $0x0;
	[sflag:s25] =	ssyncadd.s32 $0xFFFFE700  }
0x272: {  	v0 =	vld [tilespmem:s5+$0x68F0]  }
0x273: {  	v1 =	vld [tilespmem:s5+$0x6800]  }
0x274: {  	v2 =	vld [tilespmem:s5+$0x6810]  }
0x275: {  	v3 =	vld [tilespmem:s5+$0x6820]  }
0x276: {  	v4 =	vld [tilespmem:s5+$0x6830]  }
0x277: {  	v5 =	vld [tilespmem:s5+$0x6840]  }
0x278: {  	v6 =	vld [tilespmem:s5+$0x6850]  }
0x279: {  	v7 =	vld [tilespmem:s5+$0x6860]  }
0x27a: {  	v8 =	vld [tilespmem:s5+$0x6870]  }
0x27b: {  	v9 =	vld [tilespmem:s5+$0x6880]  }
0x27c: {  	v10 =	vld [tilespmem:s5+$0x6890]  }
0x27d: {  	v11 =	vld [tilespmem:s5+$0x68A0]  }
0x27e: {  	v12 =	vld [tilespmem:s5+$0x68B0]  }
0x27f: {  	v13 =	vld [tilespmem:s5+$0x68C0]  }
0x280: {  	v14 =	vld [tilespmem:s5+$0x68D0]  }
0x281: {  	[tilespmem:s5+$0x9AF0] =	vst.add.f32.msk $0xffff, v0  }
0x282: {  	v0 =	vld [tilespmem:s5+$0x68E0]  }
0x283: {  	[tilespmem:s5+$0x9A00] =	vst.add.f32.msk $0xffff, v1  }
0x284: {  	[tilespmem:s5+$0x9A10] =	vst.add.f32.msk $0xffff, v2  }
0x285: {  	[tilespmem:s5+$0x9A20] =	vst.add.f32.msk $0xffff, v3  }
0x286: {  	[tilespmem:s5+$0x9A30] =	vst.add.f32.msk $0xffff, v4  }
0x287: {  	[tilespmem:s5+$0x9A40] =	vst.add.f32.msk $0xffff, v5  }
0x288: {  	[tilespmem:s5+$0x9A50] =	vst.add.f32.msk $0xffff, v6  }
0x289: {  	[tilespmem:s5+$0x9A60] =	vst.add.f32.msk $0xffff, v7  }
0x28a: {  	[tilespmem:s5+$0x9A70] =	vst.add.f32.msk $0xffff, v8  }
0x28b: {  	[tilespmem:s5+$0x9A80] =	vst.add.f32.msk $0xffff, v9  }
0x28c: {  	[tilespmem:s5+$0x9A90] =	vst.add.f32.msk $0xffff, v10  }
0x28d: {  	[tilespmem:s5+$0x9AA0] =	vst.add.f32.msk $0xffff, v11  }
0x28e: {  	[tilespmem:s5+$0x9AB0] =	vst.add.f32.msk $0xffff, v12  }
0x28f: {  	[tilespmem:s5+$0x9AC0] =	vst.add.f32.msk $0xffff, v13  }
0x290: {  	s8 =	simm.s32 $0x0;
	s9 =	simm.s32 $0x400;
	[tilespmem:s5+$0x9AD0] =	vst.add.f32.msk $0xffff, v14  }
.LBB2_20:
0x291: {  	s8 =	sadd.s32 $0x4, s8;
	[tilespmem:s5+$0x9AE0] =	vst.add.f32.msk $0xffff, v0;
	s5 =	sshra.s32 s9, $0x2  }
0x292: {  	v0 =	vld [tilespmem:s5+$0x68F0];
	p0 =	slt.u32 s8, $0x60  }
0x293: {  	v1 =	vld [tilespmem:s5+$0x6800]  }
0x294: {  	v2 =	vld [tilespmem:s5+$0x6810]  }
0x295: {  	v3 =	vld [tilespmem:s5+$0x6820]  }
0x296: {  	v4 =	vld [tilespmem:s5+$0x6830]  }
0x297: {  	[tilespmem:s5+$0x9AF0] =	vst.add.f32.msk $0xffff, v0  }
0x298: {  	v5 =	vld [tilespmem:s5+$0x6840]  }
0x299: {  	v6 =	vld [tilespmem:s5+$0x6850]  }
0x29a: {  	v7 =	vld [tilespmem:s5+$0x6860]  }
0x29b: {  	v8 =	vld [tilespmem:s5+$0x6870]  }
0x29c: {  	v9 =	vld [tilespmem:s5+$0x6880]  }
0x29d: {  	v10 =	vld [tilespmem:s5+$0x6890]  }
0x29e: {  	v11 =	vld [tilespmem:s5+$0x68A0]  }
0x29f: {  	v12 =	vld [tilespmem:s5+$0x68B0]  }
0x2a0: {  	v13 =	vld [tilespmem:s5+$0x68C0]  }
0x2a1: {  	v14 =	vld [tilespmem:s5+$0x68D0]  }
0x2a2: {  	v0 =	vld [tilespmem:s5+$0x68E0]  }
0x2a3: {  	[tilespmem:s5+$0x9A00] =	vst.add.f32.msk $0xffff, v1  }
0x2a4: {  	[tilespmem:s5+$0x9A10] =	vst.add.f32.msk $0xffff, v2  }
0x2a5: {  	[tilespmem:s5+$0x9A20] =	vst.add.f32.msk $0xffff, v3  }
0x2a6: {  	[tilespmem:s5+$0x9A30] =	vst.add.f32.msk $0xffff, v4  }
0x2a7: {  	[tilespmem:s5+$0x9A40] =	vst.add.f32.msk $0xffff, v5  }
0x2a8: {  	[tilespmem:s5+$0x9A50] =	vst.add.f32.msk $0xffff, v6  }
0x2a9: {  	[tilespmem:s5+$0x9A60] =	vst.add.f32.msk $0xffff, v7  }
0x2aa: {  	[tilespmem:s5+$0x9A70] =	vst.add.f32.msk $0xffff, v8  }
0x2ab: {  	[tilespmem:s5+$0x9A80] =	vst.add.f32.msk $0xffff, v9  }
.Ltmp9:
0x2ac: {  	[tilespmem:s5+$0x9A90] =	vst.add.f32.msk $0xffff, v10;
	(pc) =	sbr.rel @p0 .LBB2_20-.Ltmp9, $4  }
0x2ad: {  	[tilespmem:s5+$0x9AA0] =	vst.add.f32.msk $0xffff, v11  }
0x2ae: {  	[tilespmem:s5+$0x9AB0] =	vst.add.f32.msk $0xffff, v12  }
0x2af: {  	[tilespmem:s5+$0x9AC0] =	vst.add.f32.msk $0xffff, v13  }
0x2b0: {  	s9 =	sadd.s32 $0x400, s9;
	[tilespmem:s5+$0x9AD0] =	vst.add.f32.msk $0xffff, v14  }
0x2b1: {  	[tilespmem:s5+$0x9AE0] =	vst.add.f32.msk $0xffff, v0;
	s12 =	simm.s32 $0x0;
	s8 =	rddreg [dreg:$0x8]  }
0x2b2: {  	[hbm4b:s8+s12] =	stream.linear.scatter [tilespmem:s20], [sflag:$0x5], $0x1900, $0x38;
	[tilespmem:$0xFE00] =	vst v63  }
0x2b3: {  	_ =	swait.ge [sflag:s31], $0x1900  }
0x2b4: {  	[sflag:s31] =	ssyncset.done $0x0  }
0x2b5: {  	s18 =	simm.s32 $0x6798;
	[sflag:s31] =	ssyncadd.s32 $0xFFFFE700  }
0x2b6: {  	[tilespmem:s28], [sflag:$0x4] =	stream.indirect.gather [hbm4b:s4+s19], $0x40, s18, s19, $0xb8;
	[tilespmem:$0xFE00] =	vst v63  }
0x2b7: {  	_ =	swait.ge [sflag:s29], $0x1900  }
0x2b8: {  	[sflag:s29] =	ssyncset.done $0x0  }
0x2b9: {  	s5 =	simm.s32 $0x0;
	[sflag:s29] =	ssyncadd.s32 $0xFFFFE700  }
0x2ba: {  	v0 =	vld [tilespmem:s5+$0x81F0]  }
0x2bb: {  	v1 =	vld [tilespmem:s5+$0x8100]  }
0x2bc: {  	v2 =	vld [tilespmem:s5+$0x8110]  }
0x2bd: {  	v3 =	vld [tilespmem:s5+$0x8120]  }
0x2be: {  	v4 =	vld [tilespmem:s5+$0x8130]  }
0x2bf: {  	v5 =	vld [tilespmem:s5+$0x8140]  }
0x2c0: {  	v6 =	vld [tilespmem:s5+$0x8150]  }
0x2c1: {  	v7 =	vld [tilespmem:s5+$0x8160]  }
0x2c2: {  	v8 =	vld [tilespmem:s5+$0x8170]  }
0x2c3: {  	v9 =	vld [tilespmem:s5+$0x8180]  }
0x2c4: {  	v10 =	vld [tilespmem:s5+$0x8190]  }
0x2c5: {  	v11 =	vld [tilespmem:s5+$0x81A0]  }
0x2c6: {  	v12 =	vld [tilespmem:s5+$0x81B0]  }
0x2c7: {  	v13 =	vld [tilespmem:s5+$0x81C0]  }
0x2c8: {  	v14 =	vld [tilespmem:s5+$0x81D0]  }
0x2c9: {  	[tilespmem:s5+$0xB3F0] =	vst.add.f32.msk $0xffff, v0  }
0x2ca: {  	v0 =	vld [tilespmem:s5+$0x81E0]  }
0x2cb: {  	[tilespmem:s5+$0xB300] =	vst.add.f32.msk $0xffff, v1  }
0x2cc: {  	[tilespmem:s5+$0xB310] =	vst.add.f32.msk $0xffff, v2  }
0x2cd: {  	[tilespmem:s5+$0xB320] =	vst.add.f32.msk $0xffff, v3  }
0x2ce: {  	[tilespmem:s5+$0xB330] =	vst.add.f32.msk $0xffff, v4  }
0x2cf: {  	[tilespmem:s5+$0xB340] =	vst.add.f32.msk $0xffff, v5  }
0x2d0: {  	[tilespmem:s5+$0xB350] =	vst.add.f32.msk $0xffff, v6  }
0x2d1: {  	[tilespmem:s5+$0xB360] =	vst.add.f32.msk $0xffff, v7  }
0x2d2: {  	[tilespmem:s5+$0xB370] =	vst.add.f32.msk $0xffff, v8  }
0x2d3: {  	[tilespmem:s5+$0xB380] =	vst.add.f32.msk $0xffff, v9  }
0x2d4: {  	[tilespmem:s5+$0xB390] =	vst.add.f32.msk $0xffff, v10  }
0x2d5: {  	[tilespmem:s5+$0xB3A0] =	vst.add.f32.msk $0xffff, v11  }
0x2d6: {  	[tilespmem:s5+$0xB3B0] =	vst.add.f32.msk $0xffff, v12  }
0x2d7: {  	[tilespmem:s5+$0xB3C0] =	vst.add.f32.msk $0xffff, v13  }
0x2d8: {  	s9 =	simm.s32 $0x400;
	s8 =	simm.s32 $0x0;
	[tilespmem:s5+$0xB3D0] =	vst.add.f32.msk $0xffff, v14  }
.LBB2_22:
0x2d9: {  	s8 =	sadd.s32 $0x4, s8;
	[tilespmem:s5+$0xB3E0] =	vst.add.f32.msk $0xffff, v0;
	s5 =	sshra.s32 s9, $0x2  }
0x2da: {  	v0 =	vld [tilespmem:s5+$0x81F0];
	p0 =	slt.u32 s8, $0x60  }
0x2db: {  	v1 =	vld [tilespmem:s5+$0x8100]  }
0x2dc: {  	v2 =	vld [tilespmem:s5+$0x8110]  }
0x2dd: {  	v3 =	vld [tilespmem:s5+$0x8120]  }
0x2de: {  	v4 =	vld [tilespmem:s5+$0x8130]  }
0x2df: {  	[tilespmem:s5+$0xB3F0] =	vst.add.f32.msk $0xffff, v0  }
0x2e0: {  	v5 =	vld [tilespmem:s5+$0x8140]  }
0x2e1: {  	v6 =	vld [tilespmem:s5+$0x8150]  }
0x2e2: {  	v7 =	vld [tilespmem:s5+$0x8160]  }
0x2e3: {  	v8 =	vld [tilespmem:s5+$0x8170]  }
0x2e4: {  	v9 =	vld [tilespmem:s5+$0x8180]  }
0x2e5: {  	v10 =	vld [tilespmem:s5+$0x8190]  }
0x2e6: {  	v11 =	vld [tilespmem:s5+$0x81A0]  }
0x2e7: {  	v12 =	vld [tilespmem:s5+$0x81B0]  }
0x2e8: {  	v13 =	vld [tilespmem:s5+$0x81C0]  }
0x2e9: {  	v14 =	vld [tilespmem:s5+$0x81D0]  }
0x2ea: {  	v0 =	vld [tilespmem:s5+$0x81E0]  }
0x2eb: {  	[tilespmem:s5+$0xB300] =	vst.add.f32.msk $0xffff, v1  }
0x2ec: {  	[tilespmem:s5+$0xB310] =	vst.add.f32.msk $0xffff, v2  }
0x2ed: {  	[tilespmem:s5+$0xB320] =	vst.add.f32.msk $0xffff, v3  }
0x2ee: {  	[tilespmem:s5+$0xB330] =	vst.add.f32.msk $0xffff, v4  }
0x2ef: {  	[tilespmem:s5+$0xB340] =	vst.add.f32.msk $0xffff, v5  }
0x2f0: {  	[tilespmem:s5+$0xB350] =	vst.add.f32.msk $0xffff, v6  }
0x2f1: {  	[tilespmem:s5+$0xB360] =	vst.add.f32.msk $0xffff, v7  }
0x2f2: {  	[tilespmem:s5+$0xB370] =	vst.add.f32.msk $0xffff, v8  }
0x2f3: {  	[tilespmem:s5+$0xB380] =	vst.add.f32.msk $0xffff, v9  }
.Ltmp10:
0x2f4: {  	[tilespmem:s5+$0xB390] =	vst.add.f32.msk $0xffff, v10;
	(pc) =	sbr.rel @p0 .LBB2_22-.Ltmp10, $4  }
0x2f5: {  	[tilespmem:s5+$0xB3A0] =	vst.add.f32.msk $0xffff, v11  }
0x2f6: {  	[tilespmem:s5+$0xB3B0] =	vst.add.f32.msk $0xffff, v12  }
0x2f7: {  	[tilespmem:s5+$0xB3C0] =	vst.add.f32.msk $0xffff, v13  }
0x2f8: {  	s9 =	sadd.s32 $0x400, s9;
	[tilespmem:s5+$0xB3D0] =	vst.add.f32.msk $0xffff, v14  }
0x2f9: {  	[tilespmem:s5+$0xB3E0] =	vst.add.f32.msk $0xffff, v0;
	s18 =	simm.s32 $0x0  }
0x2fa: {  	[hbm4b:s13+s18] =	stream.linear.scatter [tilespmem:s22], [sflag:$0x6], $0x1900, $0x38;
	[tilespmem:$0xFE00] =	vst v63  }
0x2fb: {  	_ =	swait.ge [sflag:s1], $0x1900  }
0x2fc: {  	[sflag:s1] =	ssyncset.done $0x0  }
0x2fd: {  	s5 =	simm.s32 $0x0;
	[sflag:s1] =	ssyncadd.s32 $0xFFFFE700  }
0x2fe: {  	v0 =	vld [tilespmem:s5+$0x68F0]  }
0x2ff: {  	v1 =	vld [tilespmem:s5+$0x6800]  }
0x300: {  	v2 =	vld [tilespmem:s5+$0x6810]  }
0x301: {  	v3 =	vld [tilespmem:s5+$0x6820]  }
0x302: {  	v4 =	vld [tilespmem:s5+$0x6830]  }
0x303: {  	v5 =	vld [tilespmem:s5+$0x6840]  }
0x304: {  	v6 =	vld [tilespmem:s5+$0x6850]  }
0x305: {  	v7 =	vld [tilespmem:s5+$0x6860]  }
0x306: {  	v8 =	vld [tilespmem:s5+$0x6870]  }
0x307: {  	v9 =	vld [tilespmem:s5+$0x6880]  }
0x308: {  	v10 =	vld [tilespmem:s5+$0x6890]  }
0x309: {  	v11 =	vld [tilespmem:s5+$0x68A0]  }
0x30a: {  	v12 =	vld [tilespmem:s5+$0x68B0]  }
0x30b: {  	v13 =	vld [tilespmem:s5+$0x68C0]  }
0x30c: {  	v14 =	vld [tilespmem:s5+$0x68D0]  }
0x30d: {  	[tilespmem:s5+$0xCCF0] =	vst.add.f32.msk $0xffff, v0  }
0x30e: {  	v0 =	vld [tilespmem:s5+$0x68E0]  }
0x30f: {  	[tilespmem:s5+$0xCC00] =	vst.add.f32.msk $0xffff, v1  }
0x310: {  	[tilespmem:s5+$0xCC10] =	vst.add.f32.msk $0xffff, v2  }
0x311: {  	[tilespmem:s5+$0xCC20] =	vst.add.f32.msk $0xffff, v3  }
0x312: {  	[tilespmem:s5+$0xCC30] =	vst.add.f32.msk $0xffff, v4  }
0x313: {  	[tilespmem:s5+$0xCC40] =	vst.add.f32.msk $0xffff, v5  }
0x314: {  	[tilespmem:s5+$0xCC50] =	vst.add.f32.msk $0xffff, v6  }
0x315: {  	[tilespmem:s5+$0xCC60] =	vst.add.f32.msk $0xffff, v7  }
0x316: {  	[tilespmem:s5+$0xCC70] =	vst.add.f32.msk $0xffff, v8  }
0x317: {  	[tilespmem:s5+$0xCC80] =	vst.add.f32.msk $0xffff, v9  }
0x318: {  	[tilespmem:s5+$0xCC90] =	vst.add.f32.msk $0xffff, v10  }
0x319: {  	[tilespmem:s5+$0xCCA0] =	vst.add.f32.msk $0xffff, v11  }
0x31a: {  	[tilespmem:s5+$0xCCB0] =	vst.add.f32.msk $0xffff, v12  }
0x31b: {  	[tilespmem:s5+$0xCCC0] =	vst.add.f32.msk $0xffff, v13  }
0x31c: {  	s8 =	simm.s32 $0x0;
	s9 =	simm.s32 $0x400;
	[tilespmem:s5+$0xCCD0] =	vst.add.f32.msk $0xffff, v14  }
.LBB2_24:
0x31d: {  	s8 =	sadd.s32 $0x4, s8;
	[tilespmem:s5+$0xCCE0] =	vst.add.f32.msk $0xffff, v0;
	s5 =	sshra.s32 s9, $0x2  }
0x31e: {  	v0 =	vld [tilespmem:s5+$0x68F0];
	p0 =	slt.u32 s8, $0x60  }
0x31f: {  	v1 =	vld [tilespmem:s5+$0x6800]  }
0x320: {  	v2 =	vld [tilespmem:s5+$0x6810]  }
0x321: {  	v3 =	vld [tilespmem:s5+$0x6820]  }
0x322: {  	v4 =	vld [tilespmem:s5+$0x6830]  }
0x323: {  	[tilespmem:s5+$0xCCF0] =	vst.add.f32.msk $0xffff, v0  }
0x324: {  	v5 =	vld [tilespmem:s5+$0x6840]  }
0x325: {  	v6 =	vld [tilespmem:s5+$0x6850]  }
0x326: {  	v7 =	vld [tilespmem:s5+$0x6860]  }
0x327: {  	v8 =	vld [tilespmem:s5+$0x6870]  }
0x328: {  	v9 =	vld [tilespmem:s5+$0x6880]  }
0x329: {  	v10 =	vld [tilespmem:s5+$0x6890]  }
0x32a: {  	v11 =	vld [tilespmem:s5+$0x68A0]  }
0x32b: {  	v12 =	vld [tilespmem:s5+$0x68B0]  }
0x32c: {  	v13 =	vld [tilespmem:s5+$0x68C0]  }
0x32d: {  	v14 =	vld [tilespmem:s5+$0x68D0]  }
0x32e: {  	v0 =	vld [tilespmem:s5+$0x68E0]  }
0x32f: {  	[tilespmem:s5+$0xCC00] =	vst.add.f32.msk $0xffff, v1  }
0x330: {  	[tilespmem:s5+$0xCC10] =	vst.add.f32.msk $0xffff, v2  }
0x331: {  	[tilespmem:s5+$0xCC20] =	vst.add.f32.msk $0xffff, v3  }
0x332: {  	[tilespmem:s5+$0xCC30] =	vst.add.f32.msk $0xffff, v4  }
0x333: {  	[tilespmem:s5+$0xCC40] =	vst.add.f32.msk $0xffff, v5  }
0x334: {  	[tilespmem:s5+$0xCC50] =	vst.add.f32.msk $0xffff, v6  }
0x335: {  	[tilespmem:s5+$0xCC60] =	vst.add.f32.msk $0xffff, v7  }
0x336: {  	[tilespmem:s5+$0xCC70] =	vst.add.f32.msk $0xffff, v8  }
0x337: {  	[tilespmem:s5+$0xCC80] =	vst.add.f32.msk $0xffff, v9  }
.Ltmp11:
0x338: {  	[tilespmem:s5+$0xCC90] =	vst.add.f32.msk $0xffff, v10;
	(pc) =	sbr.rel @p0 .LBB2_24-.Ltmp11, $4  }
0x339: {  	[tilespmem:s5+$0xCCA0] =	vst.add.f32.msk $0xffff, v11  }
0x33a: {  	[tilespmem:s5+$0xCCB0] =	vst.add.f32.msk $0xffff, v12  }
0x33b: {  	[tilespmem:s5+$0xCCC0] =	vst.add.f32.msk $0xffff, v13  }
0x33c: {  	s9 =	sadd.s32 $0x400, s9;
	[tilespmem:s5+$0xCCD0] =	vst.add.f32.msk $0xffff, v14  }
0x33d: {  	[tilespmem:s5+$0xCCE0] =	vst.add.f32.msk $0xffff, v0;
	s18 =	simm.s32 $0x0  }
0x33e: {  	[hbm4b:s14+s18] =	stream.linear.scatter [tilespmem:s24], [sflag:$0x7], $0x1900, $0x38;
	[tilespmem:$0xFE00] =	vst v63  }
0x33f: {  	_ =	swait.ge [sflag:s21], $0x1900  }
0x340: {  	[sflag:s21] =	ssyncset.done $0x0  }
0x341: {  	s5 =	simm.s32 $0x0;
	[sflag:s21] =	ssyncadd.s32 $0xFFFFE700  }
0x342: {  	v0 =	vld [tilespmem:s5+$0x81F0]  }
0x343: {  	v1 =	vld [tilespmem:s5+$0x8100]  }
0x344: {  	v2 =	vld [tilespmem:s5+$0x8110]  }
0x345: {  	v3 =	vld [tilespmem:s5+$0x8120]  }
0x346: {  	v4 =	vld [tilespmem:s5+$0x8130]  }
0x347: {  	v5 =	vld [tilespmem:s5+$0x8140]  }
0x348: {  	v6 =	vld [tilespmem:s5+$0x8150]  }
0x349: {  	v7 =	vld [tilespmem:s5+$0x8160]  }
0x34a: {  	v8 =	vld [tilespmem:s5+$0x8170]  }
0x34b: {  	v9 =	vld [tilespmem:s5+$0x8180]  }
0x34c: {  	v10 =	vld [tilespmem:s5+$0x8190]  }
0x34d: {  	v11 =	vld [tilespmem:s5+$0x81A0]  }
0x34e: {  	v12 =	vld [tilespmem:s5+$0x81B0]  }
0x34f: {  	v13 =	vld [tilespmem:s5+$0x81C0]  }
0x350: {  	v14 =	vld [tilespmem:s5+$0x81D0]  }
0x351: {  	[tilespmem:s5+$0xE5F0] =	vst.add.f32.msk $0xffff, v0  }
0x352: {  	v0 =	vld [tilespmem:s5+$0x81E0]  }
0x353: {  	[tilespmem:s5+$0xE500] =	vst.add.f32.msk $0xffff, v1  }
0x354: {  	[tilespmem:s5+$0xE510] =	vst.add.f32.msk $0xffff, v2  }
0x355: {  	[tilespmem:s5+$0xE520] =	vst.add.f32.msk $0xffff, v3  }
0x356: {  	[tilespmem:s5+$0xE530] =	vst.add.f32.msk $0xffff, v4  }
0x357: {  	[tilespmem:s5+$0xE540] =	vst.add.f32.msk $0xffff, v5  }
0x358: {  	[tilespmem:s5+$0xE550] =	vst.add.f32.msk $0xffff, v6  }
0x359: {  	[tilespmem:s5+$0xE560] =	vst.add.f32.msk $0xffff, v7  }
0x35a: {  	[tilespmem:s5+$0xE570] =	vst.add.f32.msk $0xffff, v8  }
0x35b: {  	[tilespmem:s5+$0xE580] =	vst.add.f32.msk $0xffff, v9  }
0x35c: {  	[tilespmem:s5+$0xE590] =	vst.add.f32.msk $0xffff, v10  }
0x35d: {  	[tilespmem:s5+$0xE5A0] =	vst.add.f32.msk $0xffff, v11  }
0x35e: {  	[tilespmem:s5+$0xE5B0] =	vst.add.f32.msk $0xffff, v12  }
0x35f: {  	[tilespmem:s5+$0xE5C0] =	vst.add.f32.msk $0xffff, v13  }
0x360: {  	s8 =	simm.s32 $0x0;
	s9 =	simm.s32 $0x400;
	[tilespmem:s5+$0xE5D0] =	vst.add.f32.msk $0xffff, v14  }
.LBB2_26:
0x361: {  	s8 =	sadd.s32 $0x4, s8;
	[tilespmem:s5+$0xE5E0] =	vst.add.f32.msk $0xffff, v0;
	s5 =	sshra.s32 s9, $0x2  }
0x362: {  	v0 =	vld [tilespmem:s5+$0x81F0];
	p0 =	slt.u32 s8, $0x60  }
0x363: {  	v1 =	vld [tilespmem:s5+$0x8100]  }
0x364: {  	v2 =	vld [tilespmem:s5+$0x8110]  }
0x365: {  	v3 =	vld [tilespmem:s5+$0x8120]  }
0x366: {  	v4 =	vld [tilespmem:s5+$0x8130]  }
0x367: {  	[tilespmem:s5+$0xE5F0] =	vst.add.f32.msk $0xffff, v0  }
0x368: {  	v5 =	vld [tilespmem:s5+$0x8140]  }
0x369: {  	v6 =	vld [tilespmem:s5+$0x8150]  }
0x36a: {  	v7 =	vld [tilespmem:s5+$0x8160]  }
0x36b: {  	v8 =	vld [tilespmem:s5+$0x8170]  }
0x36c: {  	v9 =	vld [tilespmem:s5+$0x8180]  }
0x36d: {  	v10 =	vld [tilespmem:s5+$0x8190]  }
0x36e: {  	v11 =	vld [tilespmem:s5+$0x81A0]  }
0x36f: {  	v12 =	vld [tilespmem:s5+$0x81B0]  }
0x370: {  	v13 =	vld [tilespmem:s5+$0x81C0]  }
0x371: {  	v14 =	vld [tilespmem:s5+$0x81D0]  }
0x372: {  	v0 =	vld [tilespmem:s5+$0x81E0]  }
0x373: {  	[tilespmem:s5+$0xE500] =	vst.add.f32.msk $0xffff, v1  }
0x374: {  	[tilespmem:s5+$0xE510] =	vst.add.f32.msk $0xffff, v2  }
0x375: {  	[tilespmem:s5+$0xE520] =	vst.add.f32.msk $0xffff, v3  }
0x376: {  	[tilespmem:s5+$0xE530] =	vst.add.f32.msk $0xffff, v4  }
0x377: {  	[tilespmem:s5+$0xE540] =	vst.add.f32.msk $0xffff, v5  }
0x378: {  	[tilespmem:s5+$0xE550] =	vst.add.f32.msk $0xffff, v6  }
0x379: {  	[tilespmem:s5+$0xE560] =	vst.add.f32.msk $0xffff, v7  }
0x37a: {  	[tilespmem:s5+$0xE570] =	vst.add.f32.msk $0xffff, v8  }
0x37b: {  	[tilespmem:s5+$0xE580] =	vst.add.f32.msk $0xffff, v9  }
.Ltmp12:
0x37c: {  	[tilespmem:s5+$0xE590] =	vst.add.f32.msk $0xffff, v10;
	(pc) =	sbr.rel @p0 .LBB2_26-.Ltmp12, $4  }
0x37d: {  	[tilespmem:s5+$0xE5A0] =	vst.add.f32.msk $0xffff, v11  }
0x37e: {  	[tilespmem:s5+$0xE5B0] =	vst.add.f32.msk $0xffff, v12  }
0x37f: {  	[tilespmem:s5+$0xE5C0] =	vst.add.f32.msk $0xffff, v13  }
0x380: {  	s9 =	sadd.s32 $0x400, s9;
	[tilespmem:s5+$0xE5D0] =	vst.add.f32.msk $0xffff, v14  }
0x381: {  	[tilespmem:s5+$0xE5E0] =	vst.add.f32.msk $0xffff, v0  }
0x382: {  	[hbm4b:s15+s3] =	stream.linear.scatter [tilespmem:s28], [sflag:$0x8], $0x1900, $0x38;
	[tilespmem:$0xFE00] =	vst v63  }
0x383: {  	_ =	swait.ge [sflag:s30], $0x1900  }
0x384: {  	[sflag:s30] =	ssyncset.done $0x0  }
0x385: {  	[sflag:s30] =	ssyncadd.s32 $0xFFFFE700  }
0x386: {  	_ =	swait.ge [sflag:s0], $0x1900  }
0x387: {  	[sflag:s0] =	ssyncset.done $0x0  }
0x388: {  	s26 =	sadd.s32 $0x1, s26;
	[sflag:s0] =	ssyncadd.s32 $0xFFFFE700  }
0x389: {  	p0 =	sne.s32 s26, s16;
	_ =	swait.ge [sflag:s23], $0x1900  }
.Ltmp13:
0x38a: {  	[sflag:s23] =	ssyncset.done $0x0;
	(pc) =	sbr.rel @p0 .LBB2_1-.Ltmp13, $4  }
0x38b: {  	[sflag:s23] =	ssyncadd.s32 $0xFFFFE700  }
0x38c: {  	_ =	swait.ge [sflag:s31], $0x1900  }
0x38d: {  	[sflag:s31] =	ssyncset.done $0x0  }
0x38e: {  	[sflag:s31] =	ssyncadd.s32 $0xFFFFE700  }
0x38f: {  	_ =	sfence.sel $0x180000  }
0x390: {  	[bflag:$0x0] =	sbarrier.arrive $0xFFFF  }
0x391: {  	_ =	strace $0x90000047  }
0x392: {  	s0 =	stileid.u32;
	[bflag:$0x2] =	sbarrier.arrive $0xFFFF  }
0x393: {  	p0 =	sne.s32 s0, $0x0;
	s0 =	rddreg [dreg:$0x2]  }
0x394: {  	s0 =	sadd.s32 @!p0 $0x100000, s0  }
0x395: {  	[sflag:s0] =	ssyncadd.tile.s32 @!p0 $0x1;
	_ =	shalt  }
.Lfunc_end2:
_tile_overlayer_lowered:
.L_overlay_start_2:
0x396: {  	(tag) =	ssettag $0x2  }
0x397: {  	s0 =	rddreg [dreg:$0x0];
	s2 =	stileid.u32  }
0x398: {  	s1 =	rddreg [dreg:$0x1];
	p0 =	sne.s32 s2, $0x0  }
0x399: {  	s3 =	rddreg [dreg:$0x2];
	[bflag:$0x3] =	sbarrier.arrive $0xFFFF;
	s2 =	simm.s32 @!p0 $0x1C09  }
0x39a: {  	[timem:s3], [sflag:s2] =	dma.local @!p0 [hbm:s0], s1  }
0x39b: {  	s0 =	simm.s32 @!p0 $0x9  }
0x39c: {  	_ =	swait.ge @!p0 [sflag:s0], s1  }
0x39d: {  	s1 =	ssub.s32 @!p0 $0x0, s1;
	[sflag:s0] =	ssyncset.done @!p0 $0x0  }
0x39e: {  	[sflag:s0] =	ssyncadd.s32 @!p0 s1  }
0x39f: {  	[bflag:$0x3] =	sbarrier.arrive $0xFFFF  }
0x3a0: {  	_ =	shalt  }

// kernel: sparse-core-data-format-call.cloned.1.call-start
scs
called_computation_lowered:
.L_overlay_start_0:
0x0: {  	s2 =	sld [smem:$0x3FD9]  }
0x1: {  	s3 =	sld [smem:$0x3FFE];
	_ =	sdelay $0x1  }
0x2: {  	s1 =	srdreg.scid  }
0x3: {  	s0 =	sand.u32 $0x1, s1  }
0x4: {  	s18 =	sshll.u32 s0, $0xA;
	s2 =	sadd.s32 s3, s2  }
0x5: {  	s2 =	sadd.s32 s2, s18  }
0x6: {  	[smem:$0x3FC5] =	sst s2  }
0x7: {  	_ = 	snop  }
0x8: {  	s2 =	sld [smem:$0x3FD0];
	(tm) =	ssettm $0x1  }
0x9: {  	s19 =	sld [smem:$0x3FFB];
	_ =	sdelay $0x3  }
0xa: {  	_ =	strace s19  }
0xb: {  	s3 =	sld [smem:$0x3FFC];
	_ =	sdelay $0x3  }
0xc: {  	_ =	strace s3  }
0xd: {  	s3 =	sld [smem:$0x3FFD];
	_ =	sdelay $0x3  }
0xe: {  	_ =	strace s3  }
0xf: {  	_ =	strace $0x8FFFFFFF  }
0x10: {  	s20 =	sld [smem:$0x3FDB];
	_ =	sdelay $0x1  }
0x11: {  	s4 =	simm.s32 $_scs_section_size  }
0x12: {  	s5 =	simm.s32 $_size__tile_overlayer_lowered;
	s6 =	simm.s32 $_tile_overlayer_lowered  }
0x13: {  	s23 =	simm.s32 $0x1BFF;
	s22 =	sshll.u32 s6, $0x1;
	s3 =	sadd.s32 s4, s20  }
0x14: {  	s7 =	simm.s32 $0x0;
	s21 =	sshll.u32 s5, $0x1;
	s5 =	sadd.s32 s22, s3  }
0x15: {  	[timem:s7], [sflag:s23] =	dma.local [hbm:s5], s21  }
0x16: {  	_ =	swait.ge [sflag:s23], s21  }
0x17: {  	s4 =	ssub.s32 $0x0, s21;
	[sflag:s23] =	ssyncset.done $0x0  }
0x18: {  	[sflag:s23] =	ssyncadd.s32 s4;
	_ =	sdelay $0x1  }
0x19: {  	s24 =	simm.s32 $0x1B8B  }
0x1a: {  	_ =	swait.ge [sflag:s24], $0x1  }
0x1b: {  	[sflag:s24] =	ssyncset.done $0x0  }
0x1c: {  	s26 =	simm.s32 $0x1B8E;
	s25 =	sld [smem:$0x3FFE];
	[sflag:s24] =	ssyncadd.s32 $0xFFFFFFFF  }
0x1d: {  	s27 =	simm.s32 $execute0_lowered;
	[smem:$0x3FD2] =	sst s26  }
0x1e: {  	s5 =	sshll.u32 s27, $0x1;
	_ =	strace $0x80000049;
	[dreg:$0x1] =	wrdreg $0xFFFFFFFF  }
0x1f: {  	s28 =	simm.s32 $_size_execute0_lowered;
	s3 =	sadd.s32 s3, s5;
	[dreg:$0x0] =	wrdreg $0x0  }
0x20: {  	s5 =	sshll.u32 s28, $0x1;
	[dreg:$0x2] =	wrdreg s3  }
0x21: {  	[dreg:$0x3] =	wrdreg s5  }
0x22: {  	[dreg:$0x4] =	wrdreg $0xC0  }
0x23: {  	_ =	task [dreg:s7], $0x5FFFF  }
0x24: {  	[dreg:$0x1] =	wrdreg $0xFFFFFFFF  }
0x25: {  	[dreg:$0x0] =	wrdreg $0x60  }
0x26: {  	[dreg:$0x2] =	wrdreg s25  }
0x27: {  	[dreg:$0x3] =	wrdreg s2  }
0x28: {  	[dreg:$0x4] =	wrdreg $0x9  }
0x29: {  	_ =	task.clear_ibuf [dreg:s7], $0x5FFFF;
	_ =	strace $0x90000049  }
0x2a: {  	s29 =	simm.s32 $0x9;
	_ =	strace $0x8000004B  }
0x2b: {  	_ =	swait.ge [sflag:s29], $0x1  }
0x2c: {  	[sflag:s29] =	ssyncadd.s32 $0xFFFFFFFF  }
0x2d: {  	_ =	strace $0x9000004B  }
0x2e: {  	_ =	sfence  }
0x2f: {  	s30 =	sld [smem:$0x0];
	_ =	sdelay $0x2  }
0x30: {  	s31 =	sshll.u32 s1, $0xD;
	s1 =	sshrl.u32 s1, $0x2  }
0x31: {  	s3 =	sand.u32 $0x4000, s31;
	s1 =	sadd.s32 s1, s30  }
0x32: {  	s0 =	sor.u32 s3, s0;
	s1 =	sshll.u32 s1, $0x11  }
0x33: {  	s0 =	sor.u32 s1, s0  }
0x34: {  	s0 =	sadd.s32 $0x8F2B, s0  }
0x35: {  	[sflag:s0] =	ssyncadd.remote.s32 $0x1  }
0x36: {  	_ =	sfence.sel $0xFFFF  }
0x37: {  	[dreg:$0x0] =	wrdreg $0xFFFFFFFF;
	(pc) =	sbr.abs _section_cstart, $3  }
0x38: {  	[dreg:$0x1] =	wrdreg $0xFFFFFFFF  }
0x39: {  	_ =	task.clear_ibuf [dreg:s7], $0x2FFFF;
	_ =	strace $0x9FFFFFFF  }
0x3a: {  	(tm) =	ssettm $0x7FFFFFFF  }
0x3b: {  	_ =	shalt  }
tec
execute0_lowered:
.L_overlay_start_1:
0x0: {  	(tag) =	ssettag $0x1  }
0x1: {  	s0 =	srdreg.scid  }
0x2: {  	s1 =	sshll.u32 s0, $0x4  }
0x3: {  	s0 =	stileid.u32;
	s1 =	sand.u32 $0x10, s1  }
0x4: {  	s1 =	sor.u32 s0, s1  }
0x5: {  	s6 =	rddreg [dreg:$0x0];
	s4 =	simm.s32 $0x1;
	s2 =	sshll.u32 s1, $0x7  }
0x6: {  	s7 =	simm.s32 $0x2;
	s12 =	simm.s32 $0x0;
	s1 =	ssub.s32 $0x1000, s2  }
0x7: {  	s8 =	simm.s32 $0x8000;
	s13 =	simm.s32 $0x0;
	s3 =	sand.u32 $0xF80, s1  }
0x8: {  	s9 =	simm.s32 $0x0;
	s5 =	sshrl.u32 s1, $0xC;
	p0 =	sne.s32 s3, $0x0  }
.Ltmp0:
0x9: {  	s1 =	rddreg [dreg:$0x2];
	s4 =	simm.s32 @!p0 $0x0;
	(pc) =	sbr.rel .LBB1_1-.Ltmp0, $4  }
0xa: {  	s11 =	simm.s32 $0x0;
	s3 =	rddreg [dreg:$0x1];
	s5 =	sadd.s32 s4, s5  }
0xb: {  	_ =	strace $0x8000004A;
	s4 =	simm.s32 $0x1;
	s5 =	smul.u32 $0xC8, s5  }
0xc: {  	s6 =	sadd.s32 $0xC00, s6;
	s10 =	smov.u32 s2;
	[sflag:s4] =	ssyncpa.u1 $0x0  }
0xd: {  	p0 =	por $0x0, $0x0;
	[sflag:s7] =	ssyncpa.u1 $0x0;
	s7 =	sor.u32 $0x1, s5  }
.LBB1_4:
0xe: {  	s16 =	sshll.u32 s13, $0x3;
	s17 =	sand.u32 $0x78, s13  }
0xf: {  	s30 =	sand.u32 $0x7E00, s13;
	s12 =	sshll.u32 s12, $0xF;
	s16 =	sand.u32 $0xC00, s16  }
0x10: {  	[tilespmem:s15+$0x810 ss:$0x81] =	vst.msk $0xffff, v2;
	s31 =	sand.u32 $0x7, s13;
	s16 =	sor.u32 s17, s16;
	s17 =	sadd.s32 s3, s30  }
0x11: {  	[tilespmem:s15+$0x1020 ss:$0x81] =	vst.msk $0xffff, v0;
	s13 =	sshll.u32 s31, $0x12;
	s12 =	sadd.s32 s12, s17;
	s16 =	sshrl.u32 s16, $0x3  }
0x12: {  	[tilespmem:s15+$0x0 ss:$0x81] =	vst.msk $0xffff, v1;
	s13 =	sor.u32 $0x400, s13;
	s12 =	sadd.s32 s16, s12  }
0x13: {  	[hbm4b:s12+s13] =	stream.strided.scatter [tilespmem:s14], [sflag:$0x2], $0x2000, s8, s13, $0x20;
	[tilespmem:$0x8080] =	vst v63  }
.LBB1_5:
0x14: {  	s14 =	sadd.s32 $0x1, s9  }
0x15: {  	s12 =	sadd.s32 $0x1000, s10;
	s16 =	smov.u32 s10;
	p2 =	sgt.s32 s14, $0xC7  }
0x16: {  	s16 =	smov.u32 @p2 s12  }
0x17: {  	s14 =	simm.s32 @p2 $0x0;
	p2 =	sgt.s32 s16, $0xFFF  }
0x18: {  	s16 =	smov.u32 @p2 s2;
	p2 =	sne.s32 s11, s7  }
.Ltmp1:
0x19: {  	p1 =	slt.u32 s11, $0x2;
	(pc) =	sbr.rel @!p2 .LBB1_6-.Ltmp1, $4  }
0x1a: {  	s15 =	simm.s32 @!p1 $0x2  }
0x1b: {  	s13 =	smov.u32 s10;
	p0 =	por !p0, !p0;
	_ =	swait.ge @!p1 [sflag:s15], $0x2000  }
0x1c: {  	s12 =	smov.u32 s9;
	[sflag:s15] =	ssyncset.done @!p1 $0x0;
	s9 =	smov.u32 s14  }
0x1d: {  	s11 =	sadd.s32 $0x1, s11;
	[sflag:s15] =	ssyncadd.s32 @!p1 $0xFFFFE000;
	s10 =	smov.u32 s16  }
.LBB1_1:
0x1e: {  	p1 =	sge.u32 s11, s5  }
0x1f: {  	s14 =	sand.u32 @!p1 $0x1FFFFFF, s9  }
0x20: {  	s15 =	smulhi.u32 @!p1 $0x147AE15, s14;
	_ =	sdelay $0x1  }
0x21: {  	s15 =	smul.u32 @!p1 $0xC8, s15  }
0x22: {  	s16 =	sxor.u32 @!p1 $0xFFFFFFFF, s11;
	s17 =	smul.u32 @!p1 $0xC80, s10  }
0x23: {  	s31 =	sadd.s32 $0xFFFFFFFF, s11;
	s16 =	sshll.u32 @!p1 s16, $0xD;
	s14 =	ssub.s32 @!p1 s14, s15  }
0x24: {  	s15 =	sand.u32 @!p1 $0x2000, s16;
	s16 =	sadd.s32 @!p1 s6, s17;
	s14 =	sshll.u32 @!p1 s14, $0x4  }
0x25: {  	s17 =	simm.s32 @!p1 $0x6400;
	s14 =	sadd.s32 @!p1 s14, s16;
	s16 =	simm.s32 @!p1 $0x40  }
0x26: {  	[tilespmem:s15], [sflag:$0x1] =	stream.strided.gather @!p1 [hbm4b:s14+s16], $0x2000, s17, s16, $0x38;
	[tilespmem:$0x8080] =	vst v63  }
0x27: {  	p1 =	sge.u32 s31, s5  }
.Ltmp2:
0x28: {  	_ = 	snop;
	(pc) =	sbr.rel @p1 .LBB1_5-.Ltmp2, $1  }
0x29: {  	_ =	sdelay $0x3  }
0x2a: {  	s14 =	simm.s32 $0x1  }
0x2b: {  	_ =	swait.ge [sflag:s4], $0x2000;
	s14 =	simm.s32 @!p0 $0x0  }
0x2c: {  	[sflag:s4] =	ssyncset.done $0x0;
	s15 =	sshll.u32 s14, $0xD  }
0x2d: {  	[sflag:s4] =	ssyncadd.s32 $0xFFFFE000;
	s18 =	sor.u32 $0x20, s15  }
0x2e: {  	s14 =	smul.u32 $0x8100, s14;
	v3 =	vld [tilespmem:s18+$0x10]  }
0x2f: {  	s30 =	sand.u32 $0x1, s11;
	v2 =	vld [tilespmem:s18+$0xFFFFFFF0]  }
0x30: {  	s15 =	smul.u32 $0x8100, s30;
	s14 =	sshrl.u32 s14, $0x2;
	v0 =	vld [tilespmem:s18+$0x0]  }
0x31: {  	v1 =	vld [tilespmem:s18+$0xFFFFFFE0];
	s16 =	sor.u32 $0x4000, s14  }
0x32: {  	s31 =	sshrl.u32 s15, $0x2;
	s15 =	sadd.s32 $0x0, s16  }
0x33: {  	s17 =	simm.s32 $0x4;
	s18 =	sadd.s32 $0x40, s18;
	s14 =	sor.u32 $0x4000, s31;
	[tilespmem:s15+$0x1830 ss:$0x81] =	vst.msk $0xffff, v3  }
.LBB1_3:
0x34: {  	v3 =	vld [tilespmem:s18+$0x10];
	p1 =	sne.s32 s17, $0x1FC;
	[tilespmem:s15+$0x810 ss:$0x81] =	vst.msk $0xffff, v2;
	s19 =	smov.u32 s17;
	s17 =	sadd.s32 $0x4, s17  }
.Ltmp3:
0x35: {  	v2 =	vld [tilespmem:s18+$0xFFFFFFF0];
	[tilespmem:s15+$0x1020 ss:$0x81] =	vst.msk $0xffff, v0;
	(pc) =	sbr.rel @p1 .LBB1_3-.Ltmp3, $4  }
0x36: {  	v0 =	vld [tilespmem:s18+$0x0];
	[tilespmem:s15+$0x0 ss:$0x81] =	vst.msk $0xffff, v1  }
0x37: {  	s15 =	sshra.s32 s19, $0x2;
	v1 =	vld [tilespmem:s18+$0xFFFFFFE0]  }
0x38: {  	s15 =	sadd.s32 s15, s16  }
0x39: {  	s18 =	sadd.s32 $0x40, s18;
	[tilespmem:s15+$0x1830 ss:$0x81] =	vst.msk $0xffff, v3  }
.Ltmp4:
0x3a: {  	_ = 	snop;
	(pc) =	sbr.rel .LBB1_4-.Ltmp4, $1  }
0x3b: {  	_ =	sdelay $0x3  }
.LBB1_6:
0x3c: {  	_ =	sfence.sel $0x180000  }
0x3d: {  	s2 =	simm.s32 $0x1;
	[bflag:$0x0] =	sbarrier.arrive $0xFFFF  }
0x3e: {  	s31 =	simm.s32 $0x2;
	[sflag:s2] =	ssyncpa.u1 $0x1  }
0x3f: {  	[sflag:s31] =	ssyncpa.u1 $0x1  }
0x40: {  	p0 =	sne.s32 s0, $0x0;
	_ =	strace $0x9000004A  }
0x41: {  	s0 =	sadd.s32 @!p0 $0x100000, s1;
	[bflag:$0x2] =	sbarrier.arrive $0xFFFF  }
0x42: {  	[sflag:s0] =	ssyncadd.tile.s32 @!p0 $0x1;
	_ =	shalt  }
.Lfunc_end1:
_tile_overlayer_lowered:
.L_overlay_start_2:
0x43: {  	(tag) =	ssettag $0x2  }
0x44: {  	s0 =	rddreg [dreg:$0x0];
	s2 =	stileid.u32  }
0x45: {  	s1 =	rddreg [dreg:$0x1];
	p0 =	sne.s32 s2, $0x0  }
0x46: {  	s3 =	rddreg [dreg:$0x2];
	[bflag:$0x3] =	sbarrier.arrive $0xFFFF;
	s2 =	simm.s32 @!p0 $0x1C01  }
0x47: {  	[timem:s3], [sflag:s2] =	dma.local @!p0 [hbm:s0], s1  }
0x48: {  	s0 =	simm.s32 @!p0 $0x1  }
0x49: {  	_ =	swait.ge @!p0 [sflag:s0], s1  }
0x4a: {  	s1 =	ssub.s32 @!p0 $0x0, s1;
	[sflag:s0] =	ssyncset.done @!p0 $0x0  }
0x4b: {  	[sflag:s0] =	ssyncadd.s32 @!p0 s1  }
0x4c: {  	[bflag:$0x3] =	sbarrier.arrive $0xFFFF  }
0x4d: {  	_ =	shalt  }

</sc_bundles>
